<compile_context>
chip_gen: v7x
topology: tpu7x:2x2x1
jax: 0.10.2.dev20260603
libtpu: 0.0.44.dev20260713+nightly
codegen_flags: <defaults>
</compile_context>

<pallas_src>
import functools

import jax
import jax.numpy as jnp
from jax import lax
from jax.experimental import pallas as pl
from jax.experimental.pallas import tpu as pltpu
from jax.experimental.pallas import tpu_sc as plsc

N = 10000
F = 128
NCLS = 40
NPAD = 10240
E = 320000
NCORES = 2
NSUB = 16
NTILES = NCORES * NSUB
EPT = 10240
EPAD = EPT * NTILES
CHUNK = 128
NCHUNKS = EPT // CHUNK
SCHUNK = 32
SNCHUNKS = EPT // SCHUNK
SNB = 8
RPT = NPAD // NSUB
DUMP = NPAD - 1
BLK = 1024
GRID = NPAD // BLK

NB = 4

_mesh = plsc.VectorSubcoreMesh(
    core_axis_name="c", subcore_axis_name="s", num_cores=NCORES,
    num_subcores=NSUB)


LAST_REAL = E - (NTILES - 1) * EPT


@functools.partial(
    pl.kernel,
    out_type=jax.ShapeDtypeStruct((NCORES, NPAD), jnp.float32),
    mesh=_mesh,
    scratch_types=[
        pltpu.VMEM((CHUNK,), jnp.int32),
        pltpu.VMEM((CHUNK,), jnp.int32),
        pltpu.VMEM((CHUNK,), jnp.int32),
        pltpu.VMEM((CHUNK,), jnp.int32),
        pltpu.VMEM((CHUNK,), jnp.float32),
        pltpu.VMEM((RPT,), jnp.float32),
        pltpu.VMEM_SHARED((NPAD,), jnp.float32),
        pltpu.SemaphoreType.DMA,
        pltpu.SemaphoreType.DMA,
        pltpu.SemaphoreType.DMA,
        pltpu.SemaphoreType.DMA,
        pltpu.SemaphoreType.DMA,
        pltpu.SemaphoreType.DMA,
        pltpu.SemaphoreType.DMA,
        pltpu.SemaphoreType.DMA,
    ],
)
def _hist(ei_hbm, degp_hbm, d0, d1, d2, d3, ones, zbuf, acc,
          i0, i1, i2, i3, s0, s1, s2, s3):
    didx = (d0, d1, d2, d3)
    isem = (i0, i1, i2, i3)
    ssem = (s0, s1, s2, s3)
    c = lax.axis_index("c")
    s = lax.axis_index("s")
    wid = c * NSUB + s

    def _fill_z(i, _):
        zbuf[pl.ds(i * 16, 16)] = jnp.zeros((16,), jnp.float32)
        return 0
    lax.fori_loop(0, RPT // 16, _fill_z, 0)
    for j in range(CHUNK // 16):
        ones[pl.ds(j * 16, 16)] = jnp.ones((16,), jnp.float32)
    pltpu.sync_copy(zbuf, acc.at[pl.ds(s * RPT, RPT)])
    plsc.subcore_barrier()

    ebase = wid * EPT
    ngrp = jnp.where(wid == NTILES - 1, LAST_REAL // CHUNK // NB,
                     NCHUNKS // NB)

    def _grp(t, _):
        for b in range(NB):
            j = t * NB + b

            @pl.when(t > 0)
            def _():
                pltpu.make_async_copy(
                    ei_hbm.at[1, pl.ds(0, CHUNK)], didx[b], ssem[b]).wait()
            pltpu.async_copy(
                ei_hbm.at[1, pl.ds(ebase + j * CHUNK, CHUNK)], didx[b], isem[b])
        for b in range(NB):
            pltpu.make_async_copy(
                ei_hbm.at[1, pl.ds(0, CHUNK)], didx[b], isem[b]).wait()
            pltpu.async_copy(ones, acc.at[didx[b]], ssem[b], add=True)
        return 0
    lax.fori_loop(0, ngrp, _grp, 0)
    for b in range(NB):
        pltpu.make_async_copy(
            ei_hbm.at[1, pl.ds(0, CHUNK)], didx[b], ssem[b]).wait()
    plsc.subcore_barrier()
    pltpu.sync_copy(acc.at[pl.ds(s * RPT, RPT)],
                    degp_hbm.at[c, pl.ds(s * RPT, RPT)])


@functools.partial(
    pl.kernel,
    out_type=jax.ShapeDtypeStruct((NCORES, NPAD, F), jnp.float32),
    mesh=_mesh,
    scratch_types=[
        pltpu.VMEM((EPT,), jnp.int32),
        pltpu.VMEM((SCHUNK,), jnp.int32),
        pltpu.VMEM((SCHUNK,), jnp.int32),
        pltpu.VMEM((SCHUNK,), jnp.int32),
        pltpu.VMEM((SCHUNK,), jnp.int32),
        pltpu.VMEM((SCHUNK,), jnp.int32),
        pltpu.VMEM((SCHUNK,), jnp.int32),
        pltpu.VMEM((SCHUNK,), jnp.int32),
        pltpu.VMEM((SCHUNK,), jnp.int32),
        pltpu.VMEM((SCHUNK, F), jnp.float32),
        pltpu.VMEM((SCHUNK, F), jnp.float32),
        pltpu.VMEM((SCHUNK, F), jnp.float32),
        pltpu.VMEM((SCHUNK, F), jnp.float32),
        pltpu.VMEM((SCHUNK, F), jnp.float32),
        pltpu.VMEM((SCHUNK, F), jnp.float32),
        pltpu.VMEM((SCHUNK, F), jnp.float32),
        pltpu.VMEM((SCHUNK, F), jnp.float32),
        pltpu.VMEM_SHARED((NPAD, F), jnp.float32),
    ] + [pltpu.SemaphoreType.DMA] * 24,
)
def _scatter(g_hbm, ei_hbm, sout_hbm, sidx_all,
             d0, d1, d2, d3, d4, d5, d6, d7,
             r0, r1, r2, r3, r4, r5, r6, r7, acc,
             i0, i1, i2, i3, i4, i5, i6, i7,
             g0, g1, g2, g3, g4, g5, g6, g7,
             s0, s1, s2, s3, s4, s5, s6, s7):
    didx = (d0, d1, d2, d3, d4, d5, d6, d7)
    rows = (r0, r1, r2, r3, r4, r5, r6, r7)
    isem = (i0, i1, i2, i3, i4, i5, i6, i7)
    gsem = (g0, g1, g2, g3, g4, g5, g6, g7)
    ssem = (s0, s1, s2, s3, s4, s5, s6, s7)
    c = lax.axis_index("c")
    s = lax.axis_index("s")
    wid = c * NSUB + s

    def _zrow(i, _):
        for jj in range(F // 16):
            r0[i, pl.ds(jj * 16, 16)] = jnp.zeros((16,), jnp.float32)
        return 0
    lax.fori_loop(0, SCHUNK, _zrow, 0)
    for k in range(RPT // SCHUNK):
        pltpu.sync_copy(r0, acc.at[pl.ds(s * RPT + k * SCHUNK, SCHUNK)])
    plsc.subcore_barrier()

    ebase = wid * EPT
    last = wid == NTILES - 1
    pltpu.sync_copy(
        ei_hbm.at[0, pl.ds(jnp.where(last, E - EPT, ebase), EPT)], sidx_all)
    soff = jnp.where(last, EPT - LAST_REAL, 0)
    ngrp = jnp.where(last, LAST_REAL // SCHUNK // SNB, SNCHUNKS // SNB)

    def _grp(t, _):
        for b in range(SNB):
            j = t * SNB + b

            @pl.when(t > 0)
            def _():
                pltpu.make_async_copy(
                    g_hbm.at[pl.ds(0, SCHUNK)], rows[b], ssem[b]).wait()
            pltpu.async_copy(
                ei_hbm.at[1, pl.ds(ebase + j * SCHUNK, SCHUNK)], didx[b], isem[b])
            pltpu.async_copy(
                g_hbm.at[sidx_all.at[pl.ds(soff + j * SCHUNK, SCHUNK)]],
                rows[b], gsem[b])
        for b in range(SNB):
            j = t * SNB + b
            pltpu.make_async_copy(
                ei_hbm.at[1, pl.ds(0, SCHUNK)], didx[b], isem[b]).wait()
            pltpu.make_async_copy(
                g_hbm.at[pl.ds(0, SCHUNK)], rows[b], gsem[b]).wait()
            pltpu.async_copy(rows[b], acc.at[didx[b]], ssem[b], add=True)
        return 0
    lax.fori_loop(0, ngrp, _grp, 0)
    for b in range(SNB):
        pltpu.make_async_copy(
            g_hbm.at[pl.ds(0, SCHUNK)], rows[b], ssem[b]).wait()
    plsc.subcore_barrier()
    pltpu.sync_copy(acc.at[pl.ds(s * RPT, RPT)],
                    sout_hbm.at[c, pl.ds(s * RPT, RPT)])


def _dinv_block(degp_ref, i):
    d = degp_ref[0, pl.ds(i * BLK, BLK)] + degp_ref[1, pl.ds(i * BLK, BLK)]
    return lax.rsqrt(d + 1.0)


def _mm_scale_body(degp_ref, x_ref, w_ref, g_ref):
    i = pl.program_id(0)
    dinv = _dinv_block(degp_ref, i)
    h = jnp.dot(x_ref[...], w_ref[...], preferred_element_type=jnp.float32)
    g_ref[...] = h * dinv[:, None]


def _combine_mm_body(degp_ref, s_ref, g_ref, b_ref, w_ref, g2_ref):
    i = pl.program_id(0)
    dinv = _dinv_block(degp_ref, i)
    t = s_ref[0] + s_ref[1] + g_ref[...]
    z = jnp.maximum(t * dinv[:, None] + b_ref[...], 0.0)
    h2 = jnp.dot(z, w_ref[...], preferred_element_type=jnp.float32)
    g2_ref[...] = h2 * dinv[:, None]


def _final_body(degp_ref, s_ref, g_ref, b_ref, w_ref, fcb_ref, o_ref):
    i = pl.program_id(0)
    dinv = _dinv_block(degp_ref, i)
    t = s_ref[0] + s_ref[1] + g_ref[...]
    z = jnp.maximum(t * dinv[:, None] + b_ref[...], 0.0)
    o_ref[...] = (jnp.dot(z, w_ref[...], preferred_element_type=jnp.float32)
                  + fcb_ref[...])


_degp_spec = pl.BlockSpec((NCORES, NPAD), lambda i: (0, 0))
_row_spec = pl.BlockSpec((BLK, F), lambda i: (i, 0))
_s_spec = pl.BlockSpec((NCORES, BLK, F), lambda i: (0, i, 0))
_w_spec = pl.BlockSpec((F, F), lambda i: (0, 0))
_b_spec = pl.BlockSpec((1, F), lambda i: (0, 0))

_mm_scale = pl.pallas_call(
    _mm_scale_body,
    grid=(GRID,),
    in_specs=[_degp_spec, _row_spec, _w_spec],
    out_specs=_row_spec,
    out_shape=jax.ShapeDtypeStruct((NPAD, F), jnp.float32),
)

_combine_mm = pl.pallas_call(
    _combine_mm_body,
    grid=(GRID,),
    in_specs=[_degp_spec, _s_spec, _row_spec, _b_spec, _w_spec],
    out_specs=_row_spec,
    out_shape=jax.ShapeDtypeStruct((NPAD, F), jnp.float32),
)

_final = pl.pallas_call(
    _final_body,
    grid=(GRID,),
    in_specs=[_degp_spec, _s_spec, _row_spec, _b_spec,
              pl.BlockSpec((F, NCLS), lambda i: (0, 0)),
              pl.BlockSpec((1, NCLS), lambda i: (0, 0))],
    out_specs=pl.BlockSpec((BLK, NCLS), lambda i: (i, 0)),
    out_shape=jax.ShapeDtypeStruct((N, NCLS), jnp.float32),
)


def kernel(x, edge_index, W1, b1, W2, b2, fcW, fcb):
    degp = _hist(edge_index)
    g1 = _mm_scale(degp, x, W1)
    s1 = _scatter(g1, edge_index)
    g2 = _combine_mm(degp, s1, g1, b1.reshape(1, F), W2)
    s2 = _scatter(g2, edge_index)
    return _final(degp, s2, g2, b2.reshape(1, F), fcW, fcb.reshape(1, NCLS))

# --- scband reference (transcript-rebuilt; emitter-appended) ---
"""Pipeline reference for scband-gcn-37151467111221 (READ-ONLY COPY).

The authoritative reference and input builder live on the scoring server;
editing this copy changes nothing except your own understanding.
"""

import jax, jax.numpy as jnp
import numpy as np

N_NODES = 10000
NFEAT = 128
NHID = 128
NCLASS = 40
N_EDGES = 320000


def glorot(key, shape):
    fan_in, fan_out = shape[0], shape[1]
    limit = jnp.sqrt(6.0 / (fan_in + fan_out))
    return jax.random.uniform(key, shape, minval=-limit, maxval=limit, dtype=jnp.float32)


def setup_inputs(seed: int = 0) -> dict:
    key = jax.random.key(seed)
    k = jax.random.split(key, 8)
    x = jax.random.normal(k[0], (N_NODES, NFEAT), dtype=jnp.float32)
    edge_index = jax.random.randint(k[1], (2, N_EDGES), 0, N_NODES, dtype=jnp.int64 if jax.config.read('jax_enable_x64') else jnp.int32).astype(jnp.int32)
    W1 = glorot(k[2], (NFEAT, NHID))
    b1 = jnp.zeros((NHID,), dtype=jnp.float32)
    W2 = glorot(k[3], (NHID, NHID))
    b2 = jnp.zeros((NHID,), dtype=jnp.float32)
    fcW = glorot(k[4], (NHID, NCLASS))
    fcb = jnp.zeros((NCLASS,), dtype=jnp.float32)
    return {"x": x, "edge_index": edge_index, "W1": W1, "b1": b1, "W2": W2, "b2": b2, "fcW": fcW, "fcb": fcb}


def gcn_conv(x, src, dst, W, b, n_nodes):
    # PyG GCNConv with normalize=True: add self-loops, symmetric normalization
    loop = jnp.arange(n_nodes, dtype=src.dtype)
    src_f = jnp.concatenate([src, loop])
    dst_f = jnp.concatenate([dst, loop])
    deg = jnp.zeros((n_nodes,), dtype=jnp.float32).at[dst_f].add(1.0)
    deg_inv_sqrt = jnp.where(deg > 0, jax.lax.rsqrt(jnp.maximum(deg, 1e-12)), 0.0)
    norm = deg_inv_sqrt[src_f] * deg_inv_sqrt[dst_f]
    h = x @ W
    msg = h[src_f] * norm[:, None]
    out = jnp.zeros((n_nodes, W.shape[1]), dtype=jnp.float32).at[dst_f].add(msg)
    return out + b


def reference(x, edge_index, W1, b1, W2, b2, fcW, fcb):
    src = edge_index[0]
    dst = edge_index[1]
    n_nodes = x.shape[0]
    h = jax.nn.relu(gcn_conv(x, src, dst, W1, b1, n_nodes))
    # dropout is identity in eval mode
    h = jax.nn.relu(gcn_conv(h, src, dst, W2, b2, n_nodes))
    out = h @ fcW + fcb
    return out

if __name__ == "__main__":
    import jax
    _d = setup_inputs()
    print(jax.jit(kernel)(*tuple(_d.values())))

</pallas_src>

<mosaic_0001>
#map = affine_map<(d0, d1) -> (0, 0)>
#map1 = affine_map<(d0, d1) -> (0, 0, 0)>
module attributes {stable_mosaic.version = 14 : i64} {
  func.func @_scatter(%arg0: i32, %arg1: i32, %arg2: memref<10240x128xf32, #tpu.memory_space<hbm>>, %arg3: memref<2x320000xi32, #tpu.memory_space<hbm>>, %arg4: memref<2x10240x128xf32, #tpu.memory_space<hbm>>, %arg5: memref<10240xi32, #tpu.memory_space<vmem>>, %arg6: memref<32xi32, #tpu.memory_space<vmem>>, %arg7: memref<32xi32, #tpu.memory_space<vmem>>, %arg8: memref<32xi32, #tpu.memory_space<vmem>>, %arg9: memref<32xi32, #tpu.memory_space<vmem>>, %arg10: memref<32xi32, #tpu.memory_space<vmem>>, %arg11: memref<32xi32, #tpu.memory_space<vmem>>, %arg12: memref<32xi32, #tpu.memory_space<vmem>>, %arg13: memref<32xi32, #tpu.memory_space<vmem>>, %arg14: memref<32x128xf32, #tpu.memory_space<vmem>>, %arg15: memref<32x128xf32, #tpu.memory_space<vmem>>, %arg16: memref<32x128xf32, #tpu.memory_space<vmem>>, %arg17: memref<32x128xf32, #tpu.memory_space<vmem>>, %arg18: memref<32x128xf32, #tpu.memory_space<vmem>>, %arg19: memref<32x128xf32, #tpu.memory_space<vmem>>, %arg20: memref<32x128xf32, #tpu.memory_space<vmem>>, %arg21: memref<32x128xf32, #tpu.memory_space<vmem>>, %arg22: memref<10240x128xf32, #tpu.memory_space<vmem_shared>>, %arg23: memref<!tpu.dma_semaphore, #tpu.memory_space<semaphore_mem>>, %arg24: memref<!tpu.dma_semaphore, #tpu.memory_space<semaphore_mem>>, %arg25: memref<!tpu.dma_semaphore, #tpu.memory_space<semaphore_mem>>, %arg26: memref<!tpu.dma_semaphore, #tpu.memory_space<semaphore_mem>>, %arg27: memref<!tpu.dma_semaphore, #tpu.memory_space<semaphore_mem>>, %arg28: memref<!tpu.dma_semaphore, #tpu.memory_space<semaphore_mem>>, %arg29: memref<!tpu.dma_semaphore, #tpu.memory_space<semaphore_mem>>, %arg30: memref<!tpu.dma_semaphore, #tpu.memory_space<semaphore_mem>>, %arg31: memref<!tpu.dma_semaphore, #tpu.memory_space<semaphore_mem>>, %arg32: memref<!tpu.dma_semaphore, #tpu.memory_space<semaphore_mem>>, %arg33: memref<!tpu.dma_semaphore, #tpu.memory_space<semaphore_mem>>, %arg34: memref<!tpu.dma_semaphore, #tpu.memory_space<semaphore_mem>>, %arg35: memref<!tpu.dma_semaphore, #tpu.memory_space<semaphore_mem>>, %arg36: memref<!tpu.dma_semaphore, #tpu.memory_space<semaphore_mem>>, %arg37: memref<!tpu.dma_semaphore, #tpu.memory_space<semaphore_mem>>, %arg38: memref<!tpu.dma_semaphore, #tpu.memory_space<semaphore_mem>>, %arg39: memref<!tpu.dma_semaphore, #tpu.memory_space<semaphore_mem>>, %arg40: memref<!tpu.dma_semaphore, #tpu.memory_space<semaphore_mem>>, %arg41: memref<!tpu.dma_semaphore, #tpu.memory_space<semaphore_mem>>, %arg42: memref<!tpu.dma_semaphore, #tpu.memory_space<semaphore_mem>>, %arg43: memref<!tpu.dma_semaphore, #tpu.memory_space<semaphore_mem>>, %arg44: memref<!tpu.dma_semaphore, #tpu.memory_space<semaphore_mem>>, %arg45: memref<!tpu.dma_semaphore, #tpu.memory_space<semaphore_mem>>, %arg46: memref<!tpu.dma_semaphore, #tpu.memory_space<semaphore_mem>>) attributes {dimension_semantics = [#tpu.dimension_semantics<core_parallel>, #tpu.dimension_semantics<subcore_parallel>], iteration_bounds = array<i64: 2, 16>, scalar_prefetch = 0 : i64, scratch_operands = 42 : i64, tpu.core_type = #tpu.core_type<sc_vector_subcore>, window_params = [{transform_indices = #map}, {transform_indices = #map}, {transform_indices = #map1}]} {
    %mul3A = arith.constant 16 : i32
    %mul3A_0 = arith.muli %arg0, %mul3A : i32
    %add3A = arith.addi %mul3A_0, %arg1 : i32
    %scan3A = arith.constant 0 : i32
    %scan3A_1 = arith.constant 0 : i32
    %scan3A_2 = arith.constant 32 : i32
    %scan3A_3 = arith.addi %scan3A_1, %scan3A_2 : i32
    %scan3A_4 = arith.constant 1 : i32
    %scan3A_5 = scf.for %scan3A_159 = %scan3A_1 to %scan3A_3 step %scan3A_4 iter_args(%scan3A_160 = %scan3A) -> (i32)  : i32 {
      %broadcast_in_dim3A = arith.constant 0.000000e+00 : f32
      %broadcast_in_dim3A_161 = vector.broadcast %broadcast_in_dim3A : f32 to vector<16xf32>
      %swap3A = arith.index_cast %scan3A_159 : i32 to index
      %swap3A_162 = arith.constant 0 : index
      %swap3A_163 = tpu.vector_load %arg14[%swap3A, %swap3A_162] {strides = array<i32>} : memref<32x128xf32, #tpu.memory_space<vmem>>, vector<1x16xf32>,
      %swap3A_164 = vector.shape_cast %swap3A_163 : vector<1x16xf32> to vector<16xf32>
      %swap3A_165 = vector.shape_cast %broadcast_in_dim3A_161 : vector<16xf32> to vector<1x16xf32>
      tpu.vector_store %arg14[%swap3A, %swap3A_162], %swap3A_165 {strides = array<i32>} : memref<32x128xf32, #tpu.memory_space<vmem>>, vector<1x16xf32>,
      %broadcast_in_dim3A_166 = arith.constant 0.000000e+00 : f32
      %broadcast_in_dim3A_167 = vector.broadcast %broadcast_in_dim3A_166 : f32 to vector<16xf32>
      %swap3A_168 = arith.index_cast %scan3A_159 : i32 to index
      %swap3A_169 = arith.constant 16 : index
      %swap3A_170 = tpu.vector_load %arg14[%swap3A_168, %swap3A_169] {strides = array<i32>} : memref<32x128xf32, #tpu.memory_space<vmem>>, vector<1x16xf32>,
      %swap3A_171 = vector.shape_cast %swap3A_170 : vector<1x16xf32> to vector<16xf32>
      %swap3A_172 = vector.shape_cast %broadcast_in_dim3A_167 : vector<16xf32> to vector<1x16xf32>
      tpu.vector_store %arg14[%swap3A_168, %swap3A_169], %swap3A_172 {strides = array<i32>} : memref<32x128xf32, #tpu.memory_space<vmem>>, vector<1x16xf32>,
      %broadcast_in_dim3A_173 = arith.constant 0.000000e+00 : f32
      %broadcast_in_dim3A_174 = vector.broadcast %broadcast_in_dim3A_173 : f32 to vector<16xf32>
      %swap3A_175 = arith.index_cast %scan3A_159 : i32 to index
      %swap3A_176 = arith.constant 32 : index
      %swap3A_177 = tpu.vector_load %arg14[%swap3A_175, %swap3A_176] {strides = array<i32>} : memref<32x128xf32, #tpu.memory_space<vmem>>, vector<1x16xf32>,
      %swap3A_178 = vector.shape_cast %swap3A_177 : vector<1x16xf32> to vector<16xf32>
      %swap3A_179 = vector.shape_cast %broadcast_in_dim3A_174 : vector<16xf32> to vector<1x16xf32>
      tpu.vector_store %arg14[%swap3A_175, %swap3A_176], %swap3A_179 {strides = array<i32>} : memref<32x128xf32, #tpu.memory_space<vmem>>, vector<1x16xf32>,
      %broadcast_in_dim3A_180 = arith.constant 0.000000e+00 : f32
      %broadcast_in_dim3A_181 = vector.broadcast %broadcast_in_dim3A_180 : f32 to vector<16xf32>
      %swap3A_182 = arith.index_cast %scan3A_159 : i32 to index
      %swap3A_183 = arith.constant 48 : index
      %swap3A_184 = tpu.vector_load %arg14[%swap3A_182, %swap3A_183] {strides = array<i32>} : memref<32x128xf32, #tpu.memory_space<vmem>>, vector<1x16xf32>,
      %swap3A_185 = vector.shape_cast %swap3A_184 : vector<1x16xf32> to vector<16xf32>
      %swap3A_186 = vector.shape_cast %broadcast_in_dim3A_181 : vector<16xf32> to vector<1x16xf32>
      tpu.vector_store %arg14[%swap3A_182, %swap3A_183], %swap3A_186 {strides = array<i32>} : memref<32x128xf32, #tpu.memory_space<vmem>>, vector<1x16xf32>,
      %broadcast_in_dim3A_187 = arith.constant 0.000000e+00 : f32
      %broadcast_in_dim3A_188 = vector.broadcast %broadcast_in_dim3A_187 : f32 to vector<16xf32>
      %swap3A_189 = arith.index_cast %scan3A_159 : i32 to index
      %swap3A_190 = arith.constant 64 : index
      %swap3A_191 = tpu.vector_load %arg14[%swap3A_189, %swap3A_190] {strides = array<i32>} : memref<32x128xf32, #tpu.memory_space<vmem>>, vector<1x16xf32>,
      %swap3A_192 = vector.shape_cast %swap3A_191 : vector<1x16xf32> to vector<16xf32>
      %swap3A_193 = vector.shape_cast %broadcast_in_dim3A_188 : vector<16xf32> to vector<1x16xf32>
      tpu.vector_store %arg14[%swap3A_189, %swap3A_190], %swap3A_193 {strides = array<i32>} : memref<32x128xf32, #tpu.memory_space<vmem>>, vector<1x16xf32>,
      %broadcast_in_dim3A_194 = arith.constant 0.000000e+00 : f32
      %broadcast_in_dim3A_195 = vector.broadcast %broadcast_in_dim3A_194 : f32 to vector<16xf32>
      %swap3A_196 = arith.index_cast %scan3A_159 : i32 to index
      %swap3A_197 = arith.constant 80 : index
      %swap3A_198 = tpu.vector_load %arg14[%swap3A_196, %swap3A_197] {strides = array<i32>} : memref<32x128xf32, #tpu.memory_space<vmem>>, vector<1x16xf32>,
      %swap3A_199 = vector.shape_cast %swap3A_198 : vector<1x16xf32> to vector<16xf32>
      %swap3A_200 = vector.shape_cast %broadcast_in_dim3A_195 : vector<16xf32> to vector<1x16xf32>
      tpu.vector_store %arg14[%swap3A_196, %swap3A_197], %swap3A_200 {strides = array<i32>} : memref<32x128xf32, #tpu.memory_space<vmem>>, vector<1x16xf32>,
      %broadcast_in_dim3A_201 = arith.constant 0.000000e+00 : f32
      %broadcast_in_dim3A_202 = vector.broadcast %broadcast_in_dim3A_201 : f32 to vector<16xf32>
      %swap3A_203 = arith.index_cast %scan3A_159 : i32 to index
      %swap3A_204 = arith.constant 96 : index
      %swap3A_205 = tpu.vector_load %arg14[%swap3A_203, %swap3A_204] {strides = array<i32>} : memref<32x128xf32, #tpu.memory_space<vmem>>, vector<1x16xf32>,
      %swap3A_206 = vector.shape_cast %swap3A_205 : vector<1x16xf32> to vector<16xf32>
      %swap3A_207 = vector.shape_cast %broadcast_in_dim3A_202 : vector<16xf32> to vector<1x16xf32>
      tpu.vector_store %arg14[%swap3A_203, %swap3A_204], %swap3A_207 {strides = array<i32>} : memref<32x128xf32, #tpu.memory_space<vmem>>, vector<1x16xf32>,
      %broadcast_in_dim3A_208 = arith.constant 0.000000e+00 : f32
      %broadcast_in_dim3A_209 = vector.broadcast %broadcast_in_dim3A_208 : f32 to vector<16xf32>
      %swap3A_210 = arith.index_cast %scan3A_159 : i32 to index
      %swap3A_211 = arith.constant 112 : index
      %swap3A_212 = tpu.vector_load %arg14[%swap3A_210, %swap3A_211] {strides = array<i32>} : memref<32x128xf32, #tpu.memory_space<vmem>>, vector<1x16xf32>,
      %swap3A_213 = vector.shape_cast %swap3A_212 : vector<1x16xf32> to vector<16xf32>
      %swap3A_214 = vector.shape_cast %broadcast_in_dim3A_209 : vector<16xf32> to vector<1x16xf32>
      tpu.vector_store %arg14[%swap3A_210, %swap3A_211], %swap3A_214 {strides = array<i32>} : memref<32x128xf32, #tpu.memory_space<vmem>>, vector<1x16xf32>,
      %scan3A_215 = arith.constant 0 : i32
      scf.yield %scan3A_215 : i32
    }
    %scan3A_6 = arith.constant 32 : i32
    %mul3A_7 = arith.constant 640 : i32
    %mul3A_8 = arith.muli %arg1, %mul3A_7 : i32
    %add3A_9 = arith.constant 0 : i32
    %add3A_10 = arith.addi %mul3A_8, %add3A_9 : i32
    "tpu.region"() ({
      %run_scoped3A_159 = tpu.sem_alloc : memref<!tpu.dma_semaphore, #tpu.memory_space<semaphore_mem>>
      %dma_start3A = arith.constant 0 : i32
      %dma_start3A_160 = tpu.memref_slice %arg22[%add3A_10, %dma_start3A] : memref<10240x128xf32, #tpu.memory_space<vmem_shared>> -> memref<32x128xf32, #tpu.memory_space<vmem_shared>>
      %dma_start3A_161 = arith.constant 0 : i32
      %dma_start3A_162 = tpu.memref_slice %arg22[%add3A_10, %dma_start3A_161] : memref<10240x128xf32, #tpu.memory_space<vmem_shared>> -> memref<32x128xf32, #tpu.memory_space<vmem_shared>>
      tpu.enqueue_dma source(%arg14 : memref<32x128xf32, #tpu.memory_space<vmem>>) target(%dma_start3A_162 : memref<32x128xf32, #tpu.memory_space<vmem_shared>>) target_semaphore(%run_scoped3A_159 : memref<!tpu.dma_semaphore, #tpu.memory_space<semaphore_mem>>)
      %dma_wait3A_163 = arith.constant 0 : i32
      %dma_wait3A_164 = tpu.memref_slice %arg22[%add3A_10, %dma_wait3A_163] : memref<10240x128xf32, #tpu.memory_space<vmem_shared>> -> memref<32x128xf32, #tpu.memory_space<vmem_shared>>
      %dma_wait3A_165 = arith.constant 0 : i32
      %dma_wait3A_166 = tpu.memref_slice %arg22[%add3A_10, %dma_wait3A_165] : memref<10240x128xf32, #tpu.memory_space<vmem_shared>> -> memref<32x128xf32, #tpu.memory_space<vmem_shared>>
      tpu.wait_dma2 semaphore(%run_scoped3A_159 : memref<!tpu.dma_semaphore, #tpu.memory_space<semaphore_mem>>) src(%arg14 : memref<32x128xf32, #tpu.memory_space<vmem>>) dst(%dma_wait3A_166 : memref<32x128xf32, #tpu.memory_space<vmem_shared>>)
      tpu.yield
    }) : () -> ()
    %mul3A_11 = arith.constant 640 : i32
    %mul3A_12 = arith.muli %arg1, %mul3A_11 : i32
    %add3A_13 = arith.constant 32 : i32
    %add3A_14 = arith.addi %mul3A_12, %add3A_13 : i32
    "tpu.region"() ({
      %run_scoped3A_159 = tpu.sem_alloc : memref<!tpu.dma_semaphore, #tpu.memory_space<semaphore_mem>>
      %dma_start3A = arith.constant 0 : i32
      %dma_start3A_160 = tpu.memref_slice %arg22[%add3A_14, %dma_start3A] : memref<10240x128xf32, #tpu.memory_space<vmem_shared>> -> memref<32x128xf32, #tpu.memory_space<vmem_shared>>
      %dma_start3A_161 = arith.constant 0 : i32
      %dma_start3A_162 = tpu.memref_slice %arg22[%add3A_14, %dma_start3A_161] : memref<10240x128xf32, #tpu.memory_space<vmem_shared>> -> memref<32x128xf32, #tpu.memory_space<vmem_shared>>
      tpu.enqueue_dma source(%arg14 : memref<32x128xf32, #tpu.memory_space<vmem>>) target(%dma_start3A_162 : memref<32x128xf32, #tpu.memory_space<vmem_shared>>) target_semaphore(%run_scoped3A_159 : memref<!tpu.dma_semaphore, #tpu.memory_space<semaphore_mem>>)
      %dma_wait3A_163 = arith.constant 0 : i32
      %dma_wait3A_164 = tpu.memref_slice %arg22[%add3A_14, %dma_wait3A_163] : memref<10240x128xf32, #tpu.memory_space<vmem_shared>> -> memref<32x128xf32, #tpu.memory_space<vmem_shared>>
      %dma_wait3A_165 = arith.constant 0 : i32
      %dma_wait3A_166 = tpu.memref_slice %arg22[%add3A_14, %dma_wait3A_165] : memref<10240x128xf32, #tpu.memory_space<vmem_shared>> -> memref<32x128xf32, #tpu.memory_space<vmem_shared>>
      tpu.wait_dma2 semaphore(%run_scoped3A_159 : memref<!tpu.dma_semaphore, #tpu.memory_space<semaphore_mem>>) src(%arg14 : memref<32x128xf32, #tpu.memory_space<vmem>>) dst(%dma_wait3A_166 : memref<32x128xf32, #tpu.memory_space<vmem_shared>>)
      tpu.yield
    }) : () -> ()
    %mul3A_15 = arith.constant 640 : i32
    %mul3A_16 = arith.muli %arg1, %mul3A_15 : i32
    %add3A_17 = arith.constant 64 : i32
    %add3A_18 = arith.addi %mul3A_16, %add3A_17 : i32
    "tpu.region"() ({
      %run_scoped3A_159 = tpu.sem_alloc : memref<!tpu.dma_semaphore, #tpu.memory_space<semaphore_mem>>
      %dma_start3A = arith.constant 0 : i32
      %dma_start3A_160 = tpu.memref_slice %arg22[%add3A_18, %dma_start3A] : memref<10240x128xf32, #tpu.memory_space<vmem_shared>> -> memref<32x128xf32, #tpu.memory_space<vmem_shared>>
      %dma_start3A_161 = arith.constant 0 : i32
      %dma_start3A_162 = tpu.memref_slice %arg22[%add3A_18, %dma_start3A_161] : memref<10240x128xf32, #tpu.memory_space<vmem_shared>> -> memref<32x128xf32, #tpu.memory_space<vmem_shared>>
      tpu.enqueue_dma source(%arg14 : memref<32x128xf32, #tpu.memory_space<vmem>>) target(%dma_start3A_162 : memref<32x128xf32, #tpu.memory_space<vmem_shared>>) target_semaphore(%run_scoped3A_159 : memref<!tpu.dma_semaphore, #tpu.memory_space<semaphore_mem>>)
      %dma_wait3A_163 = arith.constant 0 : i32
      %dma_wait3A_164 = tpu.memref_slice %arg22[%add3A_18, %dma_wait3A_163] : memref<10240x128xf32, #tpu.memory_space<vmem_shared>> -> memref<32x128xf32, #tpu.memory_space<vmem_shared>>
      %dma_wait3A_165 = arith.constant 0 : i32
      %dma_wait3A_166 = tpu.memref_slice %arg22[%add3A_18, %dma_wait3A_165] : memref<10240x128xf32, #tpu.memory_space<vmem_shared>> -> memref<32x128xf32, #tpu.memory_space<vmem_shared>>
      tpu.wait_dma2 semaphore(%run_scoped3A_159 : memref<!tpu.dma_semaphore, #tpu.memory_space<semaphore_mem>>) src(%arg14 : memref<32x128xf32, #tpu.memory_space<vmem>>) dst(%dma_wait3A_166 : memref<32x128xf32, #tpu.memory_space<vmem_shared>>)
      tpu.yield
    }) : () -> ()
    %mul3A_19 = arith.constant 640 : i32
    %mul3A_20 = arith.muli %arg1, %mul3A_19 : i32
    %add3A_21 = arith.constant 96 : i32
    %add3A_22 = arith.addi %mul3A_20, %add3A_21 : i32
    "tpu.region"() ({
      %run_scoped3A_159 = tpu.sem_alloc : memref<!tpu.dma_semaphore, #tpu.memory_space<semaphore_mem>>
      %dma_start3A = arith.constant 0 : i32
      %dma_start3A_160 = tpu.memref_slice %arg22[%add3A_22, %dma_start3A] : memref<10240x128xf32, #tpu.memory_space<vmem_shared>> -> memref<32x128xf32, #tpu.memory_space<vmem_shared>>
      %dma_start3A_161 = arith.constant 0 : i32
      %dma_start3A_162 = tpu.memref_slice %arg22[%add3A_22, %dma_start3A_161] : memref<10240x128xf32, #tpu.memory_space<vmem_shared>> -> memref<32x128xf32, #tpu.memory_space<vmem_shared>>
      tpu.enqueue_dma source(%arg14 : memref<32x128xf32, #tpu.memory_space<vmem>>) target(%dma_start3A_162 : memref<32x128xf32, #tpu.memory_space<vmem_shared>>) target_semaphore(%run_scoped3A_159 : memref<!tpu.dma_semaphore, #tpu.memory_space<semaphore_mem>>)
      %dma_wait3A_163 = arith.constant 0 : i32
      %dma_wait3A_164 = tpu.memref_slice %arg22[%add3A_22, %dma_wait3A_163] : memref<10240x128xf32, #tpu.memory_space<vmem_shared>> -> memref<32x128xf32, #tpu.memory_space<vmem_shared>>
      %dma_wait3A_165 = arith.constant 0 : i32
      %dma_wait3A_166 = tpu.memref_slice %arg22[%add3A_22, %dma_wait3A_165] : memref<10240x128xf32, #tpu.memory_space<vmem_shared>> -> memref<32x128xf32, #tpu.memory_space<vmem_shared>>
      tpu.wait_dma2 semaphore(%run_scoped3A_159 : memref<!tpu.dma_semaphore, #tpu.memory_space<semaphore_mem>>) src(%arg14 : memref<32x128xf32, #tpu.memory_space<vmem>>) dst(%dma_wait3A_166 : memref<32x128xf32, #tpu.memory_space<vmem_shared>>)
      tpu.yield
    }) : () -> ()
    %mul3A_23 = arith.constant 640 : i32
    %mul3A_24 = arith.muli %arg1, %mul3A_23 : i32
    %add3A_25 = arith.constant 128 : i32
    %add3A_26 = arith.addi %mul3A_24, %add3A_25 : i32
    "tpu.region"() ({
      %run_scoped3A_159 = tpu.sem_alloc : memref<!tpu.dma_semaphore, #tpu.memory_space<semaphore_mem>>
      %dma_start3A = arith.constant 0 : i32
      %dma_start3A_160 = tpu.memref_slice %arg22[%add3A_26, %dma_start3A] : memref<10240x128xf32, #tpu.memory_space<vmem_shared>> -> memref<32x128xf32, #tpu.memory_space<vmem_shared>>
      %dma_start3A_161 = arith.constant 0 : i32
      %dma_start3A_162 = tpu.memref_slice %arg22[%add3A_26, %dma_start3A_161] : memref<10240x128xf32, #tpu.memory_space<vmem_shared>> -> memref<32x128xf32, #tpu.memory_space<vmem_shared>>
      tpu.enqueue_dma source(%arg14 : memref<32x128xf32, #tpu.memory_space<vmem>>) target(%dma_start3A_162 : memref<32x128xf32, #tpu.memory_space<vmem_shared>>) target_semaphore(%run_scoped3A_159 : memref<!tpu.dma_semaphore, #tpu.memory_space<semaphore_mem>>)
      %dma_wait3A_163 = arith.constant 0 : i32
      %dma_wait3A_164 = tpu.memref_slice %arg22[%add3A_26, %dma_wait3A_163] : memref<10240x128xf32, #tpu.memory_space<vmem_shared>> -> memref<32x128xf32, #tpu.memory_space<vmem_shared>>
      %dma_wait3A_165 = arith.constant 0 : i32
      %dma_wait3A_166 = tpu.memref_slice %arg22[%add3A_26, %dma_wait3A_165] : memref<10240x128xf32, #tpu.memory_space<vmem_shared>> -> memref<32x128xf32, #tpu.memory_space<vmem_shared>>
      tpu.wait_dma2 semaphore(%run_scoped3A_159 : memref<!tpu.dma_semaphore, #tpu.memory_space<semaphore_mem>>) src(%arg14 : memref<32x128xf32, #tpu.memory_space<vmem>>) dst(%dma_wait3A_166 : memref<32x128xf32, #tpu.memory_space<vmem_shared>>)
      tpu.yield
    }) : () -> ()
    %mul3A_27 = arith.constant 640 : i32
    %mul3A_28 = arith.muli %arg1, %mul3A_27 : i32
    %add3A_29 = arith.constant 160 : i32
    %add3A_30 = arith.addi %mul3A_28, %add3A_29 : i32
    "tpu.region"() ({
      %run_scoped3A_159 = tpu.sem_alloc : memref<!tpu.dma_semaphore, #tpu.memory_space<semaphore_mem>>
      %dma_start3A = arith.constant 0 : i32
      %dma_start3A_160 = tpu.memref_slice %arg22[%add3A_30, %dma_start3A] : memref<10240x128xf32, #tpu.memory_space<vmem_shared>> -> memref<32x128xf32, #tpu.memory_space<vmem_shared>>
      %dma_start3A_161 = arith.constant 0 : i32
      %dma_start3A_162 = tpu.memref_slice %arg22[%add3A_30, %dma_start3A_161] : memref<10240x128xf32, #tpu.memory_space<vmem_shared>> -> memref<32x128xf32, #tpu.memory_space<vmem_shared>>
      tpu.enqueue_dma source(%arg14 : memref<32x128xf32, #tpu.memory_space<vmem>>) target(%dma_start3A_162 : memref<32x128xf32, #tpu.memory_space<vmem_shared>>) target_semaphore(%run_scoped3A_159 : memref<!tpu.dma_semaphore, #tpu.memory_space<semaphore_mem>>)
      %dma_wait3A_163 = arith.constant 0 : i32
      %dma_wait3A_164 = tpu.memref_slice %arg22[%add3A_30, %dma_wait3A_163] : memref<10240x128xf32, #tpu.memory_space<vmem_shared>> -> memref<32x128xf32, #tpu.memory_space<vmem_shared>>
      %dma_wait3A_165 = arith.constant 0 : i32
      %dma_wait3A_166 = tpu.memref_slice %arg22[%add3A_30, %dma_wait3A_165] : memref<10240x128xf32, #tpu.memory_space<vmem_shared>> -> memref<32x128xf32, #tpu.memory_space<vmem_shared>>
      tpu.wait_dma2 semaphore(%run_scoped3A_159 : memref<!tpu.dma_semaphore, #tpu.memory_space<semaphore_mem>>) src(%arg14 : memref<32x128xf32, #tpu.memory_space<vmem>>) dst(%dma_wait3A_166 : memref<32x128xf32, #tpu.memory_space<vmem_shared>>)
      tpu.yield
    }) : () -> ()
    %mul3A_31 = arith.constant 640 : i32
    %mul3A_32 = arith.muli %arg1, %mul3A_31 : i32
    %add3A_33 = arith.constant 192 : i32
    %add3A_34 = arith.addi %mul3A_32, %add3A_33 : i32
    "tpu.region"() ({
      %run_scoped3A_159 = tpu.sem_alloc : memref<!tpu.dma_semaphore, #tpu.memory_space<semaphore_mem>>
      %dma_start3A = arith.constant 0 : i32
      %dma_start3A_160 = tpu.memref_slice %arg22[%add3A_34, %dma_start3A] : memref<10240x128xf32, #tpu.memory_space<vmem_shared>> -> memref<32x128xf32, #tpu.memory_space<vmem_shared>>
      %dma_start3A_161 = arith.constant 0 : i32
      %dma_start3A_162 = tpu.memref_slice %arg22[%add3A_34, %dma_start3A_161] : memref<10240x128xf32, #tpu.memory_space<vmem_shared>> -> memref<32x128xf32, #tpu.memory_space<vmem_shared>>
      tpu.enqueue_dma source(%arg14 : memref<32x128xf32, #tpu.memory_space<vmem>>) target(%dma_start3A_162 : memref<32x128xf32, #tpu.memory_space<vmem_shared>>) target_semaphore(%run_scoped3A_159 : memref<!tpu.dma_semaphore, #tpu.memory_space<semaphore_mem>>)
      %dma_wait3A_163 = arith.constant 0 : i32
      %dma_wait3A_164 = tpu.memref_slice %arg22[%add3A_34, %dma_wait3A_163] : memref<10240x128xf32, #tpu.memory_space<vmem_shared>> -> memref<32x128xf32, #tpu.memory_space<vmem_shared>>
      %dma_wait3A_165 = arith.constant 0 : i32
      %dma_wait3A_166 = tpu.memref_slice %arg22[%add3A_34, %dma_wait3A_165] : memref<10240x128xf32, #tpu.memory_space<vmem_shared>> -> memref<32x128xf32, #tpu.memory_space<vmem_shared>>
      tpu.wait_dma2 semaphore(%run_scoped3A_159 : memref<!tpu.dma_semaphore, #tpu.memory_space<semaphore_mem>>) src(%arg14 : memref<32x128xf32, #tpu.memory_space<vmem>>) dst(%dma_wait3A_166 : memref<32x128xf32, #tpu.memory_space<vmem_shared>>)
      tpu.yield
    }) : () -> ()
    %mul3A_35 = arith.constant 640 : i32
    %mul3A_36 = arith.muli %arg1, %mul3A_35 : i32
    %add3A_37 = arith.constant 224 : i32
    %add3A_38 = arith.addi %mul3A_36, %add3A_37 : i32
    "tpu.region"() ({
      %run_scoped3A_159 = tpu.sem_alloc : memref<!tpu.dma_semaphore, #tpu.memory_space<semaphore_mem>>
      %dma_start3A = arith.constant 0 : i32
      %dma_start3A_160 = tpu.memref_slice %arg22[%add3A_38, %dma_start3A] : memref<10240x128xf32, #tpu.memory_space<vmem_shared>> -> memref<32x128xf32, #tpu.memory_space<vmem_shared>>
      %dma_start3A_161 = arith.constant 0 : i32
      %dma_start3A_162 = tpu.memref_slice %arg22[%add3A_38, %dma_start3A_161] : memref<10240x128xf32, #tpu.memory_space<vmem_shared>> -> memref<32x128xf32, #tpu.memory_space<vmem_shared>>
      tpu.enqueue_dma source(%arg14 : memref<32x128xf32, #tpu.memory_space<vmem>>) target(%dma_start3A_162 : memref<32x128xf32, #tpu.memory_space<vmem_shared>>) target_semaphore(%run_scoped3A_159 : memref<!tpu.dma_semaphore, #tpu.memory_space<semaphore_mem>>)
      %dma_wait3A_163 = arith.constant 0 : i32
      %dma_wait3A_164 = tpu.memref_slice %arg22[%add3A_38, %dma_wait3A_163] : memref<10240x128xf32, #tpu.memory_space<vmem_shared>> -> memref<32x128xf32, #tpu.memory_space<vmem_shared>>
      %dma_wait3A_165 = arith.constant 0 : i32
      %dma_wait3A_166 = tpu.memref_slice %arg22[%add3A_38, %dma_wait3A_165] : memref<10240x128xf32, #tpu.memory_space<vmem_shared>> -> memref<32x128xf32, #tpu.memory_space<vmem_shared>>
      tpu.wait_dma2 semaphore(%run_scoped3A_159 : memref<!tpu.dma_semaphore, #tpu.memory_space<semaphore_mem>>) src(%arg14 : memref<32x128xf32, #tpu.memory_space<vmem>>) dst(%dma_wait3A_166 : memref<32x128xf32, #tpu.memory_space<vmem_shared>>)
      tpu.yield
    }) : () -> ()
    %mul3A_39 = arith.constant 640 : i32
    %mul3A_40 = arith.muli %arg1, %mul3A_39 : i32
    %add3A_41 = arith.constant 256 : i32
    %add3A_42 = arith.addi %mul3A_40, %add3A_41 : i32
    "tpu.region"() ({
      %run_scoped3A_159 = tpu.sem_alloc : memref<!tpu.dma_semaphore, #tpu.memory_space<semaphore_mem>>
      %dma_start3A = arith.constant 0 : i32
      %dma_start3A_160 = tpu.memref_slice %arg22[%add3A_42, %dma_start3A] : memref<10240x128xf32, #tpu.memory_space<vmem_shared>> -> memref<32x128xf32, #tpu.memory_space<vmem_shared>>
      %dma_start3A_161 = arith.constant 0 : i32
      %dma_start3A_162 = tpu.memref_slice %arg22[%add3A_42, %dma_start3A_161] : memref<10240x128xf32, #tpu.memory_space<vmem_shared>> -> memref<32x128xf32, #tpu.memory_space<vmem_shared>>
      tpu.enqueue_dma source(%arg14 : memref<32x128xf32, #tpu.memory_space<vmem>>) target(%dma_start3A_162 : memref<32x128xf32, #tpu.memory_space<vmem_shared>>) target_semaphore(%run_scoped3A_159 : memref<!tpu.dma_semaphore, #tpu.memory_space<semaphore_mem>>)
      %dma_wait3A_163 = arith.constant 0 : i32
      %dma_wait3A_164 = tpu.memref_slice %arg22[%add3A_42, %dma_wait3A_163] : memref<10240x128xf32, #tpu.memory_space<vmem_shared>> -> memref<32x128xf32, #tpu.memory_space<vmem_shared>>
      %dma_wait3A_165 = arith.constant 0 : i32
      %dma_wait3A_166 = tpu.memref_slice %arg22[%add3A_42, %dma_wait3A_165] : memref<10240x128xf32, #tpu.memory_space<vmem_shared>> -> memref<32x128xf32, #tpu.memory_space<vmem_shared>>
      tpu.wait_dma2 semaphore(%run_scoped3A_159 : memref<!tpu.dma_semaphore, #tpu.memory_space<semaphore_mem>>) src(%arg14 : memref<32x128xf32, #tpu.memory_space<vmem>>) dst(%dma_wait3A_166 : memref<32x128xf32, #tpu.memory_space<vmem_shared>>)
      tpu.yield
    }) : () -> ()
    %mul3A_43 = arith.constant 640 : i32
    %mul3A_44 = arith.muli %arg1, %mul3A_43 : i32
    %add3A_45 = arith.constant 288 : i32
    %add3A_46 = arith.addi %mul3A_44, %add3A_45 : i32
    "tpu.region"() ({
      %run_scoped3A_159 = tpu.sem_alloc : memref<!tpu.dma_semaphore, #tpu.memory_space<semaphore_mem>>
      %dma_start3A = arith.constant 0 : i32
      %dma_start3A_160 = tpu.memref_slice %arg22[%add3A_46, %dma_start3A] : memref<10240x128xf32, #tpu.memory_space<vmem_shared>> -> memref<32x128xf32, #tpu.memory_space<vmem_shared>>
      %dma_start3A_161 = arith.constant 0 : i32
      %dma_start3A_162 = tpu.memref_slice %arg22[%add3A_46, %dma_start3A_161] : memref<10240x128xf32, #tpu.memory_space<vmem_shared>> -> memref<32x128xf32, #tpu.memory_space<vmem_shared>>
      tpu.enqueue_dma source(%arg14 : memref<32x128xf32, #tpu.memory_space<vmem>>) target(%dma_start3A_162 : memref<32x128xf32, #tpu.memory_space<vmem_shared>>) target_semaphore(%run_scoped3A_159 : memref<!tpu.dma_semaphore, #tpu.memory_space<semaphore_mem>>)
      %dma_wait3A_163 = arith.constant 0 : i32
      %dma_wait3A_164 = tpu.memref_slice %arg22[%add3A_46, %dma_wait3A_163] : memref<10240x128xf32, #tpu.memory_space<vmem_shared>> -> memref<32x128xf32, #tpu.memory_space<vmem_shared>>
      %dma_wait3A_165 = arith.constant 0 : i32
      %dma_wait3A_166 = tpu.memref_slice %arg22[%add3A_46, %dma_wait3A_165] : memref<10240x128xf32, #tpu.memory_space<vmem_shared>> -> memref<32x128xf32, #tpu.memory_space<vmem_shared>>
      tpu.wait_dma2 semaphore(%run_scoped3A_159 : memref<!tpu.dma_semaphore, #tpu.memory_space<semaphore_mem>>) src(%arg14 : memref<32x128xf32, #tpu.memory_space<vmem>>) dst(%dma_wait3A_166 : memref<32x128xf32, #tpu.memory_space<vmem_shared>>)
      tpu.yield
    }) : () -> ()
    %mul3A_47 = arith.constant 640 : i32
    %mul3A_48 = arith.muli %arg1, %mul3A_47 : i32
    %add3A_49 = arith.constant 320 : i32
    %add3A_50 = arith.addi %mul3A_48, %add3A_49 : i32
    "tpu.region"() ({
      %run_scoped3A_159 = tpu.sem_alloc : memref<!tpu.dma_semaphore, #tpu.memory_space<semaphore_mem>>
      %dma_start3A = arith.constant 0 : i32
      %dma_start3A_160 = tpu.memref_slice %arg22[%add3A_50, %dma_start3A] : memref<10240x128xf32, #tpu.memory_space<vmem_shared>> -> memref<32x128xf32, #tpu.memory_space<vmem_shared>>
      %dma_start3A_161 = arith.constant 0 : i32
      %dma_start3A_162 = tpu.memref_slice %arg22[%add3A_50, %dma_start3A_161] : memref<10240x128xf32, #tpu.memory_space<vmem_shared>> -> memref<32x128xf32, #tpu.memory_space<vmem_shared>>
      tpu.enqueue_dma source(%arg14 : memref<32x128xf32, #tpu.memory_space<vmem>>) target(%dma_start3A_162 : memref<32x128xf32, #tpu.memory_space<vmem_shared>>) target_semaphore(%run_scoped3A_159 : memref<!tpu.dma_semaphore, #tpu.memory_space<semaphore_mem>>)
      %dma_wait3A_163 = arith.constant 0 : i32
      %dma_wait3A_164 = tpu.memref_slice %arg22[%add3A_50, %dma_wait3A_163] : memref<10240x128xf32, #tpu.memory_space<vmem_shared>> -> memref<32x128xf32, #tpu.memory_space<vmem_shared>>
      %dma_wait3A_165 = arith.constant 0 : i32
      %dma_wait3A_166 = tpu.memref_slice %arg22[%add3A_50, %dma_wait3A_165] : memref<10240x128xf32, #tpu.memory_space<vmem_shared>> -> memref<32x128xf32, #tpu.memory_space<vmem_shared>>
      tpu.wait_dma2 semaphore(%run_scoped3A_159 : memref<!tpu.dma_semaphore, #tpu.memory_space<semaphore_mem>>) src(%arg14 : memref<32x128xf32, #tpu.memory_space<vmem>>) dst(%dma_wait3A_166 : memref<32x128xf32, #tpu.memory_space<vmem_shared>>)
      tpu.yield
    }) : () -> ()
    %mul3A_51 = arith.constant 640 : i32
    %mul3A_52 = arith.muli %arg1, %mul3A_51 : i32
    %add3A_53 = arith.constant 352 : i32
    %add3A_54 = arith.addi %mul3A_52, %add3A_53 : i32
    "tpu.region"() ({
      %run_scoped3A_159 = tpu.sem_alloc : memref<!tpu.dma_semaphore, #tpu.memory_space<semaphore_mem>>
      %dma_start3A = arith.constant 0 : i32
      %dma_start3A_160 = tpu.memref_slice %arg22[%add3A_54, %dma_start3A] : memref<10240x128xf32, #tpu.memory_space<vmem_shared>> -> memref<32x128xf32, #tpu.memory_space<vmem_shared>>
      %dma_start3A_161 = arith.constant 0 : i32
      %dma_start3A_162 = tpu.memref_slice %arg22[%add3A_54, %dma_start3A_161] : memref<10240x128xf32, #tpu.memory_space<vmem_shared>> -> memref<32x128xf32, #tpu.memory_space<vmem_shared>>
      tpu.enqueue_dma source(%arg14 : memref<32x128xf32, #tpu.memory_space<vmem>>) target(%dma_start3A_162 : memref<32x128xf32, #tpu.memory_space<vmem_shared>>) target_semaphore(%run_scoped3A_159 : memref<!tpu.dma_semaphore, #tpu.memory_space<semaphore_mem>>)
      %dma_wait3A_163 = arith.constant 0 : i32
      %dma_wait3A_164 = tpu.memref_slice %arg22[%add3A_54, %dma_wait3A_163] : memref<10240x128xf32, #tpu.memory_space<vmem_shared>> -> memref<32x128xf32, #tpu.memory_space<vmem_shared>>
      %dma_wait3A_165 = arith.constant 0 : i32
      %dma_wait3A_166 = tpu.memref_slice %arg22[%add3A_54, %dma_wait3A_165] : memref<10240x128xf32, #tpu.memory_space<vmem_shared>> -> memref<32x128xf32, #tpu.memory_space<vmem_shared>>
      tpu.wait_dma2 semaphore(%run_scoped3A_159 : memref<!tpu.dma_semaphore, #tpu.memory_space<semaphore_mem>>) src(%arg14 : memref<32x128xf32, #tpu.memory_space<vmem>>) dst(%dma_wait3A_166 : memref<32x128xf32, #tpu.memory_space<vmem_shared>>)
      tpu.yield
    }) : () -> ()
    %mul3A_55 = arith.constant 640 : i32
    %mul3A_56 = arith.muli %arg1, %mul3A_55 : i32
    %add3A_57 = arith.constant 384 : i32
    %add3A_58 = arith.addi %mul3A_56, %add3A_57 : i32
    "tpu.region"() ({
      %run_scoped3A_159 = tpu.sem_alloc : memref<!tpu.dma_semaphore, #tpu.memory_space<semaphore_mem>>
      %dma_start3A = arith.constant 0 : i32
      %dma_start3A_160 = tpu.memref_slice %arg22[%add3A_58, %dma_start3A] : memref<10240x128xf32, #tpu.memory_space<vmem_shared>> -> memref<32x128xf32, #tpu.memory_space<vmem_shared>>
      %dma_start3A_161 = arith.constant 0 : i32
      %dma_start3A_162 = tpu.memref_slice %arg22[%add3A_58, %dma_start3A_161] : memref<10240x128xf32, #tpu.memory_space<vmem_shared>> -> memref<32x128xf32, #tpu.memory_space<vmem_shared>>
      tpu.enqueue_dma source(%arg14 : memref<32x128xf32, #tpu.memory_space<vmem>>) target(%dma_start3A_162 : memref<32x128xf32, #tpu.memory_space<vmem_shared>>) target_semaphore(%run_scoped3A_159 : memref<!tpu.dma_semaphore, #tpu.memory_space<semaphore_mem>>)
      %dma_wait3A_163 = arith.constant 0 : i32
      %dma_wait3A_164 = tpu.memref_slice %arg22[%add3A_58, %dma_wait3A_163] : memref<10240x128xf32, #tpu.memory_space<vmem_shared>> -> memref<32x128xf32, #tpu.memory_space<vmem_shared>>
      %dma_wait3A_165 = arith.constant 0 : i32
      %dma_wait3A_166 = tpu.memref_slice %arg22[%add3A_58, %dma_wait3A_165] : memref<10240x128xf32, #tpu.memory_space<vmem_shared>> -> memref<32x128xf32, #tpu.memory_space<vmem_shared>>
      tpu.wait_dma2 semaphore(%run_scoped3A_159 : memref<!tpu.dma_semaphore, #tpu.memory_space<semaphore_mem>>) src(%arg14 : memref<32x128xf32, #tpu.memory_space<vmem>>) dst(%dma_wait3A_166 : memref<32x128xf32, #tpu.memory_space<vmem_shared>>)
      tpu.yield
    }) : () -> ()
    %mul3A_59 = arith.constant 640 : i32
    %mul3A_60 = arith.muli %arg1, %mul3A_59 : i32
    %add3A_61 = arith.constant 416 : i32
    %add3A_62 = arith.addi %mul3A_60, %add3A_61 : i32
    "tpu.region"() ({
      %run_scoped3A_159 = tpu.sem_alloc : memref<!tpu.dma_semaphore, #tpu.memory_space<semaphore_mem>>
      %dma_start3A = arith.constant 0 : i32
      %dma_start3A_160 = tpu.memref_slice %arg22[%add3A_62, %dma_start3A] : memref<10240x128xf32, #tpu.memory_space<vmem_shared>> -> memref<32x128xf32, #tpu.memory_space<vmem_shared>>
      %dma_start3A_161 = arith.constant 0 : i32
      %dma_start3A_162 = tpu.memref_slice %arg22[%add3A_62, %dma_start3A_161] : memref<10240x128xf32, #tpu.memory_space<vmem_shared>> -> memref<32x128xf32, #tpu.memory_space<vmem_shared>>
      tpu.enqueue_dma source(%arg14 : memref<32x128xf32, #tpu.memory_space<vmem>>) target(%dma_start3A_162 : memref<32x128xf32, #tpu.memory_space<vmem_shared>>) target_semaphore(%run_scoped3A_159 : memref<!tpu.dma_semaphore, #tpu.memory_space<semaphore_mem>>)
      %dma_wait3A_163 = arith.constant 0 : i32
      %dma_wait3A_164 = tpu.memref_slice %arg22[%add3A_62, %dma_wait3A_163] : memref<10240x128xf32, #tpu.memory_space<vmem_shared>> -> memref<32x128xf32, #tpu.memory_space<vmem_shared>>
      %dma_wait3A_165 = arith.constant 0 : i32
      %dma_wait3A_166 = tpu.memref_slice %arg22[%add3A_62, %dma_wait3A_165] : memref<10240x128xf32, #tpu.memory_space<vmem_shared>> -> memref<32x128xf32, #tpu.memory_space<vmem_shared>>
      tpu.wait_dma2 semaphore(%run_scoped3A_159 : memref<!tpu.dma_semaphore, #tpu.memory_space<semaphore_mem>>) src(%arg14 : memref<32x128xf32, #tpu.memory_space<vmem>>) dst(%dma_wait3A_166 : memref<32x128xf32, #tpu.memory_space<vmem_shared>>)
      tpu.yield
    }) : () -> ()
    %mul3A_63 = arith.constant 640 : i32
    %mul3A_64 = arith.muli %arg1, %mul3A_63 : i32
    %add3A_65 = arith.constant 448 : i32
    %add3A_66 = arith.addi %mul3A_64, %add3A_65 : i32
    "tpu.region"() ({
      %run_scoped3A_159 = tpu.sem_alloc : memref<!tpu.dma_semaphore, #tpu.memory_space<semaphore_mem>>
      %dma_start3A = arith.constant 0 : i32
      %dma_start3A_160 = tpu.memref_slice %arg22[%add3A_66, %dma_start3A] : memref<10240x128xf32, #tpu.memory_space<vmem_shared>> -> memref<32x128xf32, #tpu.memory_space<vmem_shared>>
      %dma_start3A_161 = arith.constant 0 : i32
      %dma_start3A_162 = tpu.memref_slice %arg22[%add3A_66, %dma_start3A_161] : memref<10240x128xf32, #tpu.memory_space<vmem_shared>> -> memref<32x128xf32, #tpu.memory_space<vmem_shared>>
      tpu.enqueue_dma source(%arg14 : memref<32x128xf32, #tpu.memory_space<vmem>>) target(%dma_start3A_162 : memref<32x128xf32, #tpu.memory_space<vmem_shared>>) target_semaphore(%run_scoped3A_159 : memref<!tpu.dma_semaphore, #tpu.memory_space<semaphore_mem>>)
      %dma_wait3A_163 = arith.constant 0 : i32
      %dma_wait3A_164 = tpu.memref_slice %arg22[%add3A_66, %dma_wait3A_163] : memref<10240x128xf32, #tpu.memory_space<vmem_shared>> -> memref<32x128xf32, #tpu.memory_space<vmem_shared>>
      %dma_wait3A_165 = arith.constant 0 : i32
      %dma_wait3A_166 = tpu.memref_slice %arg22[%add3A_66, %dma_wait3A_165] : memref<10240x128xf32, #tpu.memory_space<vmem_shared>> -> memref<32x128xf32, #tpu.memory_space<vmem_shared>>
      tpu.wait_dma2 semaphore(%run_scoped3A_159 : memref<!tpu.dma_semaphore, #tpu.memory_space<semaphore_mem>>) src(%arg14 : memref<32x128xf32, #tpu.memory_space<vmem>>) dst(%dma_wait3A_166 : memref<32x128xf32, #tpu.memory_space<vmem_shared>>)
      tpu.yield
    }) : () -> ()
    %mul3A_67 = arith.constant 640 : i32
    %mul3A_68 = arith.muli %arg1, %mul3A_67 : i32
    %add3A_69 = arith.constant 480 : i32
    %add3A_70 = arith.addi %mul3A_68, %add3A_69 : i32
    "tpu.region"() ({
      %run_scoped3A_159 = tpu.sem_alloc : memref<!tpu.dma_semaphore, #tpu.memory_space<semaphore_mem>>
      %dma_start3A = arith.constant 0 : i32
      %dma_start3A_160 = tpu.memref_slice %arg22[%add3A_70, %dma_start3A] : memref<10240x128xf32, #tpu.memory_space<vmem_shared>> -> memref<32x128xf32, #tpu.memory_space<vmem_shared>>
      %dma_start3A_161 = arith.constant 0 : i32
      %dma_start3A_162 = tpu.memref_slice %arg22[%add3A_70, %dma_start3A_161] : memref<10240x128xf32, #tpu.memory_space<vmem_shared>> -> memref<32x128xf32, #tpu.memory_space<vmem_shared>>
      tpu.enqueue_dma source(%arg14 : memref<32x128xf32, #tpu.memory_space<vmem>>) target(%dma_start3A_162 : memref<32x128xf32, #tpu.memory_space<vmem_shared>>) target_semaphore(%run_scoped3A_159 : memref<!tpu.dma_semaphore, #tpu.memory_space<semaphore_mem>>)
      %dma_wait3A_163 = arith.constant 0 : i32
      %dma_wait3A_164 = tpu.memref_slice %arg22[%add3A_70, %dma_wait3A_163] : memref<10240x128xf32, #tpu.memory_space<vmem_shared>> -> memref<32x128xf32, #tpu.memory_space<vmem_shared>>
      %dma_wait3A_165 = arith.constant 0 : i32
      %dma_wait3A_166 = tpu.memref_slice %arg22[%add3A_70, %dma_wait3A_165] : memref<10240x128xf32, #tpu.memory_space<vmem_shared>> -> memref<32x128xf32, #tpu.memory_space<vmem_shared>>
      tpu.wait_dma2 semaphore(%run_scoped3A_159 : memref<!tpu.dma_semaphore, #tpu.memory_space<semaphore_mem>>) src(%arg14 : memref<32x128xf32, #tpu.memory_space<vmem>>) dst(%dma_wait3A_166 : memref<32x128xf32, #tpu.memory_space<vmem_shared>>)
      tpu.yield
    }) : () -> ()
    %mul3A_71 = arith.constant 640 : i32
    %mul3A_72 = arith.muli %arg1, %mul3A_71 : i32
    %add3A_73 = arith.constant 512 : i32
    %add3A_74 = arith.addi %mul3A_72, %add3A_73 : i32
    "tpu.region"() ({
      %run_scoped3A_159 = tpu.sem_alloc : memref<!tpu.dma_semaphore, #tpu.memory_space<semaphore_mem>>
      %dma_start3A = arith.constant 0 : i32
      %dma_start3A_160 = tpu.memref_slice %arg22[%add3A_74, %dma_start3A] : memref<10240x128xf32, #tpu.memory_space<vmem_shared>> -> memref<32x128xf32, #tpu.memory_space<vmem_shared>>
      %dma_start3A_161 = arith.constant 0 : i32
      %dma_start3A_162 = tpu.memref_slice %arg22[%add3A_74, %dma_start3A_161] : memref<10240x128xf32, #tpu.memory_space<vmem_shared>> -> memref<32x128xf32, #tpu.memory_space<vmem_shared>>
      tpu.enqueue_dma source(%arg14 : memref<32x128xf32, #tpu.memory_space<vmem>>) target(%dma_start3A_162 : memref<32x128xf32, #tpu.memory_space<vmem_shared>>) target_semaphore(%run_scoped3A_159 : memref<!tpu.dma_semaphore, #tpu.memory_space<semaphore_mem>>)
      %dma_wait3A_163 = arith.constant 0 : i32
      %dma_wait3A_164 = tpu.memref_slice %arg22[%add3A_74, %dma_wait3A_163] : memref<10240x128xf32, #tpu.memory_space<vmem_shared>> -> memref<32x128xf32, #tpu.memory_space<vmem_shared>>
      %dma_wait3A_165 = arith.constant 0 : i32
      %dma_wait3A_166 = tpu.memref_slice %arg22[%add3A_74, %dma_wait3A_165] : memref<10240x128xf32, #tpu.memory_space<vmem_shared>> -> memref<32x128xf32, #tpu.memory_space<vmem_shared>>
      tpu.wait_dma2 semaphore(%run_scoped3A_159 : memref<!tpu.dma_semaphore, #tpu.memory_space<semaphore_mem>>) src(%arg14 : memref<32x128xf32, #tpu.memory_space<vmem>>) dst(%dma_wait3A_166 : memref<32x128xf32, #tpu.memory_space<vmem_shared>>)
      tpu.yield
    }) : () -> ()
    %mul3A_75 = arith.constant 640 : i32
    %mul3A_76 = arith.muli %arg1, %mul3A_75 : i32
    %add3A_77 = arith.constant 544 : i32
    %add3A_78 = arith.addi %mul3A_76, %add3A_77 : i32
    "tpu.region"() ({
      %run_scoped3A_159 = tpu.sem_alloc : memref<!tpu.dma_semaphore, #tpu.memory_space<semaphore_mem>>
      %dma_start3A = arith.constant 0 : i32
      %dma_start3A_160 = tpu.memref_slice %arg22[%add3A_78, %dma_start3A] : memref<10240x128xf32, #tpu.memory_space<vmem_shared>> -> memref<32x128xf32, #tpu.memory_space<vmem_shared>>
      %dma_start3A_161 = arith.constant 0 : i32
      %dma_start3A_162 = tpu.memref_slice %arg22[%add3A_78, %dma_start3A_161] : memref<10240x128xf32, #tpu.memory_space<vmem_shared>> -> memref<32x128xf32, #tpu.memory_space<vmem_shared>>
      tpu.enqueue_dma source(%arg14 : memref<32x128xf32, #tpu.memory_space<vmem>>) target(%dma_start3A_162 : memref<32x128xf32, #tpu.memory_space<vmem_shared>>) target_semaphore(%run_scoped3A_159 : memref<!tpu.dma_semaphore, #tpu.memory_space<semaphore_mem>>)
      %dma_wait3A_163 = arith.constant 0 : i32
      %dma_wait3A_164 = tpu.memref_slice %arg22[%add3A_78, %dma_wait3A_163] : memref<10240x128xf32, #tpu.memory_space<vmem_shared>> -> memref<32x128xf32, #tpu.memory_space<vmem_shared>>
      %dma_wait3A_165 = arith.constant 0 : i32
      %dma_wait3A_166 = tpu.memref_slice %arg22[%add3A_78, %dma_wait3A_165] : memref<10240x128xf32, #tpu.memory_space<vmem_shared>> -> memref<32x128xf32, #tpu.memory_space<vmem_shared>>
      tpu.wait_dma2 semaphore(%run_scoped3A_159 : memref<!tpu.dma_semaphore, #tpu.memory_space<semaphore_mem>>) src(%arg14 : memref<32x128xf32, #tpu.memory_space<vmem>>) dst(%dma_wait3A_166 : memref<32x128xf32, #tpu.memory_space<vmem_shared>>)
      tpu.yield
    }) : () -> ()
    %mul3A_79 = arith.constant 640 : i32
    %mul3A_80 = arith.muli %arg1, %mul3A_79 : i32
    %add3A_81 = arith.constant 576 : i32
    %add3A_82 = arith.addi %mul3A_80, %add3A_81 : i32
    "tpu.region"() ({
      %run_scoped3A_159 = tpu.sem_alloc : memref<!tpu.dma_semaphore, #tpu.memory_space<semaphore_mem>>
      %dma_start3A = arith.constant 0 : i32
      %dma_start3A_160 = tpu.memref_slice %arg22[%add3A_82, %dma_start3A] : memref<10240x128xf32, #tpu.memory_space<vmem_shared>> -> memref<32x128xf32, #tpu.memory_space<vmem_shared>>
      %dma_start3A_161 = arith.constant 0 : i32
      %dma_start3A_162 = tpu.memref_slice %arg22[%add3A_82, %dma_start3A_161] : memref<10240x128xf32, #tpu.memory_space<vmem_shared>> -> memref<32x128xf32, #tpu.memory_space<vmem_shared>>
      tpu.enqueue_dma source(%arg14 : memref<32x128xf32, #tpu.memory_space<vmem>>) target(%dma_start3A_162 : memref<32x128xf32, #tpu.memory_space<vmem_shared>>) target_semaphore(%run_scoped3A_159 : memref<!tpu.dma_semaphore, #tpu.memory_space<semaphore_mem>>)
      %dma_wait3A_163 = arith.constant 0 : i32
      %dma_wait3A_164 = tpu.memref_slice %arg22[%add3A_82, %dma_wait3A_163] : memref<10240x128xf32, #tpu.memory_space<vmem_shared>> -> memref<32x128xf32, #tpu.memory_space<vmem_shared>>
      %dma_wait3A_165 = arith.constant 0 : i32
      %dma_wait3A_166 = tpu.memref_slice %arg22[%add3A_82, %dma_wait3A_165] : memref<10240x128xf32, #tpu.memory_space<vmem_shared>> -> memref<32x128xf32, #tpu.memory_space<vmem_shared>>
      tpu.wait_dma2 semaphore(%run_scoped3A_159 : memref<!tpu.dma_semaphore, #tpu.memory_space<semaphore_mem>>) src(%arg14 : memref<32x128xf32, #tpu.memory_space<vmem>>) dst(%dma_wait3A_166 : memref<32x128xf32, #tpu.memory_space<vmem_shared>>)
      tpu.yield
    }) : () -> ()
    %mul3A_83 = arith.constant 640 : i32
    %mul3A_84 = arith.muli %arg1, %mul3A_83 : i32
    %add3A_85 = arith.constant 608 : i32
    %add3A_86 = arith.addi %mul3A_84, %add3A_85 : i32
    "tpu.region"() ({
      %run_scoped3A_159 = tpu.sem_alloc : memref<!tpu.dma_semaphore, #tpu.memory_space<semaphore_mem>>
      %dma_start3A = arith.constant 0 : i32
      %dma_start3A_160 = tpu.memref_slice %arg22[%add3A_86, %dma_start3A] : memref<10240x128xf32, #tpu.memory_space<vmem_shared>> -> memref<32x128xf32, #tpu.memory_space<vmem_shared>>
      %dma_start3A_161 = arith.constant 0 : i32
      %dma_start3A_162 = tpu.memref_slice %arg22[%add3A_86, %dma_start3A_161] : memref<10240x128xf32, #tpu.memory_space<vmem_shared>> -> memref<32x128xf32, #tpu.memory_space<vmem_shared>>
      tpu.enqueue_dma source(%arg14 : memref<32x128xf32, #tpu.memory_space<vmem>>) target(%dma_start3A_162 : memref<32x128xf32, #tpu.memory_space<vmem_shared>>) target_semaphore(%run_scoped3A_159 : memref<!tpu.dma_semaphore, #tpu.memory_space<semaphore_mem>>)
      %dma_wait3A_163 = arith.constant 0 : i32
      %dma_wait3A_164 = tpu.memref_slice %arg22[%add3A_86, %dma_wait3A_163] : memref<10240x128xf32, #tpu.memory_space<vmem_shared>> -> memref<32x128xf32, #tpu.memory_space<vmem_shared>>
      %dma_wait3A_165 = arith.constant 0 : i32
      %dma_wait3A_166 = tpu.memref_slice %arg22[%add3A_86, %dma_wait3A_165] : memref<10240x128xf32, #tpu.memory_space<vmem_shared>> -> memref<32x128xf32, #tpu.memory_space<vmem_shared>>
      tpu.wait_dma2 semaphore(%run_scoped3A_159 : memref<!tpu.dma_semaphore, #tpu.memory_space<semaphore_mem>>) src(%arg14 : memref<32x128xf32, #tpu.memory_space<vmem>>) dst(%dma_wait3A_166 : memref<32x128xf32, #tpu.memory_space<vmem_shared>>)
      tpu.yield
    }) : () -> ()
    %barrier3A = arith.constant 0 : index
    tpu.barrier barrier_id(%barrier3A)
    %mul3A_87 = arith.constant 10240 : i32
    %mul3A_88 = arith.muli %add3A, %mul3A_87 : i32
    %eq3A = arith.constant 31 : i32
    %eq3A_89 = arith.cmpi eq, %add3A, %eq3A : i32
    %jit3A = arith.constant 309760 : i32
    %select_n3A = arith.select %eq3A_89, %jit3A, %mul3A_88 : i32
    %run_scoped3A = arith.constant 0 : i32
    "tpu.region"() ({
      %run_scoped3A_159 = tpu.sem_alloc : memref<!tpu.dma_semaphore, #tpu.memory_space<semaphore_mem>>
      %dma_start3A = tpu.memref_slice %arg3[%run_scoped3A, %select_n3A] : memref<2x320000xi32, #tpu.memory_space<hbm>> -> memref<1x10240xi32, #tpu.memory_space<hbm>>
      %dma_start3A_160 = tpu.memref_squeeze %dma_start3A : memref<1x10240xi32, #tpu.memory_space<hbm>> -> memref<10240xi32, #tpu.memory_space<hbm>>
      %dma_start3A_161 = tpu.memref_slice %arg3[%run_scoped3A, %select_n3A] : memref<2x320000xi32, #tpu.memory_space<hbm>> -> memref<1x10240xi32, #tpu.memory_space<hbm>>
      %dma_start3A_162 = tpu.memref_squeeze %dma_start3A_161 : memref<1x10240xi32, #tpu.memory_space<hbm>> -> memref<10240xi32, #tpu.memory_space<hbm>>
      tpu.enqueue_dma source(%dma_start3A_162 : memref<10240xi32, #tpu.memory_space<hbm>>) target(%arg5 : memref<10240xi32, #tpu.memory_space<vmem>>) target_semaphore(%run_scoped3A_159 : memref<!tpu.dma_semaphore, #tpu.memory_space<semaphore_mem>>)
      %dma_wait3A_163 = tpu.memref_slice %arg3[%run_scoped3A, %select_n3A] : memref<2x320000xi32, #tpu.memory_space<hbm>> -> memref<1x10240xi32, #tpu.memory_space<hbm>>
      %dma_wait3A_164 = tpu.memref_squeeze %dma_wait3A_163 : memref<1x10240xi32, #tpu.memory_space<hbm>> -> memref<10240xi32, #tpu.memory_space<hbm>>
      %dma_wait3A_165 = tpu.memref_slice %arg3[%run_scoped3A, %select_n3A] : memref<2x320000xi32, #tpu.memory_space<hbm>> -> memref<1x10240xi32, #tpu.memory_space<hbm>>
      %dma_wait3A_166 = tpu.memref_squeeze %dma_wait3A_165 : memref<1x10240xi32, #tpu.memory_space<hbm>> -> memref<10240xi32, #tpu.memory_space<hbm>>
      tpu.wait_dma2 semaphore(%run_scoped3A_159 : memref<!tpu.dma_semaphore, #tpu.memory_space<semaphore_mem>>) src(%dma_wait3A_166 : memref<10240xi32, #tpu.memory_space<hbm>>) dst(%arg5 : memref<10240xi32, #tpu.memory_space<vmem>>)
      tpu.yield
    }) : () -> ()
    %jit3A_90 = arith.constant 7680 : i32
    %jit3A_91 = arith.constant 0 : i32
    %select_n3A_92 = arith.select %eq3A_89, %jit3A_90, %jit3A_91 : i32
    %jit3A_93 = arith.constant 10 : i32
    %jit3A_94 = arith.constant 40 : i32
    %select_n3A_95 = arith.select %eq3A_89, %jit3A_93, %jit3A_94 : i32
    %while3A = arith.constant 0 : i32
    %while3A_96 = arith.constant 0 : i32
    %while3A_97 = arith.subi %select_n3A_95, %while3A : i32
    %while3A_98 = arith.addi %while3A, %while3A_97 : i32
    %while3A_99 = arith.constant 1 : i32
    %while3A_100 = arith.divsi %while3A_97, %while3A_99 : i32
    %while3A_101 = arith.muli %while3A_100, %while3A_99 : i32
    %while3A_102 = arith.addi %while3A, %while3A_101 : i32
    %while3A_103 = arith.constant 1 : i32
    %while3A_104 = scf.for %while3A_159 = %while3A to %while3A_102 step %while3A_103 iter_args(%while3A_160 = %while3A_96) -> (i32)  : i32 {
      %mul3A_161 = arith.constant 8 : i32
      %mul3A_162 = arith.muli %while3A_159, %mul3A_161 : i32
      %add3A_163 = arith.constant 0 : i32
      %add3A_164 = arith.addi %mul3A_162, %add3A_163 : i32
      %gt3A = arith.constant 0 : i32
      %gt3A_165 = arith.cmpi sgt, %while3A_159, %gt3A : i32
      %convert_element_type3A = arith.extui %gt3A_165 : i1 to i32
      %cond3A = arith.constant 0 : i32
      %cond3A_166 = arith.cmpi ne, %convert_element_type3A, %cond3A : i32
      scf.if %cond3A_166 {
        %dma_wait3A_510 = arith.constant 0 : i32
        %dma_wait3A_511 = arith.constant 0 : i32
        %dma_wait3A_512 = tpu.memref_slice %arg2[%dma_wait3A_510, %dma_wait3A_511] : memref<10240x128xf32, #tpu.memory_space<hbm>> -> memref<32x128xf32, #tpu.memory_space<hbm>>
        %dma_wait3A_513 = arith.constant 0 : i32
        %dma_wait3A_514 = arith.constant 0 : i32
        %dma_wait3A_515 = tpu.memref_slice %arg2[%dma_wait3A_513, %dma_wait3A_514] : memref<10240x128xf32, #tpu.memory_space<hbm>> -> memref<32x128xf32, #tpu.memory_space<hbm>>
        tpu.wait_dma2 semaphore(%arg39 : memref<!tpu.dma_semaphore, #tpu.memory_space<semaphore_mem>>) src(%dma_wait3A_515 : memref<32x128xf32, #tpu.memory_space<hbm>>) dst(%arg14 : memref<32x128xf32, #tpu.memory_space<vmem>>)
      } else {
      }
      %mul3A_167 = arith.constant 32 : i32
      %mul3A_168 = arith.muli %add3A_164, %mul3A_167 : i32
      %add3A_169 = arith.addi %mul3A_88, %mul3A_168 : i32
      %dma_start3A = arith.constant 1 : i32
      %dma_start3A_170 = tpu.memref_slice %arg3[%dma_start3A, %add3A_169] : memref<2x320000xi32, #tpu.memory_space<hbm>> -> memref<1x32xi32, #tpu.memory_space<hbm>>
      %dma_start3A_171 = tpu.memref_squeeze %dma_start3A_170 : memref<1x32xi32, #tpu.memory_space<hbm>> -> memref<32xi32, #tpu.memory_space<hbm>>
      %dma_start3A_172 = tpu.memref_slice %arg3[%dma_start3A, %add3A_169] : memref<2x320000xi32, #tpu.memory_space<hbm>> -> memref<1x32xi32, #tpu.memory_space<hbm>>
      %dma_start3A_173 = tpu.memref_squeeze %dma_start3A_172 : memref<1x32xi32, #tpu.memory_space<hbm>> -> memref<32xi32, #tpu.memory_space<hbm>>
      tpu.enqueue_dma source(%dma_start3A_173 : memref<32xi32, #tpu.memory_space<hbm>>) target(%arg6 : memref<32xi32, #tpu.memory_space<vmem>>) target_semaphore(%arg23 : memref<!tpu.dma_semaphore, #tpu.memory_space<semaphore_mem>>)
      %mul3A_174 = arith.constant 32 : i32
      %mul3A_175 = arith.muli %add3A_164, %mul3A_174 : i32
      %add3A_176 = arith.addi %select_n3A_92, %mul3A_175 : i32
      %dma_start3A_177 = tpu.memref_slice %arg5[%add3A_176] : memref<10240xi32, #tpu.memory_space<vmem>> -> memref<32xi32, #tpu.memory_space<vmem>>
      %dma_start3A_178 = arith.constant 0 : i32
      %dma_start3A_179 = arith.constant 0 : i32
      %dma_start3A_180 = tpu.memref_slice %arg2[%dma_start3A_178, %dma_start3A_179] : memref<10240x128xf32, #tpu.memory_space<hbm>> -> memref<10240x128xf32, #tpu.memory_space<hbm>>
      tpu.enqueue_indirect_dma source(%dma_start3A_180 : memref<10240x128xf32, #tpu.memory_space<hbm>>) target(%arg14 : memref<32x128xf32, #tpu.memory_space<vmem>>) offsets(%dma_start3A_177 : memref<32xi32, #tpu.memory_space<vmem>>) semaphore(%arg31 : memref<!tpu.dma_semaphore, #tpu.memory_space<semaphore_mem>>)
      %mul3A_181 = arith.constant 8 : i32
      %mul3A_182 = arith.muli %while3A_159, %mul3A_181 : i32
      %add3A_183 = arith.constant 1 : i32
      %add3A_184 = arith.addi %mul3A_182, %add3A_183 : i32
      %gt3A_185 = arith.constant 0 : i32
      %gt3A_186 = arith.cmpi sgt, %while3A_159, %gt3A_185 : i32
      %convert_element_type3A_187 = arith.extui %gt3A_186 : i1 to i32
      %cond3A_188 = arith.constant 0 : i32
      %cond3A_189 = arith.cmpi ne, %convert_element_type3A_187, %cond3A_188 : i32
      scf.if %cond3A_189 {
        %dma_wait3A_510 = arith.constant 0 : i32
        %dma_wait3A_511 = arith.constant 0 : i32
        %dma_wait3A_512 = tpu.memref_slice %arg2[%dma_wait3A_510, %dma_wait3A_511] : memref<10240x128xf32, #tpu.memory_space<hbm>> -> memref<32x128xf32, #tpu.memory_space<hbm>>
        %dma_wait3A_513 = arith.constant 0 : i32
        %dma_wait3A_514 = arith.constant 0 : i32
        %dma_wait3A_515 = tpu.memref_slice %arg2[%dma_wait3A_513, %dma_wait3A_514] : memref<10240x128xf32, #tpu.memory_space<hbm>> -> memref<32x128xf32, #tpu.memory_space<hbm>>
        tpu.wait_dma2 semaphore(%arg40 : memref<!tpu.dma_semaphore, #tpu.memory_space<semaphore_mem>>) src(%dma_wait3A_515 : memref<32x128xf32, #tpu.memory_space<hbm>>) dst(%arg15 : memref<32x128xf32, #tpu.memory_space<vmem>>)
      } else {
      }
      %mul3A_190 = arith.constant 32 : i32
      %mul3A_191 = arith.muli %add3A_184, %mul3A_190 : i32
      %add3A_192 = arith.addi %mul3A_88, %mul3A_191 : i32
      %dma_start3A_193 = arith.constant 1 : i32
      %dma_start3A_194 = tpu.memref_slice %arg3[%dma_start3A_193, %add3A_192] : memref<2x320000xi32, #tpu.memory_space<hbm>> -> memref<1x32xi32, #tpu.memory_space<hbm>>
      %dma_start3A_195 = tpu.memref_squeeze %dma_start3A_194 : memref<1x32xi32, #tpu.memory_space<hbm>> -> memref<32xi32, #tpu.memory_space<hbm>>
      %dma_start3A_196 = tpu.memref_slice %arg3[%dma_start3A_193, %add3A_192] : memref<2x320000xi32, #tpu.memory_space<hbm>> -> memref<1x32xi32, #tpu.memory_space<hbm>>
      %dma_start3A_197 = tpu.memref_squeeze %dma_start3A_196 : memref<1x32xi32, #tpu.memory_space<hbm>> -> memref<32xi32, #tpu.memory_space<hbm>>
      tpu.enqueue_dma source(%dma_start3A_197 : memref<32xi32, #tpu.memory_space<hbm>>) target(%arg7 : memref<32xi32, #tpu.memory_space<vmem>>) target_semaphore(%arg24 : memref<!tpu.dma_semaphore, #tpu.memory_space<semaphore_mem>>)
      %mul3A_198 = arith.constant 32 : i32
      %mul3A_199 = arith.muli %add3A_184, %mul3A_198 : i32
      %add3A_200 = arith.addi %select_n3A_92, %mul3A_199 : i32
      %dma_start3A_201 = tpu.memref_slice %arg5[%add3A_200] : memref<10240xi32, #tpu.memory_space<vmem>> -> memref<32xi32, #tpu.memory_space<vmem>>
      %dma_start3A_202 = arith.constant 0 : i32
      %dma_start3A_203 = arith.constant 0 : i32
      %dma_start3A_204 = tpu.memref_slice %arg2[%dma_start3A_202, %dma_start3A_203] : memref<10240x128xf32, #tpu.memory_space<hbm>> -> memref<10240x128xf32, #tpu.memory_space<hbm>>
      tpu.enqueue_indirect_dma source(%dma_start3A_204 : memref<10240x128xf32, #tpu.memory_space<hbm>>) target(%arg15 : memref<32x128xf32, #tpu.memory_space<vmem>>) offsets(%dma_start3A_201 : memref<32xi32, #tpu.memory_space<vmem>>) semaphore(%arg32 : memref<!tpu.dma_semaphore, #tpu.memory_space<semaphore_mem>>)
      %mul3A_205 = arith.constant 8 : i32
      %mul3A_206 = arith.muli %while3A_159, %mul3A_205 : i32
      %add3A_207 = arith.constant 2 : i32
      %add3A_208 = arith.addi %mul3A_206, %add3A_207 : i32
      %gt3A_209 = arith.constant 0 : i32
      %gt3A_210 = arith.cmpi sgt, %while3A_159, %gt3A_209 : i32
      %convert_element_type3A_211 = arith.extui %gt3A_210 : i1 to i32
      %cond3A_212 = arith.constant 0 : i32
      %cond3A_213 = arith.cmpi ne, %convert_element_type3A_211, %cond3A_212 : i32
      scf.if %cond3A_213 {
        %dma_wait3A_510 = arith.constant 0 : i32
        %dma_wait3A_511 = arith.constant 0 : i32
        %dma_wait3A_512 = tpu.memref_slice %arg2[%dma_wait3A_510, %dma_wait3A_511] : memref<10240x128xf32, #tpu.memory_space<hbm>> -> memref<32x128xf32, #tpu.memory_space<hbm>>
        %dma_wait3A_513 = arith.constant 0 : i32
        %dma_wait3A_514 = arith.constant 0 : i32
        %dma_wait3A_515 = tpu.memref_slice %arg2[%dma_wait3A_513, %dma_wait3A_514] : memref<10240x128xf32, #tpu.memory_space<hbm>> -> memref<32x128xf32, #tpu.memory_space<hbm>>
        tpu.wait_dma2 semaphore(%arg41 : memref<!tpu.dma_semaphore, #tpu.memory_space<semaphore_mem>>) src(%dma_wait3A_515 : memref<32x128xf32, #tpu.memory_space<hbm>>) dst(%arg16 : memref<32x128xf32, #tpu.memory_space<vmem>>)
      } else {
      }
      %mul3A_214 = arith.constant 32 : i32
      %mul3A_215 = arith.muli %add3A_208, %mul3A_214 : i32
      %add3A_216 = arith.addi %mul3A_88, %mul3A_215 : i32
      %dma_start3A_217 = arith.constant 1 : i32
      %dma_start3A_218 = tpu.memref_slice %arg3[%dma_start3A_217, %add3A_216] : memref<2x320000xi32, #tpu.memory_space<hbm>> -> memref<1x32xi32, #tpu.memory_space<hbm>>
      %dma_start3A_219 = tpu.memref_squeeze %dma_start3A_218 : memref<1x32xi32, #tpu.memory_space<hbm>> -> memref<32xi32, #tpu.memory_space<hbm>>
      %dma_start3A_220 = tpu.memref_slice %arg3[%dma_start3A_217, %add3A_216] : memref<2x320000xi32, #tpu.memory_space<hbm>> -> memref<1x32xi32, #tpu.memory_space<hbm>>
      %dma_start3A_221 = tpu.memref_squeeze %dma_start3A_220 : memref<1x32xi32, #tpu.memory_space<hbm>> -> memref<32xi32, #tpu.memory_space<hbm>>
      tpu.enqueue_dma source(%dma_start3A_221 : memref<32xi32, #tpu.memory_space<hbm>>) target(%arg8 : memref<32xi32, #tpu.memory_space<vmem>>) target_semaphore(%arg25 : memref<!tpu.dma_semaphore, #tpu.memory_space<semaphore_mem>>)
      %mul3A_222 = arith.constant 32 : i32
      %mul3A_223 = arith.muli %add3A_208, %mul3A_222 : i32
      %add3A_224 = arith.addi %select_n3A_92, %mul3A_223 : i32
      %dma_start3A_225 = tpu.memref_slice %arg5[%add3A_224] : memref<10240xi32, #tpu.memory_space<vmem>> -> memref<32xi32, #tpu.memory_space<vmem>>
      %dma_start3A_226 = arith.constant 0 : i32
      %dma_start3A_227 = arith.constant 0 : i32
      %dma_start3A_228 = tpu.memref_slice %arg2[%dma_start3A_226, %dma_start3A_227] : memref<10240x128xf32, #tpu.memory_space<hbm>> -> memref<10240x128xf32, #tpu.memory_space<hbm>>
      tpu.enqueue_indirect_dma source(%dma_start3A_228 : memref<10240x128xf32, #tpu.memory_space<hbm>>) target(%arg16 : memref<32x128xf32, #tpu.memory_space<vmem>>) offsets(%dma_start3A_225 : memref<32xi32, #tpu.memory_space<vmem>>) semaphore(%arg33 : memref<!tpu.dma_semaphore, #tpu.memory_space<semaphore_mem>>)
      %mul3A_229 = arith.constant 8 : i32
      %mul3A_230 = arith.muli %while3A_159, %mul3A_229 : i32
      %add3A_231 = arith.constant 3 : i32
      %add3A_232 = arith.addi %mul3A_230, %add3A_231 : i32
      %gt3A_233 = arith.constant 0 : i32
      %gt3A_234 = arith.cmpi sgt, %while3A_159, %gt3A_233 : i32
      %convert_element_type3A_235 = arith.extui %gt3A_234 : i1 to i32
      %cond3A_236 = arith.constant 0 : i32
      %cond3A_237 = arith.cmpi ne, %convert_element_type3A_235, %cond3A_236 : i32
      scf.if %cond3A_237 {
        %dma_wait3A_510 = arith.constant 0 : i32
        %dma_wait3A_511 = arith.constant 0 : i32
        %dma_wait3A_512 = tpu.memref_slice %arg2[%dma_wait3A_510, %dma_wait3A_511] : memref<10240x128xf32, #tpu.memory_space<hbm>> -> memref<32x128xf32, #tpu.memory_space<hbm>>
        %dma_wait3A_513 = arith.constant 0 : i32
        %dma_wait3A_514 = arith.constant 0 : i32
        %dma_wait3A_515 = tpu.memref_slice %arg2[%dma_wait3A_513, %dma_wait3A_514] : memref<10240x128xf32, #tpu.memory_space<hbm>> -> memref<32x128xf32, #tpu.memory_space<hbm>>
        tpu.wait_dma2 semaphore(%arg42 : memref<!tpu.dma_semaphore, #tpu.memory_space<semaphore_mem>>) src(%dma_wait3A_515 : memref<32x128xf32, #tpu.memory_space<hbm>>) dst(%arg17 : memref<32x128xf32, #tpu.memory_space<vmem>>)
      } else {
      }
      %mul3A_238 = arith.constant 32 : i32
      %mul3A_239 = arith.muli %add3A_232, %mul3A_238 : i32
      %add3A_240 = arith.addi %mul3A_88, %mul3A_239 : i32
      %dma_start3A_241 = arith.constant 1 : i32
      %dma_start3A_242 = tpu.memref_slice %arg3[%dma_start3A_241, %add3A_240] : memref<2x320000xi32, #tpu.memory_space<hbm>> -> memref<1x32xi32, #tpu.memory_space<hbm>>
      %dma_start3A_243 = tpu.memref_squeeze %dma_start3A_242 : memref<1x32xi32, #tpu.memory_space<hbm>> -> memref<32xi32, #tpu.memory_space<hbm>>
      %dma_start3A_244 = tpu.memref_slice %arg3[%dma_start3A_241, %add3A_240] : memref<2x320000xi32, #tpu.memory_space<hbm>> -> memref<1x32xi32, #tpu.memory_space<hbm>>
      %dma_start3A_245 = tpu.memref_squeeze %dma_start3A_244 : memref<1x32xi32, #tpu.memory_space<hbm>> -> memref<32xi32, #tpu.memory_space<hbm>>
      tpu.enqueue_dma source(%dma_start3A_245 : memref<32xi32, #tpu.memory_space<hbm>>) target(%arg9 : memref<32xi32, #tpu.memory_space<vmem>>) target_semaphore(%arg26 : memref<!tpu.dma_semaphore, #tpu.memory_space<semaphore_mem>>)
      %mul3A_246 = arith.constant 32 : i32
      %mul3A_247 = arith.muli %add3A_232, %mul3A_246 : i32
      %add3A_248 = arith.addi %select_n3A_92, %mul3A_247 : i32
      %dma_start3A_249 = tpu.memref_slice %arg5[%add3A_248] : memref<10240xi32, #tpu.memory_space<vmem>> -> memref<32xi32, #tpu.memory_space<vmem>>
      %dma_start3A_250 = arith.constant 0 : i32
      %dma_start3A_251 = arith.constant 0 : i32
      %dma_start3A_252 = tpu.memref_slice %arg2[%dma_start3A_250, %dma_start3A_251] : memref<10240x128xf32, #tpu.memory_space<hbm>> -> memref<10240x128xf32, #tpu.memory_space<hbm>>
      tpu.enqueue_indirect_dma source(%dma_start3A_252 : memref<10240x128xf32, #tpu.memory_space<hbm>>) target(%arg17 : memref<32x128xf32, #tpu.memory_space<vmem>>) offsets(%dma_start3A_249 : memref<32xi32, #tpu.memory_space<vmem>>) semaphore(%arg34 : memref<!tpu.dma_semaphore, #tpu.memory_space<semaphore_mem>>)
      %mul3A_253 = arith.constant 8 : i32
      %mul3A_254 = arith.muli %while3A_159, %mul3A_253 : i32
      %add3A_255 = arith.constant 4 : i32
      %add3A_256 = arith.addi %mul3A_254, %add3A_255 : i32
      %gt3A_257 = arith.constant 0 : i32
      %gt3A_258 = arith.cmpi sgt, %while3A_159, %gt3A_257 : i32
      %convert_element_type3A_259 = arith.extui %gt3A_258 : i1 to i32
      %cond3A_260 = arith.constant 0 : i32
      %cond3A_261 = arith.cmpi ne, %convert_element_type3A_259, %cond3A_260 : i32
      scf.if %cond3A_261 {
        %dma_wait3A_510 = arith.constant 0 : i32
        %dma_wait3A_511 = arith.constant 0 : i32
        %dma_wait3A_512 = tpu.memref_slice %arg2[%dma_wait3A_510, %dma_wait3A_511] : memref<10240x128xf32, #tpu.memory_space<hbm>> -> memref<32x128xf32, #tpu.memory_space<hbm>>
        %dma_wait3A_513 = arith.constant 0 : i32
        %dma_wait3A_514 = arith.constant 0 : i32
        %dma_wait3A_515 = tpu.memref_slice %arg2[%dma_wait3A_513, %dma_wait3A_514] : memref<10240x128xf32, #tpu.memory_space<hbm>> -> memref<32x128xf32, #tpu.memory_space<hbm>>
        tpu.wait_dma2 semaphore(%arg43 : memref<!tpu.dma_semaphore, #tpu.memory_space<semaphore_mem>>) src(%dma_wait3A_515 : memref<32x128xf32, #tpu.memory_space<hbm>>) dst(%arg18 : memref<32x128xf32, #tpu.memory_space<vmem>>)
      } else {
      }
      %mul3A_262 = arith.constant 32 : i32
      %mul3A_263 = arith.muli %add3A_256, %mul3A_262 : i32
      %add3A_264 = arith.addi %mul3A_88, %mul3A_263 : i32
      %dma_start3A_265 = arith.constant 1 : i32
      %dma_start3A_266 = tpu.memref_slice %arg3[%dma_start3A_265, %add3A_264] : memref<2x320000xi32, #tpu.memory_space<hbm>> -> memref<1x32xi32, #tpu.memory_space<hbm>>
      %dma_start3A_267 = tpu.memref_squeeze %dma_start3A_266 : memref<1x32xi32, #tpu.memory_space<hbm>> -> memref<32xi32, #tpu.memory_space<hbm>>
      %dma_start3A_268 = tpu.memref_slice %arg3[%dma_start3A_265, %add3A_264] : memref<2x320000xi32, #tpu.memory_space<hbm>> -> memref<1x32xi32, #tpu.memory_space<hbm>>
      %dma_start3A_269 = tpu.memref_squeeze %dma_start3A_268 : memref<1x32xi32, #tpu.memory_space<hbm>> -> memref<32xi32, #tpu.memory_space<hbm>>
      tpu.enqueue_dma source(%dma_start3A_269 : memref<32xi32, #tpu.memory_space<hbm>>) target(%arg10 : memref<32xi32, #tpu.memory_space<vmem>>) target_semaphore(%arg27 : memref<!tpu.dma_semaphore, #tpu.memory_space<semaphore_mem>>)
      %mul3A_270 = arith.constant 32 : i32
      %mul3A_271 = arith.muli %add3A_256, %mul3A_270 : i32
      %add3A_272 = arith.addi %select_n3A_92, %mul3A_271 : i32
      %dma_start3A_273 = tpu.memref_slice %arg5[%add3A_272] : memref<10240xi32, #tpu.memory_space<vmem>> -> memref<32xi32, #tpu.memory_space<vmem>>
      %dma_start3A_274 = arith.constant 0 : i32
      %dma_start3A_275 = arith.constant 0 : i32
      %dma_start3A_276 = tpu.memref_slice %arg2[%dma_start3A_274, %dma_start3A_275] : memref<10240x128xf32, #tpu.memory_space<hbm>> -> memref<10240x128xf32, #tpu.memory_space<hbm>>
      tpu.enqueue_indirect_dma source(%dma_start3A_276 : memref<10240x128xf32, #tpu.memory_space<hbm>>) target(%arg18 : memref<32x128xf32, #tpu.memory_space<vmem>>) offsets(%dma_start3A_273 : memref<32xi32, #tpu.memory_space<vmem>>) semaphore(%arg35 : memref<!tpu.dma_semaphore, #tpu.memory_space<semaphore_mem>>)
      %mul3A_277 = arith.constant 8 : i32
      %mul3A_278 = arith.muli %while3A_159, %mul3A_277 : i32
      %add3A_279 = arith.constant 5 : i32
      %add3A_280 = arith.addi %mul3A_278, %add3A_279 : i32
      %gt3A_281 = arith.constant 0 : i32
      %gt3A_282 = arith.cmpi sgt, %while3A_159, %gt3A_281 : i32
      %convert_element_type3A_283 = arith.extui %gt3A_282 : i1 to i32
      %cond3A_284 = arith.constant 0 : i32
      %cond3A_285 = arith.cmpi ne, %convert_element_type3A_283, %cond3A_284 : i32
      scf.if %cond3A_285 {
        %dma_wait3A_510 = arith.constant 0 : i32
        %dma_wait3A_511 = arith.constant 0 : i32
        %dma_wait3A_512 = tpu.memref_slice %arg2[%dma_wait3A_510, %dma_wait3A_511] : memref<10240x128xf32, #tpu.memory_space<hbm>> -> memref<32x128xf32, #tpu.memory_space<hbm>>
        %dma_wait3A_513 = arith.constant 0 : i32
        %dma_wait3A_514 = arith.constant 0 : i32
        %dma_wait3A_515 = tpu.memref_slice %arg2[%dma_wait3A_513, %dma_wait3A_514] : memref<10240x128xf32, #tpu.memory_space<hbm>> -> memref<32x128xf32, #tpu.memory_space<hbm>>
        tpu.wait_dma2 semaphore(%arg44 : memref<!tpu.dma_semaphore, #tpu.memory_space<semaphore_mem>>) src(%dma_wait3A_515 : memref<32x128xf32, #tpu.memory_space<hbm>>) dst(%arg19 : memref<32x128xf32, #tpu.memory_space<vmem>>)
      } else {
      }
      %mul3A_286 = arith.constant 32 : i32
      %mul3A_287 = arith.muli %add3A_280, %mul3A_286 : i32
      %add3A_288 = arith.addi %mul3A_88, %mul3A_287 : i32
      %dma_start3A_289 = arith.constant 1 : i32
      %dma_start3A_290 = tpu.memref_slice %arg3[%dma_start3A_289, %add3A_288] : memref<2x320000xi32, #tpu.memory_space<hbm>> -> memref<1x32xi32, #tpu.memory_space<hbm>>
      %dma_start3A_291 = tpu.memref_squeeze %dma_start3A_290 : memref<1x32xi32, #tpu.memory_space<hbm>> -> memref<32xi32, #tpu.memory_space<hbm>>
      %dma_start3A_292 = tpu.memref_slice %arg3[%dma_start3A_289, %add3A_288] : memref<2x320000xi32, #tpu.memory_space<hbm>> -> memref<1x32xi32, #tpu.memory_space<hbm>>
      %dma_start3A_293 = tpu.memref_squeeze %dma_start3A_292 : memref<1x32xi32, #tpu.memory_space<hbm>> -> memref<32xi32, #tpu.memory_space<hbm>>
      tpu.enqueue_dma source(%dma_start3A_293 : memref<32xi32, #tpu.memory_space<hbm>>) target(%arg11 : memref<32xi32, #tpu.memory_space<vmem>>) target_semaphore(%arg28 : memref<!tpu.dma_semaphore, #tpu.memory_space<semaphore_mem>>)
      %mul3A_294 = arith.constant 32 : i32
      %mul3A_295 = arith.muli %add3A_280, %mul3A_294 : i32
      %add3A_296 = arith.addi %select_n3A_92, %mul3A_295 : i32
      %dma_start3A_297 = tpu.memref_slice %arg5[%add3A_296] : memref<10240xi32, #tpu.memory_space<vmem>> -> memref<32xi32, #tpu.memory_space<vmem>>
      %dma_start3A_298 = arith.constant 0 : i32
      %dma_start3A_299 = arith.constant 0 : i32
      %dma_start3A_300 = tpu.memref_slice %arg2[%dma_start3A_298, %dma_start3A_299] : memref<10240x128xf32, #tpu.memory_space<hbm>> -> memref<10240x128xf32, #tpu.memory_space<hbm>>
      tpu.enqueue_indirect_dma source(%dma_start3A_300 : memref<10240x128xf32, #tpu.memory_space<hbm>>) target(%arg19 : memref<32x128xf32, #tpu.memory_space<vmem>>) offsets(%dma_start3A_297 : memref<32xi32, #tpu.memory_space<vmem>>) semaphore(%arg36 : memref<!tpu.dma_semaphore, #tpu.memory_space<semaphore_mem>>)
      %mul3A_301 = arith.constant 8 : i32
      %mul3A_302 = arith.muli %while3A_159, %mul3A_301 : i32
      %add3A_303 = arith.constant 6 : i32
      %add3A_304 = arith.addi %mul3A_302, %add3A_303 : i32
      %gt3A_305 = arith.constant 0 : i32
      %gt3A_306 = arith.cmpi sgt, %while3A_159, %gt3A_305 : i32
      %convert_element_type3A_307 = arith.extui %gt3A_306 : i1 to i32
      %cond3A_308 = arith.constant 0 : i32
      %cond3A_309 = arith.cmpi ne, %convert_element_type3A_307, %cond3A_308 : i32
      scf.if %cond3A_309 {
        %dma_wait3A_510 = arith.constant 0 : i32
        %dma_wait3A_511 = arith.constant 0 : i32
        %dma_wait3A_512 = tpu.memref_slice %arg2[%dma_wait3A_510, %dma_wait3A_511] : memref<10240x128xf32, #tpu.memory_space<hbm>> -> memref<32x128xf32, #tpu.memory_space<hbm>>
        %dma_wait3A_513 = arith.constant 0 : i32
        %dma_wait3A_514 = arith.constant 0 : i32
        %dma_wait3A_515 = tpu.memref_slice %arg2[%dma_wait3A_513, %dma_wait3A_514] : memref<10240x128xf32, #tpu.memory_space<hbm>> -> memref<32x128xf32, #tpu.memory_space<hbm>>
        tpu.wait_dma2 semaphore(%arg45 : memref<!tpu.dma_semaphore, #tpu.memory_space<semaphore_mem>>) src(%dma_wait3A_515 : memref<32x128xf32, #tpu.memory_space<hbm>>) dst(%arg20 : memref<32x128xf32, #tpu.memory_space<vmem>>)
      } else {
      }
      %mul3A_310 = arith.constant 32 : i32
      %mul3A_311 = arith.muli %add3A_304, %mul3A_310 : i32
      %add3A_312 = arith.addi %mul3A_88, %mul3A_311 : i32
      %dma_start3A_313 = arith.constant 1 : i32
      %dma_start3A_314 = tpu.memref_slice %arg3[%dma_start3A_313, %add3A_312] : memref<2x320000xi32, #tpu.memory_space<hbm>> -> memref<1x32xi32, #tpu.memory_space<hbm>>
      %dma_start3A_315 = tpu.memref_squeeze %dma_start3A_314 : memref<1x32xi32, #tpu.memory_space<hbm>> -> memref<32xi32, #tpu.memory_space<hbm>>
      %dma_start3A_316 = tpu.memref_slice %arg3[%dma_start3A_313, %add3A_312] : memref<2x320000xi32, #tpu.memory_space<hbm>> -> memref<1x32xi32, #tpu.memory_space<hbm>>
      %dma_start3A_317 = tpu.memref_squeeze %dma_start3A_316 : memref<1x32xi32, #tpu.memory_space<hbm>> -> memref<32xi32, #tpu.memory_space<hbm>>
      tpu.enqueue_dma source(%dma_start3A_317 : memref<32xi32, #tpu.memory_space<hbm>>) target(%arg12 : memref<32xi32, #tpu.memory_space<vmem>>) target_semaphore(%arg29 : memref<!tpu.dma_semaphore, #tpu.memory_space<semaphore_mem>>)
      %mul3A_318 = arith.constant 32 : i32
      %mul3A_319 = arith.muli %add3A_304, %mul3A_318 : i32
      %add3A_320 = arith.addi %select_n3A_92, %mul3A_319 : i32
      %dma_start3A_321 = tpu.memref_slice %arg5[%add3A_320] : memref<10240xi32, #tpu.memory_space<vmem>> -> memref<32xi32, #tpu.memory_space<vmem>>
      %dma_start3A_322 = arith.constant 0 : i32
      %dma_start3A_323 = arith.constant 0 : i32
      %dma_start3A_324 = tpu.memref_slice %arg2[%dma_start3A_322, %dma_start3A_323] : memref<10240x128xf32, #tpu.memory_space<hbm>> -> memref<10240x128xf32, #tpu.memory_space<hbm>>
      tpu.enqueue_indirect_dma source(%dma_start3A_324 : memref<10240x128xf32, #tpu.memory_space<hbm>>) target(%arg20 : memref<32x128xf32, #tpu.memory_space<vmem>>) offsets(%dma_start3A_321 : memref<32xi32, #tpu.memory_space<vmem>>) semaphore(%arg37 : memref<!tpu.dma_semaphore, #tpu.memory_space<semaphore_mem>>)
      %mul3A_325 = arith.constant 8 : i32
      %mul3A_326 = arith.muli %while3A_159, %mul3A_325 : i32
      %add3A_327 = arith.constant 7 : i32
      %add3A_328 = arith.addi %mul3A_326, %add3A_327 : i32
      %gt3A_329 = arith.constant 0 : i32
      %gt3A_330 = arith.cmpi sgt, %while3A_159, %gt3A_329 : i32
      %convert_element_type3A_331 = arith.extui %gt3A_330 : i1 to i32
      %cond3A_332 = arith.constant 0 : i32
      %cond3A_333 = arith.cmpi ne, %convert_element_type3A_331, %cond3A_332 : i32
      scf.if %cond3A_333 {
        %dma_wait3A_510 = arith.constant 0 : i32
        %dma_wait3A_511 = arith.constant 0 : i32
        %dma_wait3A_512 = tpu.memref_slice %arg2[%dma_wait3A_510, %dma_wait3A_511] : memref<10240x128xf32, #tpu.memory_space<hbm>> -> memref<32x128xf32, #tpu.memory_space<hbm>>
        %dma_wait3A_513 = arith.constant 0 : i32
        %dma_wait3A_514 = arith.constant 0 : i32
        %dma_wait3A_515 = tpu.memref_slice %arg2[%dma_wait3A_513, %dma_wait3A_514] : memref<10240x128xf32, #tpu.memory_space<hbm>> -> memref<32x128xf32, #tpu.memory_space<hbm>>
        tpu.wait_dma2 semaphore(%arg46 : memref<!tpu.dma_semaphore, #tpu.memory_space<semaphore_mem>>) src(%dma_wait3A_515 : memref<32x128xf32, #tpu.memory_space<hbm>>) dst(%arg21 : memref<32x128xf32, #tpu.memory_space<vmem>>)
      } else {
      }
      %mul3A_334 = arith.constant 32 : i32
      %mul3A_335 = arith.muli %add3A_328, %mul3A_334 : i32
      %add3A_336 = arith.addi %mul3A_88, %mul3A_335 : i32
      %dma_start3A_337 = arith.constant 1 : i32
      %dma_start3A_338 = tpu.memref_slice %arg3[%dma_start3A_337, %add3A_336] : memref<2x320000xi32, #tpu.memory_space<hbm>> -> memref<1x32xi32, #tpu.memory_space<hbm>>
      %dma_start3A_339 = tpu.memref_squeeze %dma_start3A_338 : memref<1x32xi32, #tpu.memory_space<hbm>> -> memref<32xi32, #tpu.memory_space<hbm>>
      %dma_start3A_340 = tpu.memref_slice %arg3[%dma_start3A_337, %add3A_336] : memref<2x320000xi32, #tpu.memory_space<hbm>> -> memref<1x32xi32, #tpu.memory_space<hbm>>
      %dma_start3A_341 = tpu.memref_squeeze %dma_start3A_340 : memref<1x32xi32, #tpu.memory_space<hbm>> -> memref<32xi32, #tpu.memory_space<hbm>>
      tpu.enqueue_dma source(%dma_start3A_341 : memref<32xi32, #tpu.memory_space<hbm>>) target(%arg13 : memref<32xi32, #tpu.memory_space<vmem>>) target_semaphore(%arg30 : memref<!tpu.dma_semaphore, #tpu.memory_space<semaphore_mem>>)
      %mul3A_342 = arith.constant 32 : i32
      %mul3A_343 = arith.muli %add3A_328, %mul3A_342 : i32
      %add3A_344 = arith.addi %select_n3A_92, %mul3A_343 : i32
      %dma_start3A_345 = tpu.memref_slice %arg5[%add3A_344] : memref<10240xi32, #tpu.memory_space<vmem>> -> memref<32xi32, #tpu.memory_space<vmem>>
      %dma_start3A_346 = arith.constant 0 : i32
      %dma_start3A_347 = arith.constant 0 : i32
      %dma_start3A_348 = tpu.memref_slice %arg2[%dma_start3A_346, %dma_start3A_347] : memref<10240x128xf32, #tpu.memory_space<hbm>> -> memref<10240x128xf32, #tpu.memory_space<hbm>>
      tpu.enqueue_indirect_dma source(%dma_start3A_348 : memref<10240x128xf32, #tpu.memory_space<hbm>>) target(%arg21 : memref<32x128xf32, #tpu.memory_space<vmem>>) offsets(%dma_start3A_345 : memref<32xi32, #tpu.memory_space<vmem>>) semaphore(%arg38 : memref<!tpu.dma_semaphore, #tpu.memory_space<semaphore_mem>>)
      %mul3A_349 = arith.constant 8 : i32
      %mul3A_350 = arith.muli %while3A_159, %mul3A_349 : i32
      %add3A_351 = arith.constant 0 : i32
      %add3A_352 = arith.addi %mul3A_350, %add3A_351 : i32
      %dma_wait3A_353 = arith.constant 1 : i32
      %dma_wait3A_354 = arith.constant 0 : i32
      %dma_wait3A_355 = tpu.memref_slice %arg3[%dma_wait3A_353, %dma_wait3A_354] : memref<2x320000xi32, #tpu.memory_space<hbm>> -> memref<1x32xi32, #tpu.memory_space<hbm>>
      %dma_wait3A_356 = tpu.memref_squeeze %dma_wait3A_355 : memref<1x32xi32, #tpu.memory_space<hbm>> -> memref<32xi32, #tpu.memory_space<hbm>>
      %dma_wait3A_357 = arith.constant 0 : i32
      %dma_wait3A_358 = tpu.memref_slice %arg3[%dma_wait3A_353, %dma_wait3A_357] : memref<2x320000xi32, #tpu.memory_space<hbm>> -> memref<1x32xi32, #tpu.memory_space<hbm>>
      %dma_wait3A_359 = tpu.memref_squeeze %dma_wait3A_358 : memref<1x32xi32, #tpu.memory_space<hbm>> -> memref<32xi32, #tpu.memory_space<hbm>>
      tpu.wait_dma2 semaphore(%arg23 : memref<!tpu.dma_semaphore, #tpu.memory_space<semaphore_mem>>) src(%dma_wait3A_359 : memref<32xi32, #tpu.memory_space<hbm>>) dst(%arg6 : memref<32xi32, #tpu.memory_space<vmem>>)
      %dma_wait3A_360 = arith.constant 0 : i32
      %dma_wait3A_361 = arith.constant 0 : i32
      %dma_wait3A_362 = tpu.memref_slice %arg2[%dma_wait3A_360, %dma_wait3A_361] : memref<10240x128xf32, #tpu.memory_space<hbm>> -> memref<32x128xf32, #tpu.memory_space<hbm>>
      %dma_wait3A_363 = arith.constant 0 : i32
      %dma_wait3A_364 = arith.constant 0 : i32
      %dma_wait3A_365 = tpu.memref_slice %arg2[%dma_wait3A_363, %dma_wait3A_364] : memref<10240x128xf32, #tpu.memory_space<hbm>> -> memref<32x128xf32, #tpu.memory_space<hbm>>
      tpu.wait_dma2 semaphore(%arg31 : memref<!tpu.dma_semaphore, #tpu.memory_space<semaphore_mem>>) src(%dma_wait3A_365 : memref<32x128xf32, #tpu.memory_space<hbm>>) dst(%arg14 : memref<32x128xf32, #tpu.memory_space<vmem>>)
      %dma_start3A_366 = arith.constant 0 : i32
      %dma_start3A_367 = arith.constant 0 : i32
      %dma_start3A_368 = tpu.memref_slice %arg22[%dma_start3A_366, %dma_start3A_367] : memref<10240x128xf32, #tpu.memory_space<vmem_shared>> -> memref<10240x128xf32, #tpu.memory_space<vmem_shared>>
      tpu.enqueue_indirect_dma source(%arg14 : memref<32x128xf32, #tpu.memory_space<vmem>>) target(%dma_start3A_368 : memref<10240x128xf32, #tpu.memory_space<vmem_shared>>) offsets(%arg6 : memref<32xi32, #tpu.memory_space<vmem>>) semaphore(%arg39 : memref<!tpu.dma_semaphore, #tpu.memory_space<semaphore_mem>>) {add = true}
      %mul3A_369 = arith.constant 8 : i32
      %mul3A_370 = arith.muli %while3A_159, %mul3A_369 : i32
      %add3A_371 = arith.constant 1 : i32
      %add3A_372 = arith.addi %mul3A_370, %add3A_371 : i32
      %dma_wait3A_373 = arith.constant 1 : i32
      %dma_wait3A_374 = arith.constant 0 : i32
      %dma_wait3A_375 = tpu.memref_slice %arg3[%dma_wait3A_373, %dma_wait3A_374] : memref<2x320000xi32, #tpu.memory_space<hbm>> -> memref<1x32xi32, #tpu.memory_space<hbm>>
      %dma_wait3A_376 = tpu.memref_squeeze %dma_wait3A_375 : memref<1x32xi32, #tpu.memory_space<hbm>> -> memref<32xi32, #tpu.memory_space<hbm>>
      %dma_wait3A_377 = arith.constant 0 : i32
      %dma_wait3A_378 = tpu.memref_slice %arg3[%dma_wait3A_373, %dma_wait3A_377] : memref<2x320000xi32, #tpu.memory_space<hbm>> -> memref<1x32xi32, #tpu.memory_space<hbm>>
      %dma_wait3A_379 = tpu.memref_squeeze %dma_wait3A_378 : memref<1x32xi32, #tpu.memory_space<hbm>> -> memref<32xi32, #tpu.memory_space<hbm>>
      tpu.wait_dma2 semaphore(%arg24 : memref<!tpu.dma_semaphore, #tpu.memory_space<semaphore_mem>>) src(%dma_wait3A_379 : memref<32xi32, #tpu.memory_space<hbm>>) dst(%arg7 : memref<32xi32, #tpu.memory_space<vmem>>)
      %dma_wait3A_380 = arith.constant 0 : i32
      %dma_wait3A_381 = arith.constant 0 : i32
      %dma_wait3A_382 = tpu.memref_slice %arg2[%dma_wait3A_380, %dma_wait3A_381] : memref<10240x128xf32, #tpu.memory_space<hbm>> -> memref<32x128xf32, #tpu.memory_space<hbm>>
      %dma_wait3A_383 = arith.constant 0 : i32
      %dma_wait3A_384 = arith.constant 0 : i32
      %dma_wait3A_385 = tpu.memref_slice %arg2[%dma_wait3A_383, %dma_wait3A_384] : memref<10240x128xf32, #tpu.memory_space<hbm>> -> memref<32x128xf32, #tpu.memory_space<hbm>>
      tpu.wait_dma2 semaphore(%arg32 : memref<!tpu.dma_semaphore, #tpu.memory_space<semaphore_mem>>) src(%dma_wait3A_385 : memref<32x128xf32, #tpu.memory_space<hbm>>) dst(%arg15 : memref<32x128xf32, #tpu.memory_space<vmem>>)
      %dma_start3A_386 = arith.constant 0 : i32
      %dma_start3A_387 = arith.constant 0 : i32
      %dma_start3A_388 = tpu.memref_slice %arg22[%dma_start3A_386, %dma_start3A_387] : memref<10240x128xf32, #tpu.memory_space<vmem_shared>> -> memref<10240x128xf32, #tpu.memory_space<vmem_shared>>
      tpu.enqueue_indirect_dma source(%arg15 : memref<32x128xf32, #tpu.memory_space<vmem>>) target(%dma_start3A_388 : memref<10240x128xf32, #tpu.memory_space<vmem_shared>>) offsets(%arg7 : memref<32xi32, #tpu.memory_space<vmem>>) semaphore(%arg40 : memref<!tpu.dma_semaphore, #tpu.memory_space<semaphore_mem>>) {add = true}
      %mul3A_389 = arith.constant 8 : i32
      %mul3A_390 = arith.muli %while3A_159, %mul3A_389 : i32
      %add3A_391 = arith.constant 2 : i32
      %add3A_392 = arith.addi %mul3A_390, %add3A_391 : i32
      %dma_wait3A_393 = arith.constant 1 : i32
      %dma_wait3A_394 = arith.constant 0 : i32
      %dma_wait3A_395 = tpu.memref_slice %arg3[%dma_wait3A_393, %dma_wait3A_394] : memref<2x320000xi32, #tpu.memory_space<hbm>> -> memref<1x32xi32, #tpu.memory_space<hbm>>
      %dma_wait3A_396 = tpu.memref_squeeze %dma_wait3A_395 : memref<1x32xi32, #tpu.memory_space<hbm>> -> memref<32xi32, #tpu.memory_space<hbm>>
      %dma_wait3A_397 = arith.constant 0 : i32
      %dma_wait3A_398 = tpu.memref_slice %arg3[%dma_wait3A_393, %dma_wait3A_397] : memref<2x320000xi32, #tpu.memory_space<hbm>> -> memref<1x32xi32, #tpu.memory_space<hbm>>
      %dma_wait3A_399 = tpu.memref_squeeze %dma_wait3A_398 : memref<1x32xi32, #tpu.memory_space<hbm>> -> memref<32xi32, #tpu.memory_space<hbm>>
      tpu.wait_dma2 semaphore(%arg25 : memref<!tpu.dma_semaphore, #tpu.memory_space<semaphore_mem>>) src(%dma_wait3A_399 : memref<32xi32, #tpu.memory_space<hbm>>) dst(%arg8 : memref<32xi32, #tpu.memory_space<vmem>>)
      %dma_wait3A_400 = arith.constant 0 : i32
      %dma_wait3A_401 = arith.constant 0 : i32
      %dma_wait3A_402 = tpu.memref_slice %arg2[%dma_wait3A_400, %dma_wait3A_401] : memref<10240x128xf32, #tpu.memory_space<hbm>> -> memref<32x128xf32, #tpu.memory_space<hbm>>
      %dma_wait3A_403 = arith.constant 0 : i32
      %dma_wait3A_404 = arith.constant 0 : i32
      %dma_wait3A_405 = tpu.memref_slice %arg2[%dma_wait3A_403, %dma_wait3A_404] : memref<10240x128xf32, #tpu.memory_space<hbm>> -> memref<32x128xf32, #tpu.memory_space<hbm>>
      tpu.wait_dma2 semaphore(%arg33 : memref<!tpu.dma_semaphore, #tpu.memory_space<semaphore_mem>>) src(%dma_wait3A_405 : memref<32x128xf32, #tpu.memory_space<hbm>>) dst(%arg16 : memref<32x128xf32, #tpu.memory_space<vmem>>)
      %dma_start3A_406 = arith.constant 0 : i32
      %dma_start3A_407 = arith.constant 0 : i32
      %dma_start3A_408 = tpu.memref_slice %arg22[%dma_start3A_406, %dma_start3A_407] : memref<10240x128xf32, #tpu.memory_space<vmem_shared>> -> memref<10240x128xf32, #tpu.memory_space<vmem_shared>>
      tpu.enqueue_indirect_dma source(%arg16 : memref<32x128xf32, #tpu.memory_space<vmem>>) target(%dma_start3A_408 : memref<10240x128xf32, #tpu.memory_space<vmem_shared>>) offsets(%arg8 : memref<32xi32, #tpu.memory_space<vmem>>) semaphore(%arg41 : memref<!tpu.dma_semaphore, #tpu.memory_space<semaphore_mem>>) {add = true}
      %mul3A_409 = arith.constant 8 : i32
      %mul3A_410 = arith.muli %while3A_159, %mul3A_409 : i32
      %add3A_411 = arith.constant 3 : i32
      %add3A_412 = arith.addi %mul3A_410, %add3A_411 : i32
      %dma_wait3A_413 = arith.constant 1 : i32
      %dma_wait3A_414 = arith.constant 0 : i32
      %dma_wait3A_415 = tpu.memref_slice %arg3[%dma_wait3A_413, %dma_wait3A_414] : memref<2x320000xi32, #tpu.memory_space<hbm>> -> memref<1x32xi32, #tpu.memory_space<hbm>>
      %dma_wait3A_416 = tpu.memref_squeeze %dma_wait3A_415 : memref<1x32xi32, #tpu.memory_space<hbm>> -> memref<32xi32, #tpu.memory_space<hbm>>
      %dma_wait3A_417 = arith.constant 0 : i32
      %dma_wait3A_418 = tpu.memref_slice %arg3[%dma_wait3A_413, %dma_wait3A_417] : memref<2x320000xi32, #tpu.memory_space<hbm>> -> memref<1x32xi32, #tpu.memory_space<hbm>>
      %dma_wait3A_419 = tpu.memref_squeeze %dma_wait3A_418 : memref<1x32xi32, #tpu.memory_space<hbm>> -> memref<32xi32, #tpu.memory_space<hbm>>
      tpu.wait_dma2 semaphore(%arg26 : memref<!tpu.dma_semaphore, #tpu.memory_space<semaphore_mem>>) src(%dma_wait3A_419 : memref<32xi32, #tpu.memory_space<hbm>>) dst(%arg9 : memref<32xi32, #tpu.memory_space<vmem>>)
      %dma_wait3A_420 = arith.constant 0 : i32
      %dma_wait3A_421 = arith.constant 0 : i32
      %dma_wait3A_422 = tpu.memref_slice %arg2[%dma_wait3A_420, %dma_wait3A_421] : memref<10240x128xf32, #tpu.memory_space<hbm>> -> memref<32x128xf32, #tpu.memory_space<hbm>>
      %dma_wait3A_423 = arith.constant 0 : i32
      %dma_wait3A_424 = arith.constant 0 : i32
      %dma_wait3A_425 = tpu.memref_slice %arg2[%dma_wait3A_423, %dma_wait3A_424] : memref<10240x128xf32, #tpu.memory_space<hbm>> -> memref<32x128xf32, #tpu.memory_space<hbm>>
      tpu.wait_dma2 semaphore(%arg34 : memref<!tpu.dma_semaphore, #tpu.memory_space<semaphore_mem>>) src(%dma_wait3A_425 : memref<32x128xf32, #tpu.memory_space<hbm>>) dst(%arg17 : memref<32x128xf32, #tpu.memory_space<vmem>>)
      %dma_start3A_426 = arith.constant 0 : i32
      %dma_start3A_427 = arith.constant 0 : i32
      %dma_start3A_428 = tpu.memref_slice %arg22[%dma_start3A_426, %dma_start3A_427] : memref<10240x128xf32, #tpu.memory_space<vmem_shared>> -> memref<10240x128xf32, #tpu.memory_space<vmem_shared>>
      tpu.enqueue_indirect_dma source(%arg17 : memref<32x128xf32, #tpu.memory_space<vmem>>) target(%dma_start3A_428 : memref<10240x128xf32, #tpu.memory_space<vmem_shared>>) offsets(%arg9 : memref<32xi32, #tpu.memory_space<vmem>>) semaphore(%arg42 : memref<!tpu.dma_semaphore, #tpu.memory_space<semaphore_mem>>) {add = true}
      %mul3A_429 = arith.constant 8 : i32
      %mul3A_430 = arith.muli %while3A_159, %mul3A_429 : i32
      %add3A_431 = arith.constant 4 : i32
      %add3A_432 = arith.addi %mul3A_430, %add3A_431 : i32
      %dma_wait3A_433 = arith.constant 1 : i32
      %dma_wait3A_434 = arith.constant 0 : i32
      %dma_wait3A_435 = tpu.memref_slice %arg3[%dma_wait3A_433, %dma_wait3A_434] : memref<2x320000xi32, #tpu.memory_space<hbm>> -> memref<1x32xi32, #tpu.memory_space<hbm>>
      %dma_wait3A_436 = tpu.memref_squeeze %dma_wait3A_435 : memref<1x32xi32, #tpu.memory_space<hbm>> -> memref<32xi32, #tpu.memory_space<hbm>>
      %dma_wait3A_437 = arith.constant 0 : i32
      %dma_wait3A_438 = tpu.memref_slice %arg3[%dma_wait3A_433, %dma_wait3A_437] : memref<2x320000xi32, #tpu.memory_space<hbm>> -> memref<1x32xi32, #tpu.memory_space<hbm>>
      %dma_wait3A_439 = tpu.memref_squeeze %dma_wait3A_438 : memref<1x32xi32, #tpu.memory_space<hbm>> -> memref<32xi32, #tpu.memory_space<hbm>>
      tpu.wait_dma2 semaphore(%arg27 : memref<!tpu.dma_semaphore, #tpu.memory_space<semaphore_mem>>) src(%dma_wait3A_439 : memref<32xi32, #tpu.memory_space<hbm>>) dst(%arg10 : memref<32xi32, #tpu.memory_space<vmem>>)
      %dma_wait3A_440 = arith.constant 0 : i32
      %dma_wait3A_441 = arith.constant 0 : i32
      %dma_wait3A_442 = tpu.memref_slice %arg2[%dma_wait3A_440, %dma_wait3A_441] : memref<10240x128xf32, #tpu.memory_space<hbm>> -> memref<32x128xf32, #tpu.memory_space<hbm>>
      %dma_wait3A_443 = arith.constant 0 : i32
      %dma_wait3A_444 = arith.constant 0 : i32
      %dma_wait3A_445 = tpu.memref_slice %arg2[%dma_wait3A_443, %dma_wait3A_444] : memref<10240x128xf32, #tpu.memory_space<hbm>> -> memref<32x128xf32, #tpu.memory_space<hbm>>
      tpu.wait_dma2 semaphore(%arg35 : memref<!tpu.dma_semaphore, #tpu.memory_space<semaphore_mem>>) src(%dma_wait3A_445 : memref<32x128xf32, #tpu.memory_space<hbm>>) dst(%arg18 : memref<32x128xf32, #tpu.memory_space<vmem>>)
      %dma_start3A_446 = arith.constant 0 : i32
      %dma_start3A_447 = arith.constant 0 : i32
      %dma_start3A_448 = tpu.memref_slice %arg22[%dma_start3A_446, %dma_start3A_447] : memref<10240x128xf32, #tpu.memory_space<vmem_shared>> -> memref<10240x128xf32, #tpu.memory_space<vmem_shared>>
      tpu.enqueue_indirect_dma source(%arg18 : memref<32x128xf32, #tpu.memory_space<vmem>>) target(%dma_start3A_448 : memref<10240x128xf32, #tpu.memory_space<vmem_shared>>) offsets(%arg10 : memref<32xi32, #tpu.memory_space<vmem>>) semaphore(%arg43 : memref<!tpu.dma_semaphore, #tpu.memory_space<semaphore_mem>>) {add = true}
      %mul3A_449 = arith.constant 8 : i32
      %mul3A_450 = arith.muli %while3A_159, %mul3A_449 : i32
      %add3A_451 = arith.constant 5 : i32
      %add3A_452 = arith.addi %mul3A_450, %add3A_451 : i32
      %dma_wait3A_453 = arith.constant 1 : i32
      %dma_wait3A_454 = arith.constant 0 : i32
      %dma_wait3A_455 = tpu.memref_slice %arg3[%dma_wait3A_453, %dma_wait3A_454] : memref<2x320000xi32, #tpu.memory_space<hbm>> -> memref<1x32xi32, #tpu.memory_space<hbm>>
      %dma_wait3A_456 = tpu.memref_squeeze %dma_wait3A_455 : memref<1x32xi32, #tpu.memory_space<hbm>> -> memref<32xi32, #tpu.memory_space<hbm>>
      %dma_wait3A_457 = arith.constant 0 : i32
      %dma_wait3A_458 = tpu.memref_slice %arg3[%dma_wait3A_453, %dma_wait3A_457] : memref<2x320000xi32, #tpu.memory_space<hbm>> -> memref<1x32xi32, #tpu.memory_space<hbm>>
      %dma_wait3A_459 = tpu.memref_squeeze %dma_wait3A_458 : memref<1x32xi32, #tpu.memory_space<hbm>> -> memref<32xi32, #tpu.memory_space<hbm>>
      tpu.wait_dma2 semaphore(%arg28 : memref<!tpu.dma_semaphore, #tpu.memory_space<semaphore_mem>>) src(%dma_wait3A_459 : memref<32xi32, #tpu.memory_space<hbm>>) dst(%arg11 : memref<32xi32, #tpu.memory_space<vmem>>)
      %dma_wait3A_460 = arith.constant 0 : i32
      %dma_wait3A_461 = arith.constant 0 : i32
      %dma_wait3A_462 = tpu.memref_slice %arg2[%dma_wait3A_460, %dma_wait3A_461] : memref<10240x128xf32, #tpu.memory_space<hbm>> -> memref<32x128xf32, #tpu.memory_space<hbm>>
      %dma_wait3A_463 = arith.constant 0 : i32
      %dma_wait3A_464 = arith.constant 0 : i32
      %dma_wait3A_465 = tpu.memref_slice %arg2[%dma_wait3A_463, %dma_wait3A_464] : memref<10240x128xf32, #tpu.memory_space<hbm>> -> memref<32x128xf32, #tpu.memory_space<hbm>>
      tpu.wait_dma2 semaphore(%arg36 : memref<!tpu.dma_semaphore, #tpu.memory_space<semaphore_mem>>) src(%dma_wait3A_465 : memref<32x128xf32, #tpu.memory_space<hbm>>) dst(%arg19 : memref<32x128xf32, #tpu.memory_space<vmem>>)
      %dma_start3A_466 = arith.constant 0 : i32
      %dma_start3A_467 = arith.constant 0 : i32
      %dma_start3A_468 = tpu.memref_slice %arg22[%dma_start3A_466, %dma_start3A_467] : memref<10240x128xf32, #tpu.memory_space<vmem_shared>> -> memref<10240x128xf32, #tpu.memory_space<vmem_shared>>
      tpu.enqueue_indirect_dma source(%arg19 : memref<32x128xf32, #tpu.memory_space<vmem>>) target(%dma_start3A_468 : memref<10240x128xf32, #tpu.memory_space<vmem_shared>>) offsets(%arg11 : memref<32xi32, #tpu.memory_space<vmem>>) semaphore(%arg44 : memref<!tpu.dma_semaphore, #tpu.memory_space<semaphore_mem>>) {add = true}
      %mul3A_469 = arith.constant 8 : i32
      %mul3A_470 = arith.muli %while3A_159, %mul3A_469 : i32
      %add3A_471 = arith.constant 6 : i32
      %add3A_472 = arith.addi %mul3A_470, %add3A_471 : i32
      %dma_wait3A_473 = arith.constant 1 : i32
      %dma_wait3A_474 = arith.constant 0 : i32
      %dma_wait3A_475 = tpu.memref_slice %arg3[%dma_wait3A_473, %dma_wait3A_474] : memref<2x320000xi32, #tpu.memory_space<hbm>> -> memref<1x32xi32, #tpu.memory_space<hbm>>
      %dma_wait3A_476 = tpu.memref_squeeze %dma_wait3A_475 : memref<1x32xi32, #tpu.memory_space<hbm>> -> memref<32xi32, #tpu.memory_space<hbm>>
      %dma_wait3A_477 = arith.constant 0 : i32
      %dma_wait3A_478 = tpu.memref_slice %arg3[%dma_wait3A_473, %dma_wait3A_477] : memref<2x320000xi32, #tpu.memory_space<hbm>> -> memref<1x32xi32, #tpu.memory_space<hbm>>
      %dma_wait3A_479 = tpu.memref_squeeze %dma_wait3A_478 : memref<1x32xi32, #tpu.memory_space<hbm>> -> memref<32xi32, #tpu.memory_space<hbm>>
      tpu.wait_dma2 semaphore(%arg29 : memref<!tpu.dma_semaphore, #tpu.memory_space<semaphore_mem>>) src(%dma_wait3A_479 : memref<32xi32, #tpu.memory_space<hbm>>) dst(%arg12 : memref<32xi32, #tpu.memory_space<vmem>>)
      %dma_wait3A_480 = arith.constant 0 : i32
      %dma_wait3A_481 = arith.constant 0 : i32
      %dma_wait3A_482 = tpu.memref_slice %arg2[%dma_wait3A_480, %dma_wait3A_481] : memref<10240x128xf32, #tpu.memory_space<hbm>> -> memref<32x128xf32, #tpu.memory_space<hbm>>
      %dma_wait3A_483 = arith.constant 0 : i32
      %dma_wait3A_484 = arith.constant 0 : i32
      %dma_wait3A_485 = tpu.memref_slice %arg2[%dma_wait3A_483, %dma_wait3A_484] : memref<10240x128xf32, #tpu.memory_space<hbm>> -> memref<32x128xf32, #tpu.memory_space<hbm>>
      tpu.wait_dma2 semaphore(%arg37 : memref<!tpu.dma_semaphore, #tpu.memory_space<semaphore_mem>>) src(%dma_wait3A_485 : memref<32x128xf32, #tpu.memory_space<hbm>>) dst(%arg20 : memref<32x128xf32, #tpu.memory_space<vmem>>)
      %dma_start3A_486 = arith.constant 0 : i32
      %dma_start3A_487 = arith.constant 0 : i32
      %dma_start3A_488 = tpu.memref_slice %arg22[%dma_start3A_486, %dma_start3A_487] : memref<10240x128xf32, #tpu.memory_space<vmem_shared>> -> memref<10240x128xf32, #tpu.memory_space<vmem_shared>>
      tpu.enqueue_indirect_dma source(%arg20 : memref<32x128xf32, #tpu.memory_space<vmem>>) target(%dma_start3A_488 : memref<10240x128xf32, #tpu.memory_space<vmem_shared>>) offsets(%arg12 : memref<32xi32, #tpu.memory_space<vmem>>) semaphore(%arg45 : memref<!tpu.dma_semaphore, #tpu.memory_space<semaphore_mem>>) {add = true}
      %mul3A_489 = arith.constant 8 : i32
      %mul3A_490 = arith.muli %while3A_159, %mul3A_489 : i32
      %add3A_491 = arith.constant 7 : i32
      %add3A_492 = arith.addi %mul3A_490, %add3A_491 : i32
      %dma_wait3A_493 = arith.constant 1 : i32
      %dma_wait3A_494 = arith.constant 0 : i32
      %dma_wait3A_495 = tpu.memref_slice %arg3[%dma_wait3A_493, %dma_wait3A_494] : memref<2x320000xi32, #tpu.memory_space<hbm>> -> memref<1x32xi32, #tpu.memory_space<hbm>>
      %dma_wait3A_496 = tpu.memref_squeeze %dma_wait3A_495 : memref<1x32xi32, #tpu.memory_space<hbm>> -> memref<32xi32, #tpu.memory_space<hbm>>
      %dma_wait3A_497 = arith.constant 0 : i32
      %dma_wait3A_498 = tpu.memref_slice %arg3[%dma_wait3A_493, %dma_wait3A_497] : memref<2x320000xi32, #tpu.memory_space<hbm>> -> memref<1x32xi32, #tpu.memory_space<hbm>>
      %dma_wait3A_499 = tpu.memref_squeeze %dma_wait3A_498 : memref<1x32xi32, #tpu.memory_space<hbm>> -> memref<32xi32, #tpu.memory_space<hbm>>
      tpu.wait_dma2 semaphore(%arg30 : memref<!tpu.dma_semaphore, #tpu.memory_space<semaphore_mem>>) src(%dma_wait3A_499 : memref<32xi32, #tpu.memory_space<hbm>>) dst(%arg13 : memref<32xi32, #tpu.memory_space<vmem>>)
      %dma_wait3A_500 = arith.constant 0 : i32
      %dma_wait3A_501 = arith.constant 0 : i32
      %dma_wait3A_502 = tpu.memref_slice %arg2[%dma_wait3A_500, %dma_wait3A_501] : memref<10240x128xf32, #tpu.memory_space<hbm>> -> memref<32x128xf32, #tpu.memory_space<hbm>>
      %dma_wait3A_503 = arith.constant 0 : i32
      %dma_wait3A_504 = arith.constant 0 : i32
      %dma_wait3A_505 = tpu.memref_slice %arg2[%dma_wait3A_503, %dma_wait3A_504] : memref<10240x128xf32, #tpu.memory_space<hbm>> -> memref<32x128xf32, #tpu.memory_space<hbm>>
      tpu.wait_dma2 semaphore(%arg38 : memref<!tpu.dma_semaphore, #tpu.memory_space<semaphore_mem>>) src(%dma_wait3A_505 : memref<32x128xf32, #tpu.memory_space<hbm>>) dst(%arg21 : memref<32x128xf32, #tpu.memory_space<vmem>>)
      %dma_start3A_506 = arith.constant 0 : i32
      %dma_start3A_507 = arith.constant 0 : i32
      %dma_start3A_508 = tpu.memref_slice %arg22[%dma_start3A_506, %dma_start3A_507] : memref<10240x128xf32, #tpu.memory_space<vmem_shared>> -> memref<10240x128xf32, #tpu.memory_space<vmem_shared>>
      tpu.enqueue_indirect_dma source(%arg21 : memref<32x128xf32, #tpu.memory_space<vmem>>) target(%dma_start3A_508 : memref<10240x128xf32, #tpu.memory_space<vmem_shared>>) offsets(%arg13 : memref<32xi32, #tpu.memory_space<vmem>>) semaphore(%arg46 : memref<!tpu.dma_semaphore, #tpu.memory_space<semaphore_mem>>) {add = true}
      %while3A_509 = arith.constant 0 : i32
      scf.yield %while3A_509 : i32
    }
    %while3A_105 = arith.constant 1 : i32
    %while3A_106 = scf.for %while3A_159 = %while3A_102 to %while3A_98 step %while3A_105 iter_args(%while3A_160 = %while3A_104) -> (i32)  : i32 {
      %mul3A_161 = arith.constant 8 : i32
      %mul3A_162 = arith.muli %while3A_159, %mul3A_161 : i32
      %add3A_163 = arith.constant 0 : i32
      %add3A_164 = arith.addi %mul3A_162, %add3A_163 : i32
      %gt3A = arith.constant 0 : i32
      %gt3A_165 = arith.cmpi sgt, %while3A_159, %gt3A : i32
      %convert_element_type3A = arith.extui %gt3A_165 : i1 to i32
      %cond3A = arith.constant 0 : i32
      %cond3A_166 = arith.cmpi ne, %convert_element_type3A, %cond3A : i32
      scf.if %cond3A_166 {
        %dma_wait3A_510 = arith.constant 0 : i32
        %dma_wait3A_511 = arith.constant 0 : i32
        %dma_wait3A_512 = tpu.memref_slice %arg2[%dma_wait3A_510, %dma_wait3A_511] : memref<10240x128xf32, #tpu.memory_space<hbm>> -> memref<32x128xf32, #tpu.memory_space<hbm>>
        %dma_wait3A_513 = arith.constant 0 : i32
        %dma_wait3A_514 = arith.constant 0 : i32
        %dma_wait3A_515 = tpu.memref_slice %arg2[%dma_wait3A_513, %dma_wait3A_514] : memref<10240x128xf32, #tpu.memory_space<hbm>> -> memref<32x128xf32, #tpu.memory_space<hbm>>
        tpu.wait_dma2 semaphore(%arg39 : memref<!tpu.dma_semaphore, #tpu.memory_space<semaphore_mem>>) src(%dma_wait3A_515 : memref<32x128xf32, #tpu.memory_space<hbm>>) dst(%arg14 : memref<32x128xf32, #tpu.memory_space<vmem>>)
      } else {
      }
      %mul3A_167 = arith.constant 32 : i32
      %mul3A_168 = arith.muli %add3A_164, %mul3A_167 : i32
      %add3A_169 = arith.addi %mul3A_88, %mul3A_168 : i32
      %dma_start3A = arith.constant 1 : i32
      %dma_start3A_170 = tpu.memref_slice %arg3[%dma_start3A, %add3A_169] : memref<2x320000xi32, #tpu.memory_space<hbm>> -> memref<1x32xi32, #tpu.memory_space<hbm>>
      %dma_start3A_171 = tpu.memref_squeeze %dma_start3A_170 : memref<1x32xi32, #tpu.memory_space<hbm>> -> memref<32xi32, #tpu.memory_space<hbm>>
      %dma_start3A_172 = tpu.memref_slice %arg3[%dma_start3A, %add3A_169] : memref<2x320000xi32, #tpu.memory_space<hbm>> -> memref<1x32xi32, #tpu.memory_space<hbm>>
      %dma_start3A_173 = tpu.memref_squeeze %dma_start3A_172 : memref<1x32xi32, #tpu.memory_space<hbm>> -> memref<32xi32, #tpu.memory_space<hbm>>
      tpu.enqueue_dma source(%dma_start3A_173 : memref<32xi32, #tpu.memory_space<hbm>>) target(%arg6 : memref<32xi32, #tpu.memory_space<vmem>>) target_semaphore(%arg23 : memref<!tpu.dma_semaphore, #tpu.memory_space<semaphore_mem>>)
      %mul3A_174 = arith.constant 32 : i32
      %mul3A_175 = arith.muli %add3A_164, %mul3A_174 : i32
      %add3A_176 = arith.addi %select_n3A_92, %mul3A_175 : i32
      %dma_start3A_177 = tpu.memref_slice %arg5[%add3A_176] : memref<10240xi32, #tpu.memory_space<vmem>> -> memref<32xi32, #tpu.memory_space<vmem>>
      %dma_start3A_178 = arith.constant 0 : i32
      %dma_start3A_179 = arith.constant 0 : i32
      %dma_start3A_180 = tpu.memref_slice %arg2[%dma_start3A_178, %dma_start3A_179] : memref<10240x128xf32, #tpu.memory_space<hbm>> -> memref<10240x128xf32, #tpu.memory_space<hbm>>
      tpu.enqueue_indirect_dma source(%dma_start3A_180 : memref<10240x128xf32, #tpu.memory_space<hbm>>) target(%arg14 : memref<32x128xf32, #tpu.memory_space<vmem>>) offsets(%dma_start3A_177 : memref<32xi32, #tpu.memory_space<vmem>>) semaphore(%arg31 : memref<!tpu.dma_semaphore, #tpu.memory_space<semaphore_mem>>)
      %mul3A_181 = arith.constant 8 : i32
      %mul3A_182 = arith.muli %while3A_159, %mul3A_181 : i32
      %add3A_183 = arith.constant 1 : i32
      %add3A_184 = arith.addi %mul3A_182, %add3A_183 : i32
      %gt3A_185 = arith.constant 0 : i32
      %gt3A_186 = arith.cmpi sgt, %while3A_159, %gt3A_185 : i32
      %convert_element_type3A_187 = arith.extui %gt3A_186 : i1 to i32
      %cond3A_188 = arith.constant 0 : i32
      %cond3A_189 = arith.cmpi ne, %convert_element_type3A_187, %cond3A_188 : i32
      scf.if %cond3A_189 {
        %dma_wait3A_510 = arith.constant 0 : i32
        %dma_wait3A_511 = arith.constant 0 : i32
        %dma_wait3A_512 = tpu.memref_slice %arg2[%dma_wait3A_510, %dma_wait3A_511] : memref<10240x128xf32, #tpu.memory_space<hbm>> -> memref<32x128xf32, #tpu.memory_space<hbm>>
        %dma_wait3A_513 = arith.constant 0 : i32
        %dma_wait3A_514 = arith.constant 0 : i32
        %dma_wait3A_515 = tpu.memref_slice %arg2[%dma_wait3A_513, %dma_wait3A_514] : memref<10240x128xf32, #tpu.memory_space<hbm>> -> memref<32x128xf32, #tpu.memory_space<hbm>>
        tpu.wait_dma2 semaphore(%arg40 : memref<!tpu.dma_semaphore, #tpu.memory_space<semaphore_mem>>) src(%dma_wait3A_515 : memref<32x128xf32, #tpu.memory_space<hbm>>) dst(%arg15 : memref<32x128xf32, #tpu.memory_space<vmem>>)
      } else {
      }
      %mul3A_190 = arith.constant 32 : i32
      %mul3A_191 = arith.muli %add3A_184, %mul3A_190 : i32
      %add3A_192 = arith.addi %mul3A_88, %mul3A_191 : i32
      %dma_start3A_193 = arith.constant 1 : i32
      %dma_start3A_194 = tpu.memref_slice %arg3[%dma_start3A_193, %add3A_192] : memref<2x320000xi32, #tpu.memory_space<hbm>> -> memref<1x32xi32, #tpu.memory_space<hbm>>
      %dma_start3A_195 = tpu.memref_squeeze %dma_start3A_194 : memref<1x32xi32, #tpu.memory_space<hbm>> -> memref<32xi32, #tpu.memory_space<hbm>>
      %dma_start3A_196 = tpu.memref_slice %arg3[%dma_start3A_193, %add3A_192] : memref<2x320000xi32, #tpu.memory_space<hbm>> -> memref<1x32xi32, #tpu.memory_space<hbm>>
      %dma_start3A_197 = tpu.memref_squeeze %dma_start3A_196 : memref<1x32xi32, #tpu.memory_space<hbm>> -> memref<32xi32, #tpu.memory_space<hbm>>
      tpu.enqueue_dma source(%dma_start3A_197 : memref<32xi32, #tpu.memory_space<hbm>>) target(%arg7 : memref<32xi32, #tpu.memory_space<vmem>>) target_semaphore(%arg24 : memref<!tpu.dma_semaphore, #tpu.memory_space<semaphore_mem>>)
      %mul3A_198 = arith.constant 32 : i32
      %mul3A_199 = arith.muli %add3A_184, %mul3A_198 : i32
      %add3A_200 = arith.addi %select_n3A_92, %mul3A_199 : i32
      %dma_start3A_201 = tpu.memref_slice %arg5[%add3A_200] : memref<10240xi32, #tpu.memory_space<vmem>> -> memref<32xi32, #tpu.memory_space<vmem>>
      %dma_start3A_202 = arith.constant 0 : i32
      %dma_start3A_203 = arith.constant 0 : i32
      %dma_start3A_204 = tpu.memref_slice %arg2[%dma_start3A_202, %dma_start3A_203] : memref<10240x128xf32, #tpu.memory_space<hbm>> -> memref<10240x128xf32, #tpu.memory_space<hbm>>
      tpu.enqueue_indirect_dma source(%dma_start3A_204 : memref<10240x128xf32, #tpu.memory_space<hbm>>) target(%arg15 : memref<32x128xf32, #tpu.memory_space<vmem>>) offsets(%dma_start3A_201 : memref<32xi32, #tpu.memory_space<vmem>>) semaphore(%arg32 : memref<!tpu.dma_semaphore, #tpu.memory_space<semaphore_mem>>)
      %mul3A_205 = arith.constant 8 : i32
      %mul3A_206 = arith.muli %while3A_159, %mul3A_205 : i32
      %add3A_207 = arith.constant 2 : i32
      %add3A_208 = arith.addi %mul3A_206, %add3A_207 : i32
      %gt3A_209 = arith.constant 0 : i32
      %gt3A_210 = arith.cmpi sgt, %while3A_159, %gt3A_209 : i32
      %convert_element_type3A_211 = arith.extui %gt3A_210 : i1 to i32
      %cond3A_212 = arith.constant 0 : i32
      %cond3A_213 = arith.cmpi ne, %convert_element_type3A_211, %cond3A_212 : i32
      scf.if %cond3A_213 {
        %dma_wait3A_510 = arith.constant 0 : i32
        %dma_wait3A_511 = arith.constant 0 : i32
        %dma_wait3A_512 = tpu.memref_slice %arg2[%dma_wait3A_510, %dma_wait3A_511] : memref<10240x128xf32, #tpu.memory_space<hbm>> -> memref<32x128xf32, #tpu.memory_space<hbm>>
        %dma_wait3A_513 = arith.constant 0 : i32
        %dma_wait3A_514 = arith.constant 0 : i32
        %dma_wait3A_515 = tpu.memref_slice %arg2[%dma_wait3A_513, %dma_wait3A_514] : memref<10240x128xf32, #tpu.memory_space<hbm>> -> memref<32x128xf32, #tpu.memory_space<hbm>>
        tpu.wait_dma2 semaphore(%arg41 : memref<!tpu.dma_semaphore, #tpu.memory_space<semaphore_mem>>) src(%dma_wait3A_515 : memref<32x128xf32, #tpu.memory_space<hbm>>) dst(%arg16 : memref<32x128xf32, #tpu.memory_space<vmem>>)
      } else {
      }
      %mul3A_214 = arith.constant 32 : i32
      %mul3A_215 = arith.muli %add3A_208, %mul3A_214 : i32
      %add3A_216 = arith.addi %mul3A_88, %mul3A_215 : i32
      %dma_start3A_217 = arith.constant 1 : i32
      %dma_start3A_218 = tpu.memref_slice %arg3[%dma_start3A_217, %add3A_216] : memref<2x320000xi32, #tpu.memory_space<hbm>> -> memref<1x32xi32, #tpu.memory_space<hbm>>
      %dma_start3A_219 = tpu.memref_squeeze %dma_start3A_218 : memref<1x32xi32, #tpu.memory_space<hbm>> -> memref<32xi32, #tpu.memory_space<hbm>>
      %dma_start3A_220 = tpu.memref_slice %arg3[%dma_start3A_217, %add3A_216] : memref<2x320000xi32, #tpu.memory_space<hbm>> -> memref<1x32xi32, #tpu.memory_space<hbm>>
      %dma_start3A_221 = tpu.memref_squeeze %dma_start3A_220 : memref<1x32xi32, #tpu.memory_space<hbm>> -> memref<32xi32, #tpu.memory_space<hbm>>
      tpu.enqueue_dma source(%dma_start3A_221 : memref<32xi32, #tpu.memory_space<hbm>>) target(%arg8 : memref<32xi32, #tpu.memory_space<vmem>>) target_semaphore(%arg25 : memref<!tpu.dma_semaphore, #tpu.memory_space<semaphore_mem>>)
      %mul3A_222 = arith.constant 32 : i32
      %mul3A_223 = arith.muli %add3A_208, %mul3A_222 : i32
      %add3A_224 = arith.addi %select_n3A_92, %mul3A_223 : i32
      %dma_start3A_225 = tpu.memref_slice %arg5[%add3A_224] : memref<10240xi32, #tpu.memory_space<vmem>> -> memref<32xi32, #tpu.memory_space<vmem>>
      %dma_start3A_226 = arith.constant 0 : i32
      %dma_start3A_227 = arith.constant 0 : i32
      %dma_start3A_228 = tpu.memref_slice %arg2[%dma_start3A_226, %dma_start3A_227] : memref<10240x128xf32, #tpu.memory_space<hbm>> -> memref<10240x128xf32, #tpu.memory_space<hbm>>
      tpu.enqueue_indirect_dma source(%dma_start3A_228 : memref<10240x128xf32, #tpu.memory_space<hbm>>) target(%arg16 : memref<32x128xf32, #tpu.memory_space<vmem>>) offsets(%dma_start3A_225 : memref<32xi32, #tpu.memory_space<vmem>>) semaphore(%arg33 : memref<!tpu.dma_semaphore, #tpu.memory_space<semaphore_mem>>)
      %mul3A_229 = arith.constant 8 : i32
      %mul3A_230 = arith.muli %while3A_159, %mul3A_229 : i32
      %add3A_231 = arith.constant 3 : i32
      %add3A_232 = arith.addi %mul3A_230, %add3A_231 : i32
      %gt3A_233 = arith.constant 0 : i32
      %gt3A_234 = arith.cmpi sgt, %while3A_159, %gt3A_233 : i32
      %convert_element_type3A_235 = arith.extui %gt3A_234 : i1 to i32
      %cond3A_236 = arith.constant 0 : i32
      %cond3A_237 = arith.cmpi ne, %convert_element_type3A_235, %cond3A_236 : i32
      scf.if %cond3A_237 {
        %dma_wait3A_510 = arith.constant 0 : i32
        %dma_wait3A_511 = arith.constant 0 : i32
        %dma_wait3A_512 = tpu.memref_slice %arg2[%dma_wait3A_510, %dma_wait3A_511] : memref<10240x128xf32, #tpu.memory_space<hbm>> -> memref<32x128xf32, #tpu.memory_space<hbm>>
        %dma_wait3A_513 = arith.constant 0 : i32
        %dma_wait3A_514 = arith.constant 0 : i32
        %dma_wait3A_515 = tpu.memref_slice %arg2[%dma_wait3A_513, %dma_wait3A_514] : memref<10240x128xf32, #tpu.memory_space<hbm>> -> memref<32x128xf32, #tpu.memory_space<hbm>>
        tpu.wait_dma2 semaphore(%arg42 : memref<!tpu.dma_semaphore, #tpu.memory_space<semaphore_mem>>) src(%dma_wait3A_515 : memref<32x128xf32, #tpu.memory_space<hbm>>) dst(%arg17 : memref<32x128xf32, #tpu.memory_space<vmem>>)
      } else {
      }
      %mul3A_238 = arith.constant 32 : i32
      %mul3A_239 = arith.muli %add3A_232, %mul3A_238 : i32
      %add3A_240 = arith.addi %mul3A_88, %mul3A_239 : i32
      %dma_start3A_241 = arith.constant 1 : i32
      %dma_start3A_242 = tpu.memref_slice %arg3[%dma_start3A_241, %add3A_240] : memref<2x320000xi32, #tpu.memory_space<hbm>> -> memref<1x32xi32, #tpu.memory_space<hbm>>
      %dma_start3A_243 = tpu.memref_squeeze %dma_start3A_242 : memref<1x32xi32, #tpu.memory_space<hbm>> -> memref<32xi32, #tpu.memory_space<hbm>>
      %dma_start3A_244 = tpu.memref_slice %arg3[%dma_start3A_241, %add3A_240] : memref<2x320000xi32, #tpu.memory_space<hbm>> -> memref<1x32xi32, #tpu.memory_space<hbm>>
      %dma_start3A_245 = tpu.memref_squeeze %dma_start3A_244 : memref<1x32xi32, #tpu.memory_space<hbm>> -> memref<32xi32, #tpu.memory_space<hbm>>
      tpu.enqueue_dma source(%dma_start3A_245 : memref<32xi32, #tpu.memory_space<hbm>>) target(%arg9 : memref<32xi32, #tpu.memory_space<vmem>>) target_semaphore(%arg26 : memref<!tpu.dma_semaphore, #tpu.memory_space<semaphore_mem>>)
      %mul3A_246 = arith.constant 32 : i32
      %mul3A_247 = arith.muli %add3A_232, %mul3A_246 : i32
      %add3A_248 = arith.addi %select_n3A_92, %mul3A_247 : i32
      %dma_start3A_249 = tpu.memref_slice %arg5[%add3A_248] : memref<10240xi32, #tpu.memory_space<vmem>> -> memref<32xi32, #tpu.memory_space<vmem>>
      %dma_start3A_250 = arith.constant 0 : i32
      %dma_start3A_251 = arith.constant 0 : i32
      %dma_start3A_252 = tpu.memref_slice %arg2[%dma_start3A_250, %dma_start3A_251] : memref<10240x128xf32, #tpu.memory_space<hbm>> -> memref<10240x128xf32, #tpu.memory_space<hbm>>
      tpu.enqueue_indirect_dma source(%dma_start3A_252 : memref<10240x128xf32, #tpu.memory_space<hbm>>) target(%arg17 : memref<32x128xf32, #tpu.memory_space<vmem>>) offsets(%dma_start3A_249 : memref<32xi32, #tpu.memory_space<vmem>>) semaphore(%arg34 : memref<!tpu.dma_semaphore, #tpu.memory_space<semaphore_mem>>)
      %mul3A_253 = arith.constant 8 : i32
      %mul3A_254 = arith.muli %while3A_159, %mul3A_253 : i32
      %add3A_255 = arith.constant 4 : i32
      %add3A_256 = arith.addi %mul3A_254, %add3A_255 : i32
      %gt3A_257 = arith.constant 0 : i32
      %gt3A_258 = arith.cmpi sgt, %while3A_159, %gt3A_257 : i32
      %convert_element_type3A_259 = arith.extui %gt3A_258 : i1 to i32
      %cond3A_260 = arith.constant 0 : i32
      %cond3A_261 = arith.cmpi ne, %convert_element_type3A_259, %cond3A_260 : i32
      scf.if %cond3A_261 {
        %dma_wait3A_510 = arith.constant 0 : i32
        %dma_wait3A_511 = arith.constant 0 : i32
        %dma_wait3A_512 = tpu.memref_slice %arg2[%dma_wait3A_510, %dma_wait3A_511] : memref<10240x128xf32, #tpu.memory_space<hbm>> -> memref<32x128xf32, #tpu.memory_space<hbm>>
        %dma_wait3A_513 = arith.constant 0 : i32
        %dma_wait3A_514 = arith.constant 0 : i32
        %dma_wait3A_515 = tpu.memref_slice %arg2[%dma_wait3A_513, %dma_wait3A_514] : memref<10240x128xf32, #tpu.memory_space<hbm>> -> memref<32x128xf32, #tpu.memory_space<hbm>>
        tpu.wait_dma2 semaphore(%arg43 : memref<!tpu.dma_semaphore, #tpu.memory_space<semaphore_mem>>) src(%dma_wait3A_515 : memref<32x128xf32, #tpu.memory_space<hbm>>) dst(%arg18 : memref<32x128xf32, #tpu.memory_space<vmem>>)
      } else {
      }
      %mul3A_262 = arith.constant 32 : i32
      %mul3A_263 = arith.muli %add3A_256, %mul3A_262 : i32
      %add3A_264 = arith.addi %mul3A_88, %mul3A_263 : i32
      %dma_start3A_265 = arith.constant 1 : i32
      %dma_start3A_266 = tpu.memref_slice %arg3[%dma_start3A_265, %add3A_264] : memref<2x320000xi32, #tpu.memory_space<hbm>> -> memref<1x32xi32, #tpu.memory_space<hbm>>
      %dma_start3A_267 = tpu.memref_squeeze %dma_start3A_266 : memref<1x32xi32, #tpu.memory_space<hbm>> -> memref<32xi32, #tpu.memory_space<hbm>>
      %dma_start3A_268 = tpu.memref_slice %arg3[%dma_start3A_265, %add3A_264] : memref<2x320000xi32, #tpu.memory_space<hbm>> -> memref<1x32xi32, #tpu.memory_space<hbm>>
      %dma_start3A_269 = tpu.memref_squeeze %dma_start3A_268 : memref<1x32xi32, #tpu.memory_space<hbm>> -> memref<32xi32, #tpu.memory_space<hbm>>
      tpu.enqueue_dma source(%dma_start3A_269 : memref<32xi32, #tpu.memory_space<hbm>>) target(%arg10 : memref<32xi32, #tpu.memory_space<vmem>>) target_semaphore(%arg27 : memref<!tpu.dma_semaphore, #tpu.memory_space<semaphore_mem>>)
      %mul3A_270 = arith.constant 32 : i32
      %mul3A_271 = arith.muli %add3A_256, %mul3A_270 : i32
      %add3A_272 = arith.addi %select_n3A_92, %mul3A_271 : i32
      %dma_start3A_273 = tpu.memref_slice %arg5[%add3A_272] : memref<10240xi32, #tpu.memory_space<vmem>> -> memref<32xi32, #tpu.memory_space<vmem>>
      %dma_start3A_274 = arith.constant 0 : i32
      %dma_start3A_275 = arith.constant 0 : i32
      %dma_start3A_276 = tpu.memref_slice %arg2[%dma_start3A_274, %dma_start3A_275] : memref<10240x128xf32, #tpu.memory_space<hbm>> -> memref<10240x128xf32, #tpu.memory_space<hbm>>
      tpu.enqueue_indirect_dma source(%dma_start3A_276 : memref<10240x128xf32, #tpu.memory_space<hbm>>) target(%arg18 : memref<32x128xf32, #tpu.memory_space<vmem>>) offsets(%dma_start3A_273 : memref<32xi32, #tpu.memory_space<vmem>>) semaphore(%arg35 : memref<!tpu.dma_semaphore, #tpu.memory_space<semaphore_mem>>)
      %mul3A_277 = arith.constant 8 : i32
      %mul3A_278 = arith.muli %while3A_159, %mul3A_277 : i32
      %add3A_279 = arith.constant 5 : i32
      %add3A_280 = arith.addi %mul3A_278, %add3A_279 : i32
      %gt3A_281 = arith.constant 0 : i32
      %gt3A_282 = arith.cmpi sgt, %while3A_159, %gt3A_281 : i32
      %convert_element_type3A_283 = arith.extui %gt3A_282 : i1 to i32
      %cond3A_284 = arith.constant 0 : i32
      %cond3A_285 = arith.cmpi ne, %convert_element_type3A_283, %cond3A_284 : i32
      scf.if %cond3A_285 {
        %dma_wait3A_510 = arith.constant 0 : i32
        %dma_wait3A_511 = arith.constant 0 : i32
        %dma_wait3A_512 = tpu.memref_slice %arg2[%dma_wait3A_510, %dma_wait3A_511] : memref<10240x128xf32, #tpu.memory_space<hbm>> -> memref<32x128xf32, #tpu.memory_space<hbm>>
        %dma_wait3A_513 = arith.constant 0 : i32
        %dma_wait3A_514 = arith.constant 0 : i32
        %dma_wait3A_515 = tpu.memref_slice %arg2[%dma_wait3A_513, %dma_wait3A_514] : memref<10240x128xf32, #tpu.memory_space<hbm>> -> memref<32x128xf32, #tpu.memory_space<hbm>>
        tpu.wait_dma2 semaphore(%arg44 : memref<!tpu.dma_semaphore, #tpu.memory_space<semaphore_mem>>) src(%dma_wait3A_515 : memref<32x128xf32, #tpu.memory_space<hbm>>) dst(%arg19 : memref<32x128xf32, #tpu.memory_space<vmem>>)
      } else {
      }
      %mul3A_286 = arith.constant 32 : i32
      %mul3A_287 = arith.muli %add3A_280, %mul3A_286 : i32
      %add3A_288 = arith.addi %mul3A_88, %mul3A_287 : i32
      %dma_start3A_289 = arith.constant 1 : i32
      %dma_start3A_290 = tpu.memref_slice %arg3[%dma_start3A_289, %add3A_288] : memref<2x320000xi32, #tpu.memory_space<hbm>> -> memref<1x32xi32, #tpu.memory_space<hbm>>
      %dma_start3A_291 = tpu.memref_squeeze %dma_start3A_290 : memref<1x32xi32, #tpu.memory_space<hbm>> -> memref<32xi32, #tpu.memory_space<hbm>>
      %dma_start3A_292 = tpu.memref_slice %arg3[%dma_start3A_289, %add3A_288] : memref<2x320000xi32, #tpu.memory_space<hbm>> -> memref<1x32xi32, #tpu.memory_space<hbm>>
      %dma_start3A_293 = tpu.memref_squeeze %dma_start3A_292 : memref<1x32xi32, #tpu.memory_space<hbm>> -> memref<32xi32, #tpu.memory_space<hbm>>
      tpu.enqueue_dma source(%dma_start3A_293 : memref<32xi32, #tpu.memory_space<hbm>>) target(%arg11 : memref<32xi32, #tpu.memory_space<vmem>>) target_semaphore(%arg28 : memref<!tpu.dma_semaphore, #tpu.memory_space<semaphore_mem>>)
      %mul3A_294 = arith.constant 32 : i32
      %mul3A_295 = arith.muli %add3A_280, %mul3A_294 : i32
      %add3A_296 = arith.addi %select_n3A_92, %mul3A_295 : i32
      %dma_start3A_297 = tpu.memref_slice %arg5[%add3A_296] : memref<10240xi32, #tpu.memory_space<vmem>> -> memref<32xi32, #tpu.memory_space<vmem>>
      %dma_start3A_298 = arith.constant 0 : i32
      %dma_start3A_299 = arith.constant 0 : i32
      %dma_start3A_300 = tpu.memref_slice %arg2[%dma_start3A_298, %dma_start3A_299] : memref<10240x128xf32, #tpu.memory_space<hbm>> -> memref<10240x128xf32, #tpu.memory_space<hbm>>
      tpu.enqueue_indirect_dma source(%dma_start3A_300 : memref<10240x128xf32, #tpu.memory_space<hbm>>) target(%arg19 : memref<32x128xf32, #tpu.memory_space<vmem>>) offsets(%dma_start3A_297 : memref<32xi32, #tpu.memory_space<vmem>>) semaphore(%arg36 : memref<!tpu.dma_semaphore, #tpu.memory_space<semaphore_mem>>)
      %mul3A_301 = arith.constant 8 : i32
      %mul3A_302 = arith.muli %while3A_159, %mul3A_301 : i32
      %add3A_303 = arith.constant 6 : i32
      %add3A_304 = arith.addi %mul3A_302, %add3A_303 : i32
      %gt3A_305 = arith.constant 0 : i32
      %gt3A_306 = arith.cmpi sgt, %while3A_159, %gt3A_305 : i32
      %convert_element_type3A_307 = arith.extui %gt3A_306 : i1 to i32
      %cond3A_308 = arith.constant 0 : i32
      %cond3A_309 = arith.cmpi ne, %convert_element_type3A_307, %cond3A_308 : i32
      scf.if %cond3A_309 {
        %dma_wait3A_510 = arith.constant 0 : i32
        %dma_wait3A_511 = arith.constant 0 : i32
        %dma_wait3A_512 = tpu.memref_slice %arg2[%dma_wait3A_510, %dma_wait3A_511] : memref<10240x128xf32, #tpu.memory_space<hbm>> -> memref<32x128xf32, #tpu.memory_space<hbm>>
        %dma_wait3A_513 = arith.constant 0 : i32
        %dma_wait3A_514 = arith.constant 0 : i32
        %dma_wait3A_515 = tpu.memref_slice %arg2[%dma_wait3A_513, %dma_wait3A_514] : memref<10240x128xf32, #tpu.memory_space<hbm>> -> memref<32x128xf32, #tpu.memory_space<hbm>>
        tpu.wait_dma2 semaphore(%arg45 : memref<!tpu.dma_semaphore, #tpu.memory_space<semaphore_mem>>) src(%dma_wait3A_515 : memref<32x128xf32, #tpu.memory_space<hbm>>) dst(%arg20 : memref<32x128xf32, #tpu.memory_space<vmem>>)
      } else {
      }
      %mul3A_310 = arith.constant 32 : i32
      %mul3A_311 = arith.muli %add3A_304, %mul3A_310 : i32
      %add3A_312 = arith.addi %mul3A_88, %mul3A_311 : i32
      %dma_start3A_313 = arith.constant 1 : i32
      %dma_start3A_314 = tpu.memref_slice %arg3[%dma_start3A_313, %add3A_312] : memref<2x320000xi32, #tpu.memory_space<hbm>> -> memref<1x32xi32, #tpu.memory_space<hbm>>
      %dma_start3A_315 = tpu.memref_squeeze %dma_start3A_314 : memref<1x32xi32, #tpu.memory_space<hbm>> -> memref<32xi32, #tpu.memory_space<hbm>>
      %dma_start3A_316 = tpu.memref_slice %arg3[%dma_start3A_313, %add3A_312] : memref<2x320000xi32, #tpu.memory_space<hbm>> -> memref<1x32xi32, #tpu.memory_space<hbm>>
      %dma_start3A_317 = tpu.memref_squeeze %dma_start3A_316 : memref<1x32xi32, #tpu.memory_space<hbm>> -> memref<32xi32, #tpu.memory_space<hbm>>
      tpu.enqueue_dma source(%dma_start3A_317 : memref<32xi32, #tpu.memory_space<hbm>>) target(%arg12 : memref<32xi32, #tpu.memory_space<vmem>>) target_semaphore(%arg29 : memref<!tpu.dma_semaphore, #tpu.memory_space<semaphore_mem>>)
      %mul3A_318 = arith.constant 32 : i32
      %mul3A_319 = arith.muli %add3A_304, %mul3A_318 : i32
      %add3A_320 = arith.addi %select_n3A_92, %mul3A_319 : i32
      %dma_start3A_321 = tpu.memref_slice %arg5[%add3A_320] : memref<10240xi32, #tpu.memory_space<vmem>> -> memref<32xi32, #tpu.memory_space<vmem>>
      %dma_start3A_322 = arith.constant 0 : i32
      %dma_start3A_323 = arith.constant 0 : i32
      %dma_start3A_324 = tpu.memref_slice %arg2[%dma_start3A_322, %dma_start3A_323] : memref<10240x128xf32, #tpu.memory_space<hbm>> -> memref<10240x128xf32, #tpu.memory_space<hbm>>
      tpu.enqueue_indirect_dma source(%dma_start3A_324 : memref<10240x128xf32, #tpu.memory_space<hbm>>) target(%arg20 : memref<32x128xf32, #tpu.memory_space<vmem>>) offsets(%dma_start3A_321 : memref<32xi32, #tpu.memory_space<vmem>>) semaphore(%arg37 : memref<!tpu.dma_semaphore, #tpu.memory_space<semaphore_mem>>)
      %mul3A_325 = arith.constant 8 : i32
      %mul3A_326 = arith.muli %while3A_159, %mul3A_325 : i32
      %add3A_327 = arith.constant 7 : i32
      %add3A_328 = arith.addi %mul3A_326, %add3A_327 : i32
      %gt3A_329 = arith.constant 0 : i32
      %gt3A_330 = arith.cmpi sgt, %while3A_159, %gt3A_329 : i32
      %convert_element_type3A_331 = arith.extui %gt3A_330 : i1 to i32
      %cond3A_332 = arith.constant 0 : i32
      %cond3A_333 = arith.cmpi ne, %convert_element_type3A_331, %cond3A_332 : i32
      scf.if %cond3A_333 {
        %dma_wait3A_510 = arith.constant 0 : i32
        %dma_wait3A_511 = arith.constant 0 : i32
        %dma_wait3A_512 = tpu.memref_slice %arg2[%dma_wait3A_510, %dma_wait3A_511] : memref<10240x128xf32, #tpu.memory_space<hbm>> -> memref<32x128xf32, #tpu.memory_space<hbm>>
        %dma_wait3A_513 = arith.constant 0 : i32
        %dma_wait3A_514 = arith.constant 0 : i32
        %dma_wait3A_515 = tpu.memref_slice %arg2[%dma_wait3A_513, %dma_wait3A_514] : memref<10240x128xf32, #tpu.memory_space<hbm>> -> memref<32x128xf32, #tpu.memory_space<hbm>>
        tpu.wait_dma2 semaphore(%arg46 : memref<!tpu.dma_semaphore, #tpu.memory_space<semaphore_mem>>) src(%dma_wait3A_515 : memref<32x128xf32, #tpu.memory_space<hbm>>) dst(%arg21 : memref<32x128xf32, #tpu.memory_space<vmem>>)
      } else {
      }
      %mul3A_334 = arith.constant 32 : i32
      %mul3A_335 = arith.muli %add3A_328, %mul3A_334 : i32
      %add3A_336 = arith.addi %mul3A_88, %mul3A_335 : i32
      %dma_start3A_337 = arith.constant 1 : i32
      %dma_start3A_338 = tpu.memref_slice %arg3[%dma_start3A_337, %add3A_336] : memref<2x320000xi32, #tpu.memory_space<hbm>> -> memref<1x32xi32, #tpu.memory_space<hbm>>
      %dma_start3A_339 = tpu.memref_squeeze %dma_start3A_338 : memref<1x32xi32, #tpu.memory_space<hbm>> -> memref<32xi32, #tpu.memory_space<hbm>>
      %dma_start3A_340 = tpu.memref_slice %arg3[%dma_start3A_337, %add3A_336] : memref<2x320000xi32, #tpu.memory_space<hbm>> -> memref<1x32xi32, #tpu.memory_space<hbm>>
      %dma_start3A_341 = tpu.memref_squeeze %dma_start3A_340 : memref<1x32xi32, #tpu.memory_space<hbm>> -> memref<32xi32, #tpu.memory_space<hbm>>
      tpu.enqueue_dma source(%dma_start3A_341 : memref<32xi32, #tpu.memory_space<hbm>>) target(%arg13 : memref<32xi32, #tpu.memory_space<vmem>>) target_semaphore(%arg30 : memref<!tpu.dma_semaphore, #tpu.memory_space<semaphore_mem>>)
      %mul3A_342 = arith.constant 32 : i32
      %mul3A_343 = arith.muli %add3A_328, %mul3A_342 : i32
      %add3A_344 = arith.addi %select_n3A_92, %mul3A_343 : i32
      %dma_start3A_345 = tpu.memref_slice %arg5[%add3A_344] : memref<10240xi32, #tpu.memory_space<vmem>> -> memref<32xi32, #tpu.memory_space<vmem>>
      %dma_start3A_346 = arith.constant 0 : i32
      %dma_start3A_347 = arith.constant 0 : i32
      %dma_start3A_348 = tpu.memref_slice %arg2[%dma_start3A_346, %dma_start3A_347] : memref<10240x128xf32, #tpu.memory_space<hbm>> -> memref<10240x128xf32, #tpu.memory_space<hbm>>
      tpu.enqueue_indirect_dma source(%dma_start3A_348 : memref<10240x128xf32, #tpu.memory_space<hbm>>) target(%arg21 : memref<32x128xf32, #tpu.memory_space<vmem>>) offsets(%dma_start3A_345 : memref<32xi32, #tpu.memory_space<vmem>>) semaphore(%arg38 : memref<!tpu.dma_semaphore, #tpu.memory_space<semaphore_mem>>)
      %mul3A_349 = arith.constant 8 : i32
      %mul3A_350 = arith.muli %while3A_159, %mul3A_349 : i32
      %add3A_351 = arith.constant 0 : i32
      %add3A_352 = arith.addi %mul3A_350, %add3A_351 : i32
      %dma_wait3A_353 = arith.constant 1 : i32
      %dma_wait3A_354 = arith.constant 0 : i32
      %dma_wait3A_355 = tpu.memref_slice %arg3[%dma_wait3A_353, %dma_wait3A_354] : memref<2x320000xi32, #tpu.memory_space<hbm>> -> memref<1x32xi32, #tpu.memory_space<hbm>>
      %dma_wait3A_356 = tpu.memref_squeeze %dma_wait3A_355 : memref<1x32xi32, #tpu.memory_space<hbm>> -> memref<32xi32, #tpu.memory_space<hbm>>
      %dma_wait3A_357 = arith.constant 0 : i32
      %dma_wait3A_358 = tpu.memref_slice %arg3[%dma_wait3A_353, %dma_wait3A_357] : memref<2x320000xi32, #tpu.memory_space<hbm>> -> memref<1x32xi32, #tpu.memory_space<hbm>>
      %dma_wait3A_359 = tpu.memref_squeeze %dma_wait3A_358 : memref<1x32xi32, #tpu.memory_space<hbm>> -> memref<32xi32, #tpu.memory_space<hbm>>
      tpu.wait_dma2 semaphore(%arg23 : memref<!tpu.dma_semaphore, #tpu.memory_space<semaphore_mem>>) src(%dma_wait3A_359 : memref<32xi32, #tpu.memory_space<hbm>>) dst(%arg6 : memref<32xi32, #tpu.memory_space<vmem>>)
      %dma_wait3A_360 = arith.constant 0 : i32
      %dma_wait3A_361 = arith.constant 0 : i32
      %dma_wait3A_362 = tpu.memref_slice %arg2[%dma_wait3A_360, %dma_wait3A_361] : memref<10240x128xf32, #tpu.memory_space<hbm>> -> memref<32x128xf32, #tpu.memory_space<hbm>>
      %dma_wait3A_363 = arith.constant 0 : i32
      %dma_wait3A_364 = arith.constant 0 : i32
      %dma_wait3A_365 = tpu.memref_slice %arg2[%dma_wait3A_363, %dma_wait3A_364] : memref<10240x128xf32, #tpu.memory_space<hbm>> -> memref<32x128xf32, #tpu.memory_space<hbm>>
      tpu.wait_dma2 semaphore(%arg31 : memref<!tpu.dma_semaphore, #tpu.memory_space<semaphore_mem>>) src(%dma_wait3A_365 : memref<32x128xf32, #tpu.memory_space<hbm>>) dst(%arg14 : memref<32x128xf32, #tpu.memory_space<vmem>>)
      %dma_start3A_366 = arith.constant 0 : i32
      %dma_start3A_367 = arith.constant 0 : i32
      %dma_start3A_368 = tpu.memref_slice %arg22[%dma_start3A_366, %dma_start3A_367] : memref<10240x128xf32, #tpu.memory_space<vmem_shared>> -> memref<10240x128xf32, #tpu.memory_space<vmem_shared>>
      tpu.enqueue_indirect_dma source(%arg14 : memref<32x128xf32, #tpu.memory_space<vmem>>) target(%dma_start3A_368 : memref<10240x128xf32, #tpu.memory_space<vmem_shared>>) offsets(%arg6 : memref<32xi32, #tpu.memory_space<vmem>>) semaphore(%arg39 : memref<!tpu.dma_semaphore, #tpu.memory_space<semaphore_mem>>) {add = true}
      %mul3A_369 = arith.constant 8 : i32
      %mul3A_370 = arith.muli %while3A_159, %mul3A_369 : i32
      %add3A_371 = arith.constant 1 : i32
      %add3A_372 = arith.addi %mul3A_370, %add3A_371 : i32
      %dma_wait3A_373 = arith.constant 1 : i32
      %dma_wait3A_374 = arith.constant 0 : i32
      %dma_wait3A_375 = tpu.memref_slice %arg3[%dma_wait3A_373, %dma_wait3A_374] : memref<2x320000xi32, #tpu.memory_space<hbm>> -> memref<1x32xi32, #tpu.memory_space<hbm>>
      %dma_wait3A_376 = tpu.memref_squeeze %dma_wait3A_375 : memref<1x32xi32, #tpu.memory_space<hbm>> -> memref<32xi32, #tpu.memory_space<hbm>>
      %dma_wait3A_377 = arith.constant 0 : i32
      %dma_wait3A_378 = tpu.memref_slice %arg3[%dma_wait3A_373, %dma_wait3A_377] : memref<2x320000xi32, #tpu.memory_space<hbm>> -> memref<1x32xi32, #tpu.memory_space<hbm>>
      %dma_wait3A_379 = tpu.memref_squeeze %dma_wait3A_378 : memref<1x32xi32, #tpu.memory_space<hbm>> -> memref<32xi32, #tpu.memory_space<hbm>>
      tpu.wait_dma2 semaphore(%arg24 : memref<!tpu.dma_semaphore, #tpu.memory_space<semaphore_mem>>) src(%dma_wait3A_379 : memref<32xi32, #tpu.memory_space<hbm>>) dst(%arg7 : memref<32xi32, #tpu.memory_space<vmem>>)
      %dma_wait3A_380 = arith.constant 0 : i32
      %dma_wait3A_381 = arith.constant 0 : i32
      %dma_wait3A_382 = tpu.memref_slice %arg2[%dma_wait3A_380, %dma_wait3A_381] : memref<10240x128xf32, #tpu.memory_space<hbm>> -> memref<32x128xf32, #tpu.memory_space<hbm>>
      %dma_wait3A_383 = arith.constant 0 : i32
      %dma_wait3A_384 = arith.constant 0 : i32
      %dma_wait3A_385 = tpu.memref_slice %arg2[%dma_wait3A_383, %dma_wait3A_384] : memref<10240x128xf32, #tpu.memory_space<hbm>> -> memref<32x128xf32, #tpu.memory_space<hbm>>
      tpu.wait_dma2 semaphore(%arg32 : memref<!tpu.dma_semaphore, #tpu.memory_space<semaphore_mem>>) src(%dma_wait3A_385 : memref<32x128xf32, #tpu.memory_space<hbm>>) dst(%arg15 : memref<32x128xf32, #tpu.memory_space<vmem>>)
      %dma_start3A_386 = arith.constant 0 : i32
      %dma_start3A_387 = arith.constant 0 : i32
      %dma_start3A_388 = tpu.memref_slice %arg22[%dma_start3A_386, %dma_start3A_387] : memref<10240x128xf32, #tpu.memory_space<vmem_shared>> -> memref<10240x128xf32, #tpu.memory_space<vmem_shared>>
      tpu.enqueue_indirect_dma source(%arg15 : memref<32x128xf32, #tpu.memory_space<vmem>>) target(%dma_start3A_388 : memref<10240x128xf32, #tpu.memory_space<vmem_shared>>) offsets(%arg7 : memref<32xi32, #tpu.memory_space<vmem>>) semaphore(%arg40 : memref<!tpu.dma_semaphore, #tpu.memory_space<semaphore_mem>>) {add = true}
      %mul3A_389 = arith.constant 8 : i32
      %mul3A_390 = arith.muli %while3A_159, %mul3A_389 : i32
      %add3A_391 = arith.constant 2 : i32
      %add3A_392 = arith.addi %mul3A_390, %add3A_391 : i32
      %dma_wait3A_393 = arith.constant 1 : i32
      %dma_wait3A_394 = arith.constant 0 : i32
      %dma_wait3A_395 = tpu.memref_slice %arg3[%dma_wait3A_393, %dma_wait3A_394] : memref<2x320000xi32, #tpu.memory_space<hbm>> -> memref<1x32xi32, #tpu.memory_space<hbm>>
      %dma_wait3A_396 = tpu.memref_squeeze %dma_wait3A_395 : memref<1x32xi32, #tpu.memory_space<hbm>> -> memref<32xi32, #tpu.memory_space<hbm>>
      %dma_wait3A_397 = arith.constant 0 : i32
      %dma_wait3A_398 = tpu.memref_slice %arg3[%dma_wait3A_393, %dma_wait3A_397] : memref<2x320000xi32, #tpu.memory_space<hbm>> -> memref<1x32xi32, #tpu.memory_space<hbm>>
      %dma_wait3A_399 = tpu.memref_squeeze %dma_wait3A_398 : memref<1x32xi32, #tpu.memory_space<hbm>> -> memref<32xi32, #tpu.memory_space<hbm>>
      tpu.wait_dma2 semaphore(%arg25 : memref<!tpu.dma_semaphore, #tpu.memory_space<semaphore_mem>>) src(%dma_wait3A_399 : memref<32xi32, #tpu.memory_space<hbm>>) dst(%arg8 : memref<32xi32, #tpu.memory_space<vmem>>)
      %dma_wait3A_400 = arith.constant 0 : i32
      %dma_wait3A_401 = arith.constant 0 : i32
      %dma_wait3A_402 = tpu.memref_slice %arg2[%dma_wait3A_400, %dma_wait3A_401] : memref<10240x128xf32, #tpu.memory_space<hbm>> -> memref<32x128xf32, #tpu.memory_space<hbm>>
      %dma_wait3A_403 = arith.constant 0 : i32
      %dma_wait3A_404 = arith.constant 0 : i32
      %dma_wait3A_405 = tpu.memref_slice %arg2[%dma_wait3A_403, %dma_wait3A_404] : memref<10240x128xf32, #tpu.memory_space<hbm>> -> memref<32x128xf32, #tpu.memory_space<hbm>>
      tpu.wait_dma2 semaphore(%arg33 : memref<!tpu.dma_semaphore, #tpu.memory_space<semaphore_mem>>) src(%dma_wait3A_405 : memref<32x128xf32, #tpu.memory_space<hbm>>) dst(%arg16 : memref<32x128xf32, #tpu.memory_space<vmem>>)
      %dma_start3A_406 = arith.constant 0 : i32
      %dma_start3A_407 = arith.constant 0 : i32
      %dma_start3A_408 = tpu.memref_slice %arg22[%dma_start3A_406, %dma_start3A_407] : memref<10240x128xf32, #tpu.memory_space<vmem_shared>> -> memref<10240x128xf32, #tpu.memory_space<vmem_shared>>
      tpu.enqueue_indirect_dma source(%arg16 : memref<32x128xf32, #tpu.memory_space<vmem>>) target(%dma_start3A_408 : memref<10240x128xf32, #tpu.memory_space<vmem_shared>>) offsets(%arg8 : memref<32xi32, #tpu.memory_space<vmem>>) semaphore(%arg41 : memref<!tpu.dma_semaphore, #tpu.memory_space<semaphore_mem>>) {add = true}
      %mul3A_409 = arith.constant 8 : i32
      %mul3A_410 = arith.muli %while3A_159, %mul3A_409 : i32
      %add3A_411 = arith.constant 3 : i32
      %add3A_412 = arith.addi %mul3A_410, %add3A_411 : i32
      %dma_wait3A_413 = arith.constant 1 : i32
      %dma_wait3A_414 = arith.constant 0 : i32
      %dma_wait3A_415 = tpu.memref_slice %arg3[%dma_wait3A_413, %dma_wait3A_414] : memref<2x320000xi32, #tpu.memory_space<hbm>> -> memref<1x32xi32, #tpu.memory_space<hbm>>
      %dma_wait3A_416 = tpu.memref_squeeze %dma_wait3A_415 : memref<1x32xi32, #tpu.memory_space<hbm>> -> memref<32xi32, #tpu.memory_space<hbm>>
      %dma_wait3A_417 = arith.constant 0 : i32
      %dma_wait3A_418 = tpu.memref_slice %arg3[%dma_wait3A_413, %dma_wait3A_417] : memref<2x320000xi32, #tpu.memory_space<hbm>> -> memref<1x32xi32, #tpu.memory_space<hbm>>
      %dma_wait3A_419 = tpu.memref_squeeze %dma_wait3A_418 : memref<1x32xi32, #tpu.memory_space<hbm>> -> memref<32xi32, #tpu.memory_space<hbm>>
      tpu.wait_dma2 semaphore(%arg26 : memref<!tpu.dma_semaphore, #tpu.memory_space<semaphore_mem>>) src(%dma_wait3A_419 : memref<32xi32, #tpu.memory_space<hbm>>) dst(%arg9 : memref<32xi32, #tpu.memory_space<vmem>>)
      %dma_wait3A_420 = arith.constant 0 : i32
      %dma_wait3A_421 = arith.constant 0 : i32
      %dma_wait3A_422 = tpu.memref_slice %arg2[%dma_wait3A_420, %dma_wait3A_421] : memref<10240x128xf32, #tpu.memory_space<hbm>> -> memref<32x128xf32, #tpu.memory_space<hbm>>
      %dma_wait3A_423 = arith.constant 0 : i32
      %dma_wait3A_424 = arith.constant 0 : i32
      %dma_wait3A_425 = tpu.memref_slice %arg2[%dma_wait3A_423, %dma_wait3A_424] : memref<10240x128xf32, #tpu.memory_space<hbm>> -> memref<32x128xf32, #tpu.memory_space<hbm>>
      tpu.wait_dma2 semaphore(%arg34 : memref<!tpu.dma_semaphore, #tpu.memory_space<semaphore_mem>>) src(%dma_wait3A_425 : memref<32x128xf32, #tpu.memory_space<hbm>>) dst(%arg17 : memref<32x128xf32, #tpu.memory_space<vmem>>)
      %dma_start3A_426 = arith.constant 0 : i32
      %dma_start3A_427 = arith.constant 0 : i32
      %dma_start3A_428 = tpu.memref_slice %arg22[%dma_start3A_426, %dma_start3A_427] : memref<10240x128xf32, #tpu.memory_space<vmem_shared>> -> memref<10240x128xf32, #tpu.memory_space<vmem_shared>>
      tpu.enqueue_indirect_dma source(%arg17 : memref<32x128xf32, #tpu.memory_space<vmem>>) target(%dma_start3A_428 : memref<10240x128xf32, #tpu.memory_space<vmem_shared>>) offsets(%arg9 : memref<32xi32, #tpu.memory_space<vmem>>) semaphore(%arg42 : memref<!tpu.dma_semaphore, #tpu.memory_space<semaphore_mem>>) {add = true}
      %mul3A_429 = arith.constant 8 : i32
      %mul3A_430 = arith.muli %while3A_159, %mul3A_429 : i32
      %add3A_431 = arith.constant 4 : i32
      %add3A_432 = arith.addi %mul3A_430, %add3A_431 : i32
      %dma_wait3A_433 = arith.constant 1 : i32
      %dma_wait3A_434 = arith.constant 0 : i32
      %dma_wait3A_435 = tpu.memref_slice %arg3[%dma_wait3A_433, %dma_wait3A_434] : memref<2x320000xi32, #tpu.memory_space<hbm>> -> memref<1x32xi32, #tpu.memory_space<hbm>>
      %dma_wait3A_436 = tpu.memref_squeeze %dma_wait3A_435 : memref<1x32xi32, #tpu.memory_space<hbm>> -> memref<32xi32, #tpu.memory_space<hbm>>
      %dma_wait3A_437 = arith.constant 0 : i32
      %dma_wait3A_438 = tpu.memref_slice %arg3[%dma_wait3A_433, %dma_wait3A_437] : memref<2x320000xi32, #tpu.memory_space<hbm>> -> memref<1x32xi32, #tpu.memory_space<hbm>>
      %dma_wait3A_439 = tpu.memref_squeeze %dma_wait3A_438 : memref<1x32xi32, #tpu.memory_space<hbm>> -> memref<32xi32, #tpu.memory_space<hbm>>
      tpu.wait_dma2 semaphore(%arg27 : memref<!tpu.dma_semaphore, #tpu.memory_space<semaphore_mem>>) src(%dma_wait3A_439 : memref<32xi32, #tpu.memory_space<hbm>>) dst(%arg10 : memref<32xi32, #tpu.memory_space<vmem>>)
      %dma_wait3A_440 = arith.constant 0 : i32
      %dma_wait3A_441 = arith.constant 0 : i32
      %dma_wait3A_442 = tpu.memref_slice %arg2[%dma_wait3A_440, %dma_wait3A_441] : memref<10240x128xf32, #tpu.memory_space<hbm>> -> memref<32x128xf32, #tpu.memory_space<hbm>>
      %dma_wait3A_443 = arith.constant 0 : i32
      %dma_wait3A_444 = arith.constant 0 : i32
      %dma_wait3A_445 = tpu.memref_slice %arg2[%dma_wait3A_443, %dma_wait3A_444] : memref<10240x128xf32, #tpu.memory_space<hbm>> -> memref<32x128xf32, #tpu.memory_space<hbm>>
      tpu.wait_dma2 semaphore(%arg35 : memref<!tpu.dma_semaphore, #tpu.memory_space<semaphore_mem>>) src(%dma_wait3A_445 : memref<32x128xf32, #tpu.memory_space<hbm>>) dst(%arg18 : memref<32x128xf32, #tpu.memory_space<vmem>>)
      %dma_start3A_446 = arith.constant 0 : i32
      %dma_start3A_447 = arith.constant 0 : i32
      %dma_start3A_448 = tpu.memref_slice %arg22[%dma_start3A_446, %dma_start3A_447] : memref<10240x128xf32, #tpu.memory_space<vmem_shared>> -> memref<10240x128xf32, #tpu.memory_space<vmem_shared>>
      tpu.enqueue_indirect_dma source(%arg18 : memref<32x128xf32, #tpu.memory_space<vmem>>) target(%dma_start3A_448 : memref<10240x128xf32, #tpu.memory_space<vmem_shared>>) offsets(%arg10 : memref<32xi32, #tpu.memory_space<vmem>>) semaphore(%arg43 : memref<!tpu.dma_semaphore, #tpu.memory_space<semaphore_mem>>) {add = true}
      %mul3A_449 = arith.constant 8 : i32
      %mul3A_450 = arith.muli %while3A_159, %mul3A_449 : i32
      %add3A_451 = arith.constant 5 : i32
      %add3A_452 = arith.addi %mul3A_450, %add3A_451 : i32
      %dma_wait3A_453 = arith.constant 1 : i32
      %dma_wait3A_454 = arith.constant 0 : i32
      %dma_wait3A_455 = tpu.memref_slice %arg3[%dma_wait3A_453, %dma_wait3A_454] : memref<2x320000xi32, #tpu.memory_space<hbm>> -> memref<1x32xi32, #tpu.memory_space<hbm>>
      %dma_wait3A_456 = tpu.memref_squeeze %dma_wait3A_455 : memref<1x32xi32, #tpu.memory_space<hbm>> -> memref<32xi32, #tpu.memory_space<hbm>>
      %dma_wait3A_457 = arith.constant 0 : i32
      %dma_wait3A_458 = tpu.memref_slice %arg3[%dma_wait3A_453, %dma_wait3A_457] : memref<2x320000xi32, #tpu.memory_space<hbm>> -> memref<1x32xi32, #tpu.memory_space<hbm>>
      %dma_wait3A_459 = tpu.memref_squeeze %dma_wait3A_458 : memref<1x32xi32, #tpu.memory_space<hbm>> -> memref<32xi32, #tpu.memory_space<hbm>>
      tpu.wait_dma2 semaphore(%arg28 : memref<!tpu.dma_semaphore, #tpu.memory_space<semaphore_mem>>) src(%dma_wait3A_459 : memref<32xi32, #tpu.memory_space<hbm>>) dst(%arg11 : memref<32xi32, #tpu.memory_space<vmem>>)
      %dma_wait3A_460 = arith.constant 0 : i32
      %dma_wait3A_461 = arith.constant 0 : i32
      %dma_wait3A_462 = tpu.memref_slice %arg2[%dma_wait3A_460, %dma_wait3A_461] : memref<10240x128xf32, #tpu.memory_space<hbm>> -> memref<32x128xf32, #tpu.memory_space<hbm>>
      %dma_wait3A_463 = arith.constant 0 : i32
      %dma_wait3A_464 = arith.constant 0 : i32
      %dma_wait3A_465 = tpu.memref_slice %arg2[%dma_wait3A_463, %dma_wait3A_464] : memref<10240x128xf32, #tpu.memory_space<hbm>> -> memref<32x128xf32, #tpu.memory_space<hbm>>
      tpu.wait_dma2 semaphore(%arg36 : memref<!tpu.dma_semaphore, #tpu.memory_space<semaphore_mem>>) src(%dma_wait3A_465 : memref<32x128xf32, #tpu.memory_space<hbm>>) dst(%arg19 : memref<32x128xf32, #tpu.memory_space<vmem>>)
      %dma_start3A_466 = arith.constant 0 : i32
      %dma_start3A_467 = arith.constant 0 : i32
      %dma_start3A_468 = tpu.memref_slice %arg22[%dma_start3A_466, %dma_start3A_467] : memref<10240x128xf32, #tpu.memory_space<vmem_shared>> -> memref<10240x128xf32, #tpu.memory_space<vmem_shared>>
      tpu.enqueue_indirect_dma source(%arg19 : memref<32x128xf32, #tpu.memory_space<vmem>>) target(%dma_start3A_468 : memref<10240x128xf32, #tpu.memory_space<vmem_shared>>) offsets(%arg11 : memref<32xi32, #tpu.memory_space<vmem>>) semaphore(%arg44 : memref<!tpu.dma_semaphore, #tpu.memory_space<semaphore_mem>>) {add = true}
      %mul3A_469 = arith.constant 8 : i32
      %mul3A_470 = arith.muli %while3A_159, %mul3A_469 : i32
      %add3A_471 = arith.constant 6 : i32
      %add3A_472 = arith.addi %mul3A_470, %add3A_471 : i32
      %dma_wait3A_473 = arith.constant 1 : i32
      %dma_wait3A_474 = arith.constant 0 : i32
      %dma_wait3A_475 = tpu.memref_slice %arg3[%dma_wait3A_473, %dma_wait3A_474] : memref<2x320000xi32, #tpu.memory_space<hbm>> -> memref<1x32xi32, #tpu.memory_space<hbm>>
      %dma_wait3A_476 = tpu.memref_squeeze %dma_wait3A_475 : memref<1x32xi32, #tpu.memory_space<hbm>> -> memref<32xi32, #tpu.memory_space<hbm>>
      %dma_wait3A_477 = arith.constant 0 : i32
      %dma_wait3A_478 = tpu.memref_slice %arg3[%dma_wait3A_473, %dma_wait3A_477] : memref<2x320000xi32, #tpu.memory_space<hbm>> -> memref<1x32xi32, #tpu.memory_space<hbm>>
      %dma_wait3A_479 = tpu.memref_squeeze %dma_wait3A_478 : memref<1x32xi32, #tpu.memory_space<hbm>> -> memref<32xi32, #tpu.memory_space<hbm>>
      tpu.wait_dma2 semaphore(%arg29 : memref<!tpu.dma_semaphore, #tpu.memory_space<semaphore_mem>>) src(%dma_wait3A_479 : memref<32xi32, #tpu.memory_space<hbm>>) dst(%arg12 : memref<32xi32, #tpu.memory_space<vmem>>)
      %dma_wait3A_480 = arith.constant 0 : i32
      %dma_wait3A_481 = arith.constant 0 : i32
      %dma_wait3A_482 = tpu.memref_slice %arg2[%dma_wait3A_480, %dma_wait3A_481] : memref<10240x128xf32, #tpu.memory_space<hbm>> -> memref<32x128xf32, #tpu.memory_space<hbm>>
      %dma_wait3A_483 = arith.constant 0 : i32
      %dma_wait3A_484 = arith.constant 0 : i32
      %dma_wait3A_485 = tpu.memref_slice %arg2[%dma_wait3A_483, %dma_wait3A_484] : memref<10240x128xf32, #tpu.memory_space<hbm>> -> memref<32x128xf32, #tpu.memory_space<hbm>>
      tpu.wait_dma2 semaphore(%arg37 : memref<!tpu.dma_semaphore, #tpu.memory_space<semaphore_mem>>) src(%dma_wait3A_485 : memref<32x128xf32, #tpu.memory_space<hbm>>) dst(%arg20 : memref<32x128xf32, #tpu.memory_space<vmem>>)
      %dma_start3A_486 = arith.constant 0 : i32
      %dma_start3A_487 = arith.constant 0 : i32
      %dma_start3A_488 = tpu.memref_slice %arg22[%dma_start3A_486, %dma_start3A_487] : memref<10240x128xf32, #tpu.memory_space<vmem_shared>> -> memref<10240x128xf32, #tpu.memory_space<vmem_shared>>
      tpu.enqueue_indirect_dma source(%arg20 : memref<32x128xf32, #tpu.memory_space<vmem>>) target(%dma_start3A_488 : memref<10240x128xf32, #tpu.memory_space<vmem_shared>>) offsets(%arg12 : memref<32xi32, #tpu.memory_space<vmem>>) semaphore(%arg45 : memref<!tpu.dma_semaphore, #tpu.memory_space<semaphore_mem>>) {add = true}
      %mul3A_489 = arith.constant 8 : i32
      %mul3A_490 = arith.muli %while3A_159, %mul3A_489 : i32
      %add3A_491 = arith.constant 7 : i32
      %add3A_492 = arith.addi %mul3A_490, %add3A_491 : i32
      %dma_wait3A_493 = arith.constant 1 : i32
      %dma_wait3A_494 = arith.constant 0 : i32
      %dma_wait3A_495 = tpu.memref_slice %arg3[%dma_wait3A_493, %dma_wait3A_494] : memref<2x320000xi32, #tpu.memory_space<hbm>> -> memref<1x32xi32, #tpu.memory_space<hbm>>
      %dma_wait3A_496 = tpu.memref_squeeze %dma_wait3A_495 : memref<1x32xi32, #tpu.memory_space<hbm>> -> memref<32xi32, #tpu.memory_space<hbm>>
      %dma_wait3A_497 = arith.constant 0 : i32
      %dma_wait3A_498 = tpu.memref_slice %arg3[%dma_wait3A_493, %dma_wait3A_497] : memref<2x320000xi32, #tpu.memory_space<hbm>> -> memref<1x32xi32, #tpu.memory_space<hbm>>
      %dma_wait3A_499 = tpu.memref_squeeze %dma_wait3A_498 : memref<1x32xi32, #tpu.memory_space<hbm>> -> memref<32xi32, #tpu.memory_space<hbm>>
      tpu.wait_dma2 semaphore(%arg30 : memref<!tpu.dma_semaphore, #tpu.memory_space<semaphore_mem>>) src(%dma_wait3A_499 : memref<32xi32, #tpu.memory_space<hbm>>) dst(%arg13 : memref<32xi32, #tpu.memory_space<vmem>>)
      %dma_wait3A_500 = arith.constant 0 : i32
      %dma_wait3A_501 = arith.constant 0 : i32
      %dma_wait3A_502 = tpu.memref_slice %arg2[%dma_wait3A_500, %dma_wait3A_501] : memref<10240x128xf32, #tpu.memory_space<hbm>> -> memref<32x128xf32, #tpu.memory_space<hbm>>
      %dma_wait3A_503 = arith.constant 0 : i32
      %dma_wait3A_504 = arith.constant 0 : i32
      %dma_wait3A_505 = tpu.memref_slice %arg2[%dma_wait3A_503, %dma_wait3A_504] : memref<10240x128xf32, #tpu.memory_space<hbm>> -> memref<32x128xf32, #tpu.memory_space<hbm>>
      tpu.wait_dma2 semaphore(%arg38 : memref<!tpu.dma_semaphore, #tpu.memory_space<semaphore_mem>>) src(%dma_wait3A_505 : memref<32x128xf32, #tpu.memory_space<hbm>>) dst(%arg21 : memref<32x128xf32, #tpu.memory_space<vmem>>)
      %dma_start3A_506 = arith.constant 0 : i32
      %dma_start3A_507 = arith.constant 0 : i32
      %dma_start3A_508 = tpu.memref_slice %arg22[%dma_start3A_506, %dma_start3A_507] : memref<10240x128xf32, #tpu.memory_space<vmem_shared>> -> memref<10240x128xf32, #tpu.memory_space<vmem_shared>>
      tpu.enqueue_indirect_dma source(%arg21 : memref<32x128xf32, #tpu.memory_space<vmem>>) target(%dma_start3A_508 : memref<10240x128xf32, #tpu.memory_space<vmem_shared>>) offsets(%arg13 : memref<32xi32, #tpu.memory_space<vmem>>) semaphore(%arg46 : memref<!tpu.dma_semaphore, #tpu.memory_space<semaphore_mem>>) {add = true}
      %while3A_509 = arith.constant 0 : i32
      scf.yield %while3A_509 : i32
    }
    %dma_wait3A = arith.constant 0 : i32
    %dma_wait3A_107 = arith.constant 0 : i32
    %dma_wait3A_108 = tpu.memref_slice %arg2[%dma_wait3A, %dma_wait3A_107] : memref<10240x128xf32, #tpu.memory_space<hbm>> -> memref<32x128xf32, #tpu.memory_space<hbm>>
    %dma_wait3A_109 = arith.constant 0 : i32
    %dma_wait3A_110 = arith.constant 0 : i32
    %dma_wait3A_111 = tpu.memref_slice %arg2[%dma_wait3A_109, %dma_wait3A_110] : memref<10240x128xf32, #tpu.memory_space<hbm>> -> memref<32x128xf32, #tpu.memory_space<hbm>>
    tpu.wait_dma2 semaphore(%arg39 : memref<!tpu.dma_semaphore, #tpu.memory_space<semaphore_mem>>) src(%dma_wait3A_111 : memref<32x128xf32, #tpu.memory_space<hbm>>) dst(%arg14 : memref<32x128xf32, #tpu.memory_space<vmem>>)
    %dma_wait3A_112 = arith.constant 0 : i32
    %dma_wait3A_113 = arith.constant 0 : i32
    %dma_wait3A_114 = tpu.memref_slice %arg2[%dma_wait3A_112, %dma_wait3A_113] : memref<10240x128xf32, #tpu.memory_space<hbm>> -> memref<32x128xf32, #tpu.memory_space<hbm>>
    %dma_wait3A_115 = arith.constant 0 : i32
    %dma_wait3A_116 = arith.constant 0 : i32
    %dma_wait3A_117 = tpu.memref_slice %arg2[%dma_wait3A_115, %dma_wait3A_116] : memref<10240x128xf32, #tpu.memory_space<hbm>> -> memref<32x128xf32, #tpu.memory_space<hbm>>
    tpu.wait_dma2 semaphore(%arg40 : memref<!tpu.dma_semaphore, #tpu.memory_space<semaphore_mem>>) src(%dma_wait3A_117 : memref<32x128xf32, #tpu.memory_space<hbm>>) dst(%arg15 : memref<32x128xf32, #tpu.memory_space<vmem>>)
    %dma_wait3A_118 = arith.constant 0 : i32
    %dma_wait3A_119 = arith.constant 0 : i32
    %dma_wait3A_120 = tpu.memref_slice %arg2[%dma_wait3A_118, %dma_wait3A_119] : memref<10240x128xf32, #tpu.memory_space<hbm>> -> memref<32x128xf32, #tpu.memory_space<hbm>>
    %dma_wait3A_121 = arith.constant 0 : i32
    %dma_wait3A_122 = arith.constant 0 : i32
    %dma_wait3A_123 = tpu.memref_slice %arg2[%dma_wait3A_121, %dma_wait3A_122] : memref<10240x128xf32, #tpu.memory_space<hbm>> -> memref<32x128xf32, #tpu.memory_space<hbm>>
    tpu.wait_dma2 semaphore(%arg41 : memref<!tpu.dma_semaphore, #tpu.memory_space<semaphore_mem>>) src(%dma_wait3A_123 : memref<32x128xf32, #tpu.memory_space<hbm>>) dst(%arg16 : memref<32x128xf32, #tpu.memory_space<vmem>>)
    %dma_wait3A_124 = arith.constant 0 : i32
    %dma_wait3A_125 = arith.constant 0 : i32
    %dma_wait3A_126 = tpu.memref_slice %arg2[%dma_wait3A_124, %dma_wait3A_125] : memref<10240x128xf32, #tpu.memory_space<hbm>> -> memref<32x128xf32, #tpu.memory_space<hbm>>
    %dma_wait3A_127 = arith.constant 0 : i32
    %dma_wait3A_128 = arith.constant 0 : i32
    %dma_wait3A_129 = tpu.memref_slice %arg2[%dma_wait3A_127, %dma_wait3A_128] : memref<10240x128xf32, #tpu.memory_space<hbm>> -> memref<32x128xf32, #tpu.memory_space<hbm>>
    tpu.wait_dma2 semaphore(%arg42 : memref<!tpu.dma_semaphore, #tpu.memory_space<semaphore_mem>>) src(%dma_wait3A_129 : memref<32x128xf32, #tpu.memory_space<hbm>>) dst(%arg17 : memref<32x128xf32, #tpu.memory_space<vmem>>)
    %dma_wait3A_130 = arith.constant 0 : i32
    %dma_wait3A_131 = arith.constant 0 : i32
    %dma_wait3A_132 = tpu.memref_slice %arg2[%dma_wait3A_130, %dma_wait3A_131] : memref<10240x128xf32, #tpu.memory_space<hbm>> -> memref<32x128xf32, #tpu.memory_space<hbm>>
    %dma_wait3A_133 = arith.constant 0 : i32
    %dma_wait3A_134 = arith.constant 0 : i32
    %dma_wait3A_135 = tpu.memref_slice %arg2[%dma_wait3A_133, %dma_wait3A_134] : memref<10240x128xf32, #tpu.memory_space<hbm>> -> memref<32x128xf32, #tpu.memory_space<hbm>>
    tpu.wait_dma2 semaphore(%arg43 : memref<!tpu.dma_semaphore, #tpu.memory_space<semaphore_mem>>) src(%dma_wait3A_135 : memref<32x128xf32, #tpu.memory_space<hbm>>) dst(%arg18 : memref<32x128xf32, #tpu.memory_space<vmem>>)
    %dma_wait3A_136 = arith.constant 0 : i32
    %dma_wait3A_137 = arith.constant 0 : i32
    %dma_wait3A_138 = tpu.memref_slice %arg2[%dma_wait3A_136, %dma_wait3A_137] : memref<10240x128xf32, #tpu.memory_space<hbm>> -> memref<32x128xf32, #tpu.memory_space<hbm>>
    %dma_wait3A_139 = arith.constant 0 : i32
    %dma_wait3A_140 = arith.constant 0 : i32
    %dma_wait3A_141 = tpu.memref_slice %arg2[%dma_wait3A_139, %dma_wait3A_140] : memref<10240x128xf32, #tpu.memory_space<hbm>> -> memref<32x128xf32, #tpu.memory_space<hbm>>
    tpu.wait_dma2 semaphore(%arg44 : memref<!tpu.dma_semaphore, #tpu.memory_space<semaphore_mem>>) src(%dma_wait3A_141 : memref<32x128xf32, #tpu.memory_space<hbm>>) dst(%arg19 : memref<32x128xf32, #tpu.memory_space<vmem>>)
    %dma_wait3A_142 = arith.constant 0 : i32
    %dma_wait3A_143 = arith.constant 0 : i32
    %dma_wait3A_144 = tpu.memref_slice %arg2[%dma_wait3A_142, %dma_wait3A_143] : memref<10240x128xf32, #tpu.memory_space<hbm>> -> memref<32x128xf32, #tpu.memory_space<hbm>>
    %dma_wait3A_145 = arith.constant 0 : i32
    %dma_wait3A_146 = arith.constant 0 : i32
    %dma_wait3A_147 = tpu.memref_slice %arg2[%dma_wait3A_145, %dma_wait3A_146] : memref<10240x128xf32, #tpu.memory_space<hbm>> -> memref<32x128xf32, #tpu.memory_space<hbm>>
    tpu.wait_dma2 semaphore(%arg45 : memref<!tpu.dma_semaphore, #tpu.memory_space<semaphore_mem>>) src(%dma_wait3A_147 : memref<32x128xf32, #tpu.memory_space<hbm>>) dst(%arg20 : memref<32x128xf32, #tpu.memory_space<vmem>>)
    %dma_wait3A_148 = arith.constant 0 : i32
    %dma_wait3A_149 = arith.constant 0 : i32
    %dma_wait3A_150 = tpu.memref_slice %arg2[%dma_wait3A_148, %dma_wait3A_149] : memref<10240x128xf32, #tpu.memory_space<hbm>> -> memref<32x128xf32, #tpu.memory_space<hbm>>
    %dma_wait3A_151 = arith.constant 0 : i32
    %dma_wait3A_152 = arith.constant 0 : i32
    %dma_wait3A_153 = tpu.memref_slice %arg2[%dma_wait3A_151, %dma_wait3A_152] : memref<10240x128xf32, #tpu.memory_space<hbm>> -> memref<32x128xf32, #tpu.memory_space<hbm>>
    tpu.wait_dma2 semaphore(%arg46 : memref<!tpu.dma_semaphore, #tpu.memory_space<semaphore_mem>>) src(%dma_wait3A_153 : memref<32x128xf32, #tpu.memory_space<hbm>>) dst(%arg21 : memref<32x128xf32, #tpu.memory_space<vmem>>)
    %barrier3A_154 = arith.constant 0 : index
    tpu.barrier barrier_id(%barrier3A_154)
    %mul3A_155 = arith.constant 640 : i32
    %mul3A_156 = arith.muli %arg1, %mul3A_155 : i32
    %mul3A_157 = arith.constant 640 : i32
    %mul3A_158 = arith.muli %arg1, %mul3A_157 : i32
    "tpu.region"() ({
      %run_scoped3A_159 = tpu.sem_alloc : memref<!tpu.dma_semaphore, #tpu.memory_space<semaphore_mem>>
      %dma_start3A = arith.constant 0 : i32
      %dma_start3A_160 = tpu.memref_slice %arg4[%arg0, %mul3A_158, %dma_start3A] : memref<2x10240x128xf32, #tpu.memory_space<hbm>> -> memref<1x640x128xf32, #tpu.memory_space<hbm>>
      %dma_start3A_161 = tpu.memref_squeeze %dma_start3A_160 : memref<1x640x128xf32, #tpu.memory_space<hbm>> -> memref<640x128xf32, #tpu.memory_space<hbm>>
      %dma_start3A_162 = arith.constant 0 : i32
      %dma_start3A_163 = tpu.memref_slice %arg22[%mul3A_156, %dma_start3A_162] : memref<10240x128xf32, #tpu.memory_space<vmem_shared>> -> memref<640x128xf32, #tpu.memory_space<vmem_shared>>
      tpu.enqueue_dma source(%dma_start3A_163 : memref<640x128xf32, #tpu.memory_space<vmem_shared>>) target(%dma_start3A_161 : memref<640x128xf32, #tpu.memory_space<hbm>>) target_semaphore(%run_scoped3A_159 : memref<!tpu.dma_semaphore, #tpu.memory_space<semaphore_mem>>)
      %dma_wait3A_164 = arith.constant 0 : i32
      %dma_wait3A_165 = tpu.memref_slice %arg4[%arg0, %mul3A_158, %dma_wait3A_164] : memref<2x10240x128xf32, #tpu.memory_space<hbm>> -> memref<1x640x128xf32, #tpu.memory_space<hbm>>
      %dma_wait3A_166 = tpu.memref_squeeze %dma_wait3A_165 : memref<1x640x128xf32, #tpu.memory_space<hbm>> -> memref<640x128xf32, #tpu.memory_space<hbm>>
      %dma_wait3A_167 = arith.constant 0 : i32
      %dma_wait3A_168 = tpu.memref_slice %arg22[%mul3A_156, %dma_wait3A_167] : memref<10240x128xf32, #tpu.memory_space<vmem_shared>> -> memref<640x128xf32, #tpu.memory_space<vmem_shared>>
      tpu.wait_dma2 semaphore(%run_scoped3A_159 : memref<!tpu.dma_semaphore, #tpu.memory_space<semaphore_mem>>) src(%dma_wait3A_168 : memref<640x128xf32, #tpu.memory_space<vmem_shared>>) dst(%dma_wait3A_166 : memref<640x128xf32, #tpu.memory_space<hbm>>)
      tpu.yield
    }) : () -> ()
    return
  }
}

#map = affine_map<(d0, d1) -> (0, 0)>
#map1 = affine_map<(d0, d1) -> (0, 0, 0)>
module attributes {stable_mosaic.version = 14 : i64} {
  func.func @_scatter(%arg0: i32, %arg1: i32, %arg2: memref<10240x128xf32, #tpu.memory_space<hbm>>, %arg3: memref<2x320000xi32, #tpu.memory_space<hbm>>, %arg4: memref<2x10240x128xf32, #tpu.memory_space<hbm>>, %arg5: memref<10240xi32, #tpu.memory_space<vmem>>, %arg6: memref<32xi32, #tpu.memory_space<vmem>>, %arg7: memref<32xi32, #tpu.memory_space<vmem>>, %arg8: memref<32xi32, #tpu.memory_space<vmem>>, %arg9: memref<32xi32, #tpu.memory_space<vmem>>, %arg10: memref<32xi32, #tpu.memory_space<vmem>>, %arg11: memref<32xi32, #tpu.memory_space<vmem>>, %arg12: memref<32xi32, #tpu.memory_space<vmem>>, %arg13: memref<32xi32, #tpu.memory_space<vmem>>, %arg14: memref<32x128xf32, #tpu.memory_space<vmem>>, %arg15: memref<32x128xf32, #tpu.memory_space<vmem>>, %arg16: memref<32x128xf32, #tpu.memory_space<vmem>>, %arg17: memref<32x128xf32, #tpu.memory_space<vmem>>, %arg18: memref<32x128xf32, #tpu.memory_space<vmem>>, %arg19: memref<32x128xf32, #tpu.memory_space<vmem>>, %arg20: memref<32x128xf32, #tpu.memory_space<vmem>>, %arg21: memref<32x128xf32, #tpu.memory_space<vmem>>, %arg22: memref<10240x128xf32, #tpu.memory_space<vmem_shared>>, %arg23: memref<!tpu.dma_semaphore, #tpu.memory_space<semaphore_mem>>, %arg24: memref<!tpu.dma_semaphore, #tpu.memory_space<semaphore_mem>>, %arg25: memref<!tpu.dma_semaphore, #tpu.memory_space<semaphore_mem>>, %arg26: memref<!tpu.dma_semaphore, #tpu.memory_space<semaphore_mem>>, %arg27: memref<!tpu.dma_semaphore, #tpu.memory_space<semaphore_mem>>, %arg28: memref<!tpu.dma_semaphore, #tpu.memory_space<semaphore_mem>>, %arg29: memref<!tpu.dma_semaphore, #tpu.memory_space<semaphore_mem>>, %arg30: memref<!tpu.dma_semaphore, #tpu.memory_space<semaphore_mem>>, %arg31: memref<!tpu.dma_semaphore, #tpu.memory_space<semaphore_mem>>, %arg32: memref<!tpu.dma_semaphore, #tpu.memory_space<semaphore_mem>>, %arg33: memref<!tpu.dma_semaphore, #tpu.memory_space<semaphore_mem>>, %arg34: memref<!tpu.dma_semaphore, #tpu.memory_space<semaphore_mem>>, %arg35: memref<!tpu.dma_semaphore, #tpu.memory_space<semaphore_mem>>, %arg36: memref<!tpu.dma_semaphore, #tpu.memory_space<semaphore_mem>>, %arg37: memref<!tpu.dma_semaphore, #tpu.memory_space<semaphore_mem>>, %arg38: memref<!tpu.dma_semaphore, #tpu.memory_space<semaphore_mem>>, %arg39: memref<!tpu.dma_semaphore, #tpu.memory_space<semaphore_mem>>, %arg40: memref<!tpu.dma_semaphore, #tpu.memory_space<semaphore_mem>>, %arg41: memref<!tpu.dma_semaphore, #tpu.memory_space<semaphore_mem>>, %arg42: memref<!tpu.dma_semaphore, #tpu.memory_space<semaphore_mem>>, %arg43: memref<!tpu.dma_semaphore, #tpu.memory_space<semaphore_mem>>, %arg44: memref<!tpu.dma_semaphore, #tpu.memory_space<semaphore_mem>>, %arg45: memref<!tpu.dma_semaphore, #tpu.memory_space<semaphore_mem>>, %arg46: memref<!tpu.dma_semaphore, #tpu.memory_space<semaphore_mem>>) attributes {dimension_semantics = [#tpu.dimension_semantics<core_parallel>, #tpu.dimension_semantics<subcore_parallel>], iteration_bounds = array<i64: 2, 16>, scalar_prefetch = 0 : i64, scratch_operands = 42 : i64, tpu.core_type = #tpu.core_type<sc_vector_subcore>, window_params = [{transform_indices = #map}, {transform_indices = #map}, {transform_indices = #map1}]} {
    %mul3A = arith.constant 16 : i32
    %mul3A_0 = arith.muli %arg0, %mul3A : i32
    %add3A = arith.addi %mul3A_0, %arg1 : i32
    %scan3A = arith.constant 0 : i32
    %scan3A_1 = arith.constant 0 : i32
    %scan3A_2 = arith.constant 32 : i32
    %scan3A_3 = arith.addi %scan3A_1, %scan3A_2 : i32
    %scan3A_4 = arith.constant 1 : i32
    %scan3A_5 = scf.for %scan3A_159 = %scan3A_1 to %scan3A_3 step %scan3A_4 iter_args(%scan3A_160 = %scan3A) -> (i32)  : i32 {
      %broadcast_in_dim3A = arith.constant 0.000000e+00 : f32
      %broadcast_in_dim3A_161 = vector.broadcast %broadcast_in_dim3A : f32 to vector<16xf32>
      %swap3A = arith.index_cast %scan3A_159 : i32 to index
      %swap3A_162 = arith.constant 0 : index
      %swap3A_163 = tpu.vector_load %arg14[%swap3A, %swap3A_162] {strides = array<i32>} : memref<32x128xf32, #tpu.memory_space<vmem>>, vector<1x16xf32>,
      %swap3A_164 = vector.shape_cast %swap3A_163 : vector<1x16xf32> to vector<16xf32>
      %swap3A_165 = vector.shape_cast %broadcast_in_dim3A_161 : vector<16xf32> to vector<1x16xf32>
      tpu.vector_store %arg14[%swap3A, %swap3A_162], %swap3A_165 {strides = array<i32>} : memref<32x128xf32, #tpu.memory_space<vmem>>, vector<1x16xf32>,
      %broadcast_in_dim3A_166 = arith.constant 0.000000e+00 : f32
      %broadcast_in_dim3A_167 = vector.broadcast %broadcast_in_dim3A_166 : f32 to vector<16xf32>
      %swap3A_168 = arith.index_cast %scan3A_159 : i32 to index
      %swap3A_169 = arith.constant 16 : index
      %swap3A_170 = tpu.vector_load %arg14[%swap3A_168, %swap3A_169] {strides = array<i32>} : memref<32x128xf32, #tpu.memory_space<vmem>>, vector<1x16xf32>,
      %swap3A_171 = vector.shape_cast %swap3A_170 : vector<1x16xf32> to vector<16xf32>
      %swap3A_172 = vector.shape_cast %broadcast_in_dim3A_167 : vector<16xf32> to vector<1x16xf32>
      tpu.vector_store %arg14[%swap3A_168, %swap3A_169], %swap3A_172 {strides = array<i32>} : memref<32x128xf32, #tpu.memory_space<vmem>>, vector<1x16xf32>,
      %broadcast_in_dim3A_173 = arith.constant 0.000000e+00 : f32
      %broadcast_in_dim3A_174 = vector.broadcast %broadcast_in_dim3A_173 : f32 to vector<16xf32>
      %swap3A_175 = arith.index_cast %scan3A_159 : i32 to index
      %swap3A_176 = arith.constant 32 : index
      %swap3A_177 = tpu.vector_load %arg14[%swap3A_175, %swap3A_176] {strides = array<i32>} : memref<32x128xf32, #tpu.memory_space<vmem>>, vector<1x16xf32>,
      %swap3A_178 = vector.shape_cast %swap3A_177 : vector<1x16xf32> to vector<16xf32>
      %swap3A_179 = vector.shape_cast %broadcast_in_dim3A_174 : vector<16xf32> to vector<1x16xf32>
      tpu.vector_store %arg14[%swap3A_175, %swap3A_176], %swap3A_179 {strides = array<i32>} : memref<32x128xf32, #tpu.memory_space<vmem>>, vector<1x16xf32>,
      %broadcast_in_dim3A_180 = arith.constant 0.000000e+00 : f32
      %broadcast_in_dim3A_181 = vector.broadcast %broadcast_in_dim3A_180 : f32 to vector<16xf32>
      %swap3A_182 = arith.index_cast %scan3A_159 : i32 to index
      %swap3A_183 = arith.constant 48 : index
      %swap3A_184 = tpu.vector_load %arg14[%swap3A_182, %swap3A_183] {strides = array<i32>} : memref<32x128xf32, #tpu.memory_space<vmem>>, vector<1x16xf32>,
      %swap3A_185 = vector.shape_cast %swap3A_184 : vector<1x16xf32> to vector<16xf32>
      %swap3A_186 = vector.shape_cast %broadcast_in_dim3A_181 : vector<16xf32> to vector<1x16xf32>
      tpu.vector_store %arg14[%swap3A_182, %swap3A_183], %swap3A_186 {strides = array<i32>} : memref<32x128xf32, #tpu.memory_space<vmem>>, vector<1x16xf32>,
      %broadcast_in_dim3A_187 = arith.constant 0.000000e+00 : f32
      %broadcast_in_dim3A_188 = vector.broadcast %broadcast_in_dim3A_187 : f32 to vector<16xf32>
      %swap3A_189 = arith.index_cast %scan3A_159 : i32 to index
      %swap3A_190 = arith.constant 64 : index
      %swap3A_191 = tpu.vector_load %arg14[%swap3A_189, %swap3A_190] {strides = array<i32>} : memref<32x128xf32, #tpu.memory_space<vmem>>, vector<1x16xf32>,
      %swap3A_192 = vector.shape_cast %swap3A_191 : vector<1x16xf32> to vector<16xf32>
      %swap3A_193 = vector.shape_cast %broadcast_in_dim3A_188 : vector<16xf32> to vector<1x16xf32>
      tpu.vector_store %arg14[%swap3A_189, %swap3A_190], %swap3A_193 {strides = array<i32>} : memref<32x128xf32, #tpu.memory_space<vmem>>, vector<1x16xf32>,
      %broadcast_in_dim3A_194 = arith.constant 0.000000e+00 : f32
      %broadcast_in_dim3A_195 = vector.broadcast %broadcast_in_dim3A_194 : f32 to vector<16xf32>
      %swap3A_196 = arith.index_cast %scan3A_159 : i32 to index
      %swap3A_197 = arith.constant 80 : index
      %swap3A_198 = tpu.vector_load %arg14[%swap3A_196, %swap3A_197] {strides = array<i32>} : memref<32x128xf32, #tpu.memory_space<vmem>>, vector<1x16xf32>,
      %swap3A_199 = vector.shape_cast %swap3A_198 : vector<1x16xf32> to vector<16xf32>
      %swap3A_200 = vector.shape_cast %broadcast_in_dim3A_195 : vector<16xf32> to vector<1x16xf32>
      tpu.vector_store %arg14[%swap3A_196, %swap3A_197], %swap3A_200 {strides = array<i32>} : memref<32x128xf32, #tpu.memory_space<vmem>>, vector<1x16xf32>,
      %broadcast_in_dim3A_201 = arith.constant 0.000000e+00 : f32
      %broadcast_in_dim3A_202 = vector.broadcast %broadcast_in_dim3A_201 : f32 to vector<16xf32>
      %swap3A_203 = arith.index_cast %scan3A_159 : i32 to index
      %swap3A_204 = arith.constant 96 : index
      %swap3A_205 = tpu.vector_load %arg14[%swap3A_203, %swap3A_204] {strides = array<i32>} : memref<32x128xf32, #tpu.memory_space<vmem>>, vector<1x16xf32>,
      %swap3A_206 = vector.shape_cast %swap3A_205 : vector<1x16xf32> to vector<16xf32>
      %swap3A_207 = vector.shape_cast %broadcast_in_dim3A_202 : vector<16xf32> to vector<1x16xf32>
      tpu.vector_store %arg14[%swap3A_203, %swap3A_204], %swap3A_207 {strides = array<i32>} : memref<32x128xf32, #tpu.memory_space<vmem>>, vector<1x16xf32>,
      %broadcast_in_dim3A_208 = arith.constant 0.000000e+00 : f32
      %broadcast_in_dim3A_209 = vector.broadcast %broadcast_in_dim3A_208 : f32 to vector<16xf32>
      %swap3A_210 = arith.index_cast %scan3A_159 : i32 to index
      %swap3A_211 = arith.constant 112 : index
      %swap3A_212 = tpu.vector_load %arg14[%swap3A_210, %swap3A_211] {strides = array<i32>} : memref<32x128xf32, #tpu.memory_space<vmem>>, vector<1x16xf32>,
      %swap3A_213 = vector.shape_cast %swap3A_212 : vector<1x16xf32> to vector<16xf32>
      %swap3A_214 = vector.shape_cast %broadcast_in_dim3A_209 : vector<16xf32> to vector<1x16xf32>
      tpu.vector_store %arg14[%swap3A_210, %swap3A_211], %swap3A_214 {strides = array<i32>} : memref<32x128xf32, #tpu.memory_space<vmem>>, vector<1x16xf32>,
      %scan3A_215 = arith.constant 0 : i32
      scf.yield %scan3A_215 : i32
    }
    %scan3A_6 = arith.constant 32 : i32
    %mul3A_7 = arith.constant 640 : i32
    %mul3A_8 = arith.muli %arg1, %mul3A_7 : i32
    %add3A_9 = arith.constant 0 : i32
    %add3A_10 = arith.addi %mul3A_8, %add3A_9 : i32
    "tpu.region"() ({
      %run_scoped3A_159 = tpu.sem_alloc : memref<!tpu.dma_semaphore, #tpu.memory_space<semaphore_mem>>
      %dma_start3A = arith.constant 0 : i32
      %dma_start3A_160 = tpu.memref_slice %arg22[%add3A_10, %dma_start3A] : memref<10240x128xf32, #tpu.memory_space<vmem_shared>> -> memref<32x128xf32, #tpu.memory_space<vmem_shared>>
      %dma_start3A_161 = arith.constant 0 : i32
      %dma_start3A_162 = tpu.memref_slice %arg22[%add3A_10, %dma_start3A_161] : memref<10240x128xf32, #tpu.memory_space<vmem_shared>> -> memref<32x128xf32, #tpu.memory_space<vmem_shared>>
      tpu.enqueue_dma source(%arg14 : memref<32x128xf32, #tpu.memory_space<vmem>>) target(%dma_start3A_162 : memref<32x128xf32, #tpu.memory_space<vmem_shared>>) target_semaphore(%run_scoped3A_159 : memref<!tpu.dma_semaphore, #tpu.memory_space<semaphore_mem>>)
      %dma_wait3A_163 = arith.constant 0 : i32
      %dma_wait3A_164 = tpu.memref_slice %arg22[%add3A_10, %dma_wait3A_163] : memref<10240x128xf32, #tpu.memory_space<vmem_shared>> -> memref<32x128xf32, #tpu.memory_space<vmem_shared>>
      %dma_wait3A_165 = arith.constant 0 : i32
      %dma_wait3A_166 = tpu.memref_slice %arg22[%add3A_10, %dma_wait3A_165] : memref<10240x128xf32, #tpu.memory_space<vmem_shared>> -> memref<32x128xf32, #tpu.memory_space<vmem_shared>>
      tpu.wait_dma2 semaphore(%run_scoped3A_159 : memref<!tpu.dma_semaphore, #tpu.memory_space<semaphore_mem>>) src(%arg14 : memref<32x128xf32, #tpu.memory_space<vmem>>) dst(%dma_wait3A_166 : memref<32x128xf32, #tpu.memory_space<vmem_shared>>)
      tpu.yield
    }) : () -> ()
    %mul3A_11 = arith.constant 640 : i32
    %mul3A_12 = arith.muli %arg1, %mul3A_11 : i32
    %add3A_13 = arith.constant 32 : i32
    %add3A_14 = arith.addi %mul3A_12, %add3A_13 : i32
    "tpu.region"() ({
      %run_scoped3A_159 = tpu.sem_alloc : memref<!tpu.dma_semaphore, #tpu.memory_space<semaphore_mem>>
      %dma_start3A = arith.constant 0 : i32
      %dma_start3A_160 = tpu.memref_slice %arg22[%add3A_14, %dma_start3A] : memref<10240x128xf32, #tpu.memory_space<vmem_shared>> -> memref<32x128xf32, #tpu.memory_space<vmem_shared>>
      %dma_start3A_161 = arith.constant 0 : i32
      %dma_start3A_162 = tpu.memref_slice %arg22[%add3A_14, %dma_start3A_161] : memref<10240x128xf32, #tpu.memory_space<vmem_shared>> -> memref<32x128xf32, #tpu.memory_space<vmem_shared>>
      tpu.enqueue_dma source(%arg14 : memref<32x128xf32, #tpu.memory_space<vmem>>) target(%dma_start3A_162 : memref<32x128xf32, #tpu.memory_space<vmem_shared>>) target_semaphore(%run_scoped3A_159 : memref<!tpu.dma_semaphore, #tpu.memory_space<semaphore_mem>>)
      %dma_wait3A_163 = arith.constant 0 : i32
      %dma_wait3A_164 = tpu.memref_slice %arg22[%add3A_14, %dma_wait3A_163] : memref<10240x128xf32, #tpu.memory_space<vmem_shared>> -> memref<32x128xf32, #tpu.memory_space<vmem_shared>>
      %dma_wait3A_165 = arith.constant 0 : i32
      %dma_wait3A_166 = tpu.memref_slice %arg22[%add3A_14, %dma_wait3A_165] : memref<10240x128xf32, #tpu.memory_space<vmem_shared>> -> memref<32x128xf32, #tpu.memory_space<vmem_shared>>
      tpu.wait_dma2 semaphore(%run_scoped3A_159 : memref<!tpu.dma_semaphore, #tpu.memory_space<semaphore_mem>>) src(%arg14 : memref<32x128xf32, #tpu.memory_space<vmem>>) dst(%dma_wait3A_166 : memref<32x128xf32, #tpu.memory_space<vmem_shared>>)
      tpu.yield
    }) : () -> ()
    %mul3A_15 = arith.constant 640 : i32
    %mul3A_16 = arith.muli %arg1, %mul3A_15 : i32
    %add3A_17 = arith.constant 64 : i32
    %add3A_18 = arith.addi %mul3A_16, %add3A_17 : i32
    "tpu.region"() ({
      %run_scoped3A_159 = tpu.sem_alloc : memref<!tpu.dma_semaphore, #tpu.memory_space<semaphore_mem>>
      %dma_start3A = arith.constant 0 : i32
      %dma_start3A_160 = tpu.memref_slice %arg22[%add3A_18, %dma_start3A] : memref<10240x128xf32, #tpu.memory_space<vmem_shared>> -> memref<32x128xf32, #tpu.memory_space<vmem_shared>>
      %dma_start3A_161 = arith.constant 0 : i32
      %dma_start3A_162 = tpu.memref_slice %arg22[%add3A_18, %dma_start3A_161] : memref<10240x128xf32, #tpu.memory_space<vmem_shared>> -> memref<32x128xf32, #tpu.memory_space<vmem_shared>>
      tpu.enqueue_dma source(%arg14 : memref<32x128xf32, #tpu.memory_space<vmem>>) target(%dma_start3A_162 : memref<32x128xf32, #tpu.memory_space<vmem_shared>>) target_semaphore(%run_scoped3A_159 : memref<!tpu.dma_semaphore, #tpu.memory_space<semaphore_mem>>)
      %dma_wait3A_163 = arith.constant 0 : i32
      %dma_wait3A_164 = tpu.memref_slice %arg22[%add3A_18, %dma_wait3A_163] : memref<10240x128xf32, #tpu.memory_space<vmem_shared>> -> memref<32x128xf32, #tpu.memory_space<vmem_shared>>
      %dma_wait3A_165 = arith.constant 0 : i32
      %dma_wait3A_166 = tpu.memref_slice %arg22[%add3A_18, %dma_wait3A_165] : memref<10240x128xf32, #tpu.memory_space<vmem_shared>> -> memref<32x128xf32, #tpu.memory_space<vmem_shared>>
      tpu.wait_dma2 semaphore(%run_scoped3A_159 : memref<!tpu.dma_semaphore, #tpu.memory_space<semaphore_mem>>) src(%arg14 : memref<32x128xf32, #tpu.memory_space<vmem>>) dst(%dma_wait3A_166 : memref<32x128xf32, #tpu.memory_space<vmem_shared>>)
      tpu.yield
    }) : () -> ()
    %mul3A_19 = arith.constant 640 : i32
    %mul3A_20 = arith.muli %arg1, %mul3A_19 : i32
    %add3A_21 = arith.constant 96 : i32
    %add3A_22 = arith.addi %mul3A_20, %add3A_21 : i32
    "tpu.region"() ({
      %run_scoped3A_159 = tpu.sem_alloc : memref<!tpu.dma_semaphore, #tpu.memory_space<semaphore_mem>>
      %dma_start3A = arith.constant 0 : i32
      %dma_start3A_160 = tpu.memref_slice %arg22[%add3A_22, %dma_start3A] : memref<10240x128xf32, #tpu.memory_space<vmem_shared>> -> memref<32x128xf32, #tpu.memory_space<vmem_shared>>
      %dma_start3A_161 = arith.constant 0 : i32
      %dma_start3A_162 = tpu.memref_slice %arg22[%add3A_22, %dma_start3A_161] : memref<10240x128xf32, #tpu.memory_space<vmem_shared>> -> memref<32x128xf32, #tpu.memory_space<vmem_shared>>
      tpu.enqueue_dma source(%arg14 : memref<32x128xf32, #tpu.memory_space<vmem>>) target(%dma_start3A_162 : memref<32x128xf32, #tpu.memory_space<vmem_shared>>) target_semaphore(%run_scoped3A_159 : memref<!tpu.dma_semaphore, #tpu.memory_space<semaphore_mem>>)
      %dma_wait3A_163 = arith.constant 0 : i32
      %dma_wait3A_164 = tpu.memref_slice %arg22[%add3A_22, %dma_wait3A_163] : memref<10240x128xf32, #tpu.memory_space<vmem_shared>> -> memref<32x128xf32, #tpu.memory_space<vmem_shared>>
      %dma_wait3A_165 = arith.constant 0 : i32
      %dma_wait3A_166 = tpu.memref_slice %arg22[%add3A_22, %dma_wait3A_165] : memref<10240x128xf32, #tpu.memory_space<vmem_shared>> -> memref<32x128xf32, #tpu.memory_space<vmem_shared>>
      tpu.wait_dma2 semaphore(%run_scoped3A_159 : memref<!tpu.dma_semaphore, #tpu.memory_space<semaphore_mem>>) src(%arg14 : memref<32x128xf32, #tpu.memory_space<vmem>>) dst(%dma_wait3A_166 : memref<32x128xf32, #tpu.memory_space<vmem_shared>>)
      tpu.yield
    }) : () -> ()
    %mul3A_23 = arith.constant 640 : i32
    %mul3A_24 = arith.muli %arg1, %mul3A_23 : i32
    %add3A_25 = arith.constant 128 : i32
    %add3A_26 = arith.addi %mul3A_24, %add3A_25 : i32
    "tpu.region"() ({
      %run_scoped3A_159 = tpu.sem_alloc : memref<!tpu.dma_semaphore, #tpu.memory_space<semaphore_mem>>
      %dma_start3A = arith.constant 0 : i32
      %dma_start3A_160 = tpu.memref_slice %arg22[%add3A_26, %dma_start3A] : memref<10240x128xf32, #tpu.memory_space<vmem_shared>> -> memref<32x128xf32, #tpu.memory_space<vmem_shared>>
      %dma_start3A_161 = arith.constant 0 : i32
      %dma_start3A_162 = tpu.memref_slice %arg22[%add3A_26, %dma_start3A_161] : memref<10240x128xf32, #tpu.memory_space<vmem_shared>> -> memref<32x128xf32, #tpu.memory_space<vmem_shared>>
      tpu.enqueue_dma source(%arg14 : memref<32x128xf32, #tpu.memory_space<vmem>>) target(%dma_start3A_162 : memref<32x128xf32, #tpu.memory_space<vmem_shared>>) target_semaphore(%run_scoped3A_159 : memref<!tpu.dma_semaphore, #tpu.memory_space<semaphore_mem>>)
      %dma_wait3A_163 = arith.constant 0 : i32
      %dma_wait3A_164 = tpu.memref_slice %arg22[%add3A_26, %dma_wait3A_163] : memref<10240x128xf32, #tpu.memory_space<vmem_shared>> -> memref<32x128xf32, #tpu.memory_space<vmem_shared>>
      %dma_wait3A_165 = arith.constant 0 : i32
      %dma_wait3A_166 = tpu.memref_slice %arg22[%add3A_26, %dma_wait3A_165] : memref<10240x128xf32, #tpu.memory_space<vmem_shared>> -> memref<32x128xf32, #tpu.memory_space<vmem_shared>>
      tpu.wait_dma2 semaphore(%run_scoped3A_159 : memref<!tpu.dma_semaphore, #tpu.memory_space<semaphore_mem>>) src(%arg14 : memref<32x128xf32, #tpu.memory_space<vmem>>) dst(%dma_wait3A_166 : memref<32x128xf32, #tpu.memory_space<vmem_shared>>)
      tpu.yield
    }) : () -> ()
    %mul3A_27 = arith.constant 640 : i32
    %mul3A_28 = arith.muli %arg1, %mul3A_27 : i32
    %add3A_29 = arith.constant 160 : i32
    %add3A_30 = arith.addi %mul3A_28, %add3A_29 : i32
    "tpu.region"() ({
      %run_scoped3A_159 = tpu.sem_alloc : memref<!tpu.dma_semaphore, #tpu.memory_space<semaphore_mem>>
      %dma_start3A = arith.constant 0 : i32
      %dma_start3A_160 = tpu.memref_slice %arg22[%add3A_30, %dma_start3A] : memref<10240x128xf32, #tpu.memory_space<vmem_shared>> -> memref<32x128xf32, #tpu.memory_space<vmem_shared>>
      %dma_start3A_161 = arith.constant 0 : i32
      %dma_start3A_162 = tpu.memref_slice %arg22[%add3A_30, %dma_start3A_161] : memref<10240x128xf32, #tpu.memory_space<vmem_shared>> -> memref<32x128xf32, #tpu.memory_space<vmem_shared>>
      tpu.enqueue_dma source(%arg14 : memref<32x128xf32, #tpu.memory_space<vmem>>) target(%dma_start3A_162 : memref<32x128xf32, #tpu.memory_space<vmem_shared>>) target_semaphore(%run_scoped3A_159 : memref<!tpu.dma_semaphore, #tpu.memory_space<semaphore_mem>>)
      %dma_wait3A_163 = arith.constant 0 : i32
      %dma_wait3A_164 = tpu.memref_slice %arg22[%add3A_30, %dma_wait3A_163] : memref<10240x128xf32, #tpu.memory_space<vmem_shared>> -> memref<32x128xf32, #tpu.memory_space<vmem_shared>>
      %dma_wait3A_165 = arith.constant 0 : i32
      %dma_wait3A_166 = tpu.memref_slice %arg22[%add3A_30, %dma_wait3A_165] : memref<10240x128xf32, #tpu.memory_space<vmem_shared>> -> memref<32x128xf32, #tpu.memory_space<vmem_shared>>
      tpu.wait_dma2 semaphore(%run_scoped3A_159 : memref<!tpu.dma_semaphore, #tpu.memory_space<semaphore_mem>>) src(%arg14 : memref<32x128xf32, #tpu.memory_space<vmem>>) dst(%dma_wait3A_166 : memref<32x128xf32, #tpu.memory_space<vmem_shared>>)
      tpu.yield
    }) : () -> ()
    %mul3A_31 = arith.constant 640 : i32
    %mul3A_32 = arith.muli %arg1, %mul3A_31 : i32
    %add3A_33 = arith.constant 192 : i32
    %add3A_34 = arith.addi %mul3A_32, %add3A_33 : i32
    "tpu.region"() ({
      %run_scoped3A_159 = tpu.sem_alloc : memref<!tpu.dma_semaphore, #tpu.memory_space<semaphore_mem>>
      %dma_start3A = arith.constant 0 : i32
      %dma_start3A_160 = tpu.memref_slice %arg22[%add3A_34, %dma_start3A] : memref<10240x128xf32, #tpu.memory_space<vmem_shared>> -> memref<32x128xf32, #tpu.memory_space<vmem_shared>>
      %dma_start3A_161 = arith.constant 0 : i32
      %dma_start3A_162 = tpu.memref_slice %arg22[%add3A_34, %dma_start3A_161] : memref<10240x128xf32, #tpu.memory_space<vmem_shared>> -> memref<32x128xf32, #tpu.memory_space<vmem_shared>>
      tpu.enqueue_dma source(%arg14 : memref<32x128xf32, #tpu.memory_space<vmem>>) target(%dma_start3A_162 : memref<32x128xf32, #tpu.memory_space<vmem_shared>>) target_semaphore(%run_scoped3A_159 : memref<!tpu.dma_semaphore, #tpu.memory_space<semaphore_mem>>)
      %dma_wait3A_163 = arith.constant 0 : i32
      %dma_wait3A_164 = tpu.memref_slice %arg22[%add3A_34, %dma_wait3A_163] : memref<10240x128xf32, #tpu.memory_space<vmem_shared>> -> memref<32x128xf32, #tpu.memory_space<vmem_shared>>
      %dma_wait3A_165 = arith.constant 0 : i32
      %dma_wait3A_166 = tpu.memref_slice %arg22[%add3A_34, %dma_wait3A_165] : memref<10240x128xf32, #tpu.memory_space<vmem_shared>> -> memref<32x128xf32, #tpu.memory_space<vmem_shared>>
      tpu.wait_dma2 semaphore(%run_scoped3A_159 : memref<!tpu.dma_semaphore, #tpu.memory_space<semaphore_mem>>) src(%arg14 : memref<32x128xf32, #tpu.memory_space<vmem>>) dst(%dma_wait3A_166 : memref<32x128xf32, #tpu.memory_space<vmem_shared>>)
      tpu.yield
    }) : () -> ()
    %mul3A_35 = arith.constant 640 : i32
    %mul3A_36 = arith.muli %arg1, %mul3A_35 : i32
    %add3A_37 = arith.constant 224 : i32
    %add3A_38 = arith.addi %mul3A_36, %add3A_37 : i32
    "tpu.region"() ({
      %run_scoped3A_159 = tpu.sem_alloc : memref<!tpu.dma_semaphore, #tpu.memory_space<semaphore_mem>>
      %dma_start3A = arith.constant 0 : i32
      %dma_start3A_160 = tpu.memref_slice %arg22[%add3A_38, %dma_start3A] : memref<10240x128xf32, #tpu.memory_space<vmem_shared>> -> memref<32x128xf32, #tpu.memory_space<vmem_shared>>
      %dma_start3A_161 = arith.constant 0 : i32
      %dma_start3A_162 = tpu.memref_slice %arg22[%add3A_38, %dma_start3A_161] : memref<10240x128xf32, #tpu.memory_space<vmem_shared>> -> memref<32x128xf32, #tpu.memory_space<vmem_shared>>
      tpu.enqueue_dma source(%arg14 : memref<32x128xf32, #tpu.memory_space<vmem>>) target(%dma_start3A_162 : memref<32x128xf32, #tpu.memory_space<vmem_shared>>) target_semaphore(%run_scoped3A_159 : memref<!tpu.dma_semaphore, #tpu.memory_space<semaphore_mem>>)
      %dma_wait3A_163 = arith.constant 0 : i32
      %dma_wait3A_164 = tpu.memref_slice %arg22[%add3A_38, %dma_wait3A_163] : memref<10240x128xf32, #tpu.memory_space<vmem_shared>> -> memref<32x128xf32, #tpu.memory_space<vmem_shared>>
      %dma_wait3A_165 = arith.constant 0 : i32
      %dma_wait3A_166 = tpu.memref_slice %arg22[%add3A_38, %dma_wait3A_165] : memref<10240x128xf32, #tpu.memory_space<vmem_shared>> -> memref<32x128xf32, #tpu.memory_space<vmem_shared>>
      tpu.wait_dma2 semaphore(%run_scoped3A_159 : memref<!tpu.dma_semaphore, #tpu.memory_space<semaphore_mem>>) src(%arg14 : memref<32x128xf32, #tpu.memory_space<vmem>>) dst(%dma_wait3A_166 : memref<32x128xf32, #tpu.memory_space<vmem_shared>>)
      tpu.yield
    }) : () -> ()
    %mul3A_39 = arith.constant 640 : i32
    %mul3A_40 = arith.muli %arg1, %mul3A_39 : i32
    %add3A_41 = arith.constant 256 : i32
    %add3A_42 = arith.addi %mul3A_40, %add3A_41 : i32
    "tpu.region"() ({
      %run_scoped3A_159 = tpu.sem_alloc : memref<!tpu.dma_semaphore, #tpu.memory_space<semaphore_mem>>
      %dma_start3A = arith.constant 0 : i32
      %dma_start3A_160 = tpu.memref_slice %arg22[%add3A_42, %dma_start3A] : memref<10240x128xf32, #tpu.memory_space<vmem_shared>> -> memref<32x128xf32, #tpu.memory_space<vmem_shared>>
      %dma_start3A_161 = arith.constant 0 : i32
      %dma_start3A_162 = tpu.memref_slice %arg22[%add3A_42, %dma_start3A_161] : memref<10240x128xf32, #tpu.memory_space<vmem_shared>> -> memref<32x128xf32, #tpu.memory_space<vmem_shared>>
      tpu.enqueue_dma source(%arg14 : memref<32x128xf32, #tpu.memory_space<vmem>>) target(%dma_start3A_162 : memref<32x128xf32, #tpu.memory_space<vmem_shared>>) target_semaphore(%run_scoped3A_159 : memref<!tpu.dma_semaphore, #tpu.memory_space<semaphore_mem>>)
      %dma_wait3A_163 = arith.constant 0 : i32
      %dma_wait3A_164 = tpu.memref_slice %arg22[%add3A_42, %dma_wait3A_163] : memref<10240x128xf32, #tpu.memory_space<vmem_shared>> -> memref<32x128xf32, #tpu.memory_space<vmem_shared>>
      %dma_wait3A_165 = arith.constant 0 : i32
      %dma_wait3A_166 = tpu.memref_slice %arg22[%add3A_42, %dma_wait3A_165] : memref<10240x128xf32, #tpu.memory_space<vmem_shared>> -> memref<32x128xf32, #tpu.memory_space<vmem_shared>>
      tpu.wait_dma2 semaphore(%run_scoped3A_159 : memref<!tpu.dma_semaphore, #tpu.memory_space<semaphore_mem>>) src(%arg14 : memref<32x128xf32, #tpu.memory_space<vmem>>) dst(%dma_wait3A_166 : memref<32x128xf32, #tpu.memory_space<vmem_shared>>)
      tpu.yield
    }) : () -> ()
    %mul3A_43 = arith.constant 640 : i32
    %mul3A_44 = arith.muli %arg1, %mul3A_43 : i32
    %add3A_45 = arith.constant 288 : i32
    %add3A_46 = arith.addi %mul3A_44, %add3A_45 : i32
    "tpu.region"() ({
      %run_scoped3A_159 = tpu.sem_alloc : memref<!tpu.dma_semaphore, #tpu.memory_space<semaphore_mem>>
      %dma_start3A = arith.constant 0 : i32
      %dma_start3A_160 = tpu.memref_slice %arg22[%add3A_46, %dma_start3A] : memref<10240x128xf32, #tpu.memory_space<vmem_shared>> -> memref<32x128xf32, #tpu.memory_space<vmem_shared>>
      %dma_start3A_161 = arith.constant 0 : i32
      %dma_start3A_162 = tpu.memref_slice %arg22[%add3A_46, %dma_start3A_161] : memref<10240x128xf32, #tpu.memory_space<vmem_shared>> -> memref<32x128xf32, #tpu.memory_space<vmem_shared>>
      tpu.enqueue_dma source(%arg14 : memref<32x128xf32, #tpu.memory_space<vmem>>) target(%dma_start3A_162 : memref<32x128xf32, #tpu.memory_space<vmem_shared>>) target_semaphore(%run_scoped3A_159 : memref<!tpu.dma_semaphore, #tpu.memory_space<semaphore_mem>>)
      %dma_wait3A_163 = arith.constant 0 : i32
      %dma_wait3A_164 = tpu.memref_slice %arg22[%add3A_46, %dma_wait3A_163] : memref<10240x128xf32, #tpu.memory_space<vmem_shared>> -> memref<32x128xf32, #tpu.memory_space<vmem_shared>>
      %dma_wait3A_165 = arith.constant 0 : i32
      %dma_wait3A_166 = tpu.memref_slice %arg22[%add3A_46, %dma_wait3A_165] : memref<10240x128xf32, #tpu.memory_space<vmem_shared>> -> memref<32x128xf32, #tpu.memory_space<vmem_shared>>
      tpu.wait_dma2 semaphore(%run_scoped3A_159 : memref<!tpu.dma_semaphore, #tpu.memory_space<semaphore_mem>>) src(%arg14 : memref<32x128xf32, #tpu.memory_space<vmem>>) dst(%dma_wait3A_166 : memref<32x128xf32, #tpu.memory_space<vmem_shared>>)
      tpu.yield
    }) : () -> ()
    %mul3A_47 = arith.constant 640 : i32
    %mul3A_48 = arith.muli %arg1, %mul3A_47 : i32
    %add3A_49 = arith.constant 320 : i32
    %add3A_50 = arith.addi %mul3A_48, %add3A_49 : i32
    "tpu.region"() ({
      %run_scoped3A_159 = tpu.sem_alloc : memref<!tpu.dma_semaphore, #tpu.memory_space<semaphore_mem>>
      %dma_start3A = arith.constant 0 : i32
      %dma_start3A_160 = tpu.memref_slice %arg22[%add3A_50, %dma_start3A] : memref<10240x128xf32, #tpu.memory_space<vmem_shared>> -> memref<32x128xf32, #tpu.memory_space<vmem_shared>>
      %dma_start3A_161 = arith.constant 0 : i32
      %dma_start3A_162 = tpu.memref_slice %arg22[%add3A_50, %dma_start3A_161] : memref<10240x128xf32, #tpu.memory_space<vmem_shared>> -> memref<32x128xf32, #tpu.memory_space<vmem_shared>>
      tpu.enqueue_dma source(%arg14 : memref<32x128xf32, #tpu.memory_space<vmem>>) target(%dma_start3A_162 : memref<32x128xf32, #tpu.memory_space<vmem_shared>>) target_semaphore(%run_scoped3A_159 : memref<!tpu.dma_semaphore, #tpu.memory_space<semaphore_mem>>)
      %dma_wait3A_163 = arith.constant 0 : i32
      %dma_wait3A_164 = tpu.memref_slice %arg22[%add3A_50, %dma_wait3A_163] : memref<10240x128xf32, #tpu.memory_space<vmem_shared>> -> memref<32x128xf32, #tpu.memory_space<vmem_shared>>
      %dma_wait3A_165 = arith.constant 0 : i32
      %dma_wait3A_166 = tpu.memref_slice %arg22[%add3A_50, %dma_wait3A_165] : memref<10240x128xf32, #tpu.memory_space<vmem_shared>> -> memref<32x128xf32, #tpu.memory_space<vmem_shared>>
      tpu.wait_dma2 semaphore(%run_scoped3A_159 : memref<!tpu.dma_semaphore, #tpu.memory_space<semaphore_mem>>) src(%arg14 : memref<32x128xf32, #tpu.memory_space<vmem>>) dst(%dma_wait3A_166 : memref<32x128xf32, #tpu.memory_space<vmem_shared>>)
      tpu.yield
    }) : () -> ()
    %mul3A_51 = arith.constant 640 : i32
    %mul3A_52 = arith.muli %arg1, %mul3A_51 : i32
    %add3A_53 = arith.constant 352 : i32
    %add3A_54 = arith.addi %mul3A_52, %add3A_53 : i32
    "tpu.region"() ({
      %run_scoped3A_159 = tpu.sem_alloc : memref<!tpu.dma_semaphore, #tpu.memory_space<semaphore_mem>>
      %dma_start3A = arith.constant 0 : i32
      %dma_start3A_160 = tpu.memref_slice %arg22[%add3A_54, %dma_start3A] : memref<10240x128xf32, #tpu.memory_space<vmem_shared>> -> memref<32x128xf32, #tpu.memory_space<vmem_shared>>
      %dma_start3A_161 = arith.constant 0 : i32
      %dma_start3A_162 = tpu.memref_slice %arg22[%add3A_54, %dma_start3A_161] : memref<10240x128xf32, #tpu.memory_space<vmem_shared>> -> memref<32x128xf32, #tpu.memory_space<vmem_shared>>
      tpu.enqueue_dma source(%arg14 : memref<32x128xf32, #tpu.memory_space<vmem>>) target(%dma_start3A_162 : memref<32x128xf32, #tpu.memory_space<vmem_shared>>) target_semaphore(%run_scoped3A_159 : memref<!tpu.dma_semaphore, #tpu.memory_space<semaphore_mem>>)
      %dma_wait3A_163 = arith.constant 0 : i32
      %dma_wait3A_164 = tpu.memref_slice %arg22[%add3A_54, %dma_wait3A_163] : memref<10240x128xf32, #tpu.memory_space<vmem_shared>> -> memref<32x128xf32, #tpu.memory_space<vmem_shared>>
      %dma_wait3A_165 = arith.constant 0 : i32
      %dma_wait3A_166 = tpu.memref_slice %arg22[%add3A_54, %dma_wait3A_165] : memref<10240x128xf32, #tpu.memory_space<vmem_shared>> -> memref<32x128xf32, #tpu.memory_space<vmem_shared>>
      tpu.wait_dma2 semaphore(%run_scoped3A_159 : memref<!tpu.dma_semaphore, #tpu.memory_space<semaphore_mem>>) src(%arg14 : memref<32x128xf32, #tpu.memory_space<vmem>>) dst(%dma_wait3A_166 : memref<32x128xf32, #tpu.memory_space<vmem_shared>>)
      tpu.yield
    }) : () -> ()
    %mul3A_55 = arith.constant 640 : i32
    %mul3A_56 = arith.muli %arg1, %mul3A_55 : i32
    %add3A_57 = arith.constant 384 : i32
    %add3A_58 = arith.addi %mul3A_56, %add3A_57 : i32
    "tpu.region"() ({
      %run_scoped3A_159 = tpu.sem_alloc : memref<!tpu.dma_semaphore, #tpu.memory_space<semaphore_mem>>
      %dma_start3A = arith.constant 0 : i32
      %dma_start3A_160 = tpu.memref_slice %arg22[%add3A_58, %dma_start3A] : memref<10240x128xf32, #tpu.memory_space<vmem_shared>> -> memref<32x128xf32, #tpu.memory_space<vmem_shared>>
      %dma_start3A_161 = arith.constant 0 : i32
      %dma_start3A_162 = tpu.memref_slice %arg22[%add3A_58, %dma_start3A_161] : memref<10240x128xf32, #tpu.memory_space<vmem_shared>> -> memref<32x128xf32, #tpu.memory_space<vmem_shared>>
      tpu.enqueue_dma source(%arg14 : memref<32x128xf32, #tpu.memory_space<vmem>>) target(%dma_start3A_162 : memref<32x128xf32, #tpu.memory_space<vmem_shared>>) target_semaphore(%run_scoped3A_159 : memref<!tpu.dma_semaphore, #tpu.memory_space<semaphore_mem>>)
      %dma_wait3A_163 = arith.constant 0 : i32
      %dma_wait3A_164 = tpu.memref_slice %arg22[%add3A_58, %dma_wait3A_163] : memref<10240x128xf32, #tpu.memory_space<vmem_shared>> -> memref<32x128xf32, #tpu.memory_space<vmem_shared>>
      %dma_wait3A_165 = arith.constant 0 : i32
      %dma_wait3A_166 = tpu.memref_slice %arg22[%add3A_58, %dma_wait3A_165] : memref<10240x128xf32, #tpu.memory_space<vmem_shared>> -> memref<32x128xf32, #tpu.memory_space<vmem_shared>>
      tpu.wait_dma2 semaphore(%run_scoped3A_159 : memref<!tpu.dma_semaphore, #tpu.memory_space<semaphore_mem>>) src(%arg14 : memref<32x128xf32, #tpu.memory_space<vmem>>) dst(%dma_wait3A_166 : memref<32x128xf32, #tpu.memory_space<vmem_shared>>)
      tpu.yield
    }) : () -> ()
    %mul3A_59 = arith.constant 640 : i32
    %mul3A_60 = arith.muli %arg1, %mul3A_59 : i32
    %add3A_61 = arith.constant 416 : i32
    %add3A_62 = arith.addi %mul3A_60, %add3A_61 : i32
    "tpu.region"() ({
      %run_scoped3A_159 = tpu.sem_alloc : memref<!tpu.dma_semaphore, #tpu.memory_space<semaphore_mem>>
      %dma_start3A = arith.constant 0 : i32
      %dma_start3A_160 = tpu.memref_slice %arg22[%add3A_62, %dma_start3A] : memref<10240x128xf32, #tpu.memory_space<vmem_shared>> -> memref<32x128xf32, #tpu.memory_space<vmem_shared>>
      %dma_start3A_161 = arith.constant 0 : i32
      %dma_start3A_162 = tpu.memref_slice %arg22[%add3A_62, %dma_start3A_161] : memref<10240x128xf32, #tpu.memory_space<vmem_shared>> -> memref<32x128xf32, #tpu.memory_space<vmem_shared>>
      tpu.enqueue_dma source(%arg14 : memref<32x128xf32, #tpu.memory_space<vmem>>) target(%dma_start3A_162 : memref<32x128xf32, #tpu.memory_space<vmem_shared>>) target_semaphore(%run_scoped3A_159 : memref<!tpu.dma_semaphore, #tpu.memory_space<semaphore_mem>>)
      %dma_wait3A_163 = arith.constant 0 : i32
      %dma_wait3A_164 = tpu.memref_slice %arg22[%add3A_62, %dma_wait3A_163] : memref<10240x128xf32, #tpu.memory_space<vmem_shared>> -> memref<32x128xf32, #tpu.memory_space<vmem_shared>>
      %dma_wait3A_165 = arith.constant 0 : i32
      %dma_wait3A_166 = tpu.memref_slice %arg22[%add3A_62, %dma_wait3A_165] : memref<10240x128xf32, #tpu.memory_space<vmem_shared>> -> memref<32x128xf32, #tpu.memory_space<vmem_shared>>
      tpu.wait_dma2 semaphore(%run_scoped3A_159 : memref<!tpu.dma_semaphore, #tpu.memory_space<semaphore_mem>>) src(%arg14 : memref<32x128xf32, #tpu.memory_space<vmem>>) dst(%dma_wait3A_166 : memref<32x128xf32, #tpu.memory_space<vmem_shared>>)
      tpu.yield
    }) : () -> ()
    %mul3A_63 = arith.constant 640 : i32
    %mul3A_64 = arith.muli %arg1, %mul3A_63 : i32
    %add3A_65 = arith.constant 448 : i32
    %add3A_66 = arith.addi %mul3A_64, %add3A_65 : i32
    "tpu.region"() ({
      %run_scoped3A_159 = tpu.sem_alloc : memref<!tpu.dma_semaphore, #tpu.memory_space<semaphore_mem>>
      %dma_start3A = arith.constant 0 : i32
      %dma_start3A_160 = tpu.memref_slice %arg22[%add3A_66, %dma_start3A] : memref<10240x128xf32, #tpu.memory_space<vmem_shared>> -> memref<32x128xf32, #tpu.memory_space<vmem_shared>>
      %dma_start3A_161 = arith.constant 0 : i32
      %dma_start3A_162 = tpu.memref_slice %arg22[%add3A_66, %dma_start3A_161] : memref<10240x128xf32, #tpu.memory_space<vmem_shared>> -> memref<32x128xf32, #tpu.memory_space<vmem_shared>>
      tpu.enqueue_dma source(%arg14 : memref<32x128xf32, #tpu.memory_space<vmem>>) target(%dma_start3A_162 : memref<32x128xf32, #tpu.memory_space<vmem_shared>>) target_semaphore(%run_scoped3A_159 : memref<!tpu.dma_semaphore, #tpu.memory_space<semaphore_mem>>)
      %dma_wait3A_163 = arith.constant 0 : i32
      %dma_wait3A_164 = tpu.memref_slice %arg22[%add3A_66, %dma_wait3A_163] : memref<10240x128xf32, #tpu.memory_space<vmem_shared>> -> memref<32x128xf32, #tpu.memory_space<vmem_shared>>
      %dma_wait3A_165 = arith.constant 0 : i32
      %dma_wait3A_166 = tpu.memref_slice %arg22[%add3A_66, %dma_wait3A_165] : memref<10240x128xf32, #tpu.memory_space<vmem_shared>> -> memref<32x128xf32, #tpu.memory_space<vmem_shared>>
      tpu.wait_dma2 semaphore(%run_scoped3A_159 : memref<!tpu.dma_semaphore, #tpu.memory_space<semaphore_mem>>) src(%arg14 : memref<32x128xf32, #tpu.memory_space<vmem>>) dst(%dma_wait3A_166 : memref<32x128xf32, #tpu.memory_space<vmem_shared>>)
      tpu.yield
    }) : () -> ()
    %mul3A_67 = arith.constant 640 : i32
    %mul3A_68 = arith.muli %arg1, %mul3A_67 : i32
    %add3A_69 = arith.constant 480 : i32
    %add3A_70 = arith.addi %mul3A_68, %add3A_69 : i32
    "tpu.region"() ({
      %run_scoped3A_159 = tpu.sem_alloc : memref<!tpu.dma_semaphore, #tpu.memory_space<semaphore_mem>>
      %dma_start3A = arith.constant 0 : i32
      %dma_start3A_160 = tpu.memref_slice %arg22[%add3A_70, %dma_start3A] : memref<10240x128xf32, #tpu.memory_space<vmem_shared>> -> memref<32x128xf32, #tpu.memory_space<vmem_shared>>
      %dma_start3A_161 = arith.constant 0 : i32
      %dma_start3A_162 = tpu.memref_slice %arg22[%add3A_70, %dma_start3A_161] : memref<10240x128xf32, #tpu.memory_space<vmem_shared>> -> memref<32x128xf32, #tpu.memory_space<vmem_shared>>
      tpu.enqueue_dma source(%arg14 : memref<32x128xf32, #tpu.memory_space<vmem>>) target(%dma_start3A_162 : memref<32x128xf32, #tpu.memory_space<vmem_shared>>) target_semaphore(%run_scoped3A_159 : memref<!tpu.dma_semaphore, #tpu.memory_space<semaphore_mem>>)
      %dma_wait3A_163 = arith.constant 0 : i32
      %dma_wait3A_164 = tpu.memref_slice %arg22[%add3A_70, %dma_wait3A_163] : memref<10240x128xf32, #tpu.memory_space<vmem_shared>> -> memref<32x128xf32, #tpu.memory_space<vmem_shared>>
      %dma_wait3A_165 = arith.constant 0 : i32
      %dma_wait3A_166 = tpu.memref_slice %arg22[%add3A_70, %dma_wait3A_165] : memref<10240x128xf32, #tpu.memory_space<vmem_shared>> -> memref<32x128xf32, #tpu.memory_space<vmem_shared>>
      tpu.wait_dma2 semaphore(%run_scoped3A_159 : memref<!tpu.dma_semaphore, #tpu.memory_space<semaphore_mem>>) src(%arg14 : memref<32x128xf32, #tpu.memory_space<vmem>>) dst(%dma_wait3A_166 : memref<32x128xf32, #tpu.memory_space<vmem_shared>>)
      tpu.yield
    }) : () -> ()
    %mul3A_71 = arith.constant 640 : i32
    %mul3A_72 = arith.muli %arg1, %mul3A_71 : i32
    %add3A_73 = arith.constant 512 : i32
    %add3A_74 = arith.addi %mul3A_72, %add3A_73 : i32
    "tpu.region"() ({
      %run_scoped3A_159 = tpu.sem_alloc : memref<!tpu.dma_semaphore, #tpu.memory_space<semaphore_mem>>
      %dma_start3A = arith.constant 0 : i32
      %dma_start3A_160 = tpu.memref_slice %arg22[%add3A_74, %dma_start3A] : memref<10240x128xf32, #tpu.memory_space<vmem_shared>> -> memref<32x128xf32, #tpu.memory_space<vmem_shared>>
      %dma_start3A_161 = arith.constant 0 : i32
      %dma_start3A_162 = tpu.memref_slice %arg22[%add3A_74, %dma_start3A_161] : memref<10240x128xf32, #tpu.memory_space<vmem_shared>> -> memref<32x128xf32, #tpu.memory_space<vmem_shared>>
      tpu.enqueue_dma source(%arg14 : memref<32x128xf32, #tpu.memory_space<vmem>>) target(%dma_start3A_162 : memref<32x128xf32, #tpu.memory_space<vmem_shared>>) target_semaphore(%run_scoped3A_159 : memref<!tpu.dma_semaphore, #tpu.memory_space<semaphore_mem>>)
      %dma_wait3A_163 = arith.constant 0 : i32
      %dma_wait3A_164 = tpu.memref_slice %arg22[%add3A_74, %dma_wait3A_163] : memref<10240x128xf32, #tpu.memory_space<vmem_shared>> -> memref<32x128xf32, #tpu.memory_space<vmem_shared>>
      %dma_wait3A_165 = arith.constant 0 : i32
      %dma_wait3A_166 = tpu.memref_slice %arg22[%add3A_74, %dma_wait3A_165] : memref<10240x128xf32, #tpu.memory_space<vmem_shared>> -> memref<32x128xf32, #tpu.memory_space<vmem_shared>>
      tpu.wait_dma2 semaphore(%run_scoped3A_159 : memref<!tpu.dma_semaphore, #tpu.memory_space<semaphore_mem>>) src(%arg14 : memref<32x128xf32, #tpu.memory_space<vmem>>) dst(%dma_wait3A_166 : memref<32x128xf32, #tpu.memory_space<vmem_shared>>)
      tpu.yield
    }) : () -> ()
    %mul3A_75 = arith.constant 640 : i32
    %mul3A_76 = arith.muli %arg1, %mul3A_75 : i32
    %add3A_77 = arith.constant 544 : i32
    %add3A_78 = arith.addi %mul3A_76, %add3A_77 : i32
    "tpu.region"() ({
      %run_scoped3A_159 = tpu.sem_alloc : memref<!tpu.dma_semaphore, #tpu.memory_space<semaphore_mem>>
      %dma_start3A = arith.constant 0 : i32
      %dma_start3A_160 = tpu.memref_slice %arg22[%add3A_78, %dma_start3A] : memref<10240x128xf32, #tpu.memory_space<vmem_shared>> -> memref<32x128xf32, #tpu.memory_space<vmem_shared>>
      %dma_start3A_161 = arith.constant 0 : i32
      %dma_start3A_162 = tpu.memref_slice %arg22[%add3A_78, %dma_start3A_161] : memref<10240x128xf32, #tpu.memory_space<vmem_shared>> -> memref<32x128xf32, #tpu.memory_space<vmem_shared>>
      tpu.enqueue_dma source(%arg14 : memref<32x128xf32, #tpu.memory_space<vmem>>) target(%dma_start3A_162 : memref<32x128xf32, #tpu.memory_space<vmem_shared>>) target_semaphore(%run_scoped3A_159 : memref<!tpu.dma_semaphore, #tpu.memory_space<semaphore_mem>>)
      %dma_wait3A_163 = arith.constant 0 : i32
      %dma_wait3A_164 = tpu.memref_slice %arg22[%add3A_78, %dma_wait3A_163] : memref<10240x128xf32, #tpu.memory_space<vmem_shared>> -> memref<32x128xf32, #tpu.memory_space<vmem_shared>>
      %dma_wait3A_165 = arith.constant 0 : i32
      %dma_wait3A_166 = tpu.memref_slice %arg22[%add3A_78, %dma_wait3A_165] : memref<10240x128xf32, #tpu.memory_space<vmem_shared>> -> memref<32x128xf32, #tpu.memory_space<vmem_shared>>
      tpu.wait_dma2 semaphore(%run_scoped3A_159 : memref<!tpu.dma_semaphore, #tpu.memory_space<semaphore_mem>>) src(%arg14 : memref<32x128xf32, #tpu.memory_space<vmem>>) dst(%dma_wait3A_166 : memref<32x128xf32, #tpu.memory_space<vmem_shared>>)
      tpu.yield
    }) : () -> ()
    %mul3A_79 = arith.constant 640 : i32
    %mul3A_80 = arith.muli %arg1, %mul3A_79 : i32
    %add3A_81 = arith.constant 576 : i32
    %add3A_82 = arith.addi %mul3A_80, %add3A_81 : i32
    "tpu.region"() ({
      %run_scoped3A_159 = tpu.sem_alloc : memref<!tpu.dma_semaphore, #tpu.memory_space<semaphore_mem>>
      %dma_start3A = arith.constant 0 : i32
      %dma_start3A_160 = tpu.memref_slice %arg22[%add3A_82, %dma_start3A] : memref<10240x128xf32, #tpu.memory_space<vmem_shared>> -> memref<32x128xf32, #tpu.memory_space<vmem_shared>>
      %dma_start3A_161 = arith.constant 0 : i32
      %dma_start3A_162 = tpu.memref_slice %arg22[%add3A_82, %dma_start3A_161] : memref<10240x128xf32, #tpu.memory_space<vmem_shared>> -> memref<32x128xf32, #tpu.memory_space<vmem_shared>>
      tpu.enqueue_dma source(%arg14 : memref<32x128xf32, #tpu.memory_space<vmem>>) target(%dma_start3A_162 : memref<32x128xf32, #tpu.memory_space<vmem_shared>>) target_semaphore(%run_scoped3A_159 : memref<!tpu.dma_semaphore, #tpu.memory_space<semaphore_mem>>)
      %dma_wait3A_163 = arith.constant 0 : i32
      %dma_wait3A_164 = tpu.memref_slice %arg22[%add3A_82, %dma_wait3A_163] : memref<10240x128xf32, #tpu.memory_space<vmem_shared>> -> memref<32x128xf32, #tpu.memory_space<vmem_shared>>
      %dma_wait3A_165 = arith.constant 0 : i32
      %dma_wait3A_166 = tpu.memref_slice %arg22[%add3A_82, %dma_wait3A_165] : memref<10240x128xf32, #tpu.memory_space<vmem_shared>> -> memref<32x128xf32, #tpu.memory_space<vmem_shared>>
      tpu.wait_dma2 semaphore(%run_scoped3A_159 : memref<!tpu.dma_semaphore, #tpu.memory_space<semaphore_mem>>) src(%arg14 : memref<32x128xf32, #tpu.memory_space<vmem>>) dst(%dma_wait3A_166 : memref<32x128xf32, #tpu.memory_space<vmem_shared>>)
      tpu.yield
    }) : () -> ()
    %mul3A_83 = arith.constant 640 : i32
    %mul3A_84 = arith.muli %arg1, %mul3A_83 : i32
    %add3A_85 = arith.constant 608 : i32
    %add3A_86 = arith.addi %mul3A_84, %add3A_85 : i32
    "tpu.region"() ({
      %run_scoped3A_159 = tpu.sem_alloc : memref<!tpu.dma_semaphore, #tpu.memory_space<semaphore_mem>>
      %dma_start3A = arith.constant 0 : i32
      %dma_start3A_160 = tpu.memref_slice %arg22[%add3A_86, %dma_start3A] : memref<10240x128xf32, #tpu.memory_space<vmem_shared>> -> memref<32x128xf32, #tpu.memory_space<vmem_shared>>
      %dma_start3A_161 = arith.constant 0 : i32
      %dma_start3A_162 = tpu.memref_slice %arg22[%add3A_86, %dma_start3A_161] : memref<10240x128xf32, #tpu.memory_space<vmem_shared>> -> memref<32x128xf32, #tpu.memory_space<vmem_shared>>
      tpu.enqueue_dma source(%arg14 : memref<32x128xf32, #tpu.memory_space<vmem>>) target(%dma_start3A_162 : memref<32x128xf32, #tpu.memory_space<vmem_shared>>) target_semaphore(%run_scoped3A_159 : memref<!tpu.dma_semaphore, #tpu.memory_space<semaphore_mem>>)
      %dma_wait3A_163 = arith.constant 0 : i32
      %dma_wait3A_164 = tpu.memref_slice %arg22[%add3A_86, %dma_wait3A_163] : memref<10240x128xf32, #tpu.memory_space<vmem_shared>> -> memref<32x128xf32, #tpu.memory_space<vmem_shared>>
      %dma_wait3A_165 = arith.constant 0 : i32
      %dma_wait3A_166 = tpu.memref_slice %arg22[%add3A_86, %dma_wait3A_165] : memref<10240x128xf32, #tpu.memory_space<vmem_shared>> -> memref<32x128xf32, #tpu.memory_space<vmem_shared>>
      tpu.wait_dma2 semaphore(%run_scoped3A_159 : memref<!tpu.dma_semaphore, #tpu.memory_space<semaphore_mem>>) src(%arg14 : memref<32x128xf32, #tpu.memory_space<vmem>>) dst(%dma_wait3A_166 : memref<32x128xf32, #tpu.memory_space<vmem_shared>>)
      tpu.yield
    }) : () -> ()
    %barrier3A = arith.constant 0 : index
    tpu.barrier barrier_id(%barrier3A)
    %mul3A_87 = arith.constant 10240 : i32
    %mul3A_88 = arith.muli %add3A, %mul3A_87 : i32
    %eq3A = arith.constant 31 : i32
    %eq3A_89 = arith.cmpi eq, %add3A, %eq3A : i32
    %jit3A = arith.constant 309760 : i32
    %select_n3A = arith.select %eq3A_89, %jit3A, %mul3A_88 : i32
    %run_scoped3A = arith.constant 0 : i32
    "tpu.region"() ({
      %run_scoped3A_159 = tpu.sem_alloc : memref<!tpu.dma_semaphore, #tpu.memory_space<semaphore_mem>>
      %dma_start3A = tpu.memref_slice %arg3[%run_scoped3A, %select_n3A] : memref<2x320000xi32, #tpu.memory_space<hbm>> -> memref<1x10240xi32, #tpu.memory_space<hbm>>
      %dma_start3A_160 = tpu.memref_squeeze %dma_start3A : memref<1x10240xi32, #tpu.memory_space<hbm>> -> memref<10240xi32, #tpu.memory_space<hbm>>
      %dma_start3A_161 = tpu.memref_slice %arg3[%run_scoped3A, %select_n3A] : memref<2x320000xi32, #tpu.memory_space<hbm>> -> memref<1x10240xi32, #tpu.memory_space<hbm>>
      %dma_start3A_162 = tpu.memref_squeeze %dma_start3A_161 : memref<1x10240xi32, #tpu.memory_space<hbm>> -> memref<10240xi32, #tpu.memory_space<hbm>>
      tpu.enqueue_dma source(%dma_start3A_162 : memref<10240xi32, #tpu.memory_space<hbm>>) target(%arg5 : memref<10240xi32, #tpu.memory_space<vmem>>) target_semaphore(%run_scoped3A_159 : memref<!tpu.dma_semaphore, #tpu.memory_space<semaphore_mem>>)
      %dma_wait3A_163 = tpu.memref_slice %arg3[%run_scoped3A, %select_n3A] : memref<2x320000xi32, #tpu.memory_space<hbm>> -> memref<1x10240xi32, #tpu.memory_space<hbm>>
      %dma_wait3A_164 = tpu.memref_squeeze %dma_wait3A_163 : memref<1x10240xi32, #tpu.memory_space<hbm>> -> memref<10240xi32, #tpu.memory_space<hbm>>
      %dma_wait3A_165 = tpu.memref_slice %arg3[%run_scoped3A, %select_n3A] : memref<2x320000xi32, #tpu.memory_space<hbm>> -> memref<1x10240xi32, #tpu.memory_space<hbm>>
      %dma_wait3A_166 = tpu.memref_squeeze %dma_wait3A_165 : memref<1x10240xi32, #tpu.memory_space<hbm>> -> memref<10240xi32, #tpu.memory_space<hbm>>
      tpu.wait_dma2 semaphore(%run_scoped3A_159 : memref<!tpu.dma_semaphore, #tpu.memory_space<semaphore_mem>>) src(%dma_wait3A_166 : memref<10240xi32, #tpu.memory_space<hbm>>) dst(%arg5 : memref<10240xi32, #tpu.memory_space<vmem>>)
      tpu.yield
    }) : () -> ()
    %jit3A_90 = arith.constant 7680 : i32
    %jit3A_91 = arith.constant 0 : i32
    %select_n3A_92 = arith.select %eq3A_89, %jit3A_90, %jit3A_91 : i32
    %jit3A_93 = arith.constant 10 : i32
    %jit3A_94 = arith.constant 40 : i32
    %select_n3A_95 = arith.select %eq3A_89, %jit3A_93, %jit3A_94 : i32
    %while3A = arith.constant 0 : i32
    %while3A_96 = arith.constant 0 : i32
    %while3A_97 = arith.subi %select_n3A_95, %while3A : i32
    %while3A_98 = arith.addi %while3A, %while3A_97 : i32
    %while3A_99 = arith.constant 1 : i32
    %while3A_100 = arith.divsi %while3A_97, %while3A_99 : i32
    %while3A_101 = arith.muli %while3A_100, %while3A_99 : i32
    %while3A_102 = arith.addi %while3A, %while3A_101 : i32
    %while3A_103 = arith.constant 1 : i32
    %while3A_104 = scf.for %while3A_159 = %while3A to %while3A_102 step %while3A_103 iter_args(%while3A_160 = %while3A_96) -> (i32)  : i32 {
      %mul3A_161 = arith.constant 8 : i32
      %mul3A_162 = arith.muli %while3A_159, %mul3A_161 : i32
      %add3A_163 = arith.constant 0 : i32
      %add3A_164 = arith.addi %mul3A_162, %add3A_163 : i32
      %gt3A = arith.constant 0 : i32
      %gt3A_165 = arith.cmpi sgt, %while3A_159, %gt3A : i32
      %convert_element_type3A = arith.extui %gt3A_165 : i1 to i32
      %cond3A = arith.constant 0 : i32
      %cond3A_166 = arith.cmpi ne, %convert_element_type3A, %cond3A : i32
      scf.if %cond3A_166 {
        %dma_wait3A_510 = arith.constant 0 : i32
        %dma_wait3A_511 = arith.constant 0 : i32
        %dma_wait3A_512 = tpu.memref_slice %arg2[%dma_wait3A_510, %dma_wait3A_511] : memref<10240x128xf32, #tpu.memory_space<hbm>> -> memref<32x128xf32, #tpu.memory_space<hbm>>
        %dma_wait3A_513 = arith.constant 0 : i32
        %dma_wait3A_514 = arith.constant 0 : i32
        %dma_wait3A_515 = tpu.memref_slice %arg2[%dma_wait3A_513, %dma_wait3A_514] : memref<10240x128xf32, #tpu.memory_space<hbm>> -> memref<32x128xf32, #tpu.memory_space<hbm>>
        tpu.wait_dma2 semaphore(%arg39 : memref<!tpu.dma_semaphore, #tpu.memory_space<semaphore_mem>>) src(%dma_wait3A_515 : memref<32x128xf32, #tpu.memory_space<hbm>>) dst(%arg14 : memref<32x128xf32, #tpu.memory_space<vmem>>)
      } else {
      }
      %mul3A_167 = arith.constant 32 : i32
      %mul3A_168 = arith.muli %add3A_164, %mul3A_167 : i32
      %add3A_169 = arith.addi %mul3A_88, %mul3A_168 : i32
      %dma_start3A = arith.constant 1 : i32
      %dma_start3A_170 = tpu.memref_slice %arg3[%dma_start3A, %add3A_169] : memref<2x320000xi32, #tpu.memory_space<hbm>> -> memref<1x32xi32, #tpu.memory_space<hbm>>
      %dma_start3A_171 = tpu.memref_squeeze %dma_start3A_170 : memref<1x32xi32, #tpu.memory_space<hbm>> -> memref<32xi32, #tpu.memory_space<hbm>>
      %dma_start3A_172 = tpu.memref_slice %arg3[%dma_start3A, %add3A_169] : memref<2x320000xi32, #tpu.memory_space<hbm>> -> memref<1x32xi32, #tpu.memory_space<hbm>>
      %dma_start3A_173 = tpu.memref_squeeze %dma_start3A_172 : memref<1x32xi32, #tpu.memory_space<hbm>> -> memref<32xi32, #tpu.memory_space<hbm>>
      tpu.enqueue_dma source(%dma_start3A_173 : memref<32xi32, #tpu.memory_space<hbm>>) target(%arg6 : memref<32xi32, #tpu.memory_space<vmem>>) target_semaphore(%arg23 : memref<!tpu.dma_semaphore, #tpu.memory_space<semaphore_mem>>)
      %mul3A_174 = arith.constant 32 : i32
      %mul3A_175 = arith.muli %add3A_164, %mul3A_174 : i32
      %add3A_176 = arith.addi %select_n3A_92, %mul3A_175 : i32
      %dma_start3A_177 = tpu.memref_slice %arg5[%add3A_176] : memref<10240xi32, #tpu.memory_space<vmem>> -> memref<32xi32, #tpu.memory_space<vmem>>
      %dma_start3A_178 = arith.constant 0 : i32
      %dma_start3A_179 = arith.constant 0 : i32
      %dma_start3A_180 = tpu.memref_slice %arg2[%dma_start3A_178, %dma_start3A_179] : memref<10240x128xf32, #tpu.memory_space<hbm>> -> memref<10240x128xf32, #tpu.memory_space<hbm>>
      tpu.enqueue_indirect_dma source(%dma_start3A_180 : memref<10240x128xf32, #tpu.memory_space<hbm>>) target(%arg14 : memref<32x128xf32, #tpu.memory_space<vmem>>) offsets(%dma_start3A_177 : memref<32xi32, #tpu.memory_space<vmem>>) semaphore(%arg31 : memref<!tpu.dma_semaphore, #tpu.memory_space<semaphore_mem>>)
      %mul3A_181 = arith.constant 8 : i32
      %mul3A_182 = arith.muli %while3A_159, %mul3A_181 : i32
      %add3A_183 = arith.constant 1 : i32
      %add3A_184 = arith.addi %mul3A_182, %add3A_183 : i32
      %gt3A_185 = arith.constant 0 : i32
      %gt3A_186 = arith.cmpi sgt, %while3A_159, %gt3A_185 : i32
      %convert_element_type3A_187 = arith.extui %gt3A_186 : i1 to i32
      %cond3A_188 = arith.constant 0 : i32
      %cond3A_189 = arith.cmpi ne, %convert_element_type3A_187, %cond3A_188 : i32
      scf.if %cond3A_189 {
        %dma_wait3A_510 = arith.constant 0 : i32
        %dma_wait3A_511 = arith.constant 0 : i32
        %dma_wait3A_512 = tpu.memref_slice %arg2[%dma_wait3A_510, %dma_wait3A_511] : memref<10240x128xf32, #tpu.memory_space<hbm>> -> memref<32x128xf32, #tpu.memory_space<hbm>>
        %dma_wait3A_513 = arith.constant 0 : i32
        %dma_wait3A_514 = arith.constant 0 : i32
        %dma_wait3A_515 = tpu.memref_slice %arg2[%dma_wait3A_513, %dma_wait3A_514] : memref<10240x128xf32, #tpu.memory_space<hbm>> -> memref<32x128xf32, #tpu.memory_space<hbm>>
        tpu.wait_dma2 semaphore(%arg40 : memref<!tpu.dma_semaphore, #tpu.memory_space<semaphore_mem>>) src(%dma_wait3A_515 : memref<32x128xf32, #tpu.memory_space<hbm>>) dst(%arg15 : memref<32x128xf32, #tpu.memory_space<vmem>>)
      } else {
      }
      %mul3A_190 = arith.constant 32 : i32
      %mul3A_191 = arith.muli %add3A_184, %mul3A_190 : i32
      %add3A_192 = arith.addi %mul3A_88, %mul3A_191 : i32
      %dma_start3A_193 = arith.constant 1 : i32
      %dma_start3A_194 = tpu.memref_slice %arg3[%dma_start3A_193, %add3A_192] : memref<2x320000xi32, #tpu.memory_space<hbm>> -> memref<1x32xi32, #tpu.memory_space<hbm>>
      %dma_start3A_195 = tpu.memref_squeeze %dma_start3A_194 : memref<1x32xi32, #tpu.memory_space<hbm>> -> memref<32xi32, #tpu.memory_space<hbm>>
      %dma_start3A_196 = tpu.memref_slice %arg3[%dma_start3A_193, %add3A_192] : memref<2x320000xi32, #tpu.memory_space<hbm>> -> memref<1x32xi32, #tpu.memory_space<hbm>>
      %dma_start3A_197 = tpu.memref_squeeze %dma_start3A_196 : memref<1x32xi32, #tpu.memory_space<hbm>> -> memref<32xi32, #tpu.memory_space<hbm>>
      tpu.enqueue_dma source(%dma_start3A_197 : memref<32xi32, #tpu.memory_space<hbm>>) target(%arg7 : memref<32xi32, #tpu.memory_space<vmem>>) target_semaphore(%arg24 : memref<!tpu.dma_semaphore, #tpu.memory_space<semaphore_mem>>)
      %mul3A_198 = arith.constant 32 : i32
      %mul3A_199 = arith.muli %add3A_184, %mul3A_198 : i32
      %add3A_200 = arith.addi %select_n3A_92, %mul3A_199 : i32
      %dma_start3A_201 = tpu.memref_slice %arg5[%add3A_200] : memref<10240xi32, #tpu.memory_space<vmem>> -> memref<32xi32, #tpu.memory_space<vmem>>
      %dma_start3A_202 = arith.constant 0 : i32
      %dma_start3A_203 = arith.constant 0 : i32
      %dma_start3A_204 = tpu.memref_slice %arg2[%dma_start3A_202, %dma_start3A_203] : memref<10240x128xf32, #tpu.memory_space<hbm>> -> memref<10240x128xf32, #tpu.memory_space<hbm>>
      tpu.enqueue_indirect_dma source(%dma_start3A_204 : memref<10240x128xf32, #tpu.memory_space<hbm>>) target(%arg15 : memref<32x128xf32, #tpu.memory_space<vmem>>) offsets(%dma_start3A_201 : memref<32xi32, #tpu.memory_space<vmem>>) semaphore(%arg32 : memref<!tpu.dma_semaphore, #tpu.memory_space<semaphore_mem>>)
      %mul3A_205 = arith.constant 8 : i32
      %mul3A_206 = arith.muli %while3A_159, %mul3A_205 : i32
      %add3A_207 = arith.constant 2 : i32
      %add3A_208 = arith.addi %mul3A_206, %add3A_207 : i32
      %gt3A_209 = arith.constant 0 : i32
      %gt3A_210 = arith.cmpi sgt, %while3A_159, %gt3A_209 : i32
      %convert_element_type3A_211 = arith.extui %gt3A_210 : i1 to i32
      %cond3A_212 = arith.constant 0 : i32
      %cond3A_213 = arith.cmpi ne, %convert_element_type3A_211, %cond3A_212 : i32
      scf.if %cond3A_213 {
        %dma_wait3A_510 = arith.constant 0 : i32
        %dma_wait3A_511 = arith.constant 0 : i32
        %dma_wait3A_512 = tpu.memref_slice %arg2[%dma_wait3A_510, %dma_wait3A_511] : memref<10240x128xf32, #tpu.memory_space<hbm>> -> memref<32x128xf32, #tpu.memory_space<hbm>>
        %dma_wait3A_513 = arith.constant 0 : i32
        %dma_wait3A_514 = arith.constant 0 : i32
        %dma_wait3A_515 = tpu.memref_slice %arg2[%dma_wait3A_513, %dma_wait3A_514] : memref<10240x128xf32, #tpu.memory_space<hbm>> -> memref<32x128xf32, #tpu.memory_space<hbm>>
        tpu.wait_dma2 semaphore(%arg41 : memref<!tpu.dma_semaphore, #tpu.memory_space<semaphore_mem>>) src(%dma_wait3A_515 : memref<32x128xf32, #tpu.memory_space<hbm>>) dst(%arg16 : memref<32x128xf32, #tpu.memory_space<vmem>>)
      } else {
      }
      %mul3A_214 = arith.constant 32 : i32
      %mul3A_215 = arith.muli %add3A_208, %mul3A_214 : i32
      %add3A_216 = arith.addi %mul3A_88, %mul3A_215 : i32
      %dma_start3A_217 = arith.constant 1 : i32
      %dma_start3A_218 = tpu.memref_slice %arg3[%dma_start3A_217, %add3A_216] : memref<2x320000xi32, #tpu.memory_space<hbm>> -> memref<1x32xi32, #tpu.memory_space<hbm>>
      %dma_start3A_219 = tpu.memref_squeeze %dma_start3A_218 : memref<1x32xi32, #tpu.memory_space<hbm>> -> memref<32xi32, #tpu.memory_space<hbm>>
      %dma_start3A_220 = tpu.memref_slice %arg3[%dma_start3A_217, %add3A_216] : memref<2x320000xi32, #tpu.memory_space<hbm>> -> memref<1x32xi32, #tpu.memory_space<hbm>>
      %dma_start3A_221 = tpu.memref_squeeze %dma_start3A_220 : memref<1x32xi32, #tpu.memory_space<hbm>> -> memref<32xi32, #tpu.memory_space<hbm>>
      tpu.enqueue_dma source(%dma_start3A_221 : memref<32xi32, #tpu.memory_space<hbm>>) target(%arg8 : memref<32xi32, #tpu.memory_space<vmem>>) target_semaphore(%arg25 : memref<!tpu.dma_semaphore, #tpu.memory_space<semaphore_mem>>)
      %mul3A_222 = arith.constant 32 : i32
      %mul3A_223 = arith.muli %add3A_208, %mul3A_222 : i32
      %add3A_224 = arith.addi %select_n3A_92, %mul3A_223 : i32
      %dma_start3A_225 = tpu.memref_slice %arg5[%add3A_224] : memref<10240xi32, #tpu.memory_space<vmem>> -> memref<32xi32, #tpu.memory_space<vmem>>
      %dma_start3A_226 = arith.constant 0 : i32
      %dma_start3A_227 = arith.constant 0 : i32
      %dma_start3A_228 = tpu.memref_slice %arg2[%dma_start3A_226, %dma_start3A_227] : memref<10240x128xf32, #tpu.memory_space<hbm>> -> memref<10240x128xf32, #tpu.memory_space<hbm>>
      tpu.enqueue_indirect_dma source(%dma_start3A_228 : memref<10240x128xf32, #tpu.memory_space<hbm>>) target(%arg16 : memref<32x128xf32, #tpu.memory_space<vmem>>) offsets(%dma_start3A_225 : memref<32xi32, #tpu.memory_space<vmem>>) semaphore(%arg33 : memref<!tpu.dma_semaphore, #tpu.memory_space<semaphore_mem>>)
      %mul3A_229 = arith.constant 8 : i32
      %mul3A_230 = arith.muli %while3A_159, %mul3A_229 : i32
      %add3A_231 = arith.constant 3 : i32
      %add3A_232 = arith.addi %mul3A_230, %add3A_231 : i32
      %gt3A_233 = arith.constant 0 : i32
      %gt3A_234 = arith.cmpi sgt, %while3A_159, %gt3A_233 : i32
      %convert_element_type3A_235 = arith.extui %gt3A_234 : i1 to i32
      %cond3A_236 = arith.constant 0 : i32
      %cond3A_237 = arith.cmpi ne, %convert_element_type3A_235, %cond3A_236 : i32
      scf.if %cond3A_237 {
        %dma_wait3A_510 = arith.constant 0 : i32
        %dma_wait3A_511 = arith.constant 0 : i32
        %dma_wait3A_512 = tpu.memref_slice %arg2[%dma_wait3A_510, %dma_wait3A_511] : memref<10240x128xf32, #tpu.memory_space<hbm>> -> memref<32x128xf32, #tpu.memory_space<hbm>>
        %dma_wait3A_513 = arith.constant 0 : i32
        %dma_wait3A_514 = arith.constant 0 : i32
        %dma_wait3A_515 = tpu.memref_slice %arg2[%dma_wait3A_513, %dma_wait3A_514] : memref<10240x128xf32, #tpu.memory_space<hbm>> -> memref<32x128xf32, #tpu.memory_space<hbm>>
        tpu.wait_dma2 semaphore(%arg42 : memref<!tpu.dma_semaphore, #tpu.memory_space<semaphore_mem>>) src(%dma_wait3A_515 : memref<32x128xf32, #tpu.memory_space<hbm>>) dst(%arg17 : memref<32x128xf32, #tpu.memory_space<vmem>>)
      } else {
      }
      %mul3A_238 = arith.constant 32 : i32
      %mul3A_239 = arith.muli %add3A_232, %mul3A_238 : i32
      %add3A_240 = arith.addi %mul3A_88, %mul3A_239 : i32
      %dma_start3A_241 = arith.constant 1 : i32
      %dma_start3A_242 = tpu.memref_slice %arg3[%dma_start3A_241, %add3A_240] : memref<2x320000xi32, #tpu.memory_space<hbm>> -> memref<1x32xi32, #tpu.memory_space<hbm>>
      %dma_start3A_243 = tpu.memref_squeeze %dma_start3A_242 : memref<1x32xi32, #tpu.memory_space<hbm>> -> memref<32xi32, #tpu.memory_space<hbm>>
      %dma_start3A_244 = tpu.memref_slice %arg3[%dma_start3A_241, %add3A_240] : memref<2x320000xi32, #tpu.memory_space<hbm>> -> memref<1x32xi32, #tpu.memory_space<hbm>>
      %dma_start3A_245 = tpu.memref_squeeze %dma_start3A_244 : memref<1x32xi32, #tpu.memory_space<hbm>> -> memref<32xi32, #tpu.memory_space<hbm>>
      tpu.enqueue_dma source(%dma_start3A_245 : memref<32xi32, #tpu.memory_space<hbm>>) target(%arg9 : memref<32xi32, #tpu.memory_space<vmem>>) target_semaphore(%arg26 : memref<!tpu.dma_semaphore, #tpu.memory_space<semaphore_mem>>)
      %mul3A_246 = arith.constant 32 : i32
      %mul3A_247 = arith.muli %add3A_232, %mul3A_246 : i32
      %add3A_248 = arith.addi %select_n3A_92, %mul3A_247 : i32
      %dma_start3A_249 = tpu.memref_slice %arg5[%add3A_248] : memref<10240xi32, #tpu.memory_space<vmem>> -> memref<32xi32, #tpu.memory_space<vmem>>
      %dma_start3A_250 = arith.constant 0 : i32
      %dma_start3A_251 = arith.constant 0 : i32
      %dma_start3A_252 = tpu.memref_slice %arg2[%dma_start3A_250, %dma_start3A_251] : memref<10240x128xf32, #tpu.memory_space<hbm>> -> memref<10240x128xf32, #tpu.memory_space<hbm>>
      tpu.enqueue_indirect_dma source(%dma_start3A_252 : memref<10240x128xf32, #tpu.memory_space<hbm>>) target(%arg17 : memref<32x128xf32, #tpu.memory_space<vmem>>) offsets(%dma_start3A_249 : memref<32xi32, #tpu.memory_space<vmem>>) semaphore(%arg34 : memref<!tpu.dma_semaphore, #tpu.memory_space<semaphore_mem>>)
      %mul3A_253 = arith.constant 8 : i32
      %mul3A_254 = arith.muli %while3A_159, %mul3A_253 : i32
      %add3A_255 = arith.constant 4 : i32
      %add3A_256 = arith.addi %mul3A_254, %add3A_255 : i32
      %gt3A_257 = arith.constant 0 : i32
      %gt3A_258 = arith.cmpi sgt, %while3A_159, %gt3A_257 : i32
      %convert_element_type3A_259 = arith.extui %gt3A_258 : i1 to i32
      %cond3A_260 = arith.constant 0 : i32
      %cond3A_261 = arith.cmpi ne, %convert_element_type3A_259, %cond3A_260 : i32
      scf.if %cond3A_261 {
        %dma_wait3A_510 = arith.constant 0 : i32
        %dma_wait3A_511 = arith.constant 0 : i32
        %dma_wait3A_512 = tpu.memref_slice %arg2[%dma_wait3A_510, %dma_wait3A_511] : memref<10240x128xf32, #tpu.memory_space<hbm>> -> memref<32x128xf32, #tpu.memory_space<hbm>>
        %dma_wait3A_513 = arith.constant 0 : i32
        %dma_wait3A_514 = arith.constant 0 : i32
        %dma_wait3A_515 = tpu.memref_slice %arg2[%dma_wait3A_513, %dma_wait3A_514] : memref<10240x128xf32, #tpu.memory_space<hbm>> -> memref<32x128xf32, #tpu.memory_space<hbm>>
        tpu.wait_dma2 semaphore(%arg43 : memref<!tpu.dma_semaphore, #tpu.memory_space<semaphore_mem>>) src(%dma_wait3A_515 : memref<32x128xf32, #tpu.memory_space<hbm>>) dst(%arg18 : memref<32x128xf32, #tpu.memory_space<vmem>>)
      } else {
      }
      %mul3A_262 = arith.constant 32 : i32
      %mul3A_263 = arith.muli %add3A_256, %mul3A_262 : i32
      %add3A_264 = arith.addi %mul3A_88, %mul3A_263 : i32
      %dma_start3A_265 = arith.constant 1 : i32
      %dma_start3A_266 = tpu.memref_slice %arg3[%dma_start3A_265, %add3A_264] : memref<2x320000xi32, #tpu.memory_space<hbm>> -> memref<1x32xi32, #tpu.memory_space<hbm>>
      %dma_start3A_267 = tpu.memref_squeeze %dma_start3A_266 : memref<1x32xi32, #tpu.memory_space<hbm>> -> memref<32xi32, #tpu.memory_space<hbm>>
      %dma_start3A_268 = tpu.memref_slice %arg3[%dma_start3A_265, %add3A_264] : memref<2x320000xi32, #tpu.memory_space<hbm>> -> memref<1x32xi32, #tpu.memory_space<hbm>>
      %dma_start3A_269 = tpu.memref_squeeze %dma_start3A_268 : memref<1x32xi32, #tpu.memory_space<hbm>> -> memref<32xi32, #tpu.memory_space<hbm>>
      tpu.enqueue_dma source(%dma_start3A_269 : memref<32xi32, #tpu.memory_space<hbm>>) target(%arg10 : memref<32xi32, #tpu.memory_space<vmem>>) target_semaphore(%arg27 : memref<!tpu.dma_semaphore, #tpu.memory_space<semaphore_mem>>)
      %mul3A_270 = arith.constant 32 : i32
      %mul3A_271 = arith.muli %add3A_256, %mul3A_270 : i32
      %add3A_272 = arith.addi %select_n3A_92, %mul3A_271 : i32
      %dma_start3A_273 = tpu.memref_slice %arg5[%add3A_272] : memref<10240xi32, #tpu.memory_space<vmem>> -> memref<32xi32, #tpu.memory_space<vmem>>
      %dma_start3A_274 = arith.constant 0 : i32
      %dma_start3A_275 = arith.constant 0 : i32
      %dma_start3A_276 = tpu.memref_slice %arg2[%dma_start3A_274, %dma_start3A_275] : memref<10240x128xf32, #tpu.memory_space<hbm>> -> memref<10240x128xf32, #tpu.memory_space<hbm>>
      tpu.enqueue_indirect_dma source(%dma_start3A_276 : memref<10240x128xf32, #tpu.memory_space<hbm>>) target(%arg18 : memref<32x128xf32, #tpu.memory_space<vmem>>) offsets(%dma_start3A_273 : memref<32xi32, #tpu.memory_space<vmem>>) semaphore(%arg35 : memref<!tpu.dma_semaphore, #tpu.memory_space<semaphore_mem>>)
      %mul3A_277 = arith.constant 8 : i32
      %mul3A_278 = arith.muli %while3A_159, %mul3A_277 : i32
      %add3A_279 = arith.constant 5 : i32
      %add3A_280 = arith.addi %mul3A_278, %add3A_279 : i32
      %gt3A_281 = arith.constant 0 : i32
      %gt3A_282 = arith.cmpi sgt, %while3A_159, %gt3A_281 : i32
      %convert_element_type3A_283 = arith.extui %gt3A_282 : i1 to i32
      %cond3A_284 = arith.constant 0 : i32
      %cond3A_285 = arith.cmpi ne, %convert_element_type3A_283, %cond3A_284 : i32
      scf.if %cond3A_285 {
        %dma_wait3A_510 = arith.constant 0 : i32
        %dma_wait3A_511 = arith.constant 0 : i32
        %dma_wait3A_512 = tpu.memref_slice %arg2[%dma_wait3A_510, %dma_wait3A_511] : memref<10240x128xf32, #tpu.memory_space<hbm>> -> memref<32x128xf32, #tpu.memory_space<hbm>>
        %dma_wait3A_513 = arith.constant 0 : i32
        %dma_wait3A_514 = arith.constant 0 : i32
        %dma_wait3A_515 = tpu.memref_slice %arg2[%dma_wait3A_513, %dma_wait3A_514] : memref<10240x128xf32, #tpu.memory_space<hbm>> -> memref<32x128xf32, #tpu.memory_space<hbm>>
        tpu.wait_dma2 semaphore(%arg44 : memref<!tpu.dma_semaphore, #tpu.memory_space<semaphore_mem>>) src(%dma_wait3A_515 : memref<32x128xf32, #tpu.memory_space<hbm>>) dst(%arg19 : memref<32x128xf32, #tpu.memory_space<vmem>>)
      } else {
      }
      %mul3A_286 = arith.constant 32 : i32
      %mul3A_287 = arith.muli %add3A_280, %mul3A_286 : i32
      %add3A_288 = arith.addi %mul3A_88, %mul3A_287 : i32
      %dma_start3A_289 = arith.constant 1 : i32
      %dma_start3A_290 = tpu.memref_slice %arg3[%dma_start3A_289, %add3A_288] : memref<2x320000xi32, #tpu.memory_space<hbm>> -> memref<1x32xi32, #tpu.memory_space<hbm>>
      %dma_start3A_291 = tpu.memref_squeeze %dma_start3A_290 : memref<1x32xi32, #tpu.memory_space<hbm>> -> memref<32xi32, #tpu.memory_space<hbm>>
      %dma_start3A_292 = tpu.memref_slice %arg3[%dma_start3A_289, %add3A_288] : memref<2x320000xi32, #tpu.memory_space<hbm>> -> memref<1x32xi32, #tpu.memory_space<hbm>>
      %dma_start3A_293 = tpu.memref_squeeze %dma_start3A_292 : memref<1x32xi32, #tpu.memory_space<hbm>> -> memref<32xi32, #tpu.memory_space<hbm>>
      tpu.enqueue_dma source(%dma_start3A_293 : memref<32xi32, #tpu.memory_space<hbm>>) target(%arg11 : memref<32xi32, #tpu.memory_space<vmem>>) target_semaphore(%arg28 : memref<!tpu.dma_semaphore, #tpu.memory_space<semaphore_mem>>)
      %mul3A_294 = arith.constant 32 : i32
      %mul3A_295 = arith.muli %add3A_280, %mul3A_294 : i32
      %add3A_296 = arith.addi %select_n3A_92, %mul3A_295 : i32
      %dma_start3A_297 = tpu.memref_slice %arg5[%add3A_296] : memref<10240xi32, #tpu.memory_space<vmem>> -> memref<32xi32, #tpu.memory_space<vmem>>
      %dma_start3A_298 = arith.constant 0 : i32
      %dma_start3A_299 = arith.constant 0 : i32
      %dma_start3A_300 = tpu.memref_slice %arg2[%dma_start3A_298, %dma_start3A_299] : memref<10240x128xf32, #tpu.memory_space<hbm>> -> memref<10240x128xf32, #tpu.memory_space<hbm>>
      tpu.enqueue_indirect_dma source(%dma_start3A_300 : memref<10240x128xf32, #tpu.memory_space<hbm>>) target(%arg19 : memref<32x128xf32, #tpu.memory_space<vmem>>) offsets(%dma_start3A_297 : memref<32xi32, #tpu.memory_space<vmem>>) semaphore(%arg36 : memref<!tpu.dma_semaphore, #tpu.memory_space<semaphore_mem>>)
      %mul3A_301 = arith.constant 8 : i32
      %mul3A_302 = arith.muli %while3A_159, %mul3A_301 : i32
      %add3A_303 = arith.constant 6 : i32
      %add3A_304 = arith.addi %mul3A_302, %add3A_303 : i32
      %gt3A_305 = arith.constant 0 : i32
      %gt3A_306 = arith.cmpi sgt, %while3A_159, %gt3A_305 : i32
      %convert_element_type3A_307 = arith.extui %gt3A_306 : i1 to i32
      %cond3A_308 = arith.constant 0 : i32
      %cond3A_309 = arith.cmpi ne, %convert_element_type3A_307, %cond3A_308 : i32
      scf.if %cond3A_309 {
        %dma_wait3A_510 = arith.constant 0 : i32
        %dma_wait3A_511 = arith.constant 0 : i32
        %dma_wait3A_512 = tpu.memref_slice %arg2[%dma_wait3A_510, %dma_wait3A_511] : memref<10240x128xf32, #tpu.memory_space<hbm>> -> memref<32x128xf32, #tpu.memory_space<hbm>>
        %dma_wait3A_513 = arith.constant 0 : i32
        %dma_wait3A_514 = arith.constant 0 : i32
        %dma_wait3A_515 = tpu.memref_slice %arg2[%dma_wait3A_513, %dma_wait3A_514] : memref<10240x128xf32, #tpu.memory_space<hbm>> -> memref<32x128xf32, #tpu.memory_space<hbm>>
        tpu.wait_dma2 semaphore(%arg45 : memref<!tpu.dma_semaphore, #tpu.memory_space<semaphore_mem>>) src(%dma_wait3A_515 : memref<32x128xf32, #tpu.memory_space<hbm>>) dst(%arg20 : memref<32x128xf32, #tpu.memory_space<vmem>>)
      } else {
      }
      %mul3A_310 = arith.constant 32 : i32
      %mul3A_311 = arith.muli %add3A_304, %mul3A_310 : i32
      %add3A_312 = arith.addi %mul3A_88, %mul3A_311 : i32
      %dma_start3A_313 = arith.constant 1 : i32
      %dma_start3A_314 = tpu.memref_slice %arg3[%dma_start3A_313, %add3A_312] : memref<2x320000xi32, #tpu.memory_space<hbm>> -> memref<1x32xi32, #tpu.memory_space<hbm>>
      %dma_start3A_315 = tpu.memref_squeeze %dma_start3A_314 : memref<1x32xi32, #tpu.memory_space<hbm>> -> memref<32xi32, #tpu.memory_space<hbm>>
      %dma_start3A_316 = tpu.memref_slice %arg3[%dma_start3A_313, %add3A_312] : memref<2x320000xi32, #tpu.memory_space<hbm>> -> memref<1x32xi32, #tpu.memory_space<hbm>>
      %dma_start3A_317 = tpu.memref_squeeze %dma_start3A_316 : memref<1x32xi32, #tpu.memory_space<hbm>> -> memref<32xi32, #tpu.memory_space<hbm>>
      tpu.enqueue_dma source(%dma_start3A_317 : memref<32xi32, #tpu.memory_space<hbm>>) target(%arg12 : memref<32xi32, #tpu.memory_space<vmem>>) target_semaphore(%arg29 : memref<!tpu.dma_semaphore, #tpu.memory_space<semaphore_mem>>)
      %mul3A_318 = arith.constant 32 : i32
      %mul3A_319 = arith.muli %add3A_304, %mul3A_318 : i32
      %add3A_320 = arith.addi %select_n3A_92, %mul3A_319 : i32
      %dma_start3A_321 = tpu.memref_slice %arg5[%add3A_320] : memref<10240xi32, #tpu.memory_space<vmem>> -> memref<32xi32, #tpu.memory_space<vmem>>
      %dma_start3A_322 = arith.constant 0 : i32
      %dma_start3A_323 = arith.constant 0 : i32
      %dma_start3A_324 = tpu.memref_slice %arg2[%dma_start3A_322, %dma_start3A_323] : memref<10240x128xf32, #tpu.memory_space<hbm>> -> memref<10240x128xf32, #tpu.memory_space<hbm>>
      tpu.enqueue_indirect_dma source(%dma_start3A_324 : memref<10240x128xf32, #tpu.memory_space<hbm>>) target(%arg20 : memref<32x128xf32, #tpu.memory_space<vmem>>) offsets(%dma_start3A_321 : memref<32xi32, #tpu.memory_space<vmem>>) semaphore(%arg37 : memref<!tpu.dma_semaphore, #tpu.memory_space<semaphore_mem>>)
      %mul3A_325 = arith.constant 8 : i32
      %mul3A_326 = arith.muli %while3A_159, %mul3A_325 : i32
      %add3A_327 = arith.constant 7 : i32
      %add3A_328 = arith.addi %mul3A_326, %add3A_327 : i32
      %gt3A_329 = arith.constant 0 : i32
      %gt3A_330 = arith.cmpi sgt, %while3A_159, %gt3A_329 : i32
      %convert_element_type3A_331 = arith.extui %gt3A_330 : i1 to i32
      %cond3A_332 = arith.constant 0 : i32
      %cond3A_333 = arith.cmpi ne, %convert_element_type3A_331, %cond3A_332 : i32
      scf.if %cond3A_333 {
        %dma_wait3A_510 = arith.constant 0 : i32
        %dma_wait3A_511 = arith.constant 0 : i32
        %dma_wait3A_512 = tpu.memref_slice %arg2[%dma_wait3A_510, %dma_wait3A_511] : memref<10240x128xf32, #tpu.memory_space<hbm>> -> memref<32x128xf32, #tpu.memory_space<hbm>>
        %dma_wait3A_513 = arith.constant 0 : i32
        %dma_wait3A_514 = arith.constant 0 : i32
        %dma_wait3A_515 = tpu.memref_slice %arg2[%dma_wait3A_513, %dma_wait3A_514] : memref<10240x128xf32, #tpu.memory_space<hbm>> -> memref<32x128xf32, #tpu.memory_space<hbm>>
        tpu.wait_dma2 semaphore(%arg46 : memref<!tpu.dma_semaphore, #tpu.memory_space<semaphore_mem>>) src(%dma_wait3A_515 : memref<32x128xf32, #tpu.memory_space<hbm>>) dst(%arg21 : memref<32x128xf32, #tpu.memory_space<vmem>>)
      } else {
      }
      %mul3A_334 = arith.constant 32 : i32
      %mul3A_335 = arith.muli %add3A_328, %mul3A_334 : i32
      %add3A_336 = arith.addi %mul3A_88, %mul3A_335 : i32
      %dma_start3A_337 = arith.constant 1 : i32
      %dma_start3A_338 = tpu.memref_slice %arg3[%dma_start3A_337, %add3A_336] : memref<2x320000xi32, #tpu.memory_space<hbm>> -> memref<1x32xi32, #tpu.memory_space<hbm>>
      %dma_start3A_339 = tpu.memref_squeeze %dma_start3A_338 : memref<1x32xi32, #tpu.memory_space<hbm>> -> memref<32xi32, #tpu.memory_space<hbm>>
      %dma_start3A_340 = tpu.memref_slice %arg3[%dma_start3A_337, %add3A_336] : memref<2x320000xi32, #tpu.memory_space<hbm>> -> memref<1x32xi32, #tpu.memory_space<hbm>>
      %dma_start3A_341 = tpu.memref_squeeze %dma_start3A_340 : memref<1x32xi32, #tpu.memory_space<hbm>> -> memref<32xi32, #tpu.memory_space<hbm>>
      tpu.enqueue_dma source(%dma_start3A_341 : memref<32xi32, #tpu.memory_space<hbm>>) target(%arg13 : memref<32xi32, #tpu.memory_space<vmem>>) target_semaphore(%arg30 : memref<!tpu.dma_semaphore, #tpu.memory_space<semaphore_mem>>)
      %mul3A_342 = arith.constant 32 : i32
      %mul3A_343 = arith.muli %add3A_328, %mul3A_342 : i32
      %add3A_344 = arith.addi %select_n3A_92, %mul3A_343 : i32
      %dma_start3A_345 = tpu.memref_slice %arg5[%add3A_344] : memref<10240xi32, #tpu.memory_space<vmem>> -> memref<32xi32, #tpu.memory_space<vmem>>
      %dma_start3A_346 = arith.constant 0 : i32
      %dma_start3A_347 = arith.constant 0 : i32
      %dma_start3A_348 = tpu.memref_slice %arg2[%dma_start3A_346, %dma_start3A_347] : memref<10240x128xf32, #tpu.memory_space<hbm>> -> memref<10240x128xf32, #tpu.memory_space<hbm>>
      tpu.enqueue_indirect_dma source(%dma_start3A_348 : memref<10240x128xf32, #tpu.memory_space<hbm>>) target(%arg21 : memref<32x128xf32, #tpu.memory_space<vmem>>) offsets(%dma_start3A_345 : memref<32xi32, #tpu.memory_space<vmem>>) semaphore(%arg38 : memref<!tpu.dma_semaphore, #tpu.memory_space<semaphore_mem>>)
      %mul3A_349 = arith.constant 8 : i32
      %mul3A_350 = arith.muli %while3A_159, %mul3A_349 : i32
      %add3A_351 = arith.constant 0 : i32
      %add3A_352 = arith.addi %mul3A_350, %add3A_351 : i32
      %dma_wait3A_353 = arith.constant 1 : i32
      %dma_wait3A_354 = arith.constant 0 : i32
      %dma_wait3A_355 = tpu.memref_slice %arg3[%dma_wait3A_353, %dma_wait3A_354] : memref<2x320000xi32, #tpu.memory_space<hbm>> -> memref<1x32xi32, #tpu.memory_space<hbm>>
      %dma_wait3A_356 = tpu.memref_squeeze %dma_wait3A_355 : memref<1x32xi32, #tpu.memory_space<hbm>> -> memref<32xi32, #tpu.memory_space<hbm>>
      %dma_wait3A_357 = arith.constant 0 : i32
      %dma_wait3A_358 = tpu.memref_slice %arg3[%dma_wait3A_353, %dma_wait3A_357] : memref<2x320000xi32, #tpu.memory_space<hbm>> -> memref<1x32xi32, #tpu.memory_space<hbm>>
      %dma_wait3A_359 = tpu.memref_squeeze %dma_wait3A_358 : memref<1x32xi32, #tpu.memory_space<hbm>> -> memref<32xi32, #tpu.memory_space<hbm>>
      tpu.wait_dma2 semaphore(%arg23 : memref<!tpu.dma_semaphore, #tpu.memory_space<semaphore_mem>>) src(%dma_wait3A_359 : memref<32xi32, #tpu.memory_space<hbm>>) dst(%arg6 : memref<32xi32, #tpu.memory_space<vmem>>)
      %dma_wait3A_360 = arith.constant 0 : i32
      %dma_wait3A_361 = arith.constant 0 : i32
      %dma_wait3A_362 = tpu.memref_slice %arg2[%dma_wait3A_360, %dma_wait3A_361] : memref<10240x128xf32, #tpu.memory_space<hbm>> -> memref<32x128xf32, #tpu.memory_space<hbm>>
      %dma_wait3A_363 = arith.constant 0 : i32
      %dma_wait3A_364 = arith.constant 0 : i32
      %dma_wait3A_365 = tpu.memref_slice %arg2[%dma_wait3A_363, %dma_wait3A_364] : memref<10240x128xf32, #tpu.memory_space<hbm>> -> memref<32x128xf32, #tpu.memory_space<hbm>>
      tpu.wait_dma2 semaphore(%arg31 : memref<!tpu.dma_semaphore, #tpu.memory_space<semaphore_mem>>) src(%dma_wait3A_365 : memref<32x128xf32, #tpu.memory_space<hbm>>) dst(%arg14 : memref<32x128xf32, #tpu.memory_space<vmem>>)
      %dma_start3A_366 = arith.constant 0 : i32
      %dma_start3A_367 = arith.constant 0 : i32
      %dma_start3A_368 = tpu.memref_slice %arg22[%dma_start3A_366, %dma_start3A_367] : memref<10240x128xf32, #tpu.memory_space<vmem_shared>> -> memref<10240x128xf32, #tpu.memory_space<vmem_shared>>
      tpu.enqueue_indirect_dma source(%arg14 : memref<32x128xf32, #tpu.memory_space<vmem>>) target(%dma_start3A_368 : memref<10240x128xf32, #tpu.memory_space<vmem_shared>>) offsets(%arg6 : memref<32xi32, #tpu.memory_space<vmem>>) semaphore(%arg39 : memref<!tpu.dma_semaphore, #tpu.memory_space<semaphore_mem>>) {add = true}
      %mul3A_369 = arith.constant 8 : i32
      %mul3A_370 = arith.muli %while3A_159, %mul3A_369 : i32
      %add3A_371 = arith.constant 1 : i32
      %add3A_372 = arith.addi %mul3A_370, %add3A_371 : i32
      %dma_wait3A_373 = arith.constant 1 : i32
      %dma_wait3A_374 = arith.constant 0 : i32
      %dma_wait3A_375 = tpu.memref_slice %arg3[%dma_wait3A_373, %dma_wait3A_374] : memref<2x320000xi32, #tpu.memory_space<hbm>> -> memref<1x32xi32, #tpu.memory_space<hbm>>
      %dma_wait3A_376 = tpu.memref_squeeze %dma_wait3A_375 : memref<1x32xi32, #tpu.memory_space<hbm>> -> memref<32xi32, #tpu.memory_space<hbm>>
      %dma_wait3A_377 = arith.constant 0 : i32
      %dma_wait3A_378 = tpu.memref_slice %arg3[%dma_wait3A_373, %dma_wait3A_377] : memref<2x320000xi32, #tpu.memory_space<hbm>> -> memref<1x32xi32, #tpu.memory_space<hbm>>
      %dma_wait3A_379 = tpu.memref_squeeze %dma_wait3A_378 : memref<1x32xi32, #tpu.memory_space<hbm>> -> memref<32xi32, #tpu.memory_space<hbm>>
      tpu.wait_dma2 semaphore(%arg24 : memref<!tpu.dma_semaphore, #tpu.memory_space<semaphore_mem>>) src(%dma_wait3A_379 : memref<32xi32, #tpu.memory_space<hbm>>) dst(%arg7 : memref<32xi32, #tpu.memory_space<vmem>>)
      %dma_wait3A_380 = arith.constant 0 : i32
      %dma_wait3A_381 = arith.constant 0 : i32
      %dma_wait3A_382 = tpu.memref_slice %arg2[%dma_wait3A_380, %dma_wait3A_381] : memref<10240x128xf32, #tpu.memory_space<hbm>> -> memref<32x128xf32, #tpu.memory_space<hbm>>
      %dma_wait3A_383 = arith.constant 0 : i32
      %dma_wait3A_384 = arith.constant 0 : i32
      %dma_wait3A_385 = tpu.memref_slice %arg2[%dma_wait3A_383, %dma_wait3A_384] : memref<10240x128xf32, #tpu.memory_space<hbm>> -> memref<32x128xf32, #tpu.memory_space<hbm>>
      tpu.wait_dma2 semaphore(%arg32 : memref<!tpu.dma_semaphore, #tpu.memory_space<semaphore_mem>>) src(%dma_wait3A_385 : memref<32x128xf32, #tpu.memory_space<hbm>>) dst(%arg15 : memref<32x128xf32, #tpu.memory_space<vmem>>)
      %dma_start3A_386 = arith.constant 0 : i32
      %dma_start3A_387 = arith.constant 0 : i32
      %dma_start3A_388 = tpu.memref_slice %arg22[%dma_start3A_386, %dma_start3A_387] : memref<10240x128xf32, #tpu.memory_space<vmem_shared>> -> memref<10240x128xf32, #tpu.memory_space<vmem_shared>>
      tpu.enqueue_indirect_dma source(%arg15 : memref<32x128xf32, #tpu.memory_space<vmem>>) target(%dma_start3A_388 : memref<10240x128xf32, #tpu.memory_space<vmem_shared>>) offsets(%arg7 : memref<32xi32, #tpu.memory_space<vmem>>) semaphore(%arg40 : memref<!tpu.dma_semaphore, #tpu.memory_space<semaphore_mem>>) {add = true}
      %mul3A_389 = arith.constant 8 : i32
      %mul3A_390 = arith.muli %while3A_159, %mul3A_389 : i32
      %add3A_391 = arith.constant 2 : i32
      %add3A_392 = arith.addi %mul3A_390, %add3A_391 : i32
      %dma_wait3A_393 = arith.constant 1 : i32
      %dma_wait3A_394 = arith.constant 0 : i32
      %dma_wait3A_395 = tpu.memref_slice %arg3[%dma_wait3A_393, %dma_wait3A_394] : memref<2x320000xi32, #tpu.memory_space<hbm>> -> memref<1x32xi32, #tpu.memory_space<hbm>>
      %dma_wait3A_396 = tpu.memref_squeeze %dma_wait3A_395 : memref<1x32xi32, #tpu.memory_space<hbm>> -> memref<32xi32, #tpu.memory_space<hbm>>
      %dma_wait3A_397 = arith.constant 0 : i32
      %dma_wait3A_398 = tpu.memref_slice %arg3[%dma_wait3A_393, %dma_wait3A_397] : memref<2x320000xi32, #tpu.memory_space<hbm>> -> memref<1x32xi32, #tpu.memory_space<hbm>>
      %dma_wait3A_399 = tpu.memref_squeeze %dma_wait3A_398 : memref<1x32xi32, #tpu.memory_space<hbm>> -> memref<32xi32, #tpu.memory_space<hbm>>
      tpu.wait_dma2 semaphore(%arg25 : memref<!tpu.dma_semaphore, #tpu.memory_space<semaphore_mem>>) src(%dma_wait3A_399 : memref<32xi32, #tpu.memory_space<hbm>>) dst(%arg8 : memref<32xi32, #tpu.memory_space<vmem>>)
      %dma_wait3A_400 = arith.constant 0 : i32
      %dma_wait3A_401 = arith.constant 0 : i32
      %dma_wait3A_402 = tpu.memref_slice %arg2[%dma_wait3A_400, %dma_wait3A_401] : memref<10240x128xf32, #tpu.memory_space<hbm>> -> memref<32x128xf32, #tpu.memory_space<hbm>>
      %dma_wait3A_403 = arith.constant 0 : i32
      %dma_wait3A_404 = arith.constant 0 : i32
      %dma_wait3A_405 = tpu.memref_slice %arg2[%dma_wait3A_403, %dma_wait3A_404] : memref<10240x128xf32, #tpu.memory_space<hbm>> -> memref<32x128xf32, #tpu.memory_space<hbm>>
      tpu.wait_dma2 semaphore(%arg33 : memref<!tpu.dma_semaphore, #tpu.memory_space<semaphore_mem>>) src(%dma_wait3A_405 : memref<32x128xf32, #tpu.memory_space<hbm>>) dst(%arg16 : memref<32x128xf32, #tpu.memory_space<vmem>>)
      %dma_start3A_406 = arith.constant 0 : i32
      %dma_start3A_407 = arith.constant 0 : i32
      %dma_start3A_408 = tpu.memref_slice %arg22[%dma_start3A_406, %dma_start3A_407] : memref<10240x128xf32, #tpu.memory_space<vmem_shared>> -> memref<10240x128xf32, #tpu.memory_space<vmem_shared>>
      tpu.enqueue_indirect_dma source(%arg16 : memref<32x128xf32, #tpu.memory_space<vmem>>) target(%dma_start3A_408 : memref<10240x128xf32, #tpu.memory_space<vmem_shared>>) offsets(%arg8 : memref<32xi32, #tpu.memory_space<vmem>>) semaphore(%arg41 : memref<!tpu.dma_semaphore, #tpu.memory_space<semaphore_mem>>) {add = true}
      %mul3A_409 = arith.constant 8 : i32
      %mul3A_410 = arith.muli %while3A_159, %mul3A_409 : i32
      %add3A_411 = arith.constant 3 : i32
      %add3A_412 = arith.addi %mul3A_410, %add3A_411 : i32
      %dma_wait3A_413 = arith.constant 1 : i32
      %dma_wait3A_414 = arith.constant 0 : i32
      %dma_wait3A_415 = tpu.memref_slice %arg3[%dma_wait3A_413, %dma_wait3A_414] : memref<2x320000xi32, #tpu.memory_space<hbm>> -> memref<1x32xi32, #tpu.memory_space<hbm>>
      %dma_wait3A_416 = tpu.memref_squeeze %dma_wait3A_415 : memref<1x32xi32, #tpu.memory_space<hbm>> -> memref<32xi32, #tpu.memory_space<hbm>>
      %dma_wait3A_417 = arith.constant 0 : i32
      %dma_wait3A_418 = tpu.memref_slice %arg3[%dma_wait3A_413, %dma_wait3A_417] : memref<2x320000xi32, #tpu.memory_space<hbm>> -> memref<1x32xi32, #tpu.memory_space<hbm>>
      %dma_wait3A_419 = tpu.memref_squeeze %dma_wait3A_418 : memref<1x32xi32, #tpu.memory_space<hbm>> -> memref<32xi32, #tpu.memory_space<hbm>>
      tpu.wait_dma2 semaphore(%arg26 : memref<!tpu.dma_semaphore, #tpu.memory_space<semaphore_mem>>) src(%dma_wait3A_419 : memref<32xi32, #tpu.memory_space<hbm>>) dst(%arg9 : memref<32xi32, #tpu.memory_space<vmem>>)
      %dma_wait3A_420 = arith.constant 0 : i32
      %dma_wait3A_421 = arith.constant 0 : i32
      %dma_wait3A_422 = tpu.memref_slice %arg2[%dma_wait3A_420, %dma_wait3A_421] : memref<10240x128xf32, #tpu.memory_space<hbm>> -> memref<32x128xf32, #tpu.memory_space<hbm>>
      %dma_wait3A_423 = arith.constant 0 : i32
      %dma_wait3A_424 = arith.constant 0 : i32
      %dma_wait3A_425 = tpu.memref_slice %arg2[%dma_wait3A_423, %dma_wait3A_424] : memref<10240x128xf32, #tpu.memory_space<hbm>> -> memref<32x128xf32, #tpu.memory_space<hbm>>
      tpu.wait_dma2 semaphore(%arg34 : memref<!tpu.dma_semaphore, #tpu.memory_space<semaphore_mem>>) src(%dma_wait3A_425 : memref<32x128xf32, #tpu.memory_space<hbm>>) dst(%arg17 : memref<32x128xf32, #tpu.memory_space<vmem>>)
      %dma_start3A_426 = arith.constant 0 : i32
      %dma_start3A_427 = arith.constant 0 : i32
      %dma_start3A_428 = tpu.memref_slice %arg22[%dma_start3A_426, %dma_start3A_427] : memref<10240x128xf32, #tpu.memory_space<vmem_shared>> -> memref<10240x128xf32, #tpu.memory_space<vmem_shared>>
      tpu.enqueue_indirect_dma source(%arg17 : memref<32x128xf32, #tpu.memory_space<vmem>>) target(%dma_start3A_428 : memref<10240x128xf32, #tpu.memory_space<vmem_shared>>) offsets(%arg9 : memref<32xi32, #tpu.memory_space<vmem>>) semaphore(%arg42 : memref<!tpu.dma_semaphore, #tpu.memory_space<semaphore_mem>>) {add = true}
      %mul3A_429 = arith.constant 8 : i32
      %mul3A_430 = arith.muli %while3A_159, %mul3A_429 : i32
      %add3A_431 = arith.constant 4 : i32
      %add3A_432 = arith.addi %mul3A_430, %add3A_431 : i32
      %dma_wait3A_433 = arith.constant 1 : i32
      %dma_wait3A_434 = arith.constant 0 : i32
      %dma_wait3A_435 = tpu.memref_slice %arg3[%dma_wait3A_433, %dma_wait3A_434] : memref<2x320000xi32, #tpu.memory_space<hbm>> -> memref<1x32xi32, #tpu.memory_space<hbm>>
      %dma_wait3A_436 = tpu.memref_squeeze %dma_wait3A_435 : memref<1x32xi32, #tpu.memory_space<hbm>> -> memref<32xi32, #tpu.memory_space<hbm>>
      %dma_wait3A_437 = arith.constant 0 : i32
      %dma_wait3A_438 = tpu.memref_slice %arg3[%dma_wait3A_433, %dma_wait3A_437] : memref<2x320000xi32, #tpu.memory_space<hbm>> -> memref<1x32xi32, #tpu.memory_space<hbm>>
      %dma_wait3A_439 = tpu.memref_squeeze %dma_wait3A_438 : memref<1x32xi32, #tpu.memory_space<hbm>> -> memref<32xi32, #tpu.memory_space<hbm>>
      tpu.wait_dma2 semaphore(%arg27 : memref<!tpu.dma_semaphore, #tpu.memory_space<semaphore_mem>>) src(%dma_wait3A_439 : memref<32xi32, #tpu.memory_space<hbm>>) dst(%arg10 : memref<32xi32, #tpu.memory_space<vmem>>)
      %dma_wait3A_440 = arith.constant 0 : i32
      %dma_wait3A_441 = arith.constant 0 : i32
      %dma_wait3A_442 = tpu.memref_slice %arg2[%dma_wait3A_440, %dma_wait3A_441] : memref<10240x128xf32, #tpu.memory_space<hbm>> -> memref<32x128xf32, #tpu.memory_space<hbm>>
      %dma_wait3A_443 = arith.constant 0 : i32
      %dma_wait3A_444 = arith.constant 0 : i32
      %dma_wait3A_445 = tpu.memref_slice %arg2[%dma_wait3A_443, %dma_wait3A_444] : memref<10240x128xf32, #tpu.memory_space<hbm>> -> memref<32x128xf32, #tpu.memory_space<hbm>>
      tpu.wait_dma2 semaphore(%arg35 : memref<!tpu.dma_semaphore, #tpu.memory_space<semaphore_mem>>) src(%dma_wait3A_445 : memref<32x128xf32, #tpu.memory_space<hbm>>) dst(%arg18 : memref<32x128xf32, #tpu.memory_space<vmem>>)
      %dma_start3A_446 = arith.constant 0 : i32
      %dma_start3A_447 = arith.constant 0 : i32
      %dma_start3A_448 = tpu.memref_slice %arg22[%dma_start3A_446, %dma_start3A_447] : memref<10240x128xf32, #tpu.memory_space<vmem_shared>> -> memref<10240x128xf32, #tpu.memory_space<vmem_shared>>
      tpu.enqueue_indirect_dma source(%arg18 : memref<32x128xf32, #tpu.memory_space<vmem>>) target(%dma_start3A_448 : memref<10240x128xf32, #tpu.memory_space<vmem_shared>>) offsets(%arg10 : memref<32xi32, #tpu.memory_space<vmem>>) semaphore(%arg43 : memref<!tpu.dma_semaphore, #tpu.memory_space<semaphore_mem>>) {add = true}
      %mul3A_449 = arith.constant 8 : i32
      %mul3A_450 = arith.muli %while3A_159, %mul3A_449 : i32
      %add3A_451 = arith.constant 5 : i32
      %add3A_452 = arith.addi %mul3A_450, %add3A_451 : i32
      %dma_wait3A_453 = arith.constant 1 : i32
      %dma_wait3A_454 = arith.constant 0 : i32
      %dma_wait3A_455 = tpu.memref_slice %arg3[%dma_wait3A_453, %dma_wait3A_454] : memref<2x320000xi32, #tpu.memory_space<hbm>> -> memref<1x32xi32, #tpu.memory_space<hbm>>
      %dma_wait3A_456 = tpu.memref_squeeze %dma_wait3A_455 : memref<1x32xi32, #tpu.memory_space<hbm>> -> memref<32xi32, #tpu.memory_space<hbm>>
      %dma_wait3A_457 = arith.constant 0 : i32
      %dma_wait3A_458 = tpu.memref_slice %arg3[%dma_wait3A_453, %dma_wait3A_457] : memref<2x320000xi32, #tpu.memory_space<hbm>> -> memref<1x32xi32, #tpu.memory_space<hbm>>
      %dma_wait3A_459 = tpu.memref_squeeze %dma_wait3A_458 : memref<1x32xi32, #tpu.memory_space<hbm>> -> memref<32xi32, #tpu.memory_space<hbm>>
      tpu.wait_dma2 semaphore(%arg28 : memref<!tpu.dma_semaphore, #tpu.memory_space<semaphore_mem>>) src(%dma_wait3A_459 : memref<32xi32, #tpu.memory_space<hbm>>) dst(%arg11 : memref<32xi32, #tpu.memory_space<vmem>>)
      %dma_wait3A_460 = arith.constant 0 : i32
      %dma_wait3A_461 = arith.constant 0 : i32
      %dma_wait3A_462 = tpu.memref_slice %arg2[%dma_wait3A_460, %dma_wait3A_461] : memref<10240x128xf32, #tpu.memory_space<hbm>> -> memref<32x128xf32, #tpu.memory_space<hbm>>
      %dma_wait3A_463 = arith.constant 0 : i32
      %dma_wait3A_464 = arith.constant 0 : i32
      %dma_wait3A_465 = tpu.memref_slice %arg2[%dma_wait3A_463, %dma_wait3A_464] : memref<10240x128xf32, #tpu.memory_space<hbm>> -> memref<32x128xf32, #tpu.memory_space<hbm>>
      tpu.wait_dma2 semaphore(%arg36 : memref<!tpu.dma_semaphore, #tpu.memory_space<semaphore_mem>>) src(%dma_wait3A_465 : memref<32x128xf32, #tpu.memory_space<hbm>>) dst(%arg19 : memref<32x128xf32, #tpu.memory_space<vmem>>)
      %dma_start3A_466 = arith.constant 0 : i32
      %dma_start3A_467 = arith.constant 0 : i32
      %dma_start3A_468 = tpu.memref_slice %arg22[%dma_start3A_466, %dma_start3A_467] : memref<10240x128xf32, #tpu.memory_space<vmem_shared>> -> memref<10240x128xf32, #tpu.memory_space<vmem_shared>>
      tpu.enqueue_indirect_dma source(%arg19 : memref<32x128xf32, #tpu.memory_space<vmem>>) target(%dma_start3A_468 : memref<10240x128xf32, #tpu.memory_space<vmem_shared>>) offsets(%arg11 : memref<32xi32, #tpu.memory_space<vmem>>) semaphore(%arg44 : memref<!tpu.dma_semaphore, #tpu.memory_space<semaphore_mem>>) {add = true}
      %mul3A_469 = arith.constant 8 : i32
      %mul3A_470 = arith.muli %while3A_159, %mul3A_469 : i32
      %add3A_471 = arith.constant 6 : i32
      %add3A_472 = arith.addi %mul3A_470, %add3A_471 : i32
      %dma_wait3A_473 = arith.constant 1 : i32
      %dma_wait3A_474 = arith.constant 0 : i32
      %dma_wait3A_475 = tpu.memref_slice %arg3[%dma_wait3A_473, %dma_wait3A_474] : memref<2x320000xi32, #tpu.memory_space<hbm>> -> memref<1x32xi32, #tpu.memory_space<hbm>>
      %dma_wait3A_476 = tpu.memref_squeeze %dma_wait3A_475 : memref<1x32xi32, #tpu.memory_space<hbm>> -> memref<32xi32, #tpu.memory_space<hbm>>
      %dma_wait3A_477 = arith.constant 0 : i32
      %dma_wait3A_478 = tpu.memref_slice %arg3[%dma_wait3A_473, %dma_wait3A_477] : memref<2x320000xi32, #tpu.memory_space<hbm>> -> memref<1x32xi32, #tpu.memory_space<hbm>>
      %dma_wait3A_479 = tpu.memref_squeeze %dma_wait3A_478 : memref<1x32xi32, #tpu.memory_space<hbm>> -> memref<32xi32, #tpu.memory_space<hbm>>
      tpu.wait_dma2 semaphore(%arg29 : memref<!tpu.dma_semaphore, #tpu.memory_space<semaphore_mem>>) src(%dma_wait3A_479 : memref<32xi32, #tpu.memory_space<hbm>>) dst(%arg12 : memref<32xi32, #tpu.memory_space<vmem>>)
      %dma_wait3A_480 = arith.constant 0 : i32
      %dma_wait3A_481 = arith.constant 0 : i32
      %dma_wait3A_482 = tpu.memref_slice %arg2[%dma_wait3A_480, %dma_wait3A_481] : memref<10240x128xf32, #tpu.memory_space<hbm>> -> memref<32x128xf32, #tpu.memory_space<hbm>>
      %dma_wait3A_483 = arith.constant 0 : i32
      %dma_wait3A_484 = arith.constant 0 : i32
      %dma_wait3A_485 = tpu.memref_slice %arg2[%dma_wait3A_483, %dma_wait3A_484] : memref<10240x128xf32, #tpu.memory_space<hbm>> -> memref<32x128xf32, #tpu.memory_space<hbm>>
      tpu.wait_dma2 semaphore(%arg37 : memref<!tpu.dma_semaphore, #tpu.memory_space<semaphore_mem>>) src(%dma_wait3A_485 : memref<32x128xf32, #tpu.memory_space<hbm>>) dst(%arg20 : memref<32x128xf32, #tpu.memory_space<vmem>>)
      %dma_start3A_486 = arith.constant 0 : i32
      %dma_start3A_487 = arith.constant 0 : i32
      %dma_start3A_488 = tpu.memref_slice %arg22[%dma_start3A_486, %dma_start3A_487] : memref<10240x128xf32, #tpu.memory_space<vmem_shared>> -> memref<10240x128xf32, #tpu.memory_space<vmem_shared>>
      tpu.enqueue_indirect_dma source(%arg20 : memref<32x128xf32, #tpu.memory_space<vmem>>) target(%dma_start3A_488 : memref<10240x128xf32, #tpu.memory_space<vmem_shared>>) offsets(%arg12 : memref<32xi32, #tpu.memory_space<vmem>>) semaphore(%arg45 : memref<!tpu.dma_semaphore, #tpu.memory_space<semaphore_mem>>) {add = true}
      %mul3A_489 = arith.constant 8 : i32
      %mul3A_490 = arith.muli %while3A_159, %mul3A_489 : i32
      %add3A_491 = arith.constant 7 : i32
      %add3A_492 = arith.addi %mul3A_490, %add3A_491 : i32
      %dma_wait3A_493 = arith.constant 1 : i32
      %dma_wait3A_494 = arith.constant 0 : i32
      %dma_wait3A_495 = tpu.memref_slice %arg3[%dma_wait3A_493, %dma_wait3A_494] : memref<2x320000xi32, #tpu.memory_space<hbm>> -> memref<1x32xi32, #tpu.memory_space<hbm>>
      %dma_wait3A_496 = tpu.memref_squeeze %dma_wait3A_495 : memref<1x32xi32, #tpu.memory_space<hbm>> -> memref<32xi32, #tpu.memory_space<hbm>>
      %dma_wait3A_497 = arith.constant 0 : i32
      %dma_wait3A_498 = tpu.memref_slice %arg3[%dma_wait3A_493, %dma_wait3A_497] : memref<2x320000xi32, #tpu.memory_space<hbm>> -> memref<1x32xi32, #tpu.memory_space<hbm>>
      %dma_wait3A_499 = tpu.memref_squeeze %dma_wait3A_498 : memref<1x32xi32, #tpu.memory_space<hbm>> -> memref<32xi32, #tpu.memory_space<hbm>>
      tpu.wait_dma2 semaphore(%arg30 : memref<!tpu.dma_semaphore, #tpu.memory_space<semaphore_mem>>) src(%dma_wait3A_499 : memref<32xi32, #tpu.memory_space<hbm>>) dst(%arg13 : memref<32xi32, #tpu.memory_space<vmem>>)
      %dma_wait3A_500 = arith.constant 0 : i32
      %dma_wait3A_501 = arith.constant 0 : i32
      %dma_wait3A_502 = tpu.memref_slice %arg2[%dma_wait3A_500, %dma_wait3A_501] : memref<10240x128xf32, #tpu.memory_space<hbm>> -> memref<32x128xf32, #tpu.memory_space<hbm>>
      %dma_wait3A_503 = arith.constant 0 : i32
      %dma_wait3A_504 = arith.constant 0 : i32
      %dma_wait3A_505 = tpu.memref_slice %arg2[%dma_wait3A_503, %dma_wait3A_504] : memref<10240x128xf32, #tpu.memory_space<hbm>> -> memref<32x128xf32, #tpu.memory_space<hbm>>
      tpu.wait_dma2 semaphore(%arg38 : memref<!tpu.dma_semaphore, #tpu.memory_space<semaphore_mem>>) src(%dma_wait3A_505 : memref<32x128xf32, #tpu.memory_space<hbm>>) dst(%arg21 : memref<32x128xf32, #tpu.memory_space<vmem>>)
      %dma_start3A_506 = arith.constant 0 : i32
      %dma_start3A_507 = arith.constant 0 : i32
      %dma_start3A_508 = tpu.memref_slice %arg22[%dma_start3A_506, %dma_start3A_507] : memref<10240x128xf32, #tpu.memory_space<vmem_shared>> -> memref<10240x128xf32, #tpu.memory_space<vmem_shared>>
      tpu.enqueue_indirect_dma source(%arg21 : memref<32x128xf32, #tpu.memory_space<vmem>>) target(%dma_start3A_508 : memref<10240x128xf32, #tpu.memory_space<vmem_shared>>) offsets(%arg13 : memref<32xi32, #tpu.memory_space<vmem>>) semaphore(%arg46 : memref<!tpu.dma_semaphore, #tpu.memory_space<semaphore_mem>>) {add = true}
      %while3A_509 = arith.constant 0 : i32
      scf.yield %while3A_509 : i32
    }
    %while3A_105 = arith.constant 1 : i32
    %while3A_106 = scf.for %while3A_159 = %while3A_102 to %while3A_98 step %while3A_105 iter_args(%while3A_160 = %while3A_104) -> (i32)  : i32 {
      %mul3A_161 = arith.constant 8 : i32
      %mul3A_162 = arith.muli %while3A_159, %mul3A_161 : i32
      %add3A_163 = arith.constant 0 : i32
      %add3A_164 = arith.addi %mul3A_162, %add3A_163 : i32
      %gt3A = arith.constant 0 : i32
      %gt3A_165 = arith.cmpi sgt, %while3A_159, %gt3A : i32
      %convert_element_type3A = arith.extui %gt3A_165 : i1 to i32
      %cond3A = arith.constant 0 : i32
      %cond3A_166 = arith.cmpi ne, %convert_element_type3A, %cond3A : i32
      scf.if %cond3A_166 {
        %dma_wait3A_510 = arith.constant 0 : i32
        %dma_wait3A_511 = arith.constant 0 : i32
        %dma_wait3A_512 = tpu.memref_slice %arg2[%dma_wait3A_510, %dma_wait3A_511] : memref<10240x128xf32, #tpu.memory_space<hbm>> -> memref<32x128xf32, #tpu.memory_space<hbm>>
        %dma_wait3A_513 = arith.constant 0 : i32
        %dma_wait3A_514 = arith.constant 0 : i32
        %dma_wait3A_515 = tpu.memref_slice %arg2[%dma_wait3A_513, %dma_wait3A_514] : memref<10240x128xf32, #tpu.memory_space<hbm>> -> memref<32x128xf32, #tpu.memory_space<hbm>>
        tpu.wait_dma2 semaphore(%arg39 : memref<!tpu.dma_semaphore, #tpu.memory_space<semaphore_mem>>) src(%dma_wait3A_515 : memref<32x128xf32, #tpu.memory_space<hbm>>) dst(%arg14 : memref<32x128xf32, #tpu.memory_space<vmem>>)
      } else {
      }
      %mul3A_167 = arith.constant 32 : i32
      %mul3A_168 = arith.muli %add3A_164, %mul3A_167 : i32
      %add3A_169 = arith.addi %mul3A_88, %mul3A_168 : i32
      %dma_start3A = arith.constant 1 : i32
      %dma_start3A_170 = tpu.memref_slice %arg3[%dma_start3A, %add3A_169] : memref<2x320000xi32, #tpu.memory_space<hbm>> -> memref<1x32xi32, #tpu.memory_space<hbm>>
      %dma_start3A_171 = tpu.memref_squeeze %dma_start3A_170 : memref<1x32xi32, #tpu.memory_space<hbm>> -> memref<32xi32, #tpu.memory_space<hbm>>
      %dma_start3A_172 = tpu.memref_slice %arg3[%dma_start3A, %add3A_169] : memref<2x320000xi32, #tpu.memory_space<hbm>> -> memref<1x32xi32, #tpu.memory_space<hbm>>
      %dma_start3A_173 = tpu.memref_squeeze %dma_start3A_172 : memref<1x32xi32, #tpu.memory_space<hbm>> -> memref<32xi32, #tpu.memory_space<hbm>>
      tpu.enqueue_dma source(%dma_start3A_173 : memref<32xi32, #tpu.memory_space<hbm>>) target(%arg6 : memref<32xi32, #tpu.memory_space<vmem>>) target_semaphore(%arg23 : memref<!tpu.dma_semaphore, #tpu.memory_space<semaphore_mem>>)
      %mul3A_174 = arith.constant 32 : i32
      %mul3A_175 = arith.muli %add3A_164, %mul3A_174 : i32
      %add3A_176 = arith.addi %select_n3A_92, %mul3A_175 : i32
      %dma_start3A_177 = tpu.memref_slice %arg5[%add3A_176] : memref<10240xi32, #tpu.memory_space<vmem>> -> memref<32xi32, #tpu.memory_space<vmem>>
      %dma_start3A_178 = arith.constant 0 : i32
      %dma_start3A_179 = arith.constant 0 : i32
      %dma_start3A_180 = tpu.memref_slice %arg2[%dma_start3A_178, %dma_start3A_179] : memref<10240x128xf32, #tpu.memory_space<hbm>> -> memref<10240x128xf32, #tpu.memory_space<hbm>>
      tpu.enqueue_indirect_dma source(%dma_start3A_180 : memref<10240x128xf32, #tpu.memory_space<hbm>>) target(%arg14 : memref<32x128xf32, #tpu.memory_space<vmem>>) offsets(%dma_start3A_177 : memref<32xi32, #tpu.memory_space<vmem>>) semaphore(%arg31 : memref<!tpu.dma_semaphore, #tpu.memory_space<semaphore_mem>>)
      %mul3A_181 = arith.constant 8 : i32
      %mul3A_182 = arith.muli %while3A_159, %mul3A_181 : i32
      %add3A_183 = arith.constant 1 : i32
      %add3A_184 = arith.addi %mul3A_182, %add3A_183 : i32
      %gt3A_185 = arith.constant 0 : i32
      %gt3A_186 = arith.cmpi sgt, %while3A_159, %gt3A_185 : i32
      %convert_element_type3A_187 = arith.extui %gt3A_186 : i1 to i32
      %cond3A_188 = arith.constant 0 : i32
      %cond3A_189 = arith.cmpi ne, %convert_element_type3A_187, %cond3A_188 : i32
      scf.if %cond3A_189 {
        %dma_wait3A_510 = arith.constant 0 : i32
        %dma_wait3A_511 = arith.constant 0 : i32
        %dma_wait3A_512 = tpu.memref_slice %arg2[%dma_wait3A_510, %dma_wait3A_511] : memref<10240x128xf32, #tpu.memory_space<hbm>> -> memref<32x128xf32, #tpu.memory_space<hbm>>
        %dma_wait3A_513 = arith.constant 0 : i32
        %dma_wait3A_514 = arith.constant 0 : i32
        %dma_wait3A_515 = tpu.memref_slice %arg2[%dma_wait3A_513, %dma_wait3A_514] : memref<10240x128xf32, #tpu.memory_space<hbm>> -> memref<32x128xf32, #tpu.memory_space<hbm>>
        tpu.wait_dma2 semaphore(%arg40 : memref<!tpu.dma_semaphore, #tpu.memory_space<semaphore_mem>>) src(%dma_wait3A_515 : memref<32x128xf32, #tpu.memory_space<hbm>>) dst(%arg15 : memref<32x128xf32, #tpu.memory_space<vmem>>)
      } else {
      }
      %mul3A_190 = arith.constant 32 : i32
      %mul3A_191 = arith.muli %add3A_184, %mul3A_190 : i32
      %add3A_192 = arith.addi %mul3A_88, %mul3A_191 : i32
      %dma_start3A_193 = arith.constant 1 : i32
      %dma_start3A_194 = tpu.memref_slice %arg3[%dma_start3A_193, %add3A_192] : memref<2x320000xi32, #tpu.memory_space<hbm>> -> memref<1x32xi32, #tpu.memory_space<hbm>>
      %dma_start3A_195 = tpu.memref_squeeze %dma_start3A_194 : memref<1x32xi32, #tpu.memory_space<hbm>> -> memref<32xi32, #tpu.memory_space<hbm>>
      %dma_start3A_196 = tpu.memref_slice %arg3[%dma_start3A_193, %add3A_192] : memref<2x320000xi32, #tpu.memory_space<hbm>> -> memref<1x32xi32, #tpu.memory_space<hbm>>
      %dma_start3A_197 = tpu.memref_squeeze %dma_start3A_196 : memref<1x32xi32, #tpu.memory_space<hbm>> -> memref<32xi32, #tpu.memory_space<hbm>>
      tpu.enqueue_dma source(%dma_start3A_197 : memref<32xi32, #tpu.memory_space<hbm>>) target(%arg7 : memref<32xi32, #tpu.memory_space<vmem>>) target_semaphore(%arg24 : memref<!tpu.dma_semaphore, #tpu.memory_space<semaphore_mem>>)
      %mul3A_198 = arith.constant 32 : i32
      %mul3A_199 = arith.muli %add3A_184, %mul3A_198 : i32
      %add3A_200 = arith.addi %select_n3A_92, %mul3A_199 : i32
      %dma_start3A_201 = tpu.memref_slice %arg5[%add3A_200] : memref<10240xi32, #tpu.memory_space<vmem>> -> memref<32xi32, #tpu.memory_space<vmem>>
      %dma_start3A_202 = arith.constant 0 : i32
      %dma_start3A_203 = arith.constant 0 : i32
      %dma_start3A_204 = tpu.memref_slice %arg2[%dma_start3A_202, %dma_start3A_203] : memref<10240x128xf32, #tpu.memory_space<hbm>> -> memref<10240x128xf32, #tpu.memory_space<hbm>>
      tpu.enqueue_indirect_dma source(%dma_start3A_204 : memref<10240x128xf32, #tpu.memory_space<hbm>>) target(%arg15 : memref<32x128xf32, #tpu.memory_space<vmem>>) offsets(%dma_start3A_201 : memref<32xi32, #tpu.memory_space<vmem>>) semaphore(%arg32 : memref<!tpu.dma_semaphore, #tpu.memory_space<semaphore_mem>>)
      %mul3A_205 = arith.constant 8 : i32
      %mul3A_206 = arith.muli %while3A_159, %mul3A_205 : i32
      %add3A_207 = arith.constant 2 : i32
      %add3A_208 = arith.addi %mul3A_206, %add3A_207 : i32
      %gt3A_209 = arith.constant 0 : i32
      %gt3A_210 = arith.cmpi sgt, %while3A_159, %gt3A_209 : i32
      %convert_element_type3A_211 = arith.extui %gt3A_210 : i1 to i32
      %cond3A_212 = arith.constant 0 : i32
      %cond3A_213 = arith.cmpi ne, %convert_element_type3A_211, %cond3A_212 : i32
      scf.if %cond3A_213 {
        %dma_wait3A_510 = arith.constant 0 : i32
        %dma_wait3A_511 = arith.constant 0 : i32
        %dma_wait3A_512 = tpu.memref_slice %arg2[%dma_wait3A_510, %dma_wait3A_511] : memref<10240x128xf32, #tpu.memory_space<hbm>> -> memref<32x128xf32, #tpu.memory_space<hbm>>
        %dma_wait3A_513 = arith.constant 0 : i32
        %dma_wait3A_514 = arith.constant 0 : i32
        %dma_wait3A_515 = tpu.memref_slice %arg2[%dma_wait3A_513, %dma_wait3A_514] : memref<10240x128xf32, #tpu.memory_space<hbm>> -> memref<32x128xf32, #tpu.memory_space<hbm>>
        tpu.wait_dma2 semaphore(%arg41 : memref<!tpu.dma_semaphore, #tpu.memory_space<semaphore_mem>>) src(%dma_wait3A_515 : memref<32x128xf32, #tpu.memory_space<hbm>>) dst(%arg16 : memref<32x128xf32, #tpu.memory_space<vmem>>)
      } else {
      }
      %mul3A_214 = arith.constant 32 : i32
      %mul3A_215 = arith.muli %add3A_208, %mul3A_214 : i32
      %add3A_216 = arith.addi %mul3A_88, %mul3A_215 : i32
      %dma_start3A_217 = arith.constant 1 : i32
      %dma_start3A_218 = tpu.memref_slice %arg3[%dma_start3A_217, %add3A_216] : memref<2x320000xi32, #tpu.memory_space<hbm>> -> memref<1x32xi32, #tpu.memory_space<hbm>>
      %dma_start3A_219 = tpu.memref_squeeze %dma_start3A_218 : memref<1x32xi32, #tpu.memory_space<hbm>> -> memref<32xi32, #tpu.memory_space<hbm>>
      %dma_start3A_220 = tpu.memref_slice %arg3[%dma_start3A_217, %add3A_216] : memref<2x320000xi32, #tpu.memory_space<hbm>> -> memref<1x32xi32, #tpu.memory_space<hbm>>
      %dma_start3A_221 = tpu.memref_squeeze %dma_start3A_220 : memref<1x32xi32, #tpu.memory_space<hbm>> -> memref<32xi32, #tpu.memory_space<hbm>>
      tpu.enqueue_dma source(%dma_start3A_221 : memref<32xi32, #tpu.memory_space<hbm>>) target(%arg8 : memref<32xi32, #tpu.memory_space<vmem>>) target_semaphore(%arg25 : memref<!tpu.dma_semaphore, #tpu.memory_space<semaphore_mem>>)
      %mul3A_222 = arith.constant 32 : i32
      %mul3A_223 = arith.muli %add3A_208, %mul3A_222 : i32
      %add3A_224 = arith.addi %select_n3A_92, %mul3A_223 : i32
      %dma_start3A_225 = tpu.memref_slice %arg5[%add3A_224] : memref<10240xi32, #tpu.memory_space<vmem>> -> memref<32xi32, #tpu.memory_space<vmem>>
      %dma_start3A_226 = arith.constant 0 : i32
      %dma_start3A_227 = arith.constant 0 : i32
      %dma_start3A_228 = tpu.memref_slice %arg2[%dma_start3A_226, %dma_start3A_227] : memref<10240x128xf32, #tpu.memory_space<hbm>> -> memref<10240x128xf32, #tpu.memory_space<hbm>>
      tpu.enqueue_indirect_dma source(%dma_start3A_228 : memref<10240x128xf32, #tpu.memory_space<hbm>>) target(%arg16 : memref<32x128xf32, #tpu.memory_space<vmem>>) offsets(%dma_start3A_225 : memref<32xi32, #tpu.memory_space<vmem>>) semaphore(%arg33 : memref<!tpu.dma_semaphore, #tpu.memory_space<semaphore_mem>>)
      %mul3A_229 = arith.constant 8 : i32
      %mul3A_230 = arith.muli %while3A_159, %mul3A_229 : i32
      %add3A_231 = arith.constant 3 : i32
      %add3A_232 = arith.addi %mul3A_230, %add3A_231 : i32
      %gt3A_233 = arith.constant 0 : i32
      %gt3A_234 = arith.cmpi sgt, %while3A_159, %gt3A_233 : i32
      %convert_element_type3A_235 = arith.extui %gt3A_234 : i1 to i32
      %cond3A_236 = arith.constant 0 : i32
      %cond3A_237 = arith.cmpi ne, %convert_element_type3A_235, %cond3A_236 : i32
      scf.if %cond3A_237 {
        %dma_wait3A_510 = arith.constant 0 : i32
        %dma_wait3A_511 = arith.constant 0 : i32
        %dma_wait3A_512 = tpu.memref_slice %arg2[%dma_wait3A_510, %dma_wait3A_511] : memref<10240x128xf32, #tpu.memory_space<hbm>> -> memref<32x128xf32, #tpu.memory_space<hbm>>
        %dma_wait3A_513 = arith.constant 0 : i32
        %dma_wait3A_514 = arith.constant 0 : i32
        %dma_wait3A_515 = tpu.memref_slice %arg2[%dma_wait3A_513, %dma_wait3A_514] : memref<10240x128xf32, #tpu.memory_space<hbm>> -> memref<32x128xf32, #tpu.memory_space<hbm>>
        tpu.wait_dma2 semaphore(%arg42 : memref<!tpu.dma_semaphore, #tpu.memory_space<semaphore_mem>>) src(%dma_wait3A_515 : memref<32x128xf32, #tpu.memory_space<hbm>>) dst(%arg17 : memref<32x128xf32, #tpu.memory_space<vmem>>)
      } else {
      }
      %mul3A_238 = arith.constant 32 : i32
      %mul3A_239 = arith.muli %add3A_232, %mul3A_238 : i32
      %add3A_240 = arith.addi %mul3A_88, %mul3A_239 : i32
      %dma_start3A_241 = arith.constant 1 : i32
      %dma_start3A_242 = tpu.memref_slice %arg3[%dma_start3A_241, %add3A_240] : memref<2x320000xi32, #tpu.memory_space<hbm>> -> memref<1x32xi32, #tpu.memory_space<hbm>>
      %dma_start3A_243 = tpu.memref_squeeze %dma_start3A_242 : memref<1x32xi32, #tpu.memory_space<hbm>> -> memref<32xi32, #tpu.memory_space<hbm>>
      %dma_start3A_244 = tpu.memref_slice %arg3[%dma_start3A_241, %add3A_240] : memref<2x320000xi32, #tpu.memory_space<hbm>> -> memref<1x32xi32, #tpu.memory_space<hbm>>
      %dma_start3A_245 = tpu.memref_squeeze %dma_start3A_244 : memref<1x32xi32, #tpu.memory_space<hbm>> -> memref<32xi32, #tpu.memory_space<hbm>>
      tpu.enqueue_dma source(%dma_start3A_245 : memref<32xi32, #tpu.memory_space<hbm>>) target(%arg9 : memref<32xi32, #tpu.memory_space<vmem>>) target_semaphore(%arg26 : memref<!tpu.dma_semaphore, #tpu.memory_space<semaphore_mem>>)
      %mul3A_246 = arith.constant 32 : i32
      %mul3A_247 = arith.muli %add3A_232, %mul3A_246 : i32
      %add3A_248 = arith.addi %select_n3A_92, %mul3A_247 : i32
      %dma_start3A_249 = tpu.memref_slice %arg5[%add3A_248] : memref<10240xi32, #tpu.memory_space<vmem>> -> memref<32xi32, #tpu.memory_space<vmem>>
      %dma_start3A_250 = arith.constant 0 : i32
      %dma_start3A_251 = arith.constant 0 : i32
      %dma_start3A_252 = tpu.memref_slice %arg2[%dma_start3A_250, %dma_start3A_251] : memref<10240x128xf32, #tpu.memory_space<hbm>> -> memref<10240x128xf32, #tpu.memory_space<hbm>>
      tpu.enqueue_indirect_dma source(%dma_start3A_252 : memref<10240x128xf32, #tpu.memory_space<hbm>>) target(%arg17 : memref<32x128xf32, #tpu.memory_space<vmem>>) offsets(%dma_start3A_249 : memref<32xi32, #tpu.memory_space<vmem>>) semaphore(%arg34 : memref<!tpu.dma_semaphore, #tpu.memory_space<semaphore_mem>>)
      %mul3A_253 = arith.constant 8 : i32
      %mul3A_254 = arith.muli %while3A_159, %mul3A_253 : i32
      %add3A_255 = arith.constant 4 : i32
      %add3A_256 = arith.addi %mul3A_254, %add3A_255 : i32
      %gt3A_257 = arith.constant 0 : i32
      %gt3A_258 = arith.cmpi sgt, %while3A_159, %gt3A_257 : i32
      %convert_element_type3A_259 = arith.extui %gt3A_258 : i1 to i32
      %cond3A_260 = arith.constant 0 : i32
      %cond3A_261 = arith.cmpi ne, %convert_element_type3A_259, %cond3A_260 : i32
      scf.if %cond3A_261 {
        %dma_wait3A_510 = arith.constant 0 : i32
        %dma_wait3A_511 = arith.constant 0 : i32
        %dma_wait3A_512 = tpu.memref_slice %arg2[%dma_wait3A_510, %dma_wait3A_511] : memref<10240x128xf32, #tpu.memory_space<hbm>> -> memref<32x128xf32, #tpu.memory_space<hbm>>
        %dma_wait3A_513 = arith.constant 0 : i32
        %dma_wait3A_514 = arith.constant 0 : i32
        %dma_wait3A_515 = tpu.memref_slice %arg2[%dma_wait3A_513, %dma_wait3A_514] : memref<10240x128xf32, #tpu.memory_space<hbm>> -> memref<32x128xf32, #tpu.memory_space<hbm>>
        tpu.wait_dma2 semaphore(%arg43 : memref<!tpu.dma_semaphore, #tpu.memory_space<semaphore_mem>>) src(%dma_wait3A_515 : memref<32x128xf32, #tpu.memory_space<hbm>>) dst(%arg18 : memref<32x128xf32, #tpu.memory_space<vmem>>)
      } else {
      }
      %mul3A_262 = arith.constant 32 : i32
      %mul3A_263 = arith.muli %add3A_256, %mul3A_262 : i32
      %add3A_264 = arith.addi %mul3A_88, %mul3A_263 : i32
      %dma_start3A_265 = arith.constant 1 : i32
      %dma_start3A_266 = tpu.memref_slice %arg3[%dma_start3A_265, %add3A_264] : memref<2x320000xi32, #tpu.memory_space<hbm>> -> memref<1x32xi32, #tpu.memory_space<hbm>>
      %dma_start3A_267 = tpu.memref_squeeze %dma_start3A_266 : memref<1x32xi32, #tpu.memory_space<hbm>> -> memref<32xi32, #tpu.memory_space<hbm>>
      %dma_start3A_268 = tpu.memref_slice %arg3[%dma_start3A_265, %add3A_264] : memref<2x320000xi32, #tpu.memory_space<hbm>> -> memref<1x32xi32, #tpu.memory_space<hbm>>
      %dma_start3A_269 = tpu.memref_squeeze %dma_start3A_268 : memref<1x32xi32, #tpu.memory_space<hbm>> -> memref<32xi32, #tpu.memory_space<hbm>>
      tpu.enqueue_dma source(%dma_start3A_269 : memref<32xi32, #tpu.memory_space<hbm>>) target(%arg10 : memref<32xi32, #tpu.memory_space<vmem>>) target_semaphore(%arg27 : memref<!tpu.dma_semaphore, #tpu.memory_space<semaphore_mem>>)
      %mul3A_270 = arith.constant 32 : i32
      %mul3A_271 = arith.muli %add3A_256, %mul3A_270 : i32
      %add3A_272 = arith.addi %select_n3A_92, %mul3A_271 : i32
      %dma_start3A_273 = tpu.memref_slice %arg5[%add3A_272] : memref<10240xi32, #tpu.memory_space<vmem>> -> memref<32xi32, #tpu.memory_space<vmem>>
      %dma_start3A_274 = arith.constant 0 : i32
      %dma_start3A_275 = arith.constant 0 : i32
      %dma_start3A_276 = tpu.memref_slice %arg2[%dma_start3A_274, %dma_start3A_275] : memref<10240x128xf32, #tpu.memory_space<hbm>> -> memref<10240x128xf32, #tpu.memory_space<hbm>>
      tpu.enqueue_indirect_dma source(%dma_start3A_276 : memref<10240x128xf32, #tpu.memory_space<hbm>>) target(%arg18 : memref<32x128xf32, #tpu.memory_space<vmem>>) offsets(%dma_start3A_273 : memref<32xi32, #tpu.memory_space<vmem>>) semaphore(%arg35 : memref<!tpu.dma_semaphore, #tpu.memory_space<semaphore_mem>>)
      %mul3A_277 = arith.constant 8 : i32
      %mul3A_278 = arith.muli %while3A_159, %mul3A_277 : i32
      %add3A_279 = arith.constant 5 : i32
      %add3A_280 = arith.addi %mul3A_278, %add3A_279 : i32
      %gt3A_281 = arith.constant 0 : i32
      %gt3A_282 = arith.cmpi sgt, %while3A_159, %gt3A_281 : i32
      %convert_element_type3A_283 = arith.extui %gt3A_282 : i1 to i32
      %cond3A_284 = arith.constant 0 : i32
      %cond3A_285 = arith.cmpi ne, %convert_element_type3A_283, %cond3A_284 : i32
      scf.if %cond3A_285 {
        %dma_wait3A_510 = arith.constant 0 : i32
        %dma_wait3A_511 = arith.constant 0 : i32
        %dma_wait3A_512 = tpu.memref_slice %arg2[%dma_wait3A_510, %dma_wait3A_511] : memref<10240x128xf32, #tpu.memory_space<hbm>> -> memref<32x128xf32, #tpu.memory_space<hbm>>
        %dma_wait3A_513 = arith.constant 0 : i32
        %dma_wait3A_514 = arith.constant 0 : i32
        %dma_wait3A_515 = tpu.memref_slice %arg2[%dma_wait3A_513, %dma_wait3A_514] : memref<10240x128xf32, #tpu.memory_space<hbm>> -> memref<32x128xf32, #tpu.memory_space<hbm>>
        tpu.wait_dma2 semaphore(%arg44 : memref<!tpu.dma_semaphore, #tpu.memory_space<semaphore_mem>>) src(%dma_wait3A_515 : memref<32x128xf32, #tpu.memory_space<hbm>>) dst(%arg19 : memref<32x128xf32, #tpu.memory_space<vmem>>)
      } else {
      }
      %mul3A_286 = arith.constant 32 : i32
      %mul3A_287 = arith.muli %add3A_280, %mul3A_286 : i32
      %add3A_288 = arith.addi %mul3A_88, %mul3A_287 : i32
      %dma_start3A_289 = arith.constant 1 : i32
      %dma_start3A_290 = tpu.memref_slice %arg3[%dma_start3A_289, %add3A_288] : memref<2x320000xi32, #tpu.memory_space<hbm>> -> memref<1x32xi32, #tpu.memory_space<hbm>>
      %dma_start3A_291 = tpu.memref_squeeze %dma_start3A_290 : memref<1x32xi32, #tpu.memory_space<hbm>> -> memref<32xi32, #tpu.memory_space<hbm>>
      %dma_start3A_292 = tpu.memref_slice %arg3[%dma_start3A_289, %add3A_288] : memref<2x320000xi32, #tpu.memory_space<hbm>> -> memref<1x32xi32, #tpu.memory_space<hbm>>
      %dma_start3A_293 = tpu.memref_squeeze %dma_start3A_292 : memref<1x32xi32, #tpu.memory_space<hbm>> -> memref<32xi32, #tpu.memory_space<hbm>>
      tpu.enqueue_dma source(%dma_start3A_293 : memref<32xi32, #tpu.memory_space<hbm>>) target(%arg11 : memref<32xi32, #tpu.memory_space<vmem>>) target_semaphore(%arg28 : memref<!tpu.dma_semaphore, #tpu.memory_space<semaphore_mem>>)
      %mul3A_294 = arith.constant 32 : i32
      %mul3A_295 = arith.muli %add3A_280, %mul3A_294 : i32
      %add3A_296 = arith.addi %select_n3A_92, %mul3A_295 : i32
      %dma_start3A_297 = tpu.memref_slice %arg5[%add3A_296] : memref<10240xi32, #tpu.memory_space<vmem>> -> memref<32xi32, #tpu.memory_space<vmem>>
      %dma_start3A_298 = arith.constant 0 : i32
      %dma_start3A_299 = arith.constant 0 : i32
      %dma_start3A_300 = tpu.memref_slice %arg2[%dma_start3A_298, %dma_start3A_299] : memref<10240x128xf32, #tpu.memory_space<hbm>> -> memref<10240x128xf32, #tpu.memory_space<hbm>>
      tpu.enqueue_indirect_dma source(%dma_start3A_300 : memref<10240x128xf32, #tpu.memory_space<hbm>>) target(%arg19 : memref<32x128xf32, #tpu.memory_space<vmem>>) offsets(%dma_start3A_297 : memref<32xi32, #tpu.memory_space<vmem>>) semaphore(%arg36 : memref<!tpu.dma_semaphore, #tpu.memory_space<semaphore_mem>>)
      %mul3A_301 = arith.constant 8 : i32
      %mul3A_302 = arith.muli %while3A_159, %mul3A_301 : i32
      %add3A_303 = arith.constant 6 : i32
      %add3A_304 = arith.addi %mul3A_302, %add3A_303 : i32
      %gt3A_305 = arith.constant 0 : i32
      %gt3A_306 = arith.cmpi sgt, %while3A_159, %gt3A_305 : i32
      %convert_element_type3A_307 = arith.extui %gt3A_306 : i1 to i32
      %cond3A_308 = arith.constant 0 : i32
      %cond3A_309 = arith.cmpi ne, %convert_element_type3A_307, %cond3A_308 : i32
      scf.if %cond3A_309 {
        %dma_wait3A_510 = arith.constant 0 : i32
        %dma_wait3A_511 = arith.constant 0 : i32
        %dma_wait3A_512 = tpu.memref_slice %arg2[%dma_wait3A_510, %dma_wait3A_511] : memref<10240x128xf32, #tpu.memory_space<hbm>> -> memref<32x128xf32, #tpu.memory_space<hbm>>
        %dma_wait3A_513 = arith.constant 0 : i32
        %dma_wait3A_514 = arith.constant 0 : i32
        %dma_wait3A_515 = tpu.memref_slice %arg2[%dma_wait3A_513, %dma_wait3A_514] : memref<10240x128xf32, #tpu.memory_space<hbm>> -> memref<32x128xf32, #tpu.memory_space<hbm>>
        tpu.wait_dma2 semaphore(%arg45 : memref<!tpu.dma_semaphore, #tpu.memory_space<semaphore_mem>>) src(%dma_wait3A_515 : memref<32x128xf32, #tpu.memory_space<hbm>>) dst(%arg20 : memref<32x128xf32, #tpu.memory_space<vmem>>)
      } else {
      }
      %mul3A_310 = arith.constant 32 : i32
      %mul3A_311 = arith.muli %add3A_304, %mul3A_310 : i32
      %add3A_312 = arith.addi %mul3A_88, %mul3A_311 : i32
      %dma_start3A_313 = arith.constant 1 : i32
      %dma_start3A_314 = tpu.memref_slice %arg3[%dma_start3A_313, %add3A_312] : memref<2x320000xi32, #tpu.memory_space<hbm>> -> memref<1x32xi32, #tpu.memory_space<hbm>>
      %dma_start3A_315 = tpu.memref_squeeze %dma_start3A_314 : memref<1x32xi32, #tpu.memory_space<hbm>> -> memref<32xi32, #tpu.memory_space<hbm>>
      %dma_start3A_316 = tpu.memref_slice %arg3[%dma_start3A_313, %add3A_312] : memref<2x320000xi32, #tpu.memory_space<hbm>> -> memref<1x32xi32, #tpu.memory_space<hbm>>
      %dma_start3A_317 = tpu.memref_squeeze %dma_start3A_316 : memref<1x32xi32, #tpu.memory_space<hbm>> -> memref<32xi32, #tpu.memory_space<hbm>>
      tpu.enqueue_dma source(%dma_start3A_317 : memref<32xi32, #tpu.memory_space<hbm>>) target(%arg12 : memref<32xi32, #tpu.memory_space<vmem>>) target_semaphore(%arg29 : memref<!tpu.dma_semaphore, #tpu.memory_space<semaphore_mem>>)
      %mul3A_318 = arith.constant 32 : i32
      %mul3A_319 = arith.muli %add3A_304, %mul3A_318 : i32
      %add3A_320 = arith.addi %select_n3A_92, %mul3A_319 : i32
      %dma_start3A_321 = tpu.memref_slice %arg5[%add3A_320] : memref<10240xi32, #tpu.memory_space<vmem>> -> memref<32xi32, #tpu.memory_space<vmem>>
      %dma_start3A_322 = arith.constant 0 : i32
      %dma_start3A_323 = arith.constant 0 : i32
      %dma_start3A_324 = tpu.memref_slice %arg2[%dma_start3A_322, %dma_start3A_323] : memref<10240x128xf32, #tpu.memory_space<hbm>> -> memref<10240x128xf32, #tpu.memory_space<hbm>>
      tpu.enqueue_indirect_dma source(%dma_start3A_324 : memref<10240x128xf32, #tpu.memory_space<hbm>>) target(%arg20 : memref<32x128xf32, #tpu.memory_space<vmem>>) offsets(%dma_start3A_321 : memref<32xi32, #tpu.memory_space<vmem>>) semaphore(%arg37 : memref<!tpu.dma_semaphore, #tpu.memory_space<semaphore_mem>>)
      %mul3A_325 = arith.constant 8 : i32
      %mul3A_326 = arith.muli %while3A_159, %mul3A_325 : i32
      %add3A_327 = arith.constant 7 : i32
      %add3A_328 = arith.addi %mul3A_326, %add3A_327 : i32
      %gt3A_329 = arith.constant 0 : i32
      %gt3A_330 = arith.cmpi sgt, %while3A_159, %gt3A_329 : i32
      %convert_element_type3A_331 = arith.extui %gt3A_330 : i1 to i32
      %cond3A_332 = arith.constant 0 : i32
      %cond3A_333 = arith.cmpi ne, %convert_element_type3A_331, %cond3A_332 : i32
      scf.if %cond3A_333 {
        %dma_wait3A_510 = arith.constant 0 : i32
        %dma_wait3A_511 = arith.constant 0 : i32
        %dma_wait3A_512 = tpu.memref_slice %arg2[%dma_wait3A_510, %dma_wait3A_511] : memref<10240x128xf32, #tpu.memory_space<hbm>> -> memref<32x128xf32, #tpu.memory_space<hbm>>
        %dma_wait3A_513 = arith.constant 0 : i32
        %dma_wait3A_514 = arith.constant 0 : i32
        %dma_wait3A_515 = tpu.memref_slice %arg2[%dma_wait3A_513, %dma_wait3A_514] : memref<10240x128xf32, #tpu.memory_space<hbm>> -> memref<32x128xf32, #tpu.memory_space<hbm>>
        tpu.wait_dma2 semaphore(%arg46 : memref<!tpu.dma_semaphore, #tpu.memory_space<semaphore_mem>>) src(%dma_wait3A_515 : memref<32x128xf32, #tpu.memory_space<hbm>>) dst(%arg21 : memref<32x128xf32, #tpu.memory_space<vmem>>)
      } else {
      }
      %mul3A_334 = arith.constant 32 : i32
      %mul3A_335 = arith.muli %add3A_328, %mul3A_334 : i32
      %add3A_336 = arith.addi %mul3A_88, %mul3A_335 : i32
      %dma_start3A_337 = arith.constant 1 : i32
      %dma_start3A_338 = tpu.memref_slice %arg3[%dma_start3A_337, %add3A_336] : memref<2x320000xi32, #tpu.memory_space<hbm>> -> memref<1x32xi32, #tpu.memory_space<hbm>>
      %dma_start3A_339 = tpu.memref_squeeze %dma_start3A_338 : memref<1x32xi32, #tpu.memory_space<hbm>> -> memref<32xi32, #tpu.memory_space<hbm>>
      %dma_start3A_340 = tpu.memref_slice %arg3[%dma_start3A_337, %add3A_336] : memref<2x320000xi32, #tpu.memory_space<hbm>> -> memref<1x32xi32, #tpu.memory_space<hbm>>
      %dma_start3A_341 = tpu.memref_squeeze %dma_start3A_340 : memref<1x32xi32, #tpu.memory_space<hbm>> -> memref<32xi32, #tpu.memory_space<hbm>>
      tpu.enqueue_dma source(%dma_start3A_341 : memref<32xi32, #tpu.memory_space<hbm>>) target(%arg13 : memref<32xi32, #tpu.memory_space<vmem>>) target_semaphore(%arg30 : memref<!tpu.dma_semaphore, #tpu.memory_space<semaphore_mem>>)
      %mul3A_342 = arith.constant 32 : i32
      %mul3A_343 = arith.muli %add3A_328, %mul3A_342 : i32
      %add3A_344 = arith.addi %select_n3A_92, %mul3A_343 : i32
      %dma_start3A_345 = tpu.memref_slice %arg5[%add3A_344] : memref<10240xi32, #tpu.memory_space<vmem>> -> memref<32xi32, #tpu.memory_space<vmem>>
      %dma_start3A_346 = arith.constant 0 : i32
      %dma_start3A_347 = arith.constant 0 : i32
      %dma_start3A_348 = tpu.memref_slice %arg2[%dma_start3A_346, %dma_start3A_347] : memref<10240x128xf32, #tpu.memory_space<hbm>> -> memref<10240x128xf32, #tpu.memory_space<hbm>>
      tpu.enqueue_indirect_dma source(%dma_start3A_348 : memref<10240x128xf32, #tpu.memory_space<hbm>>) target(%arg21 : memref<32x128xf32, #tpu.memory_space<vmem>>) offsets(%dma_start3A_345 : memref<32xi32, #tpu.memory_space<vmem>>) semaphore(%arg38 : memref<!tpu.dma_semaphore, #tpu.memory_space<semaphore_mem>>)
      %mul3A_349 = arith.constant 8 : i32
      %mul3A_350 = arith.muli %while3A_159, %mul3A_349 : i32
      %add3A_351 = arith.constant 0 : i32
      %add3A_352 = arith.addi %mul3A_350, %add3A_351 : i32
      %dma_wait3A_353 = arith.constant 1 : i32
      %dma_wait3A_354 = arith.constant 0 : i32
      %dma_wait3A_355 = tpu.memref_slice %arg3[%dma_wait3A_353, %dma_wait3A_354] : memref<2x320000xi32, #tpu.memory_space<hbm>> -> memref<1x32xi32, #tpu.memory_space<hbm>>
      %dma_wait3A_356 = tpu.memref_squeeze %dma_wait3A_355 : memref<1x32xi32, #tpu.memory_space<hbm>> -> memref<32xi32, #tpu.memory_space<hbm>>
      %dma_wait3A_357 = arith.constant 0 : i32
      %dma_wait3A_358 = tpu.memref_slice %arg3[%dma_wait3A_353, %dma_wait3A_357] : memref<2x320000xi32, #tpu.memory_space<hbm>> -> memref<1x32xi32, #tpu.memory_space<hbm>>
      %dma_wait3A_359 = tpu.memref_squeeze %dma_wait3A_358 : memref<1x32xi32, #tpu.memory_space<hbm>> -> memref<32xi32, #tpu.memory_space<hbm>>
      tpu.wait_dma2 semaphore(%arg23 : memref<!tpu.dma_semaphore, #tpu.memory_space<semaphore_mem>>) src(%dma_wait3A_359 : memref<32xi32, #tpu.memory_space<hbm>>) dst(%arg6 : memref<32xi32, #tpu.memory_space<vmem>>)
      %dma_wait3A_360 = arith.constant 0 : i32
      %dma_wait3A_361 = arith.constant 0 : i32
      %dma_wait3A_362 = tpu.memref_slice %arg2[%dma_wait3A_360, %dma_wait3A_361] : memref<10240x128xf32, #tpu.memory_space<hbm>> -> memref<32x128xf32, #tpu.memory_space<hbm>>
      %dma_wait3A_363 = arith.constant 0 : i32
      %dma_wait3A_364 = arith.constant 0 : i32
      %dma_wait3A_365 = tpu.memref_slice %arg2[%dma_wait3A_363, %dma_wait3A_364] : memref<10240x128xf32, #tpu.memory_space<hbm>> -> memref<32x128xf32, #tpu.memory_space<hbm>>
      tpu.wait_dma2 semaphore(%arg31 : memref<!tpu.dma_semaphore, #tpu.memory_space<semaphore_mem>>) src(%dma_wait3A_365 : memref<32x128xf32, #tpu.memory_space<hbm>>) dst(%arg14 : memref<32x128xf32, #tpu.memory_space<vmem>>)
      %dma_start3A_366 = arith.constant 0 : i32
      %dma_start3A_367 = arith.constant 0 : i32
      %dma_start3A_368 = tpu.memref_slice %arg22[%dma_start3A_366, %dma_start3A_367] : memref<10240x128xf32, #tpu.memory_space<vmem_shared>> -> memref<10240x128xf32, #tpu.memory_space<vmem_shared>>
      tpu.enqueue_indirect_dma source(%arg14 : memref<32x128xf32, #tpu.memory_space<vmem>>) target(%dma_start3A_368 : memref<10240x128xf32, #tpu.memory_space<vmem_shared>>) offsets(%arg6 : memref<32xi32, #tpu.memory_space<vmem>>) semaphore(%arg39 : memref<!tpu.dma_semaphore, #tpu.memory_space<semaphore_mem>>) {add = true}
      %mul3A_369 = arith.constant 8 : i32
      %mul3A_370 = arith.muli %while3A_159, %mul3A_369 : i32
      %add3A_371 = arith.constant 1 : i32
      %add3A_372 = arith.addi %mul3A_370, %add3A_371 : i32
      %dma_wait3A_373 = arith.constant 1 : i32
      %dma_wait3A_374 = arith.constant 0 : i32
      %dma_wait3A_375 = tpu.memref_slice %arg3[%dma_wait3A_373, %dma_wait3A_374] : memref<2x320000xi32, #tpu.memory_space<hbm>> -> memref<1x32xi32, #tpu.memory_space<hbm>>
      %dma_wait3A_376 = tpu.memref_squeeze %dma_wait3A_375 : memref<1x32xi32, #tpu.memory_space<hbm>> -> memref<32xi32, #tpu.memory_space<hbm>>
      %dma_wait3A_377 = arith.constant 0 : i32
      %dma_wait3A_378 = tpu.memref_slice %arg3[%dma_wait3A_373, %dma_wait3A_377] : memref<2x320000xi32, #tpu.memory_space<hbm>> -> memref<1x32xi32, #tpu.memory_space<hbm>>
      %dma_wait3A_379 = tpu.memref_squeeze %dma_wait3A_378 : memref<1x32xi32, #tpu.memory_space<hbm>> -> memref<32xi32, #tpu.memory_space<hbm>>
      tpu.wait_dma2 semaphore(%arg24 : memref<!tpu.dma_semaphore, #tpu.memory_space<semaphore_mem>>) src(%dma_wait3A_379 : memref<32xi32, #tpu.memory_space<hbm>>) dst(%arg7 : memref<32xi32, #tpu.memory_space<vmem>>)
      %dma_wait3A_380 = arith.constant 0 : i32
      %dma_wait3A_381 = arith.constant 0 : i32
      %dma_wait3A_382 = tpu.memref_slice %arg2[%dma_wait3A_380, %dma_wait3A_381] : memref<10240x128xf32, #tpu.memory_space<hbm>> -> memref<32x128xf32, #tpu.memory_space<hbm>>
      %dma_wait3A_383 = arith.constant 0 : i32
      %dma_wait3A_384 = arith.constant 0 : i32
      %dma_wait3A_385 = tpu.memref_slice %arg2[%dma_wait3A_383, %dma_wait3A_384] : memref<10240x128xf32, #tpu.memory_space<hbm>> -> memref<32x128xf32, #tpu.memory_space<hbm>>
      tpu.wait_dma2 semaphore(%arg32 : memref<!tpu.dma_semaphore, #tpu.memory_space<semaphore_mem>>) src(%dma_wait3A_385 : memref<32x128xf32, #tpu.memory_space<hbm>>) dst(%arg15 : memref<32x128xf32, #tpu.memory_space<vmem>>)
      %dma_start3A_386 = arith.constant 0 : i32
      %dma_start3A_387 = arith.constant 0 : i32
      %dma_start3A_388 = tpu.memref_slice %arg22[%dma_start3A_386, %dma_start3A_387] : memref<10240x128xf32, #tpu.memory_space<vmem_shared>> -> memref<10240x128xf32, #tpu.memory_space<vmem_shared>>
      tpu.enqueue_indirect_dma source(%arg15 : memref<32x128xf32, #tpu.memory_space<vmem>>) target(%dma_start3A_388 : memref<10240x128xf32, #tpu.memory_space<vmem_shared>>) offsets(%arg7 : memref<32xi32, #tpu.memory_space<vmem>>) semaphore(%arg40 : memref<!tpu.dma_semaphore, #tpu.memory_space<semaphore_mem>>) {add = true}
      %mul3A_389 = arith.constant 8 : i32
      %mul3A_390 = arith.muli %while3A_159, %mul3A_389 : i32
      %add3A_391 = arith.constant 2 : i32
      %add3A_392 = arith.addi %mul3A_390, %add3A_391 : i32
      %dma_wait3A_393 = arith.constant 1 : i32
      %dma_wait3A_394 = arith.constant 0 : i32
      %dma_wait3A_395 = tpu.memref_slice %arg3[%dma_wait3A_393, %dma_wait3A_394] : memref<2x320000xi32, #tpu.memory_space<hbm>> -> memref<1x32xi32, #tpu.memory_space<hbm>>
      %dma_wait3A_396 = tpu.memref_squeeze %dma_wait3A_395 : memref<1x32xi32, #tpu.memory_space<hbm>> -> memref<32xi32, #tpu.memory_space<hbm>>
      %dma_wait3A_397 = arith.constant 0 : i32
      %dma_wait3A_398 = tpu.memref_slice %arg3[%dma_wait3A_393, %dma_wait3A_397] : memref<2x320000xi32, #tpu.memory_space<hbm>> -> memref<1x32xi32, #tpu.memory_space<hbm>>
      %dma_wait3A_399 = tpu.memref_squeeze %dma_wait3A_398 : memref<1x32xi32, #tpu.memory_space<hbm>> -> memref<32xi32, #tpu.memory_space<hbm>>
      tpu.wait_dma2 semaphore(%arg25 : memref<!tpu.dma_semaphore, #tpu.memory_space<semaphore_mem>>) src(%dma_wait3A_399 : memref<32xi32, #tpu.memory_space<hbm>>) dst(%arg8 : memref<32xi32, #tpu.memory_space<vmem>>)
      %dma_wait3A_400 = arith.constant 0 : i32
      %dma_wait3A_401 = arith.constant 0 : i32
      %dma_wait3A_402 = tpu.memref_slice %arg2[%dma_wait3A_400, %dma_wait3A_401] : memref<10240x128xf32, #tpu.memory_space<hbm>> -> memref<32x128xf32, #tpu.memory_space<hbm>>
      %dma_wait3A_403 = arith.constant 0 : i32
      %dma_wait3A_404 = arith.constant 0 : i32
      %dma_wait3A_405 = tpu.memref_slice %arg2[%dma_wait3A_403, %dma_wait3A_404] : memref<10240x128xf32, #tpu.memory_space<hbm>> -> memref<32x128xf32, #tpu.memory_space<hbm>>
      tpu.wait_dma2 semaphore(%arg33 : memref<!tpu.dma_semaphore, #tpu.memory_space<semaphore_mem>>) src(%dma_wait3A_405 : memref<32x128xf32, #tpu.memory_space<hbm>>) dst(%arg16 : memref<32x128xf32, #tpu.memory_space<vmem>>)
      %dma_start3A_406 = arith.constant 0 : i32
      %dma_start3A_407 = arith.constant 0 : i32
      %dma_start3A_408 = tpu.memref_slice %arg22[%dma_start3A_406, %dma_start3A_407] : memref<10240x128xf32, #tpu.memory_space<vmem_shared>> -> memref<10240x128xf32, #tpu.memory_space<vmem_shared>>
      tpu.enqueue_indirect_dma source(%arg16 : memref<32x128xf32, #tpu.memory_space<vmem>>) target(%dma_start3A_408 : memref<10240x128xf32, #tpu.memory_space<vmem_shared>>) offsets(%arg8 : memref<32xi32, #tpu.memory_space<vmem>>) semaphore(%arg41 : memref<!tpu.dma_semaphore, #tpu.memory_space<semaphore_mem>>) {add = true}
      %mul3A_409 = arith.constant 8 : i32
      %mul3A_410 = arith.muli %while3A_159, %mul3A_409 : i32
      %add3A_411 = arith.constant 3 : i32
      %add3A_412 = arith.addi %mul3A_410, %add3A_411 : i32
      %dma_wait3A_413 = arith.constant 1 : i32
      %dma_wait3A_414 = arith.constant 0 : i32
      %dma_wait3A_415 = tpu.memref_slice %arg3[%dma_wait3A_413, %dma_wait3A_414] : memref<2x320000xi32, #tpu.memory_space<hbm>> -> memref<1x32xi32, #tpu.memory_space<hbm>>
      %dma_wait3A_416 = tpu.memref_squeeze %dma_wait3A_415 : memref<1x32xi32, #tpu.memory_space<hbm>> -> memref<32xi32, #tpu.memory_space<hbm>>
      %dma_wait3A_417 = arith.constant 0 : i32
      %dma_wait3A_418 = tpu.memref_slice %arg3[%dma_wait3A_413, %dma_wait3A_417] : memref<2x320000xi32, #tpu.memory_space<hbm>> -> memref<1x32xi32, #tpu.memory_space<hbm>>
      %dma_wait3A_419 = tpu.memref_squeeze %dma_wait3A_418 : memref<1x32xi32, #tpu.memory_space<hbm>> -> memref<32xi32, #tpu.memory_space<hbm>>
      tpu.wait_dma2 semaphore(%arg26 : memref<!tpu.dma_semaphore, #tpu.memory_space<semaphore_mem>>) src(%dma_wait3A_419 : memref<32xi32, #tpu.memory_space<hbm>>) dst(%arg9 : memref<32xi32, #tpu.memory_space<vmem>>)
      %dma_wait3A_420 = arith.constant 0 : i32
      %dma_wait3A_421 = arith.constant 0 : i32
      %dma_wait3A_422 = tpu.memref_slice %arg2[%dma_wait3A_420, %dma_wait3A_421] : memref<10240x128xf32, #tpu.memory_space<hbm>> -> memref<32x128xf32, #tpu.memory_space<hbm>>
      %dma_wait3A_423 = arith.constant 0 : i32
      %dma_wait3A_424 = arith.constant 0 : i32
      %dma_wait3A_425 = tpu.memref_slice %arg2[%dma_wait3A_423, %dma_wait3A_424] : memref<10240x128xf32, #tpu.memory_space<hbm>> -> memref<32x128xf32, #tpu.memory_space<hbm>>
      tpu.wait_dma2 semaphore(%arg34 : memref<!tpu.dma_semaphore, #tpu.memory_space<semaphore_mem>>) src(%dma_wait3A_425 : memref<32x128xf32, #tpu.memory_space<hbm>>) dst(%arg17 : memref<32x128xf32, #tpu.memory_space<vmem>>)
      %dma_start3A_426 = arith.constant 0 : i32
      %dma_start3A_427 = arith.constant 0 : i32
      %dma_start3A_428 = tpu.memref_slice %arg22[%dma_start3A_426, %dma_start3A_427] : memref<10240x128xf32, #tpu.memory_space<vmem_shared>> -> memref<10240x128xf32, #tpu.memory_space<vmem_shared>>
      tpu.enqueue_indirect_dma source(%arg17 : memref<32x128xf32, #tpu.memory_space<vmem>>) target(%dma_start3A_428 : memref<10240x128xf32, #tpu.memory_space<vmem_shared>>) offsets(%arg9 : memref<32xi32, #tpu.memory_space<vmem>>) semaphore(%arg42 : memref<!tpu.dma_semaphore, #tpu.memory_space<semaphore_mem>>) {add = true}
      %mul3A_429 = arith.constant 8 : i32
      %mul3A_430 = arith.muli %while3A_159, %mul3A_429 : i32
      %add3A_431 = arith.constant 4 : i32
      %add3A_432 = arith.addi %mul3A_430, %add3A_431 : i32
      %dma_wait3A_433 = arith.constant 1 : i32
      %dma_wait3A_434 = arith.constant 0 : i32
      %dma_wait3A_435 = tpu.memref_slice %arg3[%dma_wait3A_433, %dma_wait3A_434] : memref<2x320000xi32, #tpu.memory_space<hbm>> -> memref<1x32xi32, #tpu.memory_space<hbm>>
      %dma_wait3A_436 = tpu.memref_squeeze %dma_wait3A_435 : memref<1x32xi32, #tpu.memory_space<hbm>> -> memref<32xi32, #tpu.memory_space<hbm>>
      %dma_wait3A_437 = arith.constant 0 : i32
      %dma_wait3A_438 = tpu.memref_slice %arg3[%dma_wait3A_433, %dma_wait3A_437] : memref<2x320000xi32, #tpu.memory_space<hbm>> -> memref<1x32xi32, #tpu.memory_space<hbm>>
      %dma_wait3A_439 = tpu.memref_squeeze %dma_wait3A_438 : memref<1x32xi32, #tpu.memory_space<hbm>> -> memref<32xi32, #tpu.memory_space<hbm>>
      tpu.wait_dma2 semaphore(%arg27 : memref<!tpu.dma_semaphore, #tpu.memory_space<semaphore_mem>>) src(%dma_wait3A_439 : memref<32xi32, #tpu.memory_space<hbm>>) dst(%arg10 : memref<32xi32, #tpu.memory_space<vmem>>)
      %dma_wait3A_440 = arith.constant 0 : i32
      %dma_wait3A_441 = arith.constant 0 : i32
      %dma_wait3A_442 = tpu.memref_slice %arg2[%dma_wait3A_440, %dma_wait3A_441] : memref<10240x128xf32, #tpu.memory_space<hbm>> -> memref<32x128xf32, #tpu.memory_space<hbm>>
      %dma_wait3A_443 = arith.constant 0 : i32
      %dma_wait3A_444 = arith.constant 0 : i32
      %dma_wait3A_445 = tpu.memref_slice %arg2[%dma_wait3A_443, %dma_wait3A_444] : memref<10240x128xf32, #tpu.memory_space<hbm>> -> memref<32x128xf32, #tpu.memory_space<hbm>>
      tpu.wait_dma2 semaphore(%arg35 : memref<!tpu.dma_semaphore, #tpu.memory_space<semaphore_mem>>) src(%dma_wait3A_445 : memref<32x128xf32, #tpu.memory_space<hbm>>) dst(%arg18 : memref<32x128xf32, #tpu.memory_space<vmem>>)
      %dma_start3A_446 = arith.constant 0 : i32
      %dma_start3A_447 = arith.constant 0 : i32
      %dma_start3A_448 = tpu.memref_slice %arg22[%dma_start3A_446, %dma_start3A_447] : memref<10240x128xf32, #tpu.memory_space<vmem_shared>> -> memref<10240x128xf32, #tpu.memory_space<vmem_shared>>
      tpu.enqueue_indirect_dma source(%arg18 : memref<32x128xf32, #tpu.memory_space<vmem>>) target(%dma_start3A_448 : memref<10240x128xf32, #tpu.memory_space<vmem_shared>>) offsets(%arg10 : memref<32xi32, #tpu.memory_space<vmem>>) semaphore(%arg43 : memref<!tpu.dma_semaphore, #tpu.memory_space<semaphore_mem>>) {add = true}
      %mul3A_449 = arith.constant 8 : i32
      %mul3A_450 = arith.muli %while3A_159, %mul3A_449 : i32
      %add3A_451 = arith.constant 5 : i32
      %add3A_452 = arith.addi %mul3A_450, %add3A_451 : i32
      %dma_wait3A_453 = arith.constant 1 : i32
      %dma_wait3A_454 = arith.constant 0 : i32
      %dma_wait3A_455 = tpu.memref_slice %arg3[%dma_wait3A_453, %dma_wait3A_454] : memref<2x320000xi32, #tpu.memory_space<hbm>> -> memref<1x32xi32, #tpu.memory_space<hbm>>
      %dma_wait3A_456 = tpu.memref_squeeze %dma_wait3A_455 : memref<1x32xi32, #tpu.memory_space<hbm>> -> memref<32xi32, #tpu.memory_space<hbm>>
      %dma_wait3A_457 = arith.constant 0 : i32
      %dma_wait3A_458 = tpu.memref_slice %arg3[%dma_wait3A_453, %dma_wait3A_457] : memref<2x320000xi32, #tpu.memory_space<hbm>> -> memref<1x32xi32, #tpu.memory_space<hbm>>
      %dma_wait3A_459 = tpu.memref_squeeze %dma_wait3A_458 : memref<1x32xi32, #tpu.memory_space<hbm>> -> memref<32xi32, #tpu.memory_space<hbm>>
      tpu.wait_dma2 semaphore(%arg28 : memref<!tpu.dma_semaphore, #tpu.memory_space<semaphore_mem>>) src(%dma_wait3A_459 : memref<32xi32, #tpu.memory_space<hbm>>) dst(%arg11 : memref<32xi32, #tpu.memory_space<vmem>>)
      %dma_wait3A_460 = arith.constant 0 : i32
      %dma_wait3A_461 = arith.constant 0 : i32
      %dma_wait3A_462 = tpu.memref_slice %arg2[%dma_wait3A_460, %dma_wait3A_461] : memref<10240x128xf32, #tpu.memory_space<hbm>> -> memref<32x128xf32, #tpu.memory_space<hbm>>
      %dma_wait3A_463 = arith.constant 0 : i32
      %dma_wait3A_464 = arith.constant 0 : i32
      %dma_wait3A_465 = tpu.memref_slice %arg2[%dma_wait3A_463, %dma_wait3A_464] : memref<10240x128xf32, #tpu.memory_space<hbm>> -> memref<32x128xf32, #tpu.memory_space<hbm>>
      tpu.wait_dma2 semaphore(%arg36 : memref<!tpu.dma_semaphore, #tpu.memory_space<semaphore_mem>>) src(%dma_wait3A_465 : memref<32x128xf32, #tpu.memory_space<hbm>>) dst(%arg19 : memref<32x128xf32, #tpu.memory_space<vmem>>)
      %dma_start3A_466 = arith.constant 0 : i32
      %dma_start3A_467 = arith.constant 0 : i32
      %dma_start3A_468 = tpu.memref_slice %arg22[%dma_start3A_466, %dma_start3A_467] : memref<10240x128xf32, #tpu.memory_space<vmem_shared>> -> memref<10240x128xf32, #tpu.memory_space<vmem_shared>>
      tpu.enqueue_indirect_dma source(%arg19 : memref<32x128xf32, #tpu.memory_space<vmem>>) target(%dma_start3A_468 : memref<10240x128xf32, #tpu.memory_space<vmem_shared>>) offsets(%arg11 : memref<32xi32, #tpu.memory_space<vmem>>) semaphore(%arg44 : memref<!tpu.dma_semaphore, #tpu.memory_space<semaphore_mem>>) {add = true}
      %mul3A_469 = arith.constant 8 : i32
      %mul3A_470 = arith.muli %while3A_159, %mul3A_469 : i32
      %add3A_471 = arith.constant 6 : i32
      %add3A_472 = arith.addi %mul3A_470, %add3A_471 : i32
      %dma_wait3A_473 = arith.constant 1 : i32
      %dma_wait3A_474 = arith.constant 0 : i32
      %dma_wait3A_475 = tpu.memref_slice %arg3[%dma_wait3A_473, %dma_wait3A_474] : memref<2x320000xi32, #tpu.memory_space<hbm>> -> memref<1x32xi32, #tpu.memory_space<hbm>>
      %dma_wait3A_476 = tpu.memref_squeeze %dma_wait3A_475 : memref<1x32xi32, #tpu.memory_space<hbm>> -> memref<32xi32, #tpu.memory_space<hbm>>
      %dma_wait3A_477 = arith.constant 0 : i32
      %dma_wait3A_478 = tpu.memref_slice %arg3[%dma_wait3A_473, %dma_wait3A_477] : memref<2x320000xi32, #tpu.memory_space<hbm>> -> memref<1x32xi32, #tpu.memory_space<hbm>>
      %dma_wait3A_479 = tpu.memref_squeeze %dma_wait3A_478 : memref<1x32xi32, #tpu.memory_space<hbm>> -> memref<32xi32, #tpu.memory_space<hbm>>
      tpu.wait_dma2 semaphore(%arg29 : memref<!tpu.dma_semaphore, #tpu.memory_space<semaphore_mem>>) src(%dma_wait3A_479 : memref<32xi32, #tpu.memory_space<hbm>>) dst(%arg12 : memref<32xi32, #tpu.memory_space<vmem>>)
      %dma_wait3A_480 = arith.constant 0 : i32
      %dma_wait3A_481 = arith.constant 0 : i32
      %dma_wait3A_482 = tpu.memref_slice %arg2[%dma_wait3A_480, %dma_wait3A_481] : memref<10240x128xf32, #tpu.memory_space<hbm>> -> memref<32x128xf32, #tpu.memory_space<hbm>>
      %dma_wait3A_483 = arith.constant 0 : i32
      %dma_wait3A_484 = arith.constant 0 : i32
      %dma_wait3A_485 = tpu.memref_slice %arg2[%dma_wait3A_483, %dma_wait3A_484] : memref<10240x128xf32, #tpu.memory_space<hbm>> -> memref<32x128xf32, #tpu.memory_space<hbm>>
      tpu.wait_dma2 semaphore(%arg37 : memref<!tpu.dma_semaphore, #tpu.memory_space<semaphore_mem>>) src(%dma_wait3A_485 : memref<32x128xf32, #tpu.memory_space<hbm>>) dst(%arg20 : memref<32x128xf32, #tpu.memory_space<vmem>>)
      %dma_start3A_486 = arith.constant 0 : i32
      %dma_start3A_487 = arith.constant 0 : i32
      %dma_start3A_488 = tpu.memref_slice %arg22[%dma_start3A_486, %dma_start3A_487] : memref<10240x128xf32, #tpu.memory_space<vmem_shared>> -> memref<10240x128xf32, #tpu.memory_space<vmem_shared>>
      tpu.enqueue_indirect_dma source(%arg20 : memref<32x128xf32, #tpu.memory_space<vmem>>) target(%dma_start3A_488 : memref<10240x128xf32, #tpu.memory_space<vmem_shared>>) offsets(%arg12 : memref<32xi32, #tpu.memory_space<vmem>>) semaphore(%arg45 : memref<!tpu.dma_semaphore, #tpu.memory_space<semaphore_mem>>) {add = true}
      %mul3A_489 = arith.constant 8 : i32
      %mul3A_490 = arith.muli %while3A_159, %mul3A_489 : i32
      %add3A_491 = arith.constant 7 : i32
      %add3A_492 = arith.addi %mul3A_490, %add3A_491 : i32
      %dma_wait3A_493 = arith.constant 1 : i32
      %dma_wait3A_494 = arith.constant 0 : i32
      %dma_wait3A_495 = tpu.memref_slice %arg3[%dma_wait3A_493, %dma_wait3A_494] : memref<2x320000xi32, #tpu.memory_space<hbm>> -> memref<1x32xi32, #tpu.memory_space<hbm>>
      %dma_wait3A_496 = tpu.memref_squeeze %dma_wait3A_495 : memref<1x32xi32, #tpu.memory_space<hbm>> -> memref<32xi32, #tpu.memory_space<hbm>>
      %dma_wait3A_497 = arith.constant 0 : i32
      %dma_wait3A_498 = tpu.memref_slice %arg3[%dma_wait3A_493, %dma_wait3A_497] : memref<2x320000xi32, #tpu.memory_space<hbm>> -> memref<1x32xi32, #tpu.memory_space<hbm>>
      %dma_wait3A_499 = tpu.memref_squeeze %dma_wait3A_498 : memref<1x32xi32, #tpu.memory_space<hbm>> -> memref<32xi32, #tpu.memory_space<hbm>>
      tpu.wait_dma2 semaphore(%arg30 : memref<!tpu.dma_semaphore, #tpu.memory_space<semaphore_mem>>) src(%dma_wait3A_499 : memref<32xi32, #tpu.memory_space<hbm>>) dst(%arg13 : memref<32xi32, #tpu.memory_space<vmem>>)
      %dma_wait3A_500 = arith.constant 0 : i32
      %dma_wait3A_501 = arith.constant 0 : i32
      %dma_wait3A_502 = tpu.memref_slice %arg2[%dma_wait3A_500, %dma_wait3A_501] : memref<10240x128xf32, #tpu.memory_space<hbm>> -> memref<32x128xf32, #tpu.memory_space<hbm>>
      %dma_wait3A_503 = arith.constant 0 : i32
      %dma_wait3A_504 = arith.constant 0 : i32
      %dma_wait3A_505 = tpu.memref_slice %arg2[%dma_wait3A_503, %dma_wait3A_504] : memref<10240x128xf32, #tpu.memory_space<hbm>> -> memref<32x128xf32, #tpu.memory_space<hbm>>
      tpu.wait_dma2 semaphore(%arg38 : memref<!tpu.dma_semaphore, #tpu.memory_space<semaphore_mem>>) src(%dma_wait3A_505 : memref<32x128xf32, #tpu.memory_space<hbm>>) dst(%arg21 : memref<32x128xf32, #tpu.memory_space<vmem>>)
      %dma_start3A_506 = arith.constant 0 : i32
      %dma_start3A_507 = arith.constant 0 : i32
      %dma_start3A_508 = tpu.memref_slice %arg22[%dma_start3A_506, %dma_start3A_507] : memref<10240x128xf32, #tpu.memory_space<vmem_shared>> -> memref<10240x128xf32, #tpu.memory_space<vmem_shared>>
      tpu.enqueue_indirect_dma source(%arg21 : memref<32x128xf32, #tpu.memory_space<vmem>>) target(%dma_start3A_508 : memref<10240x128xf32, #tpu.memory_space<vmem_shared>>) offsets(%arg13 : memref<32xi32, #tpu.memory_space<vmem>>) semaphore(%arg46 : memref<!tpu.dma_semaphore, #tpu.memory_space<semaphore_mem>>) {add = true}
      %while3A_509 = arith.constant 0 : i32
      scf.yield %while3A_509 : i32
    }
    %dma_wait3A = arith.constant 0 : i32
    %dma_wait3A_107 = arith.constant 0 : i32
    %dma_wait3A_108 = tpu.memref_slice %arg2[%dma_wait3A, %dma_wait3A_107] : memref<10240x128xf32, #tpu.memory_space<hbm>> -> memref<32x128xf32, #tpu.memory_space<hbm>>
    %dma_wait3A_109 = arith.constant 0 : i32
    %dma_wait3A_110 = arith.constant 0 : i32
    %dma_wait3A_111 = tpu.memref_slice %arg2[%dma_wait3A_109, %dma_wait3A_110] : memref<10240x128xf32, #tpu.memory_space<hbm>> -> memref<32x128xf32, #tpu.memory_space<hbm>>
    tpu.wait_dma2 semaphore(%arg39 : memref<!tpu.dma_semaphore, #tpu.memory_space<semaphore_mem>>) src(%dma_wait3A_111 : memref<32x128xf32, #tpu.memory_space<hbm>>) dst(%arg14 : memref<32x128xf32, #tpu.memory_space<vmem>>)
    %dma_wait3A_112 = arith.constant 0 : i32
    %dma_wait3A_113 = arith.constant 0 : i32
    %dma_wait3A_114 = tpu.memref_slice %arg2[%dma_wait3A_112, %dma_wait3A_113] : memref<10240x128xf32, #tpu.memory_space<hbm>> -> memref<32x128xf32, #tpu.memory_space<hbm>>
    %dma_wait3A_115 = arith.constant 0 : i32
    %dma_wait3A_116 = arith.constant 0 : i32
    %dma_wait3A_117 = tpu.memref_slice %arg2[%dma_wait3A_115, %dma_wait3A_116] : memref<10240x128xf32, #tpu.memory_space<hbm>> -> memref<32x128xf32, #tpu.memory_space<hbm>>
    tpu.wait_dma2 semaphore(%arg40 : memref<!tpu.dma_semaphore, #tpu.memory_space<semaphore_mem>>) src(%dma_wait3A_117 : memref<32x128xf32, #tpu.memory_space<hbm>>) dst(%arg15 : memref<32x128xf32, #tpu.memory_space<vmem>>)
    %dma_wait3A_118 = arith.constant 0 : i32
    %dma_wait3A_119 = arith.constant 0 : i32
    %dma_wait3A_120 = tpu.memref_slice %arg2[%dma_wait3A_118, %dma_wait3A_119] : memref<10240x128xf32, #tpu.memory_space<hbm>> -> memref<32x128xf32, #tpu.memory_space<hbm>>
    %dma_wait3A_121 = arith.constant 0 : i32
    %dma_wait3A_122 = arith.constant 0 : i32
    %dma_wait3A_123 = tpu.memref_slice %arg2[%dma_wait3A_121, %dma_wait3A_122] : memref<10240x128xf32, #tpu.memory_space<hbm>> -> memref<32x128xf32, #tpu.memory_space<hbm>>
    tpu.wait_dma2 semaphore(%arg41 : memref<!tpu.dma_semaphore, #tpu.memory_space<semaphore_mem>>) src(%dma_wait3A_123 : memref<32x128xf32, #tpu.memory_space<hbm>>) dst(%arg16 : memref<32x128xf32, #tpu.memory_space<vmem>>)
    %dma_wait3A_124 = arith.constant 0 : i32
    %dma_wait3A_125 = arith.constant 0 : i32
    %dma_wait3A_126 = tpu.memref_slice %arg2[%dma_wait3A_124, %dma_wait3A_125] : memref<10240x128xf32, #tpu.memory_space<hbm>> -> memref<32x128xf32, #tpu.memory_space<hbm>>
    %dma_wait3A_127 = arith.constant 0 : i32
    %dma_wait3A_128 = arith.constant 0 : i32
    %dma_wait3A_129 = tpu.memref_slice %arg2[%dma_wait3A_127, %dma_wait3A_128] : memref<10240x128xf32, #tpu.memory_space<hbm>> -> memref<32x128xf32, #tpu.memory_space<hbm>>
    tpu.wait_dma2 semaphore(%arg42 : memref<!tpu.dma_semaphore, #tpu.memory_space<semaphore_mem>>) src(%dma_wait3A_129 : memref<32x128xf32, #tpu.memory_space<hbm>>) dst(%arg17 : memref<32x128xf32, #tpu.memory_space<vmem>>)
    %dma_wait3A_130 = arith.constant 0 : i32
    %dma_wait3A_131 = arith.constant 0 : i32
    %dma_wait3A_132 = tpu.memref_slice %arg2[%dma_wait3A_130, %dma_wait3A_131] : memref<10240x128xf32, #tpu.memory_space<hbm>> -> memref<32x128xf32, #tpu.memory_space<hbm>>
    %dma_wait3A_133 = arith.constant 0 : i32
    %dma_wait3A_134 = arith.constant 0 : i32
    %dma_wait3A_135 = tpu.memref_slice %arg2[%dma_wait3A_133, %dma_wait3A_134] : memref<10240x128xf32, #tpu.memory_space<hbm>> -> memref<32x128xf32, #tpu.memory_space<hbm>>
    tpu.wait_dma2 semaphore(%arg43 : memref<!tpu.dma_semaphore, #tpu.memory_space<semaphore_mem>>) src(%dma_wait3A_135 : memref<32x128xf32, #tpu.memory_space<hbm>>) dst(%arg18 : memref<32x128xf32, #tpu.memory_space<vmem>>)
    %dma_wait3A_136 = arith.constant 0 : i32
    %dma_wait3A_137 = arith.constant 0 : i32
    %dma_wait3A_138 = tpu.memref_slice %arg2[%dma_wait3A_136, %dma_wait3A_137] : memref<10240x128xf32, #tpu.memory_space<hbm>> -> memref<32x128xf32, #tpu.memory_space<hbm>>
    %dma_wait3A_139 = arith.constant 0 : i32
    %dma_wait3A_140 = arith.constant 0 : i32
    %dma_wait3A_141 = tpu.memref_slice %arg2[%dma_wait3A_139, %dma_wait3A_140] : memref<10240x128xf32, #tpu.memory_space<hbm>> -> memref<32x128xf32, #tpu.memory_space<hbm>>
    tpu.wait_dma2 semaphore(%arg44 : memref<!tpu.dma_semaphore, #tpu.memory_space<semaphore_mem>>) src(%dma_wait3A_141 : memref<32x128xf32, #tpu.memory_space<hbm>>) dst(%arg19 : memref<32x128xf32, #tpu.memory_space<vmem>>)
    %dma_wait3A_142 = arith.constant 0 : i32
    %dma_wait3A_143 = arith.constant 0 : i32
    %dma_wait3A_144 = tpu.memref_slice %arg2[%dma_wait3A_142, %dma_wait3A_143] : memref<10240x128xf32, #tpu.memory_space<hbm>> -> memref<32x128xf32, #tpu.memory_space<hbm>>
    %dma_wait3A_145 = arith.constant 0 : i32
    %dma_wait3A_146 = arith.constant 0 : i32
    %dma_wait3A_147 = tpu.memref_slice %arg2[%dma_wait3A_145, %dma_wait3A_146] : memref<10240x128xf32, #tpu.memory_space<hbm>> -> memref<32x128xf32, #tpu.memory_space<hbm>>
    tpu.wait_dma2 semaphore(%arg45 : memref<!tpu.dma_semaphore, #tpu.memory_space<semaphore_mem>>) src(%dma_wait3A_147 : memref<32x128xf32, #tpu.memory_space<hbm>>) dst(%arg20 : memref<32x128xf32, #tpu.memory_space<vmem>>)
    %dma_wait3A_148 = arith.constant 0 : i32
    %dma_wait3A_149 = arith.constant 0 : i32
    %dma_wait3A_150 = tpu.memref_slice %arg2[%dma_wait3A_148, %dma_wait3A_149] : memref<10240x128xf32, #tpu.memory_space<hbm>> -> memref<32x128xf32, #tpu.memory_space<hbm>>
    %dma_wait3A_151 = arith.constant 0 : i32
    %dma_wait3A_152 = arith.constant 0 : i32
    %dma_wait3A_153 = tpu.memref_slice %arg2[%dma_wait3A_151, %dma_wait3A_152] : memref<10240x128xf32, #tpu.memory_space<hbm>> -> memref<32x128xf32, #tpu.memory_space<hbm>>
    tpu.wait_dma2 semaphore(%arg46 : memref<!tpu.dma_semaphore, #tpu.memory_space<semaphore_mem>>) src(%dma_wait3A_153 : memref<32x128xf32, #tpu.memory_space<hbm>>) dst(%arg21 : memref<32x128xf32, #tpu.memory_space<vmem>>)
    %barrier3A_154 = arith.constant 0 : index
    tpu.barrier barrier_id(%barrier3A_154)
    %mul3A_155 = arith.constant 640 : i32
    %mul3A_156 = arith.muli %arg1, %mul3A_155 : i32
    %mul3A_157 = arith.constant 640 : i32
    %mul3A_158 = arith.muli %arg1, %mul3A_157 : i32
    "tpu.region"() ({
      %run_scoped3A_159 = tpu.sem_alloc : memref<!tpu.dma_semaphore, #tpu.memory_space<semaphore_mem>>
      %dma_start3A = arith.constant 0 : i32
      %dma_start3A_160 = tpu.memref_slice %arg4[%arg0, %mul3A_158, %dma_start3A] : memref<2x10240x128xf32, #tpu.memory_space<hbm>> -> memref<1x640x128xf32, #tpu.memory_space<hbm>>
      %dma_start3A_161 = tpu.memref_squeeze %dma_start3A_160 : memref<1x640x128xf32, #tpu.memory_space<hbm>> -> memref<640x128xf32, #tpu.memory_space<hbm>>
      %dma_start3A_162 = arith.constant 0 : i32
      %dma_start3A_163 = tpu.memref_slice %arg22[%mul3A_156, %dma_start3A_162] : memref<10240x128xf32, #tpu.memory_space<vmem_shared>> -> memref<640x128xf32, #tpu.memory_space<vmem_shared>>
      tpu.enqueue_dma source(%dma_start3A_163 : memref<640x128xf32, #tpu.memory_space<vmem_shared>>) target(%dma_start3A_161 : memref<640x128xf32, #tpu.memory_space<hbm>>) target_semaphore(%run_scoped3A_159 : memref<!tpu.dma_semaphore, #tpu.memory_space<semaphore_mem>>)
      %dma_wait3A_164 = arith.constant 0 : i32
      %dma_wait3A_165 = tpu.memref_slice %arg4[%arg0, %mul3A_158, %dma_wait3A_164] : memref<2x10240x128xf32, #tpu.memory_space<hbm>> -> memref<1x640x128xf32, #tpu.memory_space<hbm>>
      %dma_wait3A_166 = tpu.memref_squeeze %dma_wait3A_165 : memref<1x640x128xf32, #tpu.memory_space<hbm>> -> memref<640x128xf32, #tpu.memory_space<hbm>>
      %dma_wait3A_167 = arith.constant 0 : i32
      %dma_wait3A_168 = tpu.memref_slice %arg22[%mul3A_156, %dma_wait3A_167] : memref<10240x128xf32, #tpu.memory_space<vmem_shared>> -> memref<640x128xf32, #tpu.memory_space<vmem_shared>>
      tpu.wait_dma2 semaphore(%run_scoped3A_159 : memref<!tpu.dma_semaphore, #tpu.memory_space<semaphore_mem>>) src(%dma_wait3A_168 : memref<640x128xf32, #tpu.memory_space<vmem_shared>>) dst(%dma_wait3A_166 : memref<640x128xf32, #tpu.memory_space<hbm>>)
      tpu.yield
    }) : () -> ()
    return
  }
}

#map = affine_map<(d0, d1) -> (0, 0)>
module attributes {stable_mosaic.version = 14 : i64} {
  func.func @_hist(%arg0: i32, %arg1: i32, %arg2: memref<2x320000xi32, #tpu.memory_space<hbm>>, %arg3: memref<2x10240xf32, #tpu.memory_space<hbm>>, %arg4: memref<128xi32, #tpu.memory_space<vmem>>, %arg5: memref<128xi32, #tpu.memory_space<vmem>>, %arg6: memref<128xi32, #tpu.memory_space<vmem>>, %arg7: memref<128xi32, #tpu.memory_space<vmem>>, %arg8: memref<128xf32, #tpu.memory_space<vmem>>, %arg9: memref<640xf32, #tpu.memory_space<vmem>>, %arg10: memref<10240xf32, #tpu.memory_space<vmem_shared>>, %arg11: memref<!tpu.dma_semaphore, #tpu.memory_space<semaphore_mem>>, %arg12: memref<!tpu.dma_semaphore, #tpu.memory_space<semaphore_mem>>, %arg13: memref<!tpu.dma_semaphore, #tpu.memory_space<semaphore_mem>>, %arg14: memref<!tpu.dma_semaphore, #tpu.memory_space<semaphore_mem>>, %arg15: memref<!tpu.dma_semaphore, #tpu.memory_space<semaphore_mem>>, %arg16: memref<!tpu.dma_semaphore, #tpu.memory_space<semaphore_mem>>, %arg17: memref<!tpu.dma_semaphore, #tpu.memory_space<semaphore_mem>>, %arg18: memref<!tpu.dma_semaphore, #tpu.memory_space<semaphore_mem>>) attributes {dimension_semantics = [#tpu.dimension_semantics<core_parallel>, #tpu.dimension_semantics<subcore_parallel>], iteration_bounds = array<i64: 2, 16>, scalar_prefetch = 0 : i64, scratch_operands = 15 : i64, tpu.core_type = #tpu.core_type<sc_vector_subcore>, window_params = [{transform_indices = #map}, {transform_indices = #map}]} {
    %mul3A = arith.constant 16 : i32
    %mul3A_0 = arith.muli %arg0, %mul3A : i32
    %add3A = arith.addi %mul3A_0, %arg1 : i32
    %scan3A = arith.constant 0 : i32
    %scan3A_1 = arith.constant 0 : i32
    %scan3A_2 = arith.constant 40 : i32
    %scan3A_3 = arith.addi %scan3A_1, %scan3A_2 : i32
    %scan3A_4 = arith.constant 1 : i32
    %scan3A_5 = scf.for %scan3A_102 = %scan3A_1 to %scan3A_3 step %scan3A_4 iter_args(%scan3A_103 = %scan3A) -> (i32)  : i32 {
      %broadcast_in_dim3A_104 = arith.constant 0.000000e+00 : f32
      %broadcast_in_dim3A_105 = vector.broadcast %broadcast_in_dim3A_104 : f32 to vector<16xf32>
      %mul3A_106 = arith.constant 16 : i32
      %mul3A_107 = arith.muli %scan3A_102, %mul3A_106 : i32
      %swap3A_108 = arith.index_cast %mul3A_107 : i32 to index
      %swap3A_109 = tpu.vector_load %arg9[%swap3A_108] {strides = array<i32>} : memref<640xf32, #tpu.memory_space<vmem>>, vector<16xf32>,
      %swap3A_110 = vector.shape_cast %swap3A_109 : vector<16xf32> to vector<16xf32>
      %swap3A_111 = vector.shape_cast %broadcast_in_dim3A_105 : vector<16xf32> to vector<16xf32>
      tpu.vector_store %arg9[%swap3A_108], %swap3A_111 {strides = array<i32>} : memref<640xf32, #tpu.memory_space<vmem>>, vector<16xf32>,
      %scan3A_112 = arith.constant 0 : i32
      scf.yield %scan3A_112 : i32
    }
    %scan3A_6 = arith.constant 40 : i32
    %broadcast_in_dim3A = arith.constant 1.000000e+00 : f32
    %broadcast_in_dim3A_7 = vector.broadcast %broadcast_in_dim3A : f32 to vector<16xf32>
    %swap3A = arith.constant 0 : index
    %swap3A_8 = tpu.vector_load %arg8[%swap3A] {strides = array<i32>} : memref<128xf32, #tpu.memory_space<vmem>>, vector<16xf32>,
    %swap3A_9 = vector.shape_cast %swap3A_8 : vector<16xf32> to vector<16xf32>
    %swap3A_10 = vector.shape_cast %broadcast_in_dim3A_7 : vector<16xf32> to vector<16xf32>
    tpu.vector_store %arg8[%swap3A], %swap3A_10 {strides = array<i32>} : memref<128xf32, #tpu.memory_space<vmem>>, vector<16xf32>,
    %broadcast_in_dim3A_11 = arith.constant 1.000000e+00 : f32
    %broadcast_in_dim3A_12 = vector.broadcast %broadcast_in_dim3A_11 : f32 to vector<16xf32>
    %swap3A_13 = arith.constant 16 : index
    %swap3A_14 = tpu.vector_load %arg8[%swap3A_13] {strides = array<i32>} : memref<128xf32, #tpu.memory_space<vmem>>, vector<16xf32>,
    %swap3A_15 = vector.shape_cast %swap3A_14 : vector<16xf32> to vector<16xf32>
    %swap3A_16 = vector.shape_cast %broadcast_in_dim3A_12 : vector<16xf32> to vector<16xf32>
    tpu.vector_store %arg8[%swap3A_13], %swap3A_16 {strides = array<i32>} : memref<128xf32, #tpu.memory_space<vmem>>, vector<16xf32>,
    %broadcast_in_dim3A_17 = arith.constant 1.000000e+00 : f32
    %broadcast_in_dim3A_18 = vector.broadcast %broadcast_in_dim3A_17 : f32 to vector<16xf32>
    %swap3A_19 = arith.constant 32 : index
    %swap3A_20 = tpu.vector_load %arg8[%swap3A_19] {strides = array<i32>} : memref<128xf32, #tpu.memory_space<vmem>>, vector<16xf32>,
    %swap3A_21 = vector.shape_cast %swap3A_20 : vector<16xf32> to vector<16xf32>
    %swap3A_22 = vector.shape_cast %broadcast_in_dim3A_18 : vector<16xf32> to vector<16xf32>
    tpu.vector_store %arg8[%swap3A_19], %swap3A_22 {strides = array<i32>} : memref<128xf32, #tpu.memory_space<vmem>>, vector<16xf32>,
    %broadcast_in_dim3A_23 = arith.constant 1.000000e+00 : f32
    %broadcast_in_dim3A_24 = vector.broadcast %broadcast_in_dim3A_23 : f32 to vector<16xf32>
    %swap3A_25 = arith.constant 48 : index
    %swap3A_26 = tpu.vector_load %arg8[%swap3A_25] {strides = array<i32>} : memref<128xf32, #tpu.memory_space<vmem>>, vector<16xf32>,
    %swap3A_27 = vector.shape_cast %swap3A_26 : vector<16xf32> to vector<16xf32>
    %swap3A_28 = vector.shape_cast %broadcast_in_dim3A_24 : vector<16xf32> to vector<16xf32>
    tpu.vector_store %arg8[%swap3A_25], %swap3A_28 {strides = array<i32>} : memref<128xf32, #tpu.memory_space<vmem>>, vector<16xf32>,
    %broadcast_in_dim3A_29 = arith.constant 1.000000e+00 : f32
    %broadcast_in_dim3A_30 = vector.broadcast %broadcast_in_dim3A_29 : f32 to vector<16xf32>
    %swap3A_31 = arith.constant 64 : index
    %swap3A_32 = tpu.vector_load %arg8[%swap3A_31] {strides = array<i32>} : memref<128xf32, #tpu.memory_space<vmem>>, vector<16xf32>,
    %swap3A_33 = vector.shape_cast %swap3A_32 : vector<16xf32> to vector<16xf32>
    %swap3A_34 = vector.shape_cast %broadcast_in_dim3A_30 : vector<16xf32> to vector<16xf32>
    tpu.vector_store %arg8[%swap3A_31], %swap3A_34 {strides = array<i32>} : memref<128xf32, #tpu.memory_space<vmem>>, vector<16xf32>,
    %broadcast_in_dim3A_35 = arith.constant 1.000000e+00 : f32
    %broadcast_in_dim3A_36 = vector.broadcast %broadcast_in_dim3A_35 : f32 to vector<16xf32>
    %swap3A_37 = arith.constant 80 : index
    %swap3A_38 = tpu.vector_load %arg8[%swap3A_37] {strides = array<i32>} : memref<128xf32, #tpu.memory_space<vmem>>, vector<16xf32>,
    %swap3A_39 = vector.shape_cast %swap3A_38 : vector<16xf32> to vector<16xf32>
    %swap3A_40 = vector.shape_cast %broadcast_in_dim3A_36 : vector<16xf32> to vector<16xf32>
    tpu.vector_store %arg8[%swap3A_37], %swap3A_40 {strides = array<i32>} : memref<128xf32, #tpu.memory_space<vmem>>, vector<16xf32>,
    %broadcast_in_dim3A_41 = arith.constant 1.000000e+00 : f32
    %broadcast_in_dim3A_42 = vector.broadcast %broadcast_in_dim3A_41 : f32 to vector<16xf32>
    %swap3A_43 = arith.constant 96 : index
    %swap3A_44 = tpu.vector_load %arg8[%swap3A_43] {strides = array<i32>} : memref<128xf32, #tpu.memory_space<vmem>>, vector<16xf32>,
    %swap3A_45 = vector.shape_cast %swap3A_44 : vector<16xf32> to vector<16xf32>
    %swap3A_46 = vector.shape_cast %broadcast_in_dim3A_42 : vector<16xf32> to vector<16xf32>
    tpu.vector_store %arg8[%swap3A_43], %swap3A_46 {strides = array<i32>} : memref<128xf32, #tpu.memory_space<vmem>>, vector<16xf32>,
    %broadcast_in_dim3A_47 = arith.constant 1.000000e+00 : f32
    %broadcast_in_dim3A_48 = vector.broadcast %broadcast_in_dim3A_47 : f32 to vector<16xf32>
    %swap3A_49 = arith.constant 112 : index
    %swap3A_50 = tpu.vector_load %arg8[%swap3A_49] {strides = array<i32>} : memref<128xf32, #tpu.memory_space<vmem>>, vector<16xf32>,
    %swap3A_51 = vector.shape_cast %swap3A_50 : vector<16xf32> to vector<16xf32>
    %swap3A_52 = vector.shape_cast %broadcast_in_dim3A_48 : vector<16xf32> to vector<16xf32>
    tpu.vector_store %arg8[%swap3A_49], %swap3A_52 {strides = array<i32>} : memref<128xf32, #tpu.memory_space<vmem>>, vector<16xf32>,
    %mul3A_53 = arith.constant 640 : i32
    %mul3A_54 = arith.muli %arg1, %mul3A_53 : i32
    "tpu.region"() ({
      %run_scoped3A = tpu.sem_alloc : memref<!tpu.dma_semaphore, #tpu.memory_space<semaphore_mem>>
      %dma_start3A = tpu.memref_slice %arg10[%mul3A_54] : memref<10240xf32, #tpu.memory_space<vmem_shared>> -> memref<640xf32, #tpu.memory_space<vmem_shared>>
      %dma_start3A_102 = tpu.memref_slice %arg10[%mul3A_54] : memref<10240xf32, #tpu.memory_space<vmem_shared>> -> memref<640xf32, #tpu.memory_space<vmem_shared>>
      tpu.enqueue_dma source(%arg9 : memref<640xf32, #tpu.memory_space<vmem>>) target(%dma_start3A_102 : memref<640xf32, #tpu.memory_space<vmem_shared>>) target_semaphore(%run_scoped3A : memref<!tpu.dma_semaphore, #tpu.memory_space<semaphore_mem>>)
      %dma_wait3A_103 = tpu.memref_slice %arg10[%mul3A_54] : memref<10240xf32, #tpu.memory_space<vmem_shared>> -> memref<640xf32, #tpu.memory_space<vmem_shared>>
      %dma_wait3A_104 = tpu.memref_slice %arg10[%mul3A_54] : memref<10240xf32, #tpu.memory_space<vmem_shared>> -> memref<640xf32, #tpu.memory_space<vmem_shared>>
      tpu.wait_dma2 semaphore(%run_scoped3A : memref<!tpu.dma_semaphore, #tpu.memory_space<semaphore_mem>>) src(%arg9 : memref<640xf32, #tpu.memory_space<vmem>>) dst(%dma_wait3A_104 : memref<640xf32, #tpu.memory_space<vmem_shared>>)
      tpu.yield
    }) : () -> ()
    %barrier3A = arith.constant 0 : index
    tpu.barrier barrier_id(%barrier3A)
    %mul3A_55 = arith.constant 10240 : i32
    %mul3A_56 = arith.muli %add3A, %mul3A_55 : i32
    %eq3A = arith.constant 31 : i32
    %eq3A_57 = arith.cmpi eq, %add3A, %eq3A : i32
    %jit3A = arith.constant 5 : i32
    %jit3A_58 = arith.constant 20 : i32
    %select_n3A = arith.select %eq3A_57, %jit3A, %jit3A_58 : i32
    %while3A = arith.constant 0 : i32
    %while3A_59 = arith.constant 0 : i32
    %while3A_60 = arith.subi %select_n3A, %while3A : i32
    %while3A_61 = arith.addi %while3A, %while3A_60 : i32
    %while3A_62 = arith.constant 1 : i32
    %while3A_63 = arith.divsi %while3A_60, %while3A_62 : i32
    %while3A_64 = arith.muli %while3A_63, %while3A_62 : i32
    %while3A_65 = arith.addi %while3A, %while3A_64 : i32
    %while3A_66 = arith.constant 1 : i32
    %while3A_67 = scf.for %while3A_102 = %while3A to %while3A_65 step %while3A_66 iter_args(%while3A_103 = %while3A_59) -> (i32)  : i32 {
      %mul3A_104 = arith.constant 4 : i32
      %mul3A_105 = arith.muli %while3A_102, %mul3A_104 : i32
      %add3A_106 = arith.constant 0 : i32
      %add3A_107 = arith.addi %mul3A_105, %add3A_106 : i32
      %gt3A = arith.constant 0 : i32
      %gt3A_108 = arith.cmpi sgt, %while3A_102, %gt3A : i32
      %convert_element_type3A = arith.extui %gt3A_108 : i1 to i32
      %cond3A = arith.constant 0 : i32
      %cond3A_109 = arith.cmpi ne, %convert_element_type3A, %cond3A : i32
      scf.if %cond3A_109 {
        %dma_wait3A_205 = arith.constant 1 : i32
        %dma_wait3A_206 = arith.constant 0 : i32
        %dma_wait3A_207 = tpu.memref_slice %arg2[%dma_wait3A_205, %dma_wait3A_206] : memref<2x320000xi32, #tpu.memory_space<hbm>> -> memref<1x128xi32, #tpu.memory_space<hbm>>
        %dma_wait3A_208 = tpu.memref_squeeze %dma_wait3A_207 : memref<1x128xi32, #tpu.memory_space<hbm>> -> memref<128xi32, #tpu.memory_space<hbm>>
        %dma_wait3A_209 = arith.constant 0 : i32
        %dma_wait3A_210 = tpu.memref_slice %arg2[%dma_wait3A_205, %dma_wait3A_209] : memref<2x320000xi32, #tpu.memory_space<hbm>> -> memref<1x128xi32, #tpu.memory_space<hbm>>
        %dma_wait3A_211 = tpu.memref_squeeze %dma_wait3A_210 : memref<1x128xi32, #tpu.memory_space<hbm>> -> memref<128xi32, #tpu.memory_space<hbm>>
        tpu.wait_dma2 semaphore(%arg15 : memref<!tpu.dma_semaphore, #tpu.memory_space<semaphore_mem>>) src(%dma_wait3A_211 : memref<128xi32, #tpu.memory_space<hbm>>) dst(%arg4 : memref<128xi32, #tpu.memory_space<vmem>>)
      } else {
      }
      %mul3A_110 = arith.constant 128 : i32
      %mul3A_111 = arith.muli %add3A_107, %mul3A_110 : i32
      %add3A_112 = arith.addi %mul3A_56, %mul3A_111 : i32
      %dma_start3A = arith.constant 1 : i32
      %dma_start3A_113 = tpu.memref_slice %arg2[%dma_start3A, %add3A_112] : memref<2x320000xi32, #tpu.memory_space<hbm>> -> memref<1x128xi32, #tpu.memory_space<hbm>>
      %dma_start3A_114 = tpu.memref_squeeze %dma_start3A_113 : memref<1x128xi32, #tpu.memory_space<hbm>> -> memref<128xi32, #tpu.memory_space<hbm>>
      %dma_start3A_115 = tpu.memref_slice %arg2[%dma_start3A, %add3A_112] : memref<2x320000xi32, #tpu.memory_space<hbm>> -> memref<1x128xi32, #tpu.memory_space<hbm>>
      %dma_start3A_116 = tpu.memref_squeeze %dma_start3A_115 : memref<1x128xi32, #tpu.memory_space<hbm>> -> memref<128xi32, #tpu.memory_space<hbm>>
      tpu.enqueue_dma source(%dma_start3A_116 : memref<128xi32, #tpu.memory_space<hbm>>) target(%arg4 : memref<128xi32, #tpu.memory_space<vmem>>) target_semaphore(%arg11 : memref<!tpu.dma_semaphore, #tpu.memory_space<semaphore_mem>>)
      %mul3A_117 = arith.constant 4 : i32
      %mul3A_118 = arith.muli %while3A_102, %mul3A_117 : i32
      %add3A_119 = arith.constant 1 : i32
      %add3A_120 = arith.addi %mul3A_118, %add3A_119 : i32
      %gt3A_121 = arith.constant 0 : i32
      %gt3A_122 = arith.cmpi sgt, %while3A_102, %gt3A_121 : i32
      %convert_element_type3A_123 = arith.extui %gt3A_122 : i1 to i32
      %cond3A_124 = arith.constant 0 : i32
      %cond3A_125 = arith.cmpi ne, %convert_element_type3A_123, %cond3A_124 : i32
      scf.if %cond3A_125 {
        %dma_wait3A_205 = arith.constant 1 : i32
        %dma_wait3A_206 = arith.constant 0 : i32
        %dma_wait3A_207 = tpu.memref_slice %arg2[%dma_wait3A_205, %dma_wait3A_206] : memref<2x320000xi32, #tpu.memory_space<hbm>> -> memref<1x128xi32, #tpu.memory_space<hbm>>
        %dma_wait3A_208 = tpu.memref_squeeze %dma_wait3A_207 : memref<1x128xi32, #tpu.memory_space<hbm>> -> memref<128xi32, #tpu.memory_space<hbm>>
        %dma_wait3A_209 = arith.constant 0 : i32
        %dma_wait3A_210 = tpu.memref_slice %arg2[%dma_wait3A_205, %dma_wait3A_209] : memref<2x320000xi32, #tpu.memory_space<hbm>> -> memref<1x128xi32, #tpu.memory_space<hbm>>
        %dma_wait3A_211 = tpu.memref_squeeze %dma_wait3A_210 : memref<1x128xi32, #tpu.memory_space<hbm>> -> memref<128xi32, #tpu.memory_space<hbm>>
        tpu.wait_dma2 semaphore(%arg16 : memref<!tpu.dma_semaphore, #tpu.memory_space<semaphore_mem>>) src(%dma_wait3A_211 : memref<128xi32, #tpu.memory_space<hbm>>) dst(%arg5 : memref<128xi32, #tpu.memory_space<vmem>>)
      } else {
      }
      %mul3A_126 = arith.constant 128 : i32
      %mul3A_127 = arith.muli %add3A_120, %mul3A_126 : i32
      %add3A_128 = arith.addi %mul3A_56, %mul3A_127 : i32
      %dma_start3A_129 = arith.constant 1 : i32
      %dma_start3A_130 = tpu.memref_slice %arg2[%dma_start3A_129, %add3A_128] : memref<2x320000xi32, #tpu.memory_space<hbm>> -> memref<1x128xi32, #tpu.memory_space<hbm>>
      %dma_start3A_131 = tpu.memref_squeeze %dma_start3A_130 : memref<1x128xi32, #tpu.memory_space<hbm>> -> memref<128xi32, #tpu.memory_space<hbm>>
      %dma_start3A_132 = tpu.memref_slice %arg2[%dma_start3A_129, %add3A_128] : memref<2x320000xi32, #tpu.memory_space<hbm>> -> memref<1x128xi32, #tpu.memory_space<hbm>>
      %dma_start3A_133 = tpu.memref_squeeze %dma_start3A_132 : memref<1x128xi32, #tpu.memory_space<hbm>> -> memref<128xi32, #tpu.memory_space<hbm>>
      tpu.enqueue_dma source(%dma_start3A_133 : memref<128xi32, #tpu.memory_space<hbm>>) target(%arg5 : memref<128xi32, #tpu.memory_space<vmem>>) target_semaphore(%arg12 : memref<!tpu.dma_semaphore, #tpu.memory_space<semaphore_mem>>)
      %mul3A_134 = arith.constant 4 : i32
      %mul3A_135 = arith.muli %while3A_102, %mul3A_134 : i32
      %add3A_136 = arith.constant 2 : i32
      %add3A_137 = arith.addi %mul3A_135, %add3A_136 : i32
      %gt3A_138 = arith.constant 0 : i32
      %gt3A_139 = arith.cmpi sgt, %while3A_102, %gt3A_138 : i32
      %convert_element_type3A_140 = arith.extui %gt3A_139 : i1 to i32
      %cond3A_141 = arith.constant 0 : i32
      %cond3A_142 = arith.cmpi ne, %convert_element_type3A_140, %cond3A_141 : i32
      scf.if %cond3A_142 {
        %dma_wait3A_205 = arith.constant 1 : i32
        %dma_wait3A_206 = arith.constant 0 : i32
        %dma_wait3A_207 = tpu.memref_slice %arg2[%dma_wait3A_205, %dma_wait3A_206] : memref<2x320000xi32, #tpu.memory_space<hbm>> -> memref<1x128xi32, #tpu.memory_space<hbm>>
        %dma_wait3A_208 = tpu.memref_squeeze %dma_wait3A_207 : memref<1x128xi32, #tpu.memory_space<hbm>> -> memref<128xi32, #tpu.memory_space<hbm>>
        %dma_wait3A_209 = arith.constant 0 : i32
        %dma_wait3A_210 = tpu.memref_slice %arg2[%dma_wait3A_205, %dma_wait3A_209] : memref<2x320000xi32, #tpu.memory_space<hbm>> -> memref<1x128xi32, #tpu.memory_space<hbm>>
        %dma_wait3A_211 = tpu.memref_squeeze %dma_wait3A_210 : memref<1x128xi32, #tpu.memory_space<hbm>> -> memref<128xi32, #tpu.memory_space<hbm>>
        tpu.wait_dma2 semaphore(%arg17 : memref<!tpu.dma_semaphore, #tpu.memory_space<semaphore_mem>>) src(%dma_wait3A_211 : memref<128xi32, #tpu.memory_space<hbm>>) dst(%arg6 : memref<128xi32, #tpu.memory_space<vmem>>)
      } else {
      }
      %mul3A_143 = arith.constant 128 : i32
      %mul3A_144 = arith.muli %add3A_137, %mul3A_143 : i32
      %add3A_145 = arith.addi %mul3A_56, %mul3A_144 : i32
      %dma_start3A_146 = arith.constant 1 : i32
      %dma_start3A_147 = tpu.memref_slice %arg2[%dma_start3A_146, %add3A_145] : memref<2x320000xi32, #tpu.memory_space<hbm>> -> memref<1x128xi32, #tpu.memory_space<hbm>>
      %dma_start3A_148 = tpu.memref_squeeze %dma_start3A_147 : memref<1x128xi32, #tpu.memory_space<hbm>> -> memref<128xi32, #tpu.memory_space<hbm>>
      %dma_start3A_149 = tpu.memref_slice %arg2[%dma_start3A_146, %add3A_145] : memref<2x320000xi32, #tpu.memory_space<hbm>> -> memref<1x128xi32, #tpu.memory_space<hbm>>
      %dma_start3A_150 = tpu.memref_squeeze %dma_start3A_149 : memref<1x128xi32, #tpu.memory_space<hbm>> -> memref<128xi32, #tpu.memory_space<hbm>>
      tpu.enqueue_dma source(%dma_start3A_150 : memref<128xi32, #tpu.memory_space<hbm>>) target(%arg6 : memref<128xi32, #tpu.memory_space<vmem>>) target_semaphore(%arg13 : memref<!tpu.dma_semaphore, #tpu.memory_space<semaphore_mem>>)
      %mul3A_151 = arith.constant 4 : i32
      %mul3A_152 = arith.muli %while3A_102, %mul3A_151 : i32
      %add3A_153 = arith.constant 3 : i32
      %add3A_154 = arith.addi %mul3A_152, %add3A_153 : i32
      %gt3A_155 = arith.constant 0 : i32
      %gt3A_156 = arith.cmpi sgt, %while3A_102, %gt3A_155 : i32
      %convert_element_type3A_157 = arith.extui %gt3A_156 : i1 to i32
      %cond3A_158 = arith.constant 0 : i32
      %cond3A_159 = arith.cmpi ne, %convert_element_type3A_157, %cond3A_158 : i32
      scf.if %cond3A_159 {
        %dma_wait3A_205 = arith.constant 1 : i32
        %dma_wait3A_206 = arith.constant 0 : i32
        %dma_wait3A_207 = tpu.memref_slice %arg2[%dma_wait3A_205, %dma_wait3A_206] : memref<2x320000xi32, #tpu.memory_space<hbm>> -> memref<1x128xi32, #tpu.memory_space<hbm>>
        %dma_wait3A_208 = tpu.memref_squeeze %dma_wait3A_207 : memref<1x128xi32, #tpu.memory_space<hbm>> -> memref<128xi32, #tpu.memory_space<hbm>>
        %dma_wait3A_209 = arith.constant 0 : i32
        %dma_wait3A_210 = tpu.memref_slice %arg2[%dma_wait3A_205, %dma_wait3A_209] : memref<2x320000xi32, #tpu.memory_space<hbm>> -> memref<1x128xi32, #tpu.memory_space<hbm>>
        %dma_wait3A_211 = tpu.memref_squeeze %dma_wait3A_210 : memref<1x128xi32, #tpu.memory_space<hbm>> -> memref<128xi32, #tpu.memory_space<hbm>>
        tpu.wait_dma2 semaphore(%arg18 : memref<!tpu.dma_semaphore, #tpu.memory_space<semaphore_mem>>) src(%dma_wait3A_211 : memref<128xi32, #tpu.memory_space<hbm>>) dst(%arg7 : memref<128xi32, #tpu.memory_space<vmem>>)
      } else {
      }
      %mul3A_160 = arith.constant 128 : i32
      %mul3A_161 = arith.muli %add3A_154, %mul3A_160 : i32
      %add3A_162 = arith.addi %mul3A_56, %mul3A_161 : i32
      %dma_start3A_163 = arith.constant 1 : i32
      %dma_start3A_164 = tpu.memref_slice %arg2[%dma_start3A_163, %add3A_162] : memref<2x320000xi32, #tpu.memory_space<hbm>> -> memref<1x128xi32, #tpu.memory_space<hbm>>
      %dma_start3A_165 = tpu.memref_squeeze %dma_start3A_164 : memref<1x128xi32, #tpu.memory_space<hbm>> -> memref<128xi32, #tpu.memory_space<hbm>>
      %dma_start3A_166 = tpu.memref_slice %arg2[%dma_start3A_163, %add3A_162] : memref<2x320000xi32, #tpu.memory_space<hbm>> -> memref<1x128xi32, #tpu.memory_space<hbm>>
      %dma_start3A_167 = tpu.memref_squeeze %dma_start3A_166 : memref<1x128xi32, #tpu.memory_space<hbm>> -> memref<128xi32, #tpu.memory_space<hbm>>
      tpu.enqueue_dma source(%dma_start3A_167 : memref<128xi32, #tpu.memory_space<hbm>>) target(%arg7 : memref<128xi32, #tpu.memory_space<vmem>>) target_semaphore(%arg14 : memref<!tpu.dma_semaphore, #tpu.memory_space<semaphore_mem>>)
      %dma_wait3A_168 = arith.constant 1 : i32
      %dma_wait3A_169 = arith.constant 0 : i32
      %dma_wait3A_170 = tpu.memref_slice %arg2[%dma_wait3A_168, %dma_wait3A_169] : memref<2x320000xi32, #tpu.memory_space<hbm>> -> memref<1x128xi32, #tpu.memory_space<hbm>>
      %dma_wait3A_171 = tpu.memref_squeeze %dma_wait3A_170 : memref<1x128xi32, #tpu.memory_space<hbm>> -> memref<128xi32, #tpu.memory_space<hbm>>
      %dma_wait3A_172 = arith.constant 0 : i32
      %dma_wait3A_173 = tpu.memref_slice %arg2[%dma_wait3A_168, %dma_wait3A_172] : memref<2x320000xi32, #tpu.memory_space<hbm>> -> memref<1x128xi32, #tpu.memory_space<hbm>>
      %dma_wait3A_174 = tpu.memref_squeeze %dma_wait3A_173 : memref<1x128xi32, #tpu.memory_space<hbm>> -> memref<128xi32, #tpu.memory_space<hbm>>
      tpu.wait_dma2 semaphore(%arg11 : memref<!tpu.dma_semaphore, #tpu.memory_space<semaphore_mem>>) src(%dma_wait3A_174 : memref<128xi32, #tpu.memory_space<hbm>>) dst(%arg4 : memref<128xi32, #tpu.memory_space<vmem>>)
      %dma_start3A_175 = arith.constant 0 : i32
      %dma_start3A_176 = tpu.memref_slice %arg10[%dma_start3A_175] : memref<10240xf32, #tpu.memory_space<vmem_shared>> -> memref<10240xf32, #tpu.memory_space<vmem_shared>>
      tpu.enqueue_indirect_dma source(%arg8 : memref<128xf32, #tpu.memory_space<vmem>>) target(%dma_start3A_176 : memref<10240xf32, #tpu.memory_space<vmem_shared>>) offsets(%arg4 : memref<128xi32, #tpu.memory_space<vmem>>) semaphore(%arg15 : memref<!tpu.dma_semaphore, #tpu.memory_space<semaphore_mem>>) {add = true}
      %dma_wait3A_177 = arith.constant 1 : i32
      %dma_wait3A_178 = arith.constant 0 : i32
      %dma_wait3A_179 = tpu.memref_slice %arg2[%dma_wait3A_177, %dma_wait3A_178] : memref<2x320000xi32, #tpu.memory_space<hbm>> -> memref<1x128xi32, #tpu.memory_space<hbm>>
      %dma_wait3A_180 = tpu.memref_squeeze %dma_wait3A_179 : memref<1x128xi32, #tpu.memory_space<hbm>> -> memref<128xi32, #tpu.memory_space<hbm>>
      %dma_wait3A_181 = arith.constant 0 : i32
      %dma_wait3A_182 = tpu.memref_slice %arg2[%dma_wait3A_177, %dma_wait3A_181] : memref<2x320000xi32, #tpu.memory_space<hbm>> -> memref<1x128xi32, #tpu.memory_space<hbm>>
      %dma_wait3A_183 = tpu.memref_squeeze %dma_wait3A_182 : memref<1x128xi32, #tpu.memory_space<hbm>> -> memref<128xi32, #tpu.memory_space<hbm>>
      tpu.wait_dma2 semaphore(%arg12 : memref<!tpu.dma_semaphore, #tpu.memory_space<semaphore_mem>>) src(%dma_wait3A_183 : memref<128xi32, #tpu.memory_space<hbm>>) dst(%arg5 : memref<128xi32, #tpu.memory_space<vmem>>)
      %dma_start3A_184 = arith.constant 0 : i32
      %dma_start3A_185 = tpu.memref_slice %arg10[%dma_start3A_184] : memref<10240xf32, #tpu.memory_space<vmem_shared>> -> memref<10240xf32, #tpu.memory_space<vmem_shared>>
      tpu.enqueue_indirect_dma source(%arg8 : memref<128xf32, #tpu.memory_space<vmem>>) target(%dma_start3A_185 : memref<10240xf32, #tpu.memory_space<vmem_shared>>) offsets(%arg5 : memref<128xi32, #tpu.memory_space<vmem>>) semaphore(%arg16 : memref<!tpu.dma_semaphore, #tpu.memory_space<semaphore_mem>>) {add = true}
      %dma_wait3A_186 = arith.constant 1 : i32
      %dma_wait3A_187 = arith.constant 0 : i32
      %dma_wait3A_188 = tpu.memref_slice %arg2[%dma_wait3A_186, %dma_wait3A_187] : memref<2x320000xi32, #tpu.memory_space<hbm>> -> memref<1x128xi32, #tpu.memory_space<hbm>>
      %dma_wait3A_189 = tpu.memref_squeeze %dma_wait3A_188 : memref<1x128xi32, #tpu.memory_space<hbm>> -> memref<128xi32, #tpu.memory_space<hbm>>
      %dma_wait3A_190 = arith.constant 0 : i32
      %dma_wait3A_191 = tpu.memref_slice %arg2[%dma_wait3A_186, %dma_wait3A_190] : memref<2x320000xi32, #tpu.memory_space<hbm>> -> memref<1x128xi32, #tpu.memory_space<hbm>>
      %dma_wait3A_192 = tpu.memref_squeeze %dma_wait3A_191 : memref<1x128xi32, #tpu.memory_space<hbm>> -> memref<128xi32, #tpu.memory_space<hbm>>
      tpu.wait_dma2 semaphore(%arg13 : memref<!tpu.dma_semaphore, #tpu.memory_space<semaphore_mem>>) src(%dma_wait3A_192 : memref<128xi32, #tpu.memory_space<hbm>>) dst(%arg6 : memref<128xi32, #tpu.memory_space<vmem>>)
      %dma_start3A_193 = arith.constant 0 : i32
      %dma_start3A_194 = tpu.memref_slice %arg10[%dma_start3A_193] : memref<10240xf32, #tpu.memory_space<vmem_shared>> -> memref<10240xf32, #tpu.memory_space<vmem_shared>>
      tpu.enqueue_indirect_dma source(%arg8 : memref<128xf32, #tpu.memory_space<vmem>>) target(%dma_start3A_194 : memref<10240xf32, #tpu.memory_space<vmem_shared>>) offsets(%arg6 : memref<128xi32, #tpu.memory_space<vmem>>) semaphore(%arg17 : memref<!tpu.dma_semaphore, #tpu.memory_space<semaphore_mem>>) {add = true}
      %dma_wait3A_195 = arith.constant 1 : i32
      %dma_wait3A_196 = arith.constant 0 : i32
      %dma_wait3A_197 = tpu.memref_slice %arg2[%dma_wait3A_195, %dma_wait3A_196] : memref<2x320000xi32, #tpu.memory_space<hbm>> -> memref<1x128xi32, #tpu.memory_space<hbm>>
      %dma_wait3A_198 = tpu.memref_squeeze %dma_wait3A_197 : memref<1x128xi32, #tpu.memory_space<hbm>> -> memref<128xi32, #tpu.memory_space<hbm>>
      %dma_wait3A_199 = arith.constant 0 : i32
      %dma_wait3A_200 = tpu.memref_slice %arg2[%dma_wait3A_195, %dma_wait3A_199] : memref<2x320000xi32, #tpu.memory_space<hbm>> -> memref<1x128xi32, #tpu.memory_space<hbm>>
      %dma_wait3A_201 = tpu.memref_squeeze %dma_wait3A_200 : memref<1x128xi32, #tpu.memory_space<hbm>> -> memref<128xi32, #tpu.memory_space<hbm>>
      tpu.wait_dma2 semaphore(%arg14 : memref<!tpu.dma_semaphore, #tpu.memory_space<semaphore_mem>>) src(%dma_wait3A_201 : memref<128xi32, #tpu.memory_space<hbm>>) dst(%arg7 : memref<128xi32, #tpu.memory_space<vmem>>)
      %dma_start3A_202 = arith.constant 0 : i32
      %dma_start3A_203 = tpu.memref_slice %arg10[%dma_start3A_202] : memref<10240xf32, #tpu.memory_space<vmem_shared>> -> memref<10240xf32, #tpu.memory_space<vmem_shared>>
      tpu.enqueue_indirect_dma source(%arg8 : memref<128xf32, #tpu.memory_space<vmem>>) target(%dma_start3A_203 : memref<10240xf32, #tpu.memory_space<vmem_shared>>) offsets(%arg7 : memref<128xi32, #tpu.memory_space<vmem>>) semaphore(%arg18 : memref<!tpu.dma_semaphore, #tpu.memory_space<semaphore_mem>>) {add = true}
      %while3A_204 = arith.constant 0 : i32
      scf.yield %while3A_204 : i32
    }
    %while3A_68 = arith.constant 1 : i32
    %while3A_69 = scf.for %while3A_102 = %while3A_65 to %while3A_61 step %while3A_68 iter_args(%while3A_103 = %while3A_67) -> (i32)  : i32 {
      %mul3A_104 = arith.constant 4 : i32
      %mul3A_105 = arith.muli %while3A_102, %mul3A_104 : i32
      %add3A_106 = arith.constant 0 : i32
      %add3A_107 = arith.addi %mul3A_105, %add3A_106 : i32
      %gt3A = arith.constant 0 : i32
      %gt3A_108 = arith.cmpi sgt, %while3A_102, %gt3A : i32
      %convert_element_type3A = arith.extui %gt3A_108 : i1 to i32
      %cond3A = arith.constant 0 : i32
      %cond3A_109 = arith.cmpi ne, %convert_element_type3A, %cond3A : i32
      scf.if %cond3A_109 {
        %dma_wait3A_205 = arith.constant 1 : i32
        %dma_wait3A_206 = arith.constant 0 : i32
        %dma_wait3A_207 = tpu.memref_slice %arg2[%dma_wait3A_205, %dma_wait3A_206] : memref<2x320000xi32, #tpu.memory_space<hbm>> -> memref<1x128xi32, #tpu.memory_space<hbm>>
        %dma_wait3A_208 = tpu.memref_squeeze %dma_wait3A_207 : memref<1x128xi32, #tpu.memory_space<hbm>> -> memref<128xi32, #tpu.memory_space<hbm>>
        %dma_wait3A_209 = arith.constant 0 : i32
        %dma_wait3A_210 = tpu.memref_slice %arg2[%dma_wait3A_205, %dma_wait3A_209] : memref<2x320000xi32, #tpu.memory_space<hbm>> -> memref<1x128xi32, #tpu.memory_space<hbm>>
        %dma_wait3A_211 = tpu.memref_squeeze %dma_wait3A_210 : memref<1x128xi32, #tpu.memory_space<hbm>> -> memref<128xi32, #tpu.memory_space<hbm>>
        tpu.wait_dma2 semaphore(%arg15 : memref<!tpu.dma_semaphore, #tpu.memory_space<semaphore_mem>>) src(%dma_wait3A_211 : memref<128xi32, #tpu.memory_space<hbm>>) dst(%arg4 : memref<128xi32, #tpu.memory_space<vmem>>)
      } else {
      }
      %mul3A_110 = arith.constant 128 : i32
      %mul3A_111 = arith.muli %add3A_107, %mul3A_110 : i32
      %add3A_112 = arith.addi %mul3A_56, %mul3A_111 : i32
      %dma_start3A = arith.constant 1 : i32
      %dma_start3A_113 = tpu.memref_slice %arg2[%dma_start3A, %add3A_112] : memref<2x320000xi32, #tpu.memory_space<hbm>> -> memref<1x128xi32, #tpu.memory_space<hbm>>
      %dma_start3A_114 = tpu.memref_squeeze %dma_start3A_113 : memref<1x128xi32, #tpu.memory_space<hbm>> -> memref<128xi32, #tpu.memory_space<hbm>>
      %dma_start3A_115 = tpu.memref_slice %arg2[%dma_start3A, %add3A_112] : memref<2x320000xi32, #tpu.memory_space<hbm>> -> memref<1x128xi32, #tpu.memory_space<hbm>>
      %dma_start3A_116 = tpu.memref_squeeze %dma_start3A_115 : memref<1x128xi32, #tpu.memory_space<hbm>> -> memref<128xi32, #tpu.memory_space<hbm>>
      tpu.enqueue_dma source(%dma_start3A_116 : memref<128xi32, #tpu.memory_space<hbm>>) target(%arg4 : memref<128xi32, #tpu.memory_space<vmem>>) target_semaphore(%arg11 : memref<!tpu.dma_semaphore, #tpu.memory_space<semaphore_mem>>)
      %mul3A_117 = arith.constant 4 : i32
      %mul3A_118 = arith.muli %while3A_102, %mul3A_117 : i32
      %add3A_119 = arith.constant 1 : i32
      %add3A_120 = arith.addi %mul3A_118, %add3A_119 : i32
      %gt3A_121 = arith.constant 0 : i32
      %gt3A_122 = arith.cmpi sgt, %while3A_102, %gt3A_121 : i32
      %convert_element_type3A_123 = arith.extui %gt3A_122 : i1 to i32
      %cond3A_124 = arith.constant 0 : i32
      %cond3A_125 = arith.cmpi ne, %convert_element_type3A_123, %cond3A_124 : i32
      scf.if %cond3A_125 {
        %dma_wait3A_205 = arith.constant 1 : i32
        %dma_wait3A_206 = arith.constant 0 : i32
        %dma_wait3A_207 = tpu.memref_slice %arg2[%dma_wait3A_205, %dma_wait3A_206] : memref<2x320000xi32, #tpu.memory_space<hbm>> -> memref<1x128xi32, #tpu.memory_space<hbm>>
        %dma_wait3A_208 = tpu.memref_squeeze %dma_wait3A_207 : memref<1x128xi32, #tpu.memory_space<hbm>> -> memref<128xi32, #tpu.memory_space<hbm>>
        %dma_wait3A_209 = arith.constant 0 : i32
        %dma_wait3A_210 = tpu.memref_slice %arg2[%dma_wait3A_205, %dma_wait3A_209] : memref<2x320000xi32, #tpu.memory_space<hbm>> -> memref<1x128xi32, #tpu.memory_space<hbm>>
        %dma_wait3A_211 = tpu.memref_squeeze %dma_wait3A_210 : memref<1x128xi32, #tpu.memory_space<hbm>> -> memref<128xi32, #tpu.memory_space<hbm>>
        tpu.wait_dma2 semaphore(%arg16 : memref<!tpu.dma_semaphore, #tpu.memory_space<semaphore_mem>>) src(%dma_wait3A_211 : memref<128xi32, #tpu.memory_space<hbm>>) dst(%arg5 : memref<128xi32, #tpu.memory_space<vmem>>)
      } else {
      }
      %mul3A_126 = arith.constant 128 : i32
      %mul3A_127 = arith.muli %add3A_120, %mul3A_126 : i32
      %add3A_128 = arith.addi %mul3A_56, %mul3A_127 : i32
      %dma_start3A_129 = arith.constant 1 : i32
      %dma_start3A_130 = tpu.memref_slice %arg2[%dma_start3A_129, %add3A_128] : memref<2x320000xi32, #tpu.memory_space<hbm>> -> memref<1x128xi32, #tpu.memory_space<hbm>>
      %dma_start3A_131 = tpu.memref_squeeze %dma_start3A_130 : memref<1x128xi32, #tpu.memory_space<hbm>> -> memref<128xi32, #tpu.memory_space<hbm>>
      %dma_start3A_132 = tpu.memref_slice %arg2[%dma_start3A_129, %add3A_128] : memref<2x320000xi32, #tpu.memory_space<hbm>> -> memref<1x128xi32, #tpu.memory_space<hbm>>
      %dma_start3A_133 = tpu.memref_squeeze %dma_start3A_132 : memref<1x128xi32, #tpu.memory_space<hbm>> -> memref<128xi32, #tpu.memory_space<hbm>>
      tpu.enqueue_dma source(%dma_start3A_133 : memref<128xi32, #tpu.memory_space<hbm>>) target(%arg5 : memref<128xi32, #tpu.memory_space<vmem>>) target_semaphore(%arg12 : memref<!tpu.dma_semaphore, #tpu.memory_space<semaphore_mem>>)
      %mul3A_134 = arith.constant 4 : i32
      %mul3A_135 = arith.muli %while3A_102, %mul3A_134 : i32
      %add3A_136 = arith.constant 2 : i32
      %add3A_137 = arith.addi %mul3A_135, %add3A_136 : i32
      %gt3A_138 = arith.constant 0 : i32
      %gt3A_139 = arith.cmpi sgt, %while3A_102, %gt3A_138 : i32
      %convert_element_type3A_140 = arith.extui %gt3A_139 : i1 to i32
      %cond3A_141 = arith.constant 0 : i32
      %cond3A_142 = arith.cmpi ne, %convert_element_type3A_140, %cond3A_141 : i32
      scf.if %cond3A_142 {
        %dma_wait3A_205 = arith.constant 1 : i32
        %dma_wait3A_206 = arith.constant 0 : i32
        %dma_wait3A_207 = tpu.memref_slice %arg2[%dma_wait3A_205, %dma_wait3A_206] : memref<2x320000xi32, #tpu.memory_space<hbm>> -> memref<1x128xi32, #tpu.memory_space<hbm>>
        %dma_wait3A_208 = tpu.memref_squeeze %dma_wait3A_207 : memref<1x128xi32, #tpu.memory_space<hbm>> -> memref<128xi32, #tpu.memory_space<hbm>>
        %dma_wait3A_209 = arith.constant 0 : i32
        %dma_wait3A_210 = tpu.memref_slice %arg2[%dma_wait3A_205, %dma_wait3A_209] : memref<2x320000xi32, #tpu.memory_space<hbm>> -> memref<1x128xi32, #tpu.memory_space<hbm>>
        %dma_wait3A_211 = tpu.memref_squeeze %dma_wait3A_210 : memref<1x128xi32, #tpu.memory_space<hbm>> -> memref<128xi32, #tpu.memory_space<hbm>>
        tpu.wait_dma2 semaphore(%arg17 : memref<!tpu.dma_semaphore, #tpu.memory_space<semaphore_mem>>) src(%dma_wait3A_211 : memref<128xi32, #tpu.memory_space<hbm>>) dst(%arg6 : memref<128xi32, #tpu.memory_space<vmem>>)
      } else {
      }
      %mul3A_143 = arith.constant 128 : i32
      %mul3A_144 = arith.muli %add3A_137, %mul3A_143 : i32
      %add3A_145 = arith.addi %mul3A_56, %mul3A_144 : i32
      %dma_start3A_146 = arith.constant 1 : i32
      %dma_start3A_147 = tpu.memref_slice %arg2[%dma_start3A_146, %add3A_145] : memref<2x320000xi32, #tpu.memory_space<hbm>> -> memref<1x128xi32, #tpu.memory_space<hbm>>
      %dma_start3A_148 = tpu.memref_squeeze %dma_start3A_147 : memref<1x128xi32, #tpu.memory_space<hbm>> -> memref<128xi32, #tpu.memory_space<hbm>>
      %dma_start3A_149 = tpu.memref_slice %arg2[%dma_start3A_146, %add3A_145] : memref<2x320000xi32, #tpu.memory_space<hbm>> -> memref<1x128xi32, #tpu.memory_space<hbm>>
      %dma_start3A_150 = tpu.memref_squeeze %dma_start3A_149 : memref<1x128xi32, #tpu.memory_space<hbm>> -> memref<128xi32, #tpu.memory_space<hbm>>
      tpu.enqueue_dma source(%dma_start3A_150 : memref<128xi32, #tpu.memory_space<hbm>>) target(%arg6 : memref<128xi32, #tpu.memory_space<vmem>>) target_semaphore(%arg13 : memref<!tpu.dma_semaphore, #tpu.memory_space<semaphore_mem>>)
      %mul3A_151 = arith.constant 4 : i32
      %mul3A_152 = arith.muli %while3A_102, %mul3A_151 : i32
      %add3A_153 = arith.constant 3 : i32
      %add3A_154 = arith.addi %mul3A_152, %add3A_153 : i32
      %gt3A_155 = arith.constant 0 : i32
      %gt3A_156 = arith.cmpi sgt, %while3A_102, %gt3A_155 : i32
      %convert_element_type3A_157 = arith.extui %gt3A_156 : i1 to i32
      %cond3A_158 = arith.constant 0 : i32
      %cond3A_159 = arith.cmpi ne, %convert_element_type3A_157, %cond3A_158 : i32
      scf.if %cond3A_159 {
        %dma_wait3A_205 = arith.constant 1 : i32
        %dma_wait3A_206 = arith.constant 0 : i32
        %dma_wait3A_207 = tpu.memref_slice %arg2[%dma_wait3A_205, %dma_wait3A_206] : memref<2x320000xi32, #tpu.memory_space<hbm>> -> memref<1x128xi32, #tpu.memory_space<hbm>>
        %dma_wait3A_208 = tpu.memref_squeeze %dma_wait3A_207 : memref<1x128xi32, #tpu.memory_space<hbm>> -> memref<128xi32, #tpu.memory_space<hbm>>
        %dma_wait3A_209 = arith.constant 0 : i32
        %dma_wait3A_210 = tpu.memref_slice %arg2[%dma_wait3A_205, %dma_wait3A_209] : memref<2x320000xi32, #tpu.memory_space<hbm>> -> memref<1x128xi32, #tpu.memory_space<hbm>>
        %dma_wait3A_211 = tpu.memref_squeeze %dma_wait3A_210 : memref<1x128xi32, #tpu.memory_space<hbm>> -> memref<128xi32, #tpu.memory_space<hbm>>
        tpu.wait_dma2 semaphore(%arg18 : memref<!tpu.dma_semaphore, #tpu.memory_space<semaphore_mem>>) src(%dma_wait3A_211 : memref<128xi32, #tpu.memory_space<hbm>>) dst(%arg7 : memref<128xi32, #tpu.memory_space<vmem>>)
      } else {
      }
      %mul3A_160 = arith.constant 128 : i32
      %mul3A_161 = arith.muli %add3A_154, %mul3A_160 : i32
      %add3A_162 = arith.addi %mul3A_56, %mul3A_161 : i32
      %dma_start3A_163 = arith.constant 1 : i32
      %dma_start3A_164 = tpu.memref_slice %arg2[%dma_start3A_163, %add3A_162] : memref<2x320000xi32, #tpu.memory_space<hbm>> -> memref<1x128xi32, #tpu.memory_space<hbm>>
      %dma_start3A_165 = tpu.memref_squeeze %dma_start3A_164 : memref<1x128xi32, #tpu.memory_space<hbm>> -> memref<128xi32, #tpu.memory_space<hbm>>
      %dma_start3A_166 = tpu.memref_slice %arg2[%dma_start3A_163, %add3A_162] : memref<2x320000xi32, #tpu.memory_space<hbm>> -> memref<1x128xi32, #tpu.memory_space<hbm>>
      %dma_start3A_167 = tpu.memref_squeeze %dma_start3A_166 : memref<1x128xi32, #tpu.memory_space<hbm>> -> memref<128xi32, #tpu.memory_space<hbm>>
      tpu.enqueue_dma source(%dma_start3A_167 : memref<128xi32, #tpu.memory_space<hbm>>) target(%arg7 : memref<128xi32, #tpu.memory_space<vmem>>) target_semaphore(%arg14 : memref<!tpu.dma_semaphore, #tpu.memory_space<semaphore_mem>>)
      %dma_wait3A_168 = arith.constant 1 : i32
      %dma_wait3A_169 = arith.constant 0 : i32
      %dma_wait3A_170 = tpu.memref_slice %arg2[%dma_wait3A_168, %dma_wait3A_169] : memref<2x320000xi32, #tpu.memory_space<hbm>> -> memref<1x128xi32, #tpu.memory_space<hbm>>
      %dma_wait3A_171 = tpu.memref_squeeze %dma_wait3A_170 : memref<1x128xi32, #tpu.memory_space<hbm>> -> memref<128xi32, #tpu.memory_space<hbm>>
      %dma_wait3A_172 = arith.constant 0 : i32
      %dma_wait3A_173 = tpu.memref_slice %arg2[%dma_wait3A_168, %dma_wait3A_172] : memref<2x320000xi32, #tpu.memory_space<hbm>> -> memref<1x128xi32, #tpu.memory_space<hbm>>
      %dma_wait3A_174 = tpu.memref_squeeze %dma_wait3A_173 : memref<1x128xi32, #tpu.memory_space<hbm>> -> memref<128xi32, #tpu.memory_space<hbm>>
      tpu.wait_dma2 semaphore(%arg11 : memref<!tpu.dma_semaphore, #tpu.memory_space<semaphore_mem>>) src(%dma_wait3A_174 : memref<128xi32, #tpu.memory_space<hbm>>) dst(%arg4 : memref<128xi32, #tpu.memory_space<vmem>>)
      %dma_start3A_175 = arith.constant 0 : i32
      %dma_start3A_176 = tpu.memref_slice %arg10[%dma_start3A_175] : memref<10240xf32, #tpu.memory_space<vmem_shared>> -> memref<10240xf32, #tpu.memory_space<vmem_shared>>
      tpu.enqueue_indirect_dma source(%arg8 : memref<128xf32, #tpu.memory_space<vmem>>) target(%dma_start3A_176 : memref<10240xf32, #tpu.memory_space<vmem_shared>>) offsets(%arg4 : memref<128xi32, #tpu.memory_space<vmem>>) semaphore(%arg15 : memref<!tpu.dma_semaphore, #tpu.memory_space<semaphore_mem>>) {add = true}
      %dma_wait3A_177 = arith.constant 1 : i32
      %dma_wait3A_178 = arith.constant 0 : i32
      %dma_wait3A_179 = tpu.memref_slice %arg2[%dma_wait3A_177, %dma_wait3A_178] : memref<2x320000xi32, #tpu.memory_space<hbm>> -> memref<1x128xi32, #tpu.memory_space<hbm>>
      %dma_wait3A_180 = tpu.memref_squeeze %dma_wait3A_179 : memref<1x128xi32, #tpu.memory_space<hbm>> -> memref<128xi32, #tpu.memory_space<hbm>>
      %dma_wait3A_181 = arith.constant 0 : i32
      %dma_wait3A_182 = tpu.memref_slice %arg2[%dma_wait3A_177, %dma_wait3A_181] : memref<2x320000xi32, #tpu.memory_space<hbm>> -> memref<1x128xi32, #tpu.memory_space<hbm>>
      %dma_wait3A_183 = tpu.memref_squeeze %dma_wait3A_182 : memref<1x128xi32, #tpu.memory_space<hbm>> -> memref<128xi32, #tpu.memory_space<hbm>>
      tpu.wait_dma2 semaphore(%arg12 : memref<!tpu.dma_semaphore, #tpu.memory_space<semaphore_mem>>) src(%dma_wait3A_183 : memref<128xi32, #tpu.memory_space<hbm>>) dst(%arg5 : memref<128xi32, #tpu.memory_space<vmem>>)
      %dma_start3A_184 = arith.constant 0 : i32
      %dma_start3A_185 = tpu.memref_slice %arg10[%dma_start3A_184] : memref<10240xf32, #tpu.memory_space<vmem_shared>> -> memref<10240xf32, #tpu.memory_space<vmem_shared>>
      tpu.enqueue_indirect_dma source(%arg8 : memref<128xf32, #tpu.memory_space<vmem>>) target(%dma_start3A_185 : memref<10240xf32, #tpu.memory_space<vmem_shared>>) offsets(%arg5 : memref<128xi32, #tpu.memory_space<vmem>>) semaphore(%arg16 : memref<!tpu.dma_semaphore, #tpu.memory_space<semaphore_mem>>) {add = true}
      %dma_wait3A_186 = arith.constant 1 : i32
      %dma_wait3A_187 = arith.constant 0 : i32
      %dma_wait3A_188 = tpu.memref_slice %arg2[%dma_wait3A_186, %dma_wait3A_187] : memref<2x320000xi32, #tpu.memory_space<hbm>> -> memref<1x128xi32, #tpu.memory_space<hbm>>
      %dma_wait3A_189 = tpu.memref_squeeze %dma_wait3A_188 : memref<1x128xi32, #tpu.memory_space<hbm>> -> memref<128xi32, #tpu.memory_space<hbm>>
      %dma_wait3A_190 = arith.constant 0 : i32
      %dma_wait3A_191 = tpu.memref_slice %arg2[%dma_wait3A_186, %dma_wait3A_190] : memref<2x320000xi32, #tpu.memory_space<hbm>> -> memref<1x128xi32, #tpu.memory_space<hbm>>
      %dma_wait3A_192 = tpu.memref_squeeze %dma_wait3A_191 : memref<1x128xi32, #tpu.memory_space<hbm>> -> memref<128xi32, #tpu.memory_space<hbm>>
      tpu.wait_dma2 semaphore(%arg13 : memref<!tpu.dma_semaphore, #tpu.memory_space<semaphore_mem>>) src(%dma_wait3A_192 : memref<128xi32, #tpu.memory_space<hbm>>) dst(%arg6 : memref<128xi32, #tpu.memory_space<vmem>>)
      %dma_start3A_193 = arith.constant 0 : i32
      %dma_start3A_194 = tpu.memref_slice %arg10[%dma_start3A_193] : memref<10240xf32, #tpu.memory_space<vmem_shared>> -> memref<10240xf32, #tpu.memory_space<vmem_shared>>
      tpu.enqueue_indirect_dma source(%arg8 : memref<128xf32, #tpu.memory_space<vmem>>) target(%dma_start3A_194 : memref<10240xf32, #tpu.memory_space<vmem_shared>>) offsets(%arg6 : memref<128xi32, #tpu.memory_space<vmem>>) semaphore(%arg17 : memref<!tpu.dma_semaphore, #tpu.memory_space<semaphore_mem>>) {add = true}
      %dma_wait3A_195 = arith.constant 1 : i32
      %dma_wait3A_196 = arith.constant 0 : i32
      %dma_wait3A_197 = tpu.memref_slice %arg2[%dma_wait3A_195, %dma_wait3A_196] : memref<2x320000xi32, #tpu.memory_space<hbm>> -> memref<1x128xi32, #tpu.memory_space<hbm>>
      %dma_wait3A_198 = tpu.memref_squeeze %dma_wait3A_197 : memref<1x128xi32, #tpu.memory_space<hbm>> -> memref<128xi32, #tpu.memory_space<hbm>>
      %dma_wait3A_199 = arith.constant 0 : i32
      %dma_wait3A_200 = tpu.memref_slice %arg2[%dma_wait3A_195, %dma_wait3A_199] : memref<2x320000xi32, #tpu.memory_space<hbm>> -> memref<1x128xi32, #tpu.memory_space<hbm>>
      %dma_wait3A_201 = tpu.memref_squeeze %dma_wait3A_200 : memref<1x128xi32, #tpu.memory_space<hbm>> -> memref<128xi32, #tpu.memory_space<hbm>>
      tpu.wait_dma2 semaphore(%arg14 : memref<!tpu.dma_semaphore, #tpu.memory_space<semaphore_mem>>) src(%dma_wait3A_201 : memref<128xi32, #tpu.memory_space<hbm>>) dst(%arg7 : memref<128xi32, #tpu.memory_space<vmem>>)
      %dma_start3A_202 = arith.constant 0 : i32
      %dma_start3A_203 = tpu.memref_slice %arg10[%dma_start3A_202] : memref<10240xf32, #tpu.memory_space<vmem_shared>> -> memref<10240xf32, #tpu.memory_space<vmem_shared>>
      tpu.enqueue_indirect_dma source(%arg8 : memref<128xf32, #tpu.memory_space<vmem>>) target(%dma_start3A_203 : memref<10240xf32, #tpu.memory_space<vmem_shared>>) offsets(%arg7 : memref<128xi32, #tpu.memory_space<vmem>>) semaphore(%arg18 : memref<!tpu.dma_semaphore, #tpu.memory_space<semaphore_mem>>) {add = true}
      %while3A_204 = arith.constant 0 : i32
      scf.yield %while3A_204 : i32
    }
    %dma_wait3A = arith.constant 1 : i32
    %dma_wait3A_70 = arith.constant 0 : i32
    %dma_wait3A_71 = tpu.memref_slice %arg2[%dma_wait3A, %dma_wait3A_70] : memref<2x320000xi32, #tpu.memory_space<hbm>> -> memref<1x128xi32, #tpu.memory_space<hbm>>
    %dma_wait3A_72 = tpu.memref_squeeze %dma_wait3A_71 : memref<1x128xi32, #tpu.memory_space<hbm>> -> memref<128xi32, #tpu.memory_space<hbm>>
    %dma_wait3A_73 = arith.constant 0 : i32
    %dma_wait3A_74 = tpu.memref_slice %arg2[%dma_wait3A, %dma_wait3A_73] : memref<2x320000xi32, #tpu.memory_space<hbm>> -> memref<1x128xi32, #tpu.memory_space<hbm>>
    %dma_wait3A_75 = tpu.memref_squeeze %dma_wait3A_74 : memref<1x128xi32, #tpu.memory_space<hbm>> -> memref<128xi32, #tpu.memory_space<hbm>>
    tpu.wait_dma2 semaphore(%arg15 : memref<!tpu.dma_semaphore, #tpu.memory_space<semaphore_mem>>) src(%dma_wait3A_75 : memref<128xi32, #tpu.memory_space<hbm>>) dst(%arg4 : memref<128xi32, #tpu.memory_space<vmem>>)
    %dma_wait3A_76 = arith.constant 1 : i32
    %dma_wait3A_77 = arith.constant 0 : i32
    %dma_wait3A_78 = tpu.memref_slice %arg2[%dma_wait3A_76, %dma_wait3A_77] : memref<2x320000xi32, #tpu.memory_space<hbm>> -> memref<1x128xi32, #tpu.memory_space<hbm>>
    %dma_wait3A_79 = tpu.memref_squeeze %dma_wait3A_78 : memref<1x128xi32, #tpu.memory_space<hbm>> -> memref<128xi32, #tpu.memory_space<hbm>>
    %dma_wait3A_80 = arith.constant 0 : i32
    %dma_wait3A_81 = tpu.memref_slice %arg2[%dma_wait3A_76, %dma_wait3A_80] : memref<2x320000xi32, #tpu.memory_space<hbm>> -> memref<1x128xi32, #tpu.memory_space<hbm>>
    %dma_wait3A_82 = tpu.memref_squeeze %dma_wait3A_81 : memref<1x128xi32, #tpu.memory_space<hbm>> -> memref<128xi32, #tpu.memory_space<hbm>>
    tpu.wait_dma2 semaphore(%arg16 : memref<!tpu.dma_semaphore, #tpu.memory_space<semaphore_mem>>) src(%dma_wait3A_82 : memref<128xi32, #tpu.memory_space<hbm>>) dst(%arg5 : memref<128xi32, #tpu.memory_space<vmem>>)
    %dma_wait3A_83 = arith.constant 1 : i32
    %dma_wait3A_84 = arith.constant 0 : i32
    %dma_wait3A_85 = tpu.memref_slice %arg2[%dma_wait3A_83, %dma_wait3A_84] : memref<2x320000xi32, #tpu.memory_space<hbm>> -> memref<1x128xi32, #tpu.memory_space<hbm>>
    %dma_wait3A_86 = tpu.memref_squeeze %dma_wait3A_85 : memref<1x128xi32, #tpu.memory_space<hbm>> -> memref<128xi32, #tpu.memory_space<hbm>>
    %dma_wait3A_87 = arith.constant 0 : i32
    %dma_wait3A_88 = tpu.memref_slice %arg2[%dma_wait3A_83, %dma_wait3A_87] : memref<2x320000xi32, #tpu.memory_space<hbm>> -> memref<1x128xi32, #tpu.memory_space<hbm>>
    %dma_wait3A_89 = tpu.memref_squeeze %dma_wait3A_88 : memref<1x128xi32, #tpu.memory_space<hbm>> -> memref<128xi32, #tpu.memory_space<hbm>>
    tpu.wait_dma2 semaphore(%arg17 : memref<!tpu.dma_semaphore, #tpu.memory_space<semaphore_mem>>) src(%dma_wait3A_89 : memref<128xi32, #tpu.memory_space<hbm>>) dst(%arg6 : memref<128xi32, #tpu.memory_space<vmem>>)
    %dma_wait3A_90 = arith.constant 1 : i32
    %dma_wait3A_91 = arith.constant 0 : i32
    %dma_wait3A_92 = tpu.memref_slice %arg2[%dma_wait3A_90, %dma_wait3A_91] : memref<2x320000xi32, #tpu.memory_space<hbm>> -> memref<1x128xi32, #tpu.memory_space<hbm>>
    %dma_wait3A_93 = tpu.memref_squeeze %dma_wait3A_92 : memref<1x128xi32, #tpu.memory_space<hbm>> -> memref<128xi32, #tpu.memory_space<hbm>>
    %dma_wait3A_94 = arith.constant 0 : i32
    %dma_wait3A_95 = tpu.memref_slice %arg2[%dma_wait3A_90, %dma_wait3A_94] : memref<2x320000xi32, #tpu.memory_space<hbm>> -> memref<1x128xi32, #tpu.memory_space<hbm>>
    %dma_wait3A_96 = tpu.memref_squeeze %dma_wait3A_95 : memref<1x128xi32, #tpu.memory_space<hbm>> -> memref<128xi32, #tpu.memory_space<hbm>>
    tpu.wait_dma2 semaphore(%arg18 : memref<!tpu.dma_semaphore, #tpu.memory_space<semaphore_mem>>) src(%dma_wait3A_96 : memref<128xi32, #tpu.memory_space<hbm>>) dst(%arg7 : memref<128xi32, #tpu.memory_space<vmem>>)
    %barrier3A_97 = arith.constant 0 : index
    tpu.barrier barrier_id(%barrier3A_97)
    %mul3A_98 = arith.constant 640 : i32
    %mul3A_99 = arith.muli %arg1, %mul3A_98 : i32
    %mul3A_100 = arith.constant 640 : i32
    %mul3A_101 = arith.muli %arg1, %mul3A_100 : i32
    "tpu.region"() ({
      %run_scoped3A = tpu.sem_alloc : memref<!tpu.dma_semaphore, #tpu.memory_space<semaphore_mem>>
      %dma_start3A = tpu.memref_slice %arg3[%arg0, %mul3A_101] : memref<2x10240xf32, #tpu.memory_space<hbm>> -> memref<1x640xf32, #tpu.memory_space<hbm>>
      %dma_start3A_102 = tpu.memref_squeeze %dma_start3A : memref<1x640xf32, #tpu.memory_space<hbm>> -> memref<640xf32, #tpu.memory_space<hbm>>
      %dma_start3A_103 = tpu.memref_slice %arg10[%mul3A_99] : memref<10240xf32, #tpu.memory_space<vmem_shared>> -> memref<640xf32, #tpu.memory_space<vmem_shared>>
      tpu.enqueue_dma source(%dma_start3A_103 : memref<640xf32, #tpu.memory_space<vmem_shared>>) target(%dma_start3A_102 : memref<640xf32, #tpu.memory_space<hbm>>) target_semaphore(%run_scoped3A : memref<!tpu.dma_semaphore, #tpu.memory_space<semaphore_mem>>)
      %dma_wait3A_104 = tpu.memref_slice %arg3[%arg0, %mul3A_101] : memref<2x10240xf32, #tpu.memory_space<hbm>> -> memref<1x640xf32, #tpu.memory_space<hbm>>
      %dma_wait3A_105 = tpu.memref_squeeze %dma_wait3A_104 : memref<1x640xf32, #tpu.memory_space<hbm>> -> memref<640xf32, #tpu.memory_space<hbm>>
      %dma_wait3A_106 = tpu.memref_slice %arg10[%mul3A_99] : memref<10240xf32, #tpu.memory_space<vmem_shared>> -> memref<640xf32, #tpu.memory_space<vmem_shared>>
      tpu.wait_dma2 semaphore(%run_scoped3A : memref<!tpu.dma_semaphore, #tpu.memory_space<semaphore_mem>>) src(%dma_wait3A_106 : memref<640xf32, #tpu.memory_space<vmem_shared>>) dst(%dma_wait3A_105 : memref<640xf32, #tpu.memory_space<hbm>>)
      tpu.yield
    }) : () -> ()
    return
  }
}

module attributes {stable_mosaic.version = 14 : i64} {
  func.func @_final_body(%arg0: i32, %arg1: memref<2x10240xf32, #tpu.memory_space<vmem>>, %arg2: memref<2x1024x128xf32, #tpu.memory_space<vmem>>, %arg3: memref<1024x128xf32, #tpu.memory_space<vmem>>, %arg4: memref<1x128xf32, #tpu.memory_space<vmem>>, %arg5: memref<128x40xf32, #tpu.memory_space<vmem>>, %arg6: memref<1x40xf32, #tpu.memory_space<vmem>>, %arg7: memref<1024x40xf32, #tpu.memory_space<vmem>>) attributes {dimension_semantics = [#tpu.dimension_semantics<arbitrary>], iteration_bounds = array<i64: 10>, scalar_prefetch = 0 : i64, scratch_operands = 0 : i64, tpu.core_type = #tpu.core_type<tc>, window_params = [{pipeline_mode = #tpu.pipeline_mode<synchronous>, transform_indices = @transform_0, window_bounds = array<i64: 2, 10240>}, {transform_indices = @transform_1, window_bounds = array<i64: 2, 1024, 128>}, {transform_indices = @transform_2, window_bounds = array<i64: 1024, 128>}, {pipeline_mode = #tpu.pipeline_mode<synchronous>, transform_indices = @transform_3, window_bounds = array<i64: 1, 128>}, {pipeline_mode = #tpu.pipeline_mode<synchronous>, transform_indices = @transform_4, window_bounds = array<i64: 128, 40>}, {pipeline_mode = #tpu.pipeline_mode<synchronous>, transform_indices = @transform_5, window_bounds = array<i64: 1, 40>}, {transform_indices = @transform_6, window_bounds = array<i64: 1024, 40>}]} {
    %mul3A = arith.constant 1024 : i32
    %mul3A_0 = arith.muli %arg0, %mul3A : i32
    %get3A = arith.constant 0 : index
    %get3A_1 = arith.index_cast %mul3A_0 : i32 to index
    %get3A_2 = vector.load %arg1[%get3A, %get3A_1] : memref<2x10240xf32, #tpu.memory_space<vmem>>, vector<1x1024xf32>
    %get3A_3 = vector.shape_cast %get3A_2 : vector<1x1024xf32> to vector<1024xf32>
    %mul3A_4 = arith.constant 1024 : i32
    %mul3A_5 = arith.muli %arg0, %mul3A_4 : i32
    %get3A_6 = arith.constant 1 : index
    %get3A_7 = arith.index_cast %mul3A_5 : i32 to index
    %get3A_8 = vector.load %arg1[%get3A_6, %get3A_7] : memref<2x10240xf32, #tpu.memory_space<vmem>>, vector<1x1024xf32>
    %get3A_9 = vector.shape_cast %get3A_8 : vector<1x1024xf32> to vector<1024xf32>
    %add3A = arith.addf %get3A_3, %get3A_9 : vector<1024xf32>
    %add3A_10 = arith.constant 1.000000e+00 : f32
    %add3A_11 = vector.broadcast %add3A_10 : f32 to vector<1024xf32>
    %add3A_12 = arith.addf %add3A, %add3A_11 : vector<1024xf32>
    %rsqrt3A = math.rsqrt %add3A_12 : vector<1024xf32>
    %get3A_13 = arith.constant 0 : index
    %get3A_14 = arith.constant 0 : index
    %get3A_15 = arith.constant 0 : index
    %get3A_16 = vector.load %arg2[%get3A_13, %get3A_14, %get3A_15] : memref<2x1024x128xf32, #tpu.memory_space<vmem>>, vector<1x1024x128xf32>
    %get3A_17 = vector.shape_cast %get3A_16 : vector<1x1024x128xf32> to vector<1024x128xf32>
    %get3A_18 = arith.constant 1 : index
    %get3A_19 = arith.constant 0 : index
    %get3A_20 = arith.constant 0 : index
    %get3A_21 = vector.load %arg2[%get3A_18, %get3A_19, %get3A_20] : memref<2x1024x128xf32, #tpu.memory_space<vmem>>, vector<1x1024x128xf32>
    %get3A_22 = vector.shape_cast %get3A_21 : vector<1x1024x128xf32> to vector<1024x128xf32>
    %add3A_23 = arith.addf %get3A_17, %get3A_22 : vector<1024x128xf32>
    %get3A_24 = arith.constant 0 : index
    %get3A_25 = arith.constant 0 : index
    %get3A_26 = vector.load %arg3[%get3A_24, %get3A_25] : memref<1024x128xf32, #tpu.memory_space<vmem>>, vector<1024x128xf32>
    %add3A_27 = arith.addf %add3A_23, %get3A_26 : vector<1024x128xf32>
    %broadcast_in_dim3A = vector.shape_cast %rsqrt3A : vector<1024xf32> to vector<1024x1xf32>
    %mul3A_28 = vector.broadcast %broadcast_in_dim3A : vector<1024x1xf32> to vector<1024x128xf32>
    %mul3A_29 = arith.mulf %add3A_27, %mul3A_28 : vector<1024x128xf32>
    %get3A_30 = arith.constant 0 : index
    %get3A_31 = arith.constant 0 : index
    %get3A_32 = vector.load %arg4[%get3A_30, %get3A_31] : memref<1x128xf32, #tpu.memory_space<vmem>>, vector<1x128xf32>
    %add3A_33 = vector.broadcast %get3A_32 : vector<1x128xf32> to vector<1024x128xf32>
    %add3A_34 = arith.addf %mul3A_29, %add3A_33 : vector<1024x128xf32>
    %max3A = arith.constant 0.000000e+00 : f32
    %max3A_35 = vector.broadcast %max3A : f32 to vector<1024x128xf32>
    %max3A_36 = arith.maximumf %add3A_34, %max3A_35 : vector<1024x128xf32>
    %get3A_37 = arith.constant 0 : index
    %get3A_38 = arith.constant 0 : index
    %get3A_39 = vector.load %arg5[%get3A_37, %get3A_38] : memref<128x40xf32, #tpu.memory_space<vmem>>, vector<128x40xf32>
    %dot_general3A = arith.constant dense<0.000000e+00> : vector<1024x40xf32>
    %dot_general3A_40 = tpu.matmul %max3A_36, %get3A_39, %dot_general3A {dimension_numbers = #tpu.dot_dimension_numbers<[1], [0], [0], [1], [0, 0, 1, 1], [], []>, transpose_lhs_hint = false} : vector<1024x128xf32>, vector<128x40xf32>, vector<1024x40xf32> -> vector<1024x40xf32>
    %get3A_41 = arith.constant 0 : index
    %get3A_42 = arith.constant 0 : index
    %get3A_43 = vector.load %arg6[%get3A_41, %get3A_42] : memref<1x40xf32, #tpu.memory_space<vmem>>, vector<1x40xf32>
    %add3A_44 = vector.broadcast %get3A_43 : vector<1x40xf32> to vector<1024x40xf32>
    %add3A_45 = arith.addf %dot_general3A_40, %add3A_44 : vector<1024x40xf32>
    %swap3A = arith.constant 0 : index
    %swap3A_46 = arith.constant 0 : index
    %swap3A_47 = vector.load %arg7[%swap3A, %swap3A_46] : memref<1024x40xf32, #tpu.memory_space<vmem>>, vector<1024x40xf32>
    tpu.vector_store %arg7[%swap3A, %swap3A_46], %add3A_45 {strides = array<i32>} : memref<1024x40xf32, #tpu.memory_space<vmem>>, vector<1024x40xf32>,
    return
  }
  func.func @transform_0(%arg0: i32) -> (i32, i32) {
    %c0_i32 = arith.constant 0 : i32
    %c0_i32_0 = arith.constant 0 : i32
    %c0_i32_1 = arith.constant 0 : i32
    return %c0_i32, %c0_i32_0 : i32, i32
  }
  func.func @transform_1(%arg0: i32) -> (i32, i32, i32) {
    %c0_i32 = arith.constant 0 : i32
    %c0_i32_0 = arith.constant 0 : i32
    %c0_i32_1 = arith.constant 0 : i32
    return %c0_i32, %arg0, %c0_i32_0 : i32, i32, i32
  }
  func.func @transform_2(%arg0: i32) -> (i32, i32) {
    %c0_i32 = arith.constant 0 : i32
    %c0_i32_0 = arith.constant 0 : i32
    return %arg0, %c0_i32 : i32, i32
  }
  func.func @transform_3(%arg0: i32) -> (i32, i32) {
    %c0_i32 = arith.constant 0 : i32
    %c0_i32_0 = arith.constant 0 : i32
    %c0_i32_1 = arith.constant 0 : i32
    return %c0_i32, %c0_i32_0 : i32, i32
  }
  func.func @transform_4(%arg0: i32) -> (i32, i32) {
    %c0_i32 = arith.constant 0 : i32
    %c0_i32_0 = arith.constant 0 : i32
    %c0_i32_1 = arith.constant 0 : i32
    return %c0_i32, %c0_i32_0 : i32, i32
  }
  func.func @transform_5(%arg0: i32) -> (i32, i32) {
    %c0_i32 = arith.constant 0 : i32
    %c0_i32_0 = arith.constant 0 : i32
    %c0_i32_1 = arith.constant 0 : i32
    return %c0_i32, %c0_i32_0 : i32, i32
  }
  func.func @transform_6(%arg0: i32) -> (i32, i32) {
    %c0_i32 = arith.constant 0 : i32
    %c0_i32_0 = arith.constant 0 : i32
    return %arg0, %c0_i32 : i32, i32
  }
}

module attributes {stable_mosaic.version = 14 : i64} {
  func.func @_mm_scale_body(%arg0: i32, %arg1: memref<2x10240xf32, #tpu.memory_space<vmem>>, %arg2: memref<1024x128xf32, #tpu.memory_space<vmem>>, %arg3: memref<128x128xf32, #tpu.memory_space<vmem>>, %arg4: memref<1024x128xf32, #tpu.memory_space<vmem>>) attributes {dimension_semantics = [#tpu.dimension_semantics<arbitrary>], iteration_bounds = array<i64: 10>, scalar_prefetch = 0 : i64, scratch_operands = 0 : i64, tpu.core_type = #tpu.core_type<tc>, window_params = [{pipeline_mode = #tpu.pipeline_mode<synchronous>, transform_indices = @transform_0, window_bounds = array<i64: 2, 10240>}, {transform_indices = @transform_1, window_bounds = array<i64: 1024, 128>}, {pipeline_mode = #tpu.pipeline_mode<synchronous>, transform_indices = @transform_2, window_bounds = array<i64: 128, 128>}, {transform_indices = @transform_3, window_bounds = array<i64: 1024, 128>}]} {
    %mul3A = arith.constant 1024 : i32
    %mul3A_0 = arith.muli %arg0, %mul3A : i32
    %get3A = arith.constant 0 : index
    %get3A_1 = arith.index_cast %mul3A_0 : i32 to index
    %get3A_2 = vector.load %arg1[%get3A, %get3A_1] : memref<2x10240xf32, #tpu.memory_space<vmem>>, vector<1x1024xf32>
    %get3A_3 = vector.shape_cast %get3A_2 : vector<1x1024xf32> to vector<1024xf32>
    %mul3A_4 = arith.constant 1024 : i32
    %mul3A_5 = arith.muli %arg0, %mul3A_4 : i32
    %get3A_6 = arith.constant 1 : index
    %get3A_7 = arith.index_cast %mul3A_5 : i32 to index
    %get3A_8 = vector.load %arg1[%get3A_6, %get3A_7] : memref<2x10240xf32, #tpu.memory_space<vmem>>, vector<1x1024xf32>
    %get3A_9 = vector.shape_cast %get3A_8 : vector<1x1024xf32> to vector<1024xf32>
    %add3A = arith.addf %get3A_3, %get3A_9 : vector<1024xf32>
    %add3A_10 = arith.constant 1.000000e+00 : f32
    %add3A_11 = vector.broadcast %add3A_10 : f32 to vector<1024xf32>
    %add3A_12 = arith.addf %add3A, %add3A_11 : vector<1024xf32>
    %rsqrt3A = math.rsqrt %add3A_12 : vector<1024xf32>
    %get3A_13 = arith.constant 0 : index
    %get3A_14 = arith.constant 0 : index
    %get3A_15 = vector.load %arg2[%get3A_13, %get3A_14] : memref<1024x128xf32, #tpu.memory_space<vmem>>, vector<1024x128xf32>
    %get3A_16 = arith.constant 0 : index
    %get3A_17 = arith.constant 0 : index
    %get3A_18 = vector.load %arg3[%get3A_16, %get3A_17] : memref<128x128xf32, #tpu.memory_space<vmem>>, vector<128x128xf32>
    %dot_general3A = arith.constant dense<0.000000e+00> : vector<1024x128xf32>
    %dot_general3A_19 = tpu.matmul %get3A_15, %get3A_18, %dot_general3A {dimension_numbers = #tpu.dot_dimension_numbers<[1], [0], [0], [1], [0, 0, 1, 1], [], []>, transpose_lhs_hint = false} : vector<1024x128xf32>, vector<128x128xf32>, vector<1024x128xf32> -> vector<1024x128xf32>
    %broadcast_in_dim3A = vector.shape_cast %rsqrt3A : vector<1024xf32> to vector<1024x1xf32>
    %mul3A_20 = vector.broadcast %broadcast_in_dim3A : vector<1024x1xf32> to vector<1024x128xf32>
    %mul3A_21 = arith.mulf %dot_general3A_19, %mul3A_20 : vector<1024x128xf32>
    %swap3A = arith.constant 0 : index
    %swap3A_22 = arith.constant 0 : index
    %swap3A_23 = vector.load %arg4[%swap3A, %swap3A_22] : memref<1024x128xf32, #tpu.memory_space<vmem>>, vector<1024x128xf32>
    tpu.vector_store %arg4[%swap3A, %swap3A_22], %mul3A_21 {strides = array<i32>} : memref<1024x128xf32, #tpu.memory_space<vmem>>, vector<1024x128xf32>,
    return
  }
  func.func @transform_0(%arg0: i32) -> (i32, i32) {
    %c0_i32 = arith.constant 0 : i32
    %c0_i32_0 = arith.constant 0 : i32
    %c0_i32_1 = arith.constant 0 : i32
    return %c0_i32, %c0_i32_0 : i32, i32
  }
  func.func @transform_1(%arg0: i32) -> (i32, i32) {
    %c0_i32 = arith.constant 0 : i32
    %c0_i32_0 = arith.constant 0 : i32
    return %arg0, %c0_i32 : i32, i32
  }
  func.func @transform_2(%arg0: i32) -> (i32, i32) {
    %c0_i32 = arith.constant 0 : i32
    %c0_i32_0 = arith.constant 0 : i32
    %c0_i32_1 = arith.constant 0 : i32
    return %c0_i32, %c0_i32_0 : i32, i32
  }
  func.func @transform_3(%arg0: i32) -> (i32, i32) {
    %c0_i32 = arith.constant 0 : i32
    %c0_i32_0 = arith.constant 0 : i32
    return %arg0, %c0_i32 : i32, i32
  }
}

module attributes {stable_mosaic.version = 14 : i64} {
  func.func @_combine_mm_body(%arg0: i32, %arg1: memref<2x10240xf32, #tpu.memory_space<vmem>>, %arg2: memref<2x1024x128xf32, #tpu.memory_space<vmem>>, %arg3: memref<1024x128xf32, #tpu.memory_space<vmem>>, %arg4: memref<1x128xf32, #tpu.memory_space<vmem>>, %arg5: memref<128x128xf32, #tpu.memory_space<vmem>>, %arg6: memref<1024x128xf32, #tpu.memory_space<vmem>>) attributes {dimension_semantics = [#tpu.dimension_semantics<arbitrary>], iteration_bounds = array<i64: 10>, scalar_prefetch = 0 : i64, scratch_operands = 0 : i64, tpu.core_type = #tpu.core_type<tc>, window_params = [{pipeline_mode = #tpu.pipeline_mode<synchronous>, transform_indices = @transform_0, window_bounds = array<i64: 2, 10240>}, {transform_indices = @transform_1, window_bounds = array<i64: 2, 1024, 128>}, {transform_indices = @transform_2, window_bounds = array<i64: 1024, 128>}, {pipeline_mode = #tpu.pipeline_mode<synchronous>, transform_indices = @transform_3, window_bounds = array<i64: 1, 128>}, {pipeline_mode = #tpu.pipeline_mode<synchronous>, transform_indices = @transform_4, window_bounds = array<i64: 128, 128>}, {transform_indices = @transform_5, window_bounds = array<i64: 1024, 128>}]} {
    %mul3A = arith.constant 1024 : i32
    %mul3A_0 = arith.muli %arg0, %mul3A : i32
    %get3A = arith.constant 0 : index
    %get3A_1 = arith.index_cast %mul3A_0 : i32 to index
    %get3A_2 = vector.load %arg1[%get3A, %get3A_1] : memref<2x10240xf32, #tpu.memory_space<vmem>>, vector<1x1024xf32>
    %get3A_3 = vector.shape_cast %get3A_2 : vector<1x1024xf32> to vector<1024xf32>
    %mul3A_4 = arith.constant 1024 : i32
    %mul3A_5 = arith.muli %arg0, %mul3A_4 : i32
    %get3A_6 = arith.constant 1 : index
    %get3A_7 = arith.index_cast %mul3A_5 : i32 to index
    %get3A_8 = vector.load %arg1[%get3A_6, %get3A_7] : memref<2x10240xf32, #tpu.memory_space<vmem>>, vector<1x1024xf32>
    %get3A_9 = vector.shape_cast %get3A_8 : vector<1x1024xf32> to vector<1024xf32>
    %add3A = arith.addf %get3A_3, %get3A_9 : vector<1024xf32>
    %add3A_10 = arith.constant 1.000000e+00 : f32
    %add3A_11 = vector.broadcast %add3A_10 : f32 to vector<1024xf32>
    %add3A_12 = arith.addf %add3A, %add3A_11 : vector<1024xf32>
    %rsqrt3A = math.rsqrt %add3A_12 : vector<1024xf32>
    %get3A_13 = arith.constant 0 : index
    %get3A_14 = arith.constant 0 : index
    %get3A_15 = arith.constant 0 : index
    %get3A_16 = vector.load %arg2[%get3A_13, %get3A_14, %get3A_15] : memref<2x1024x128xf32, #tpu.memory_space<vmem>>, vector<1x1024x128xf32>
    %get3A_17 = vector.shape_cast %get3A_16 : vector<1x1024x128xf32> to vector<1024x128xf32>
    %get3A_18 = arith.constant 1 : index
    %get3A_19 = arith.constant 0 : index
    %get3A_20 = arith.constant 0 : index
    %get3A_21 = vector.load %arg2[%get3A_18, %get3A_19, %get3A_20] : memref<2x1024x128xf32, #tpu.memory_space<vmem>>, vector<1x1024x128xf32>
    %get3A_22 = vector.shape_cast %get3A_21 : vector<1x1024x128xf32> to vector<1024x128xf32>
    %add3A_23 = arith.addf %get3A_17, %get3A_22 : vector<1024x128xf32>
    %get3A_24 = arith.constant 0 : index
    %get3A_25 = arith.constant 0 : index
    %get3A_26 = vector.load %arg3[%get3A_24, %get3A_25] : memref<1024x128xf32, #tpu.memory_space<vmem>>, vector<1024x128xf32>
    %add3A_27 = arith.addf %add3A_23, %get3A_26 : vector<1024x128xf32>
    %broadcast_in_dim3A = vector.shape_cast %rsqrt3A : vector<1024xf32> to vector<1024x1xf32>
    %mul3A_28 = vector.broadcast %broadcast_in_dim3A : vector<1024x1xf32> to vector<1024x128xf32>
    %mul3A_29 = arith.mulf %add3A_27, %mul3A_28 : vector<1024x128xf32>
    %get3A_30 = arith.constant 0 : index
    %get3A_31 = arith.constant 0 : index
    %get3A_32 = vector.load %arg4[%get3A_30, %get3A_31] : memref<1x128xf32, #tpu.memory_space<vmem>>, vector<1x128xf32>
    %add3A_33 = vector.broadcast %get3A_32 : vector<1x128xf32> to vector<1024x128xf32>
    %add3A_34 = arith.addf %mul3A_29, %add3A_33 : vector<1024x128xf32>
    %max3A = arith.constant 0.000000e+00 : f32
    %max3A_35 = vector.broadcast %max3A : f32 to vector<1024x128xf32>
    %max3A_36 = arith.maximumf %add3A_34, %max3A_35 : vector<1024x128xf32>
    %get3A_37 = arith.constant 0 : index
    %get3A_38 = arith.constant 0 : index
    %get3A_39 = vector.load %arg5[%get3A_37, %get3A_38] : memref<128x128xf32, #tpu.memory_space<vmem>>, vector<128x128xf32>
    %dot_general3A = arith.constant dense<0.000000e+00> : vector<1024x128xf32>
    %dot_general3A_40 = tpu.matmul %max3A_36, %get3A_39, %dot_general3A {dimension_numbers = #tpu.dot_dimension_numbers<[1], [0], [0], [1], [0, 0, 1, 1], [], []>, transpose_lhs_hint = false} : vector<1024x128xf32>, vector<128x128xf32>, vector<1024x128xf32> -> vector<1024x128xf32>
    %broadcast_in_dim3A_41 = vector.shape_cast %rsqrt3A : vector<1024xf32> to vector<1024x1xf32>
    %mul3A_42 = vector.broadcast %broadcast_in_dim3A_41 : vector<1024x1xf32> to vector<1024x128xf32>
    %mul3A_43 = arith.mulf %dot_general3A_40, %mul3A_42 : vector<1024x128xf32>
    %swap3A = arith.constant 0 : index
    %swap3A_44 = arith.constant 0 : index
    %swap3A_45 = vector.load %arg6[%swap3A, %swap3A_44] : memref<1024x128xf32, #tpu.memory_space<vmem>>, vector<1024x128xf32>
    tpu.vector_store %arg6[%swap3A, %swap3A_44], %mul3A_43 {strides = array<i32>} : memref<1024x128xf32, #tpu.memory_space<vmem>>, vector<1024x128xf32>,
    return
  }
  func.func @transform_0(%arg0: i32) -> (i32, i32) {
    %c0_i32 = arith.constant 0 : i32
    %c0_i32_0 = arith.constant 0 : i32
    %c0_i32_1 = arith.constant 0 : i32
    return %c0_i32, %c0_i32_0 : i32, i32
  }
  func.func @transform_1(%arg0: i32) -> (i32, i32, i32) {
    %c0_i32 = arith.constant 0 : i32
    %c0_i32_0 = arith.constant 0 : i32
    %c0_i32_1 = arith.constant 0 : i32
    return %c0_i32, %arg0, %c0_i32_0 : i32, i32, i32
  }
  func.func @transform_2(%arg0: i32) -> (i32, i32) {
    %c0_i32 = arith.constant 0 : i32
    %c0_i32_0 = arith.constant 0 : i32
    return %arg0, %c0_i32 : i32, i32
  }
  func.func @transform_3(%arg0: i32) -> (i32, i32) {
    %c0_i32 = arith.constant 0 : i32
    %c0_i32_0 = arith.constant 0 : i32
    %c0_i32_1 = arith.constant 0 : i32
    return %c0_i32, %c0_i32_0 : i32, i32
  }
  func.func @transform_4(%arg0: i32) -> (i32, i32) {
    %c0_i32 = arith.constant 0 : i32
    %c0_i32_0 = arith.constant 0 : i32
    %c0_i32_1 = arith.constant 0 : i32
    return %c0_i32, %c0_i32_0 : i32, i32
  }
  func.func @transform_5(%arg0: i32) -> (i32, i32) {
    %c0_i32 = arith.constant 0 : i32
    %c0_i32_0 = arith.constant 0 : i32
    return %arg0, %c0_i32 : i32, i32
  }
}

</mosaic_0001>

<sc_bundles>
// kernel: kernel.11.cloned.1.call-start
scs
__scs_entry_jumppad:
0x0: {  	(pc) =	sbr.rel $0x88, $3  }
0x1: {  	(tag) =	ssettag $0x0;
	lr =	simm.s32 $0x1  }
0x2: {  	[smem:$0x3F99] =	sst lr;
	_ =	strace $0xD0000000  }
0x3: {  	_ = 	snop  }
0x4: {  	_ = 	snop  }
0x5: {  	_ = 	snop  }
0x6: {  	_ = 	snop  }
0x7: {  	_ = 	snop  }
__scs_overlays_trampoline_lowered:
0x8: {  	[smem:$0x3FA8] =	sst s0  }
0x9: {  	[smem:$0x3FA9] =	sst s1  }
0xa: {  	[smem:$0x3FAA] =	sst s2  }
0xb: {  	[smem:$0x3FAB] =	sst s3  }
0xc: {  	[smem:$0x3FAC] =	sst s4  }
0xd: {  	[smem:$0x3FAD] =	sst s5  }
0xe: {  	[smem:$0x3FAE] =	sst s6  }
0xf: {  	[smem:$0x3FAF] =	sst s7  }
0x10: {  	[smem:$0x3FB0] =	sst s8  }
0x11: {  	[smem:$0x3FB1] =	sst s9;
	s0 =	simm.s32 @!p0 $0x0  }
0x12: {  	s1 =	sld [smem:$0x3F97];
	s0 =	simm.s32 @p0 $0x1  }
0x13: {  	[smem:$0x3FB2] =	sst s0;
	s0 =	simm.s32 @!p1 $0x0  }
0x14: {  	s2 =	sld [smem:$0x3F96];
	s0 =	simm.s32 @p1 $0x1  }
0x15: {  	[smem:$0x3FB3] =	sst s0;
	s0 =	simm.s32 @!p2 $0x0  }
0x16: {  	s3 =	sld [smem:$0x3FDB];
	s0 =	simm.s32 @p2 $0x1  }
0x17: {  	s4 =	simm.s32 $0x1BF5;
	[smem:$0x3FB5] =	sst s0  }
0x18: {  	s0 =	sld [smem:$0x3F98];
	_ =	swait.ge [sflag:s4], $0x0  }
0x19: {  	s7 =	sld [smem:$0x3F99]  }
0x1a: {  	s8 =	sadd.s32 $0xFFFFE003, lr  }
0x1b: {  	s9 =	sadd.s32 $0xFFFFFEF7, lr;
	s5 =	simm.s32 $0xFFFFFFFF;
	p2 =	slt.u32 s8, $0xFFFFF086  }
0x1c: {  	p1 =	slt.u32 s9, $0xF7A;
	s5 =	simm.s32 @!p2 $0x0  }
0x1d: {  	s5 =	simm.s32 @p1 $0x1;
	p0 =	seq.s32 s7, s2  }
0x1e: {  	s7 =	smul.u32 @!p0 $0xF7A, s2;
	p2 =	seq.s32 @!p0 s5, $0x0  }
0x1f: {  	s9 =	smul.u32 $0xF7A, s1;
	s8 =	simm.s32 @!p0 $0x1BF5;
	p2 =	por !p2, p0  }
0x20: {  	[sflag:s8] =	ssyncset.s32 @!p0 $0xFFFFF086;
	s6 =	sadd.s32 @!p0 s3, s7;
	s7 =	simm.s32 @!p0 $0x108  }
0x21: {  	s3 =	sadd.s32 s3, s9;
	s6 =	sadd.s32 @!p0 $0x88, s6;
	s7 =	simm.s32 @p2 $0x1082  }
0x22: {  	[simem:s7], [sflag:s8] =	dma.local @!p0 [hbm:s6], $0xF7A  }
0x23: {  	s9 =	sor.u32 $0xD0000000, s2;
	s6 =	simm.s32 $0x108;
	_ =	swait.ge @!p0 [sflag:s8], $0x0  }
0x24: {  	s3 =	sadd.s32 $0x88, s3;
	s6 =	simm.s32 @!p1 $0x1082;
	[sflag:s4] =	ssyncset.s32 $0xFFFFF086  }
0x25: {  	[simem:s6], [sflag:s4] =	dma.local [hbm:s3], $0xF7A  }
0x26: {  	[smem:$0x3F99] =	sst s1;
	(tag) =	ssettag s2;
	_ =	strace s9  }
0x27: {  	s1 =	sld [smem:$0x3FA9]  }
0x28: {  	s2 =	sld [smem:$0x3FAA]  }
0x29: {  	s4 =	sld [smem:$0x3FAC]  }
0x2a: {  	p0 =	seq.s32 s5, $0x0;
	s5 =	sld [smem:$0x3FAD]  }
0x2b: {  	s6 =	sld [smem:$0x3FAE]  }
0x2c: {  	s7 =	sld [smem:$0x3FAF]  }
0x2d: {  	s3 =	simm.s32 $0x108;
	s8 =	sld [smem:$0x3FB0]  }
0x2e: {  	s3 =	simm.s32 @!p0 $0x1082;
	s9 =	sld [smem:$0x3FB1]  }
0x2f: {  	lr =	sadd.s32 s0, s3;
	s0 =	sld [smem:$0x3FA8]  }
0x30: {  	s3 =	sld [smem:$0x3FAB]  }
0x31: {  	[smem:$0x3FB4] =	sst s10  }
0x32: {  	s10 =	sld [smem:$0x3FB2];
	_ =	sdelay $0x3  }
0x33: {  	p0 =	seq.s32 s10, $0x1;
	s10 =	sld [smem:$0x3FB4];
	_ =	sdelay $0x3  }
0x34: {  	[smem:$0x3FB4] =	sst s10  }
0x35: {  	s10 =	sld [smem:$0x3FB3];
	_ =	sdelay $0x3  }
0x36: {  	p1 =	seq.s32 s10, $0x1;
	s10 =	sld [smem:$0x3FB4];
	_ =	sdelay $0x3  }
0x37: {  	[smem:$0x3FB4] =	sst s10  }
0x38: {  	s10 =	sld [smem:$0x3FB5]  }
0x39: {  	_ = 	snop;
	(pc) =	sbr.ind lr, $3  }
0x3a: {  	_ = 	snop  }
0x3b: {  	_ = 	snop  }
0x3c: {  	p2 =	seq.s32 s10, $0x1;
	s10 =	sld [smem:$0x3FB4]  }
0x3d: {  	_ =	shalt  }
0x3e: {  	_ =	shalt  }
0x3f: {  	_ =	shalt  }
0x40: {  	_ =	shalt  }
0x41: {  	_ =	shalt  }
0x42: {  	_ =	shalt  }
0x43: {  	_ =	shalt  }
0x44: {  	_ =	shalt  }
0x45: {  	_ =	shalt  }
0x46: {  	_ =	shalt  }
0x47: {  	_ =	shalt  }
0x48: {  	_ =	shalt  }
0x49: {  	_ =	shalt  }
0x4a: {  	_ =	shalt  }
0x4b: {  	_ =	shalt  }
0x4c: {  	_ =	shalt  }
0x4d: {  	_ =	shalt  }
0x4e: {  	_ =	shalt  }
0x4f: {  	_ =	shalt  }
0x50: {  	_ =	shalt  }
0x51: {  	_ =	shalt  }
0x52: {  	_ =	shalt  }
0x53: {  	_ =	shalt  }
0x54: {  	_ =	shalt  }
0x55: {  	_ =	shalt  }
0x56: {  	_ =	shalt  }
0x57: {  	_ =	shalt  }
0x58: {  	_ =	shalt  }
0x59: {  	_ =	shalt  }
0x5a: {  	_ =	shalt  }
0x5b: {  	_ =	shalt  }
0x5c: {  	_ =	shalt  }
0x5d: {  	_ =	shalt  }
0x5e: {  	_ =	shalt  }
0x5f: {  	_ =	shalt  }
0x60: {  	_ =	shalt  }
0x61: {  	_ =	shalt  }
0x62: {  	_ =	shalt  }
0x63: {  	_ =	shalt  }
0x64: {  	_ =	shalt  }
0x65: {  	_ =	shalt  }
0x66: {  	_ =	shalt  }
0x67: {  	_ =	shalt  }
0x68: {  	_ =	shalt  }
0x69: {  	_ =	shalt  }
0x6a: {  	_ =	shalt  }
0x6b: {  	_ =	shalt  }
0x6c: {  	_ =	shalt  }
0x6d: {  	_ =	shalt  }
0x6e: {  	_ =	shalt  }
0x6f: {  	_ =	shalt  }
0x70: {  	_ =	shalt  }
0x71: {  	_ =	shalt  }
0x72: {  	_ =	shalt  }
0x73: {  	_ =	shalt  }
0x74: {  	_ =	shalt  }
0x75: {  	_ =	shalt  }
0x76: {  	_ =	shalt  }
0x77: {  	_ =	shalt  }
0x78: {  	_ =	shalt  }
0x79: {  	_ =	shalt  }
0x7a: {  	_ =	shalt  }
0x7b: {  	_ =	shalt  }
0x7c: {  	_ =	shalt  }
0x7d: {  	_ =	shalt  }
0x7e: {  	_ =	shalt  }
0x7f: {  	_ =	shalt  }
0x80: {  	_ =	shalt  }
0x81: {  	_ =	shalt  }
0x82: {  	_ =	shalt  }
0x83: {  	_ =	shalt  }
0x84: {  	_ =	shalt  }
0x85: {  	_ =	shalt  }
0x86: {  	_ =	shalt  }
0x87: {  	_ =	shalt  }
.Lfunc_end0:
.L_simem_size_0:
called_computation.1_lowered:
.L_overlay_start_0:
0x88: {  	s2 =	sld [smem:$0x3FD9]  }
0x89: {  	s3 =	sld [smem:$0x3FFE];
	_ =	sdelay $0x1  }
0x8a: {  	s1 =	srdreg.scid  }
0x8b: {  	s0 =	sand.u32 $0x1, s1  }
0x8c: {  	s17 =	sshll.u32 s0, $0xA;
	s2 =	sadd.s32 s3, s2  }
0x8d: {  	s2 =	sadd.s32 s2, s17  }
0x8e: {  	[smem:$0x3FC0] =	sst s2  }
0x8f: {  	_ = 	snop  }
0x90: {  	s2 =	sld [smem:$0x3FC8];
	(tm) =	ssettm $0x1  }
0x91: {  	s18 =	sld [smem:$0x3FFB];
	_ =	sdelay $0x3  }
0x92: {  	_ =	strace s18  }
0x93: {  	s3 =	sld [smem:$0x3FFC];
	_ =	sdelay $0x3  }
0x94: {  	_ =	strace s3  }
0x95: {  	s3 =	sld [smem:$0x3FFD];
	_ =	sdelay $0x3  }
0x96: {  	_ =	strace s3  }
0x97: {  	_ =	strace $0x8FFFFFFF  }
0x98: {  	s19 =	sld [smem:$0x3FDB];
	_ =	sdelay $0x1  }
0x99: {  	s4 =	simm.s32 $_scs_section_size  }
0x9a: {  	s5 =	simm.s32 $_size__tile_overlayer_lowered;
	s6 =	simm.s32 $_tile_overlayer_lowered  }
0x9b: {  	s22 =	simm.s32 $0x1BFF;
	s21 =	sshll.u32 s6, $0x1;
	s3 =	sadd.s32 s4, s19  }
0x9c: {  	s7 =	simm.s32 $0x0;
	s20 =	sshll.u32 s5, $0x1;
	s5 =	sadd.s32 s21, s3  }
0x9d: {  	[timem:s7], [sflag:s22] =	dma.local [hbm:s5], s20  }
0x9e: {  	_ =	swait.ge [sflag:s22], s20  }
0x9f: {  	s4 =	ssub.s32 $0x0, s20;
	[sflag:s22] =	ssyncset.done $0x0  }
0xa0: {  	[sflag:s22] =	ssyncadd.s32 s4;
	_ =	sdelay $0x1  }
0xa1: {  	s23 =	simm.s32 $0x1B8B  }
0xa2: {  	_ =	swait.ge [sflag:s23], $0x1  }
0xa3: {  	[sflag:s23] =	ssyncset.done $0x0  }
0xa4: {  	s25 =	simm.s32 $0x1B8E;
	s24 =	sld [smem:$0x3FFE];
	[sflag:s23] =	ssyncadd.s32 $0xFFFFFFFF  }
0xa5: {  	s26 =	simm.s32 $execute0_lowered;
	[smem:$0x3FD2] =	sst s25  }
0xa6: {  	s5 =	sshll.u32 s26, $0x1;
	_ =	strace $0x80000049;
	[dreg:$0x1] =	wrdreg $0xFFFFFFFF  }
0xa7: {  	s28 =	simm.s32 $_size_execute0_lowered;
	s3 =	sadd.s32 s3, s5;
	[dreg:$0x0] =	wrdreg $0x0  }
0xa8: {  	s5 =	sshll.u32 s28, $0x1;
	[dreg:$0x2] =	wrdreg s3  }
0xa9: {  	[dreg:$0x3] =	wrdreg s5  }
0xaa: {  	[dreg:$0x4] =	wrdreg $0xC0  }
0xab: {  	_ =	task [dreg:s7], $0x5FFFF  }
0xac: {  	[dreg:$0x1] =	wrdreg $0xFFFFFFFF  }
0xad: {  	[dreg:$0x0] =	wrdreg $0x60  }
0xae: {  	[dreg:$0x2] =	wrdreg s24  }
0xaf: {  	[dreg:$0x3] =	wrdreg s2  }
0xb0: {  	[dreg:$0x4] =	wrdreg $0xAC000  }
0xb1: {  	[dreg:$0x5] =	wrdreg $0x9  }
0xb2: {  	_ =	task.clear_ibuf [dreg:s7], $0x6FFFF;
	_ =	strace $0x90000049  }
0xb3: {  	s29 =	simm.s32 $0x9;
	_ =	strace $0x8000004B  }
0xb4: {  	_ =	swait.ge [sflag:s29], $0x1  }
0xb5: {  	[sflag:s29] =	ssyncadd.s32 $0xFFFFFFFF  }
0xb6: {  	_ =	strace $0x9000004B  }
0xb7: {  	_ =	sfence  }
0xb8: {  	s30 =	sld [smem:$0x0];
	_ =	sdelay $0x2  }
0xb9: {  	s31 =	sshll.u32 s1, $0xD;
	s1 =	sshrl.u32 s1, $0x2  }
0xba: {  	s3 =	sand.u32 $0x4000, s31;
	s1 =	sadd.s32 s1, s30  }
0xbb: {  	s0 =	sor.u32 s3, s0;
	s1 =	sshll.u32 s1, $0x11  }
0xbc: {  	s0 =	sor.u32 s1, s0  }
0xbd: {  	s0 =	sadd.s32 $0x8F2B, s0  }
0xbe: {  	[sflag:s0] =	ssyncadd.remote.s32 $0x1  }
0xbf: {  	_ =	sfence.sel $0xFFFF  }
0xc0: {  	[dreg:$0x0] =	wrdreg $0xFFFFFFFF;
	(pc) =	sbr.abs _section_cstart, $3  }
0xc1: {  	[dreg:$0x1] =	wrdreg $0xFFFFFFFF  }
0xc2: {  	_ =	task.clear_ibuf [dreg:s7], $0x2FFFF;
	_ =	strace $0x9FFFFFFF  }
0xc3: {  	(tm) =	ssettm $0x7FFFFFFF  }
tec
execute0_lowered:
.L_overlay_start_1:
0x0: {  	(tag) =	ssettag $0x1  }
0x1: {  	s0 =	rddreg [dreg:$0x0]  }
0x2: {  	s1 =	srdreg.scid;
	s11 =	rddreg [dreg:$0x1]  }
0x3: {  	s9 =	stileid.u32;
	s3 =	rddreg [dreg:$0x2];
	s4 =	simm.s32 $0x0  }
0x4: {  	s13 =	simm.s32 $0x1E00;
	s28 =	simm.s32 $0xC;
	s29 =	simm.s32 $0x5  }
0x5: {  	s30 =	simm.s32 $0xD;
	s31 =	simm.s32 $0x6;
	s6 =	smul.u32 $0x50000, s9  }
0x6: {  	s2 =	sand.u32 $0x1, s1;
	s5 =	smul.u32 $0x14000, s9;
	[smem:$0x7FF] =	sst s4  }
0x7: {  	s1 =	smul.u32 $0x140000, s2;
	_ =	strace $0x8000004A;
	s6 =	sshrl.u32 s6, $0x2  }
0x8: {  	s21 =	ssub.s32 $0x2, s2;
	s8 =	sshll.u32 s2, $0x4;
	s14 =	sadd.s32 s6, s3  }
0x9: {  	s2 =	smul.u32 $0x28000, s2;
	s6 =	sadd.s32 $0x1000, s14;
	[dreg:$0x11] =	wrdreg s14  }
0xa: {  	s7 =	sshrl.u32 s21, $0x1;
	s22 =	sadd.s32 $0x2000, s14;
	[dreg:$0x12] =	wrdreg s6  }
0xb: {  	s1 =	sadd.s32 s5, s1;
	s23 =	sadd.s32 $0x3000, s14;
	[dreg:$0x13] =	wrdreg s22  }
0xc: {  	s5 =	sadd.s32 $0x2800, s0;
	s24 =	sadd.s32 $0x4000, s14;
	[dreg:$0x14] =	wrdreg s23  }
0xd: {  	s1 =	sshrl.u32 s1, $0x3;
	s25 =	sadd.s32 $0x5000, s14;
	[dreg:$0x15] =	wrdreg s24  }
0xe: {  	s10 =	sadd.s32 $0x6000, s14;
	s20 =	sadd.s32 $0x7000, s14;
	[dreg:$0x16] =	wrdreg s25  }
0xf: {  	s0 =	sadd.s32 s1, s0;
	s1 =	ssub.s32 s21, s7;
	[dreg:$0x17] =	wrdreg s10  }
0x10: {  	s7 =	sor.u32 s9, s8;
	[dreg:$0x18] =	wrdreg s20;
	s22 =	sadd.s32 $0x8000, s14  }
0x11: {  	s8 =	simm.s32 $0x2800;
	s24 =	sadd.s32 $0x9000, s14;
	[dreg:$0x19] =	wrdreg s22  }
0x12: {  	s9 =	smul.u32 $0x2800, s9;
	s25 =	sadd.s32 $0xA000, s14;
	[dreg:$0x1a] =	wrdreg s24  }
0x13: {  	s26 =	smul.u32 $0x2800, s7;
	[dreg:$0x1b] =	wrdreg s25;
	s0 =	sadd.s32 $0x2A800, s0  }
0x14: {  	p0 =	seq.s32 s7, $0x1F;
	s20 =	smax.u32 s1, $0x1;
	[smem:$0x7F7] =	sst s0  }
0x15: {  	s7 =	smul.u32 $0xA00, s7;
	s22 =	sadd.s32 $0x10000, s14;
	[smem:$0x7F8] =	sst s20  }
0x16: {  	s24 =	sadd.s32 $0x12000, s14;
	s8 =	simm.s32 @!p0 $0xA000;
	[smem:$0x7FA] =	sst s22  }
0x17: {  	s2 =	sadd.s32 s9, s2;
	s13 =	simm.s32 @!p0 $0x0;
	[smem:$0x7FC] =	sst s24  }
0x18: {  	s6 =	sshrl.u32 s26, $0x2;
	[dreg:$0x6] =	wrdreg s8;
	s15 =	sor.u32 $0x80, s13  }
0x19: {  	s10 =	sor.u32 $0x40, s2;
	s26 =	simm.s32 $0x2880;
	[dreg:$0x5] =	wrdreg s15  }
0x1a: {  	s19 =	sshrl.u32 s10, $0x2;
	[dreg:$0xd] =	wrdreg s26;
	s10 =	simm.s32 $0x3C00  }
0x1b: {  	s9 =	sor.u32 $0x80, s2;
	s15 =	sadd.s32 $0xC000, s14;
	[dreg:$0xe] =	wrdreg s10  }
0x1c: {  	s6 =	sadd.s32 s6, s11;
	s26 =	sadd.s32 $0x13000, s14;
	[dreg:$0x1d] =	wrdreg s15  }
0x1d: {  	s9 =	sshrl.u32 s9, $0x2;
	s6 =	sadd.s32 $0x30, s6;
	[smem:$0x7FD] =	sst s26  }
0x1e: {  	s1 =	simm.s32 $0x7;
	s17 =	sor.u32 $0x14, s9;
	[dreg:$0x4] =	wrdreg s6  }
0x1f: {  	s20 =	simm.s32 $0x2900;
	s18 =	sor.u32 $0x10, s9;
	[dreg:$0x8] =	wrdreg s17  }
0x20: {  	s12 =	sor.u32 $0xC0, s2;
	s21 =	sor.u32 $0xC, s19;
	[dreg:$0x9] =	wrdreg s18  }
0x21: {  	s7 =	simm.s32 @p0 $0x12E80;
	s23 =	sor.u32 $0x8, s19;
	[dreg:$0xa] =	wrdreg s21  }
0x22: {  	s25 =	sshrl.u32 s2, $0x2;
	s9 =	sadd.s32 $0xB000, s14;
	[dreg:$0xb] =	wrdreg s23  }
0x23: {  	s2 =	simm.s32 $0x19;
	s19 =	sadd.s32 s11, s7;
	[dreg:$0x1c] =	wrdreg s9  }
0x24: {  	s6 =	sshrl.u32 s12, $0x2;
	s12 =	simm.s32 $0x2A00;
	[smem:$0x7F6] =	sst s19  }
0x25: {  	s8 =	simm.s32 $0xF;
	s17 =	sadd.s32 $0xD000, s14;
	[dreg:$0xf] =	wrdreg s12  }
0x26: {  	s7 =	simm.s32 $0x20;
	s18 =	sadd.s32 $0xE000, s14;
	[dreg:$0x1e] =	wrdreg s17  }
0x27: {  	s26 =	simm.s32 $0x4;
	s21 =	sadd.s32 $0xF000, s14;
	[dreg:$0x1f] =	wrdreg s18  }
0x28: {  	s10 =	simm.s32 $0x10;
	s23 =	sadd.s32 $0x11000, s14;
	[smem:$0x7F9] =	sst s21  }
0x29: {  	s11 =	simm.s32 $0x0;
	s16 =	sor.u32 $0x8, s6;
	[smem:$0x7FB] =	sst s23  }
0x2a: {  	s9 =	simm.s32 $0x8;
	s6 =	sor.u32 $0xC, s6;
	[dreg:$0x7] =	wrdreg s16  }
0x2b: {  	s17 =	simm.s32 $0x2C00;
	[dreg:$0xc] =	wrdreg s6;
	s16 =	simm.s32 $0x6C00  }
0x2c: {  	v0 =	vimm.f32 $0.0e+00;
	s6 =	simm.s32 $0xE;
	[dreg:$0x10] =	wrdreg s16;
	s16 =	simm.s32 $0x2800  }
.LBB2_1:
0x2d: {  	[smem:$0x7F5] =	sst s11;
	s11 =	simm.s32 $0x0;
	s12 =	simm.s32 $0x200  }
.LBB2_2:
0x2e: {  	p0 =	sne.s32 s12, $0x3E00;
	[tilespmem:s11+$0x2C70] =	vst v0  }
0x2f: {  	[tilespmem:s11+$0x2C00] =	vst v0  }
0x30: {  	[tilespmem:s11+$0x2C10] =	vst v0  }
.Ltmp0:
0x31: {  	[tilespmem:s11+$0x2C20] =	vst v0;
	(pc) =	sbr.rel @p0 .LBB2_2-.Ltmp0, $4  }
0x32: {  	[tilespmem:s11+$0x2C30] =	vst v0  }
0x33: {  	[tilespmem:s11+$0x2C40] =	vst v0  }
0x34: {  	[tilespmem:s11+$0x2C50] =	vst v0  }
0x35: {  	[tilespmem:s11+$0x2C60] =	vst v0;
	s11 =	sshra.s32 s12, $0x2;
	s12 =	sadd.s32 $0x200, s12  }
0x36: {  	[tilespmem:s11+$0x2C70] =	vst v0  }
0x37: {  	[tilespmem:s11+$0x2C00] =	vst v0  }
0x38: {  	[tilespmem:s11+$0x2C10] =	vst v0  }
0x39: {  	[tilespmem:s11+$0x2C20] =	vst v0  }
0x3a: {  	[tilespmem:s11+$0x2C30] =	vst v0  }
0x3b: {  	[tilespmem:s11+$0x2C40] =	vst v0  }
0x3c: {  	[tilespmem:s11+$0x2C50] =	vst v0  }
0x3d: {  	[tilespmem:s11+$0x2C60] =	vst v0  }
0x3e: {  	[spmem:s14] =	stream.linear.scatter [tilespmem:s17], [sflag:$0x19], $0x1000, $0x38;
	[tilespmem:$0x1EC00] =	vst v63  }
0x3f: {  	_ =	swait.ge [sflag:s2], $0x1000  }
0x40: {  	[sflag:s2] =	ssyncset.done $0x0  }
0x41: {  	s0 =	rddreg [dreg:$0x12];
	[sflag:s2] =	ssyncadd.s32 $0xFFFFF000  }
0x42: {  	[spmem:s0] =	stream.linear.scatter [tilespmem:s17], [sflag:$0x19], $0x1000, $0x38;
	[tilespmem:$0x1EC00] =	vst v63  }
0x43: {  	_ =	swait.ge [sflag:s2], $0x1000  }
0x44: {  	[sflag:s2] =	ssyncset.done $0x0  }
0x45: {  	s11 =	rddreg [dreg:$0x13];
	[sflag:s2] =	ssyncadd.s32 $0xFFFFF000  }
0x46: {  	[spmem:s11] =	stream.linear.scatter [tilespmem:s17], [sflag:$0x19], $0x1000, $0x38;
	[tilespmem:$0x1EC00] =	vst v63  }
0x47: {  	_ =	swait.ge [sflag:s2], $0x1000  }
0x48: {  	[sflag:s2] =	ssyncset.done $0x0  }
0x49: {  	s12 =	rddreg [dreg:$0x14];
	[sflag:s2] =	ssyncadd.s32 $0xFFFFF000  }
0x4a: {  	[spmem:s12] =	stream.linear.scatter [tilespmem:s17], [sflag:$0x19], $0x1000, $0x38;
	[tilespmem:$0x1EC00] =	vst v63  }
0x4b: {  	_ =	swait.ge [sflag:s2], $0x1000  }
0x4c: {  	[sflag:s2] =	ssyncset.done $0x0  }
0x4d: {  	s14 =	rddreg [dreg:$0x15];
	[sflag:s2] =	ssyncadd.s32 $0xFFFFF000  }
0x4e: {  	[spmem:s14] =	stream.linear.scatter [tilespmem:s17], [sflag:$0x19], $0x1000, $0x38;
	[tilespmem:$0x1EC00] =	vst v63  }
0x4f: {  	_ =	swait.ge [sflag:s2], $0x1000  }
0x50: {  	[sflag:s2] =	ssyncset.done $0x0  }
0x51: {  	s15 =	rddreg [dreg:$0x16];
	[sflag:s2] =	ssyncadd.s32 $0xFFFFF000  }
0x52: {  	[spmem:s15] =	stream.linear.scatter [tilespmem:s17], [sflag:$0x19], $0x1000, $0x38;
	[tilespmem:$0x1EC00] =	vst v63  }
0x53: {  	_ =	swait.ge [sflag:s2], $0x1000  }
0x54: {  	[sflag:s2] =	ssyncset.done $0x0  }
0x55: {  	s18 =	rddreg [dreg:$0x17];
	[sflag:s2] =	ssyncadd.s32 $0xFFFFF000  }
0x56: {  	[spmem:s18] =	stream.linear.scatter [tilespmem:s17], [sflag:$0x19], $0x1000, $0x38;
	[tilespmem:$0x1EC00] =	vst v63  }
0x57: {  	_ =	swait.ge [sflag:s2], $0x1000  }
0x58: {  	[sflag:s2] =	ssyncset.done $0x0  }
0x59: {  	s19 =	rddreg [dreg:$0x18];
	[sflag:s2] =	ssyncadd.s32 $0xFFFFF000  }
0x5a: {  	[spmem:s19] =	stream.linear.scatter [tilespmem:s17], [sflag:$0x19], $0x1000, $0x38;
	[tilespmem:$0x1EC00] =	vst v63  }
0x5b: {  	_ =	swait.ge [sflag:s2], $0x1000  }
0x5c: {  	[sflag:s2] =	ssyncset.done $0x0  }
0x5d: {  	s21 =	rddreg [dreg:$0x19];
	[sflag:s2] =	ssyncadd.s32 $0xFFFFF000  }
0x5e: {  	[spmem:s21] =	stream.linear.scatter [tilespmem:s17], [sflag:$0x19], $0x1000, $0x38;
	[tilespmem:$0x1EC00] =	vst v63  }
0x5f: {  	_ =	swait.ge [sflag:s2], $0x1000  }
0x60: {  	[sflag:s2] =	ssyncset.done $0x0  }
0x61: {  	s22 =	rddreg [dreg:$0x1a];
	[sflag:s2] =	ssyncadd.s32 $0xFFFFF000  }
0x62: {  	[spmem:s22] =	stream.linear.scatter [tilespmem:s17], [sflag:$0x19], $0x1000, $0x38;
	[tilespmem:$0x1EC00] =	vst v63  }
0x63: {  	_ =	swait.ge [sflag:s2], $0x1000  }
0x64: {  	[sflag:s2] =	ssyncset.done $0x0  }
0x65: {  	s23 =	rddreg [dreg:$0x1b];
	[sflag:s2] =	ssyncadd.s32 $0xFFFFF000  }
0x66: {  	[spmem:s23] =	stream.linear.scatter [tilespmem:s17], [sflag:$0x19], $0x1000, $0x38;
	[tilespmem:$0x1EC00] =	vst v63  }
0x67: {  	_ =	swait.ge [sflag:s2], $0x1000  }
0x68: {  	[sflag:s2] =	ssyncset.done $0x0  }
0x69: {  	s24 =	rddreg [dreg:$0x1c];
	[sflag:s2] =	ssyncadd.s32 $0xFFFFF000  }
0x6a: {  	[spmem:s24] =	stream.linear.scatter [tilespmem:s17], [sflag:$0x19], $0x1000, $0x38;
	[tilespmem:$0x1EC00] =	vst v63  }
0x6b: {  	_ =	swait.ge [sflag:s2], $0x1000  }
0x6c: {  	[sflag:s2] =	ssyncset.done $0x0  }
0x6d: {  	s11 =	rddreg [dreg:$0x1d];
	[sflag:s2] =	ssyncadd.s32 $0xFFFFF000  }
0x6e: {  	[spmem:s11] =	stream.linear.scatter [tilespmem:s17], [sflag:$0x19], $0x1000, $0x38;
	[tilespmem:$0x1EC00] =	vst v63  }
0x6f: {  	_ =	swait.ge [sflag:s2], $0x1000  }
0x70: {  	[sflag:s2] =	ssyncset.done $0x0  }
0x71: {  	s12 =	rddreg [dreg:$0x1e];
	[sflag:s2] =	ssyncadd.s32 $0xFFFFF000  }
0x72: {  	[spmem:s12] =	stream.linear.scatter [tilespmem:s17], [sflag:$0x19], $0x1000, $0x38;
	[tilespmem:$0x1EC00] =	vst v63  }
0x73: {  	_ =	swait.ge [sflag:s2], $0x1000  }
0x74: {  	[sflag:s2] =	ssyncset.done $0x0  }
0x75: {  	s14 =	rddreg [dreg:$0x1f];
	[sflag:s2] =	ssyncadd.s32 $0xFFFFF000  }
0x76: {  	[spmem:s14] =	stream.linear.scatter [tilespmem:s17], [sflag:$0x19], $0x1000, $0x38;
	[tilespmem:$0x1EC00] =	vst v63  }
0x77: {  	_ =	swait.ge [sflag:s2], $0x1000  }
0x78: {  	s15 =	sld [smem:$0x7F9]  }
0x79: {  	[sflag:s2] =	ssyncset.done $0x0  }
0x7a: {  	[sflag:s2] =	ssyncadd.s32 $0xFFFFF000  }
0x7b: {  	[spmem:s15] =	stream.linear.scatter [tilespmem:s17], [sflag:$0x19], $0x1000, $0x38;
	[tilespmem:$0x1EC00] =	vst v63  }
0x7c: {  	_ =	swait.ge [sflag:s2], $0x1000  }
0x7d: {  	s18 =	sld [smem:$0x7FA]  }
0x7e: {  	[sflag:s2] =	ssyncset.done $0x0  }
0x7f: {  	[sflag:s2] =	ssyncadd.s32 $0xFFFFF000  }
0x80: {  	[spmem:s18] =	stream.linear.scatter [tilespmem:s17], [sflag:$0x19], $0x1000, $0x38;
	[tilespmem:$0x1EC00] =	vst v63  }
0x81: {  	_ =	swait.ge [sflag:s2], $0x1000  }
0x82: {  	s19 =	sld [smem:$0x7FB]  }
0x83: {  	[sflag:s2] =	ssyncset.done $0x0  }
0x84: {  	[sflag:s2] =	ssyncadd.s32 $0xFFFFF000  }
0x85: {  	[spmem:s19] =	stream.linear.scatter [tilespmem:s17], [sflag:$0x19], $0x1000, $0x38;
	[tilespmem:$0x1EC00] =	vst v63  }
0x86: {  	_ =	swait.ge [sflag:s2], $0x1000  }
0x87: {  	s21 =	sld [smem:$0x7FC]  }
0x88: {  	[sflag:s2] =	ssyncset.done $0x0  }
0x89: {  	[sflag:s2] =	ssyncadd.s32 $0xFFFFF000  }
0x8a: {  	[spmem:s21] =	stream.linear.scatter [tilespmem:s17], [sflag:$0x19], $0x1000, $0x38;
	[tilespmem:$0x1EC00] =	vst v63  }
0x8b: {  	_ =	swait.ge [sflag:s2], $0x1000  }
0x8c: {  	s22 =	sld [smem:$0x7FD]  }
0x8d: {  	[sflag:s2] =	ssyncset.done $0x0  }
0x8e: {  	[sflag:s2] =	ssyncadd.s32 $0xFFFFF000  }
0x8f: {  	[spmem:s22] =	stream.linear.scatter [tilespmem:s17], [sflag:$0x19], $0x1000, $0x38;
	[tilespmem:$0x1EC00] =	vst v63  }
0x90: {  	_ =	swait.ge [sflag:s2], $0x1000  }
0x91: {  	[sflag:s2] =	ssyncset.done $0x0  }
0x92: {  	[sflag:s2] =	ssyncadd.s32 $0xFFFFF000  }
0x93: {  	[bflag:$0x0] =	sbarrier.arrive $0xFFFF  }
0x94: {  	s23 =	sld [smem:$0x7F6];
	_ =	sdelay $0x1  }
0x95: {  	s24 =	simm.s32 $0x100;
	s11 =	simm.s32 $0x0;
	s12 =	simm.s32 $0x80  }
0x96: {  	[tilespmem:s11], [sflag:$0x19] =	stream.strided.gather [hbm4b:s23+s12], $0x2800, s24, s12, $0x38;
	[tilespmem:$0x1EC00] =	vst v63  }
0x97: {  	_ =	swait.ge [sflag:s2], $0x2800  }
0x98: {  	[sflag:s2] =	ssyncset.done $0x0  }
0x99: {  	[sflag:s2] =	ssyncadd.s32 $0xFFFFD800  }
0x9a: {  	s12 =	rddreg [dreg:$0x1]  }
.LBB2_4:
0x9b: {  	p0 =	seq.s32 s11, $0x0  }
0x9c: {  	s14 =	simm.s32 @!p0 $0x11  }
0x9d: {  	_ =	swait.ge @!p0 [sflag:s14], $0x1000  }
0x9e: {  	s15 =	sadd.s32 s12, s25;
	[sflag:s14] =	ssyncset.done @!p0 $0x0  }
0x9f: {  	s18 =	sshra.s32 s11, $0x2;
	s15 =	sadd.s32 $0x10, s15;
	[sflag:s14] =	ssyncadd.s32 @!p0 $0xFFFFF000  }
0xa0: {  	[tilespmem:s16], [sflag:$0x1] =	stream.linear.gather [hbm4b:s15+s4], $0x20, $0x38;
	[tilespmem:$0x1EC00] =	vst v63  }
0xa1: {  	s14 =	sadd.s32 s18, s13;
	s15 =	sadd.s32 @p0 s12, s25  }
0xa2: {  	[tilespmem:s17], [sflag:$0x9] =	stream.indirect.gather [hbm4b:s5+s7], $0x80, s14, s7, $0xb8;
	[tilespmem:$0x1EC00] =	vst v63  }
0xa3: {  	s0 =	simm.s32 @p0 $0x2880;
	s16 =	simm.s32 @p0 $0x0;
	s15 =	sadd.s32 @p0 $0x14, s15  }
0xa4: {  	[tilespmem:s0], [sflag:$0x2] =	stream.linear.gather @p0 [hbm4b:s15+s16], $0x20, $0x38;
	[tilespmem:$0x1EC00] =	vst v63  }
0xa5: {  	s0 =	sshra.s32 @p0 s11, $0x2  }
0xa6: {  	s0 =	sadd.s32 @p0 s0, s13  }
0xa7: {  	s17 =	simm.s32 @p0 $0x3C00;
	s15 =	simm.s32 @p0 $0x20;
	s0 =	sadd.s32 @p0 $0x20, s0  }
0xa8: {  	[tilespmem:s17], [sflag:$0xA] =	stream.indirect.gather @p0 [hbm4b:s5+s15], $0x80, s0, s15, $0xb8;
	[tilespmem:$0x1EC00] =	vst v63  }
0xa9: {  	s0 =	simm.s32 @!p0 $0x12  }
0xaa: {  	_ =	swait.ge @!p0 [sflag:s0], $0x1000  }
0xab: {  	[sflag:s0] =	ssyncset.done @!p0 $0x0  }
0xac: {  	[sflag:s0] =	ssyncadd.s32 @!p0 $0xFFFFF000;
	s0 =	sadd.s32 @!p0 s12, s25  }
0xad: {  	s18 =	simm.s32 @!p0 $0x2880;
	s17 =	simm.s32 @!p0 $0x0;
	s0 =	sadd.s32 @!p0 $0x14, s0  }
0xae: {  	[tilespmem:s18], [sflag:$0x2] =	stream.linear.gather @!p0 [hbm4b:s0+s17], $0x20, $0x38;
	[tilespmem:$0x1EC00] =	vst v63  }
0xaf: {  	s0 =	sshra.s32 @!p0 s11, $0x2  }
0xb0: {  	s0 =	sadd.s32 @!p0 s0, s13  }
0xb1: {  	s2 =	simm.s32 @!p0 $0x20;
	s19 =	simm.s32 @!p0 $0x3C00;
	s18 =	sadd.s32 @!p0 $0x20, s0  }
0xb2: {  	[tilespmem:s19], [sflag:$0xA] =	stream.indirect.gather @!p0 [hbm4b:s5+s2], $0x80, s18, s2, $0xb8;
	[tilespmem:$0x1EC00] =	vst v63  }
0xb3: {  	s18 =	simm.s32 @!p0 $0x13  }
0xb4: {  	_ =	swait.ge @!p0 [sflag:s18], $0x1000  }
0xb5: {  	s19 =	rddreg [dreg:$0xb];
	[sflag:s18] =	ssyncset.done @!p0 $0x0  }
0xb6: {  	[sflag:s18] =	ssyncadd.s32 @!p0 $0xFFFFF000;
	s19 =	sadd.s32 s12, s19  }
0xb7: {  	[tilespmem:s20], [sflag:$0x3] =	stream.linear.gather [hbm4b:s19+s4], $0x20, $0x38;
	[tilespmem:$0x1EC00] =	vst v63  }
0xb8: {  	s21 =	simm.s32 $0x4C00;
	s18 =	simm.s32 @!p0 $0x14;
	s19 =	sadd.s32 $0x40, s14  }
0xb9: {  	[tilespmem:s21], [sflag:$0xB] =	stream.indirect.gather [hbm4b:s5+s7], $0x80, s19, s7, $0xb8;
	[tilespmem:$0x1EC00] =	vst v63  }
0xba: {  	_ =	swait.ge @!p0 [sflag:s18], $0x1000  }
0xbb: {  	s20 =	rddreg [dreg:$0xa];
	[sflag:s18] =	ssyncset.done @!p0 $0x0  }
0xbc: {  	s21 =	simm.s32 $0x2980;
	[sflag:s18] =	ssyncadd.s32 @!p0 $0xFFFFF000;
	s19 =	sadd.s32 s12, s20  }
0xbd: {  	[tilespmem:s21], [sflag:$0x4] =	stream.linear.gather [hbm4b:s19+s4], $0x20, $0x38;
	[tilespmem:$0x1EC00] =	vst v63  }
0xbe: {  	s22 =	simm.s32 $0x5C00;
	s20 =	sadd.s32 $0x60, s14  }
0xbf: {  	[tilespmem:s22], [sflag:$0xC] =	stream.indirect.gather [hbm4b:s5+s7], $0x80, s20, s7, $0xb8;
	[tilespmem:$0x1EC00] =	vst v63  }
0xc0: {  	s18 =	simm.s32 @p0 $0x2A00;
	s19 =	rddreg [dreg:$0x4]  }
0xc1: {  	[tilespmem:s18], [sflag:$0x5] =	stream.linear.gather @p0 [hbm4b:s19+s16], $0x20, $0x38;
	[tilespmem:$0x1EC00] =	vst v63  }
0xc2: {  	s20 =	rddreg [dreg:$0x5];
	s16 =	simm.s32 @p0 $0x6C00  }
0xc3: {  	[tilespmem:s16], [sflag:$0xD] =	stream.indirect.gather @p0 [hbm4b:s5+s15], $0x80, s20, s15, $0xb8;
	[tilespmem:$0x1EC00] =	vst v63  }
0xc4: {  	s15 =	simm.s32 @!p0 $0x15  }
0xc5: {  	_ =	swait.ge @!p0 [sflag:s15], $0x1000  }
0xc6: {  	s16 =	rddreg [dreg:$0x9];
	[sflag:s15] =	ssyncset.done @!p0 $0x0  }
0xc7: {  	[sflag:s15] =	ssyncadd.s32 @!p0 $0xFFFFF000;
	s15 =	sadd.s32 @!p0 s12, s16;
	s16 =	simm.s32 @!p0 $0x2A00  }
0xc8: {  	[tilespmem:s16], [sflag:$0x5] =	stream.linear.gather @!p0 [hbm4b:s15+s17], $0x20, $0x38;
	[tilespmem:$0x1EC00] =	vst v63  }
0xc9: {  	s0 =	sadd.s32 @!p0 $0x80, s0;
	s15 =	simm.s32 @!p0 $0x6C00  }
0xca: {  	[tilespmem:s15], [sflag:$0xD] =	stream.indirect.gather @!p0 [hbm4b:s5+s2], $0x80, s0, s2, $0xb8;
	[tilespmem:$0x1EC00] =	vst v63  }
0xcb: {  	s0 =	simm.s32 @!p0 $0x16  }
0xcc: {  	_ =	swait.ge @!p0 [sflag:s0], $0x1000  }
0xcd: {  	s2 =	rddreg [dreg:$0x8];
	[sflag:s0] =	ssyncset.done @!p0 $0x0  }
0xce: {  	s18 =	simm.s32 $0x2A80;
	[sflag:s0] =	ssyncadd.s32 @!p0 $0xFFFFF000;
	s2 =	sadd.s32 s12, s2  }
0xcf: {  	[tilespmem:s18], [sflag:$0x6] =	stream.linear.gather [hbm4b:s2+s4], $0x20, $0x38;
	[tilespmem:$0x1EC00] =	vst v63  }
0xd0: {  	s19 =	simm.s32 $0x7C00;
	s0 =	simm.s32 @!p0 $0x17;
	s2 =	sadd.s32 $0xA0, s14  }
0xd1: {  	[tilespmem:s19], [sflag:$0xE] =	stream.indirect.gather [hbm4b:s5+s7], $0x80, s2, s7, $0xb8;
	[tilespmem:$0x1EC00] =	vst v63  }
0xd2: {  	_ =	swait.ge @!p0 [sflag:s0], $0x1000  }
0xd3: {  	s2 =	rddreg [dreg:$0x7];
	[sflag:s0] =	ssyncset.done @!p0 $0x0  }
0xd4: {  	s22 =	simm.s32 $0x2B00;
	[sflag:s0] =	ssyncadd.s32 @!p0 $0xFFFFF000;
	s2 =	sadd.s32 s12, s2  }
0xd5: {  	[tilespmem:s22], [sflag:$0x7] =	stream.linear.gather [hbm4b:s2+s4], $0x20, $0x38;
	[tilespmem:$0x1EC00] =	vst v63  }
0xd6: {  	s23 =	simm.s32 $0x8C00;
	s0 =	simm.s32 @!p0 $0x18;
	s2 =	sadd.s32 $0xC0, s14  }
0xd7: {  	[tilespmem:s23], [sflag:$0xF] =	stream.indirect.gather [hbm4b:s5+s7], $0x80, s2, s7, $0xb8;
	[tilespmem:$0x1EC00] =	vst v63  }
0xd8: {  	_ =	swait.ge @!p0 [sflag:s0], $0x1000  }
0xd9: {  	s2 =	rddreg [dreg:$0xc];
	[sflag:s0] =	ssyncset.done @!p0 $0x0  }
0xda: {  	s23 =	simm.s32 $0x2B80;
	[sflag:s0] =	ssyncadd.s32 @!p0 $0xFFFFF000;
	s2 =	sadd.s32 s12, s2  }
0xdb: {  	[tilespmem:s23], [sflag:$0x8] =	stream.linear.gather [hbm4b:s2+s4], $0x20, $0x38;
	[tilespmem:$0x1EC00] =	vst v63  }
0xdc: {  	s24 =	simm.s32 $0x9C00;
	s14 =	sadd.s32 $0xE0, s14;
	s0 =	simm.s32 $0x1  }
0xdd: {  	[tilespmem:s24], [sflag:$0x10] =	stream.indirect.gather [hbm4b:s5+s7], $0x80, s14, s7, $0xb8;
	[tilespmem:$0x1EC00] =	vst v63  }
0xde: {  	_ =	swait.ge [sflag:s0], $0x20  }
0xdf: {  	[sflag:s0] =	ssyncset.done $0x0  }
0xe0: {  	s2 =	simm.s32 $0x9;
	[sflag:s0] =	ssyncadd.s32 $0xFFFFFFE0  }
0xe1: {  	_ =	swait.ge [sflag:s2], $0x1000  }
0xe2: {  	s17 =	simm.s32 $0x2C00;
	[sflag:s2] =	ssyncset.done $0x0  }
0xe3: {  	s16 =	simm.s32 $0x2800;
	s14 =	simm.s32 $0x2;
	[sflag:s2] =	ssyncadd.s32 $0xFFFFF000  }
0xe4: {  	[spmem:s3] =	stream.indirect.scatter.add.f32 [tilespmem:s17], [sflag:$0x11], $0x80, s16, s7, $0xb8;
	[tilespmem:$0x1EC00] =	vst v63  }
0xe5: {  	_ =	swait.ge [sflag:s14], $0x20  }
0xe6: {  	[sflag:s14] =	ssyncset.done $0x0  }
0xe7: {  	s24 =	simm.s32 $0xA;
	[sflag:s14] =	ssyncadd.s32 $0xFFFFFFE0  }
0xe8: {  	_ =	swait.ge [sflag:s24], $0x1000  }
0xe9: {  	s0 =	rddreg [dreg:$0xd];
	[sflag:s24] =	ssyncset.done $0x0  }
0xea: {  	s14 =	simm.s32 $0x3;
	s2 =	rddreg [dreg:$0xe];
	[sflag:s24] =	ssyncadd.s32 $0xFFFFF000  }
0xeb: {  	[spmem:s3] =	stream.indirect.scatter.add.f32 [tilespmem:s2], [sflag:$0x12], $0x80, s0, s7, $0xb8;
	[tilespmem:$0x1EC00] =	vst v63  }
0xec: {  	_ =	swait.ge [sflag:s14], $0x20  }
0xed: {  	[sflag:s14] =	ssyncset.done $0x0  }
0xee: {  	s24 =	simm.s32 $0xB;
	[sflag:s14] =	ssyncadd.s32 $0xFFFFFFE0  }
0xef: {  	_ =	swait.ge [sflag:s24], $0x1000  }
0xf0: {  	[sflag:s24] =	ssyncset.done $0x0  }
0xf1: {  	s20 =	simm.s32 $0x2900;
	s15 =	simm.s32 $0x4C00;
	[sflag:s24] =	ssyncadd.s32 $0xFFFFF000  }
0xf2: {  	[spmem:s3] =	stream.indirect.scatter.add.f32 [tilespmem:s15], [sflag:$0x13], $0x80, s20, s7, $0xb8;
	[tilespmem:$0x1EC00] =	vst v63  }
0xf3: {  	_ =	swait.ge [sflag:s26], $0x20  }
0xf4: {  	[sflag:s26] =	ssyncset.done $0x0  }
0xf5: {  	[sflag:s26] =	ssyncadd.s32 $0xFFFFFFE0  }
0xf6: {  	_ =	swait.ge [sflag:s28], $0x1000  }
0xf7: {  	[sflag:s28] =	ssyncset.done $0x0  }
0xf8: {  	s24 =	simm.s32 $0x5C00;
	[sflag:s28] =	ssyncadd.s32 $0xFFFFF000  }
0xf9: {  	[spmem:s3] =	stream.indirect.scatter.add.f32 [tilespmem:s24], [sflag:$0x14], $0x80, s21, s7, $0xb8;
	[tilespmem:$0x1EC00] =	vst v63  }
0xfa: {  	_ =	swait.ge [sflag:s29], $0x20  }
0xfb: {  	[sflag:s29] =	ssyncset.done $0x0  }
0xfc: {  	[sflag:s29] =	ssyncadd.s32 $0xFFFFFFE0  }
0xfd: {  	_ =	swait.ge [sflag:s30], $0x1000  }
0xfe: {  	s2 =	rddreg [dreg:$0xf];
	[sflag:s30] =	ssyncset.done $0x0  }
0xff: {  	s21 =	rddreg [dreg:$0x10];
	[sflag:s30] =	ssyncadd.s32 $0xFFFFF000  }
0x100: {  	[spmem:s3] =	stream.indirect.scatter.add.f32 [tilespmem:s21], [sflag:$0x15], $0x80, s2, s7, $0xb8;
	[tilespmem:$0x1EC00] =	vst v63  }
0x101: {  	_ =	swait.ge [sflag:s31], $0x20  }
0x102: {  	[sflag:s31] =	ssyncset.done $0x0  }
0x103: {  	[sflag:s31] =	ssyncadd.s32 $0xFFFFFFE0  }
0x104: {  	_ =	swait.ge [sflag:s6], $0x1000  }
0x105: {  	[sflag:s6] =	ssyncset.done $0x0  }
0x106: {  	[sflag:s6] =	ssyncadd.s32 $0xFFFFF000  }
0x107: {  	[spmem:s3] =	stream.indirect.scatter.add.f32 [tilespmem:s19], [sflag:$0x16], $0x80, s18, s7, $0xb8;
	[tilespmem:$0x1EC00] =	vst v63  }
0x108: {  	_ =	swait.ge [sflag:s1], $0x20  }
0x109: {  	[sflag:s1] =	ssyncset.done $0x0  }
0x10a: {  	[sflag:s1] =	ssyncadd.s32 $0xFFFFFFE0  }
0x10b: {  	_ =	swait.ge [sflag:s8], $0x1000  }
0x10c: {  	[sflag:s8] =	ssyncset.done $0x0  }
0x10d: {  	s14 =	simm.s32 $0x8C00;
	[sflag:s8] =	ssyncadd.s32 $0xFFFFF000  }
0x10e: {  	[spmem:s3] =	stream.indirect.scatter.add.f32 [tilespmem:s14], [sflag:$0x17], $0x80, s22, s7, $0xb8;
	[tilespmem:$0x1EC00] =	vst v63  }
0x10f: {  	_ =	swait.ge [sflag:s9], $0x20  }
0x110: {  	[sflag:s9] =	ssyncset.done $0x0  }
0x111: {  	[sflag:s9] =	ssyncadd.s32 $0xFFFFFFE0  }
0x112: {  	_ =	swait.ge [sflag:s10], $0x1000  }
0x113: {  	s11 =	sadd.s32 $0x400, s11;
	s24 =	rddreg [dreg:$0x6]  }
0x114: {  	p0 =	sne.s32 s24, s11  }
.Ltmp1:
0x115: {  	_ = 	snop;
	(pc) =	sbr.rel @p0 .LBB2_4-.Ltmp1, $4  }
0x116: {  	_ = 	snop  }
0x117: {  	[sflag:s10] =	ssyncset.done $0x0  }
0x118: {  	s12 =	sadd.s32 $0x40, s12;
	s15 =	simm.s32 $0x9C00;
	[sflag:s10] =	ssyncadd.s32 $0xFFFFF000  }
0x119: {  	[spmem:s3] =	stream.indirect.scatter.add.f32 [tilespmem:s15], [sflag:$0x18], $0x80, s23, s7, $0xb8;
	[tilespmem:$0x1EC00] =	vst v63  }
0x11a: {  	s0 =	simm.s32 $0x11  }
0x11b: {  	_ =	swait.ge [sflag:s0], $0x1000  }
0x11c: {  	[sflag:s0] =	ssyncset.done $0x0  }
0x11d: {  	s11 =	simm.s32 $0x12;
	[sflag:s0] =	ssyncadd.s32 $0xFFFFF000  }
0x11e: {  	_ =	swait.ge [sflag:s11], $0x1000  }
0x11f: {  	[sflag:s11] =	ssyncset.done $0x0  }
0x120: {  	s12 =	simm.s32 $0x13;
	[sflag:s11] =	ssyncadd.s32 $0xFFFFF000  }
0x121: {  	_ =	swait.ge [sflag:s12], $0x1000  }
0x122: {  	[sflag:s12] =	ssyncset.done $0x0  }
0x123: {  	s14 =	simm.s32 $0x14;
	[sflag:s12] =	ssyncadd.s32 $0xFFFFF000  }
0x124: {  	_ =	swait.ge [sflag:s14], $0x1000  }
0x125: {  	[sflag:s14] =	ssyncset.done $0x0  }
0x126: {  	s15 =	simm.s32 $0x15;
	[sflag:s14] =	ssyncadd.s32 $0xFFFFF000  }
0x127: {  	_ =	swait.ge [sflag:s15], $0x1000  }
0x128: {  	[sflag:s15] =	ssyncset.done $0x0  }
0x129: {  	s18 =	simm.s32 $0x16;
	[sflag:s15] =	ssyncadd.s32 $0xFFFFF000  }
0x12a: {  	_ =	swait.ge [sflag:s18], $0x1000  }
0x12b: {  	[sflag:s18] =	ssyncset.done $0x0  }
0x12c: {  	s19 =	simm.s32 $0x17;
	[sflag:s18] =	ssyncadd.s32 $0xFFFFF000  }
0x12d: {  	_ =	swait.ge [sflag:s19], $0x1000  }
0x12e: {  	[sflag:s19] =	ssyncset.done $0x0  }
0x12f: {  	s21 =	simm.s32 $0x18;
	[sflag:s19] =	ssyncadd.s32 $0xFFFFF000  }
0x130: {  	_ =	swait.ge [sflag:s21], $0x1000  }
0x131: {  	[sflag:s21] =	ssyncset.done $0x0  }
0x132: {  	[sflag:s21] =	ssyncadd.s32 $0xFFFFF000  }
0x133: {  	[bflag:$0x0] =	sbarrier.arrive $0xFFFF  }
0x134: {  	s22 =	stileid.u32;
	s11 =	sld [smem:$0x7F7]  }
0x135: {  	s0 =	sshll.u32 s22, $0x6;
	s14 =	rddreg [dreg:$0x11]  }
0x136: {  	s0 =	sor.u32 $0x1C19, s0;
	s2 =	sshrl.u32 s14, $0x3  }
0x137: {  	[hbm:s11], [sflag:s0] =	dma.local [spmem:s2], $0x2800  }
0x138: {  	s2 =	simm.s32 $0x19  }
0x139: {  	_ =	swait.ge [sflag:s2], $0x2800  }
0x13a: {  	s23 =	sld [smem:$0x7F5]  }
0x13b: {  	s24 =	sld [smem:$0x7F8];
	_ =	sdelay $0x1  }
0x13c: {  	s11 =	sadd.s32 $0x1, s23  }
0x13d: {  	p0 =	sne.s32 s11, s24  }
.Ltmp2:
0x13e: {  	_ = 	snop;
	(pc) =	sbr.rel @p0 .LBB2_1-.Ltmp2, $3  }
0x13f: {  	_ =	sdelay $0x1  }
0x140: {  	[sflag:s2] =	ssyncset.done $0x0  }
0x141: {  	[sflag:s2] =	ssyncadd.s32 $0xFFFFD800  }
0x142: {  	_ =	sfence.sel $0x180000  }
0x143: {  	[bflag:$0x0] =	sbarrier.arrive $0xFFFF  }
0x144: {  	_ =	strace $0x9000004A  }
0x145: {  	s0 =	stileid.u32;
	[bflag:$0x2] =	sbarrier.arrive $0xFFFF  }
0x146: {  	p0 =	sne.s32 s0, $0x0;
	s0 =	rddreg [dreg:$0x3]  }
0x147: {  	s0 =	sadd.s32 @!p0 $0x100000, s0  }
0x148: {  	[sflag:s0] =	ssyncadd.tile.s32 @!p0 $0x1;
	_ =	shalt  }
.Lfunc_end2:
_tile_overlayer_lowered:
.L_overlay_start_2:
0x149: {  	(tag) =	ssettag $0x2  }
0x14a: {  	s0 =	rddreg [dreg:$0x0];
	s2 =	stileid.u32  }
0x14b: {  	s1 =	rddreg [dreg:$0x1];
	p0 =	sne.s32 s2, $0x0  }
0x14c: {  	s3 =	rddreg [dreg:$0x2];
	[bflag:$0x3] =	sbarrier.arrive $0xFFFF;
	s2 =	simm.s32 @!p0 $0x1C19  }
0x14d: {  	[timem:s3], [sflag:s2] =	dma.local @!p0 [hbm:s0], s1  }
0x14e: {  	s0 =	simm.s32 @!p0 $0x19  }
0x14f: {  	_ =	swait.ge @!p0 [sflag:s0], s1  }
0x150: {  	s1 =	ssub.s32 @!p0 $0x0, s1;
	[sflag:s0] =	ssyncset.done @!p0 $0x0  }
0x151: {  	[sflag:s0] =	ssyncadd.s32 @!p0 s1  }
0x152: {  	[bflag:$0x3] =	sbarrier.arrive $0xFFFF  }
0x153: {  	_ =	shalt  }

// kernel: kernel.14.cloned.1.call-start
scs
__scs_entry_jumppad:
0x0: {  	(pc) =	sbr.rel $0x88, $3  }
0x1: {  	(tag) =	ssettag $0x0;
	lr =	simm.s32 $0x1  }
0x2: {  	[smem:$0x3F99] =	sst lr;
	_ =	strace $0xD0000000  }
0x3: {  	_ = 	snop  }
0x4: {  	_ = 	snop  }
0x5: {  	_ = 	snop  }
0x6: {  	_ = 	snop  }
0x7: {  	_ = 	snop  }
__scs_overlays_trampoline_lowered:
0x8: {  	[smem:$0x3FA8] =	sst s0  }
0x9: {  	[smem:$0x3FA9] =	sst s1  }
0xa: {  	[smem:$0x3FAA] =	sst s2  }
0xb: {  	[smem:$0x3FAB] =	sst s3  }
0xc: {  	[smem:$0x3FAC] =	sst s4  }
0xd: {  	[smem:$0x3FAD] =	sst s5  }
0xe: {  	[smem:$0x3FAE] =	sst s6  }
0xf: {  	[smem:$0x3FAF] =	sst s7  }
0x10: {  	[smem:$0x3FB0] =	sst s8  }
0x11: {  	[smem:$0x3FB1] =	sst s9;
	s0 =	simm.s32 @!p0 $0x0  }
0x12: {  	s1 =	sld [smem:$0x3F97];
	s0 =	simm.s32 @p0 $0x1  }
0x13: {  	[smem:$0x3FB2] =	sst s0;
	s0 =	simm.s32 @!p1 $0x0  }
0x14: {  	s2 =	sld [smem:$0x3F96];
	s0 =	simm.s32 @p1 $0x1  }
0x15: {  	[smem:$0x3FB3] =	sst s0;
	s0 =	simm.s32 @!p2 $0x0  }
0x16: {  	s3 =	sld [smem:$0x3FDB];
	s0 =	simm.s32 @p2 $0x1  }
0x17: {  	s4 =	simm.s32 $0x1BF5;
	[smem:$0x3FB5] =	sst s0  }
0x18: {  	s0 =	sld [smem:$0x3F98];
	_ =	swait.ge [sflag:s4], $0x0  }
0x19: {  	s7 =	sld [smem:$0x3F99]  }
0x1a: {  	s8 =	sadd.s32 $0xFFFFE003, lr  }
0x1b: {  	s9 =	sadd.s32 $0xFFFFFEF7, lr;
	s5 =	simm.s32 $0xFFFFFFFF;
	p2 =	slt.u32 s8, $0xFFFFF086  }
0x1c: {  	p1 =	slt.u32 s9, $0xF7A;
	s5 =	simm.s32 @!p2 $0x0  }
0x1d: {  	s5 =	simm.s32 @p1 $0x1;
	p0 =	seq.s32 s7, s2  }
0x1e: {  	s7 =	smul.u32 @!p0 $0xF7A, s2;
	p2 =	seq.s32 @!p0 s5, $0x0  }
0x1f: {  	s9 =	smul.u32 $0xF7A, s1;
	s8 =	simm.s32 @!p0 $0x1BF5;
	p2 =	por !p2, p0  }
0x20: {  	[sflag:s8] =	ssyncset.s32 @!p0 $0xFFFFF086;
	s6 =	sadd.s32 @!p0 s3, s7;
	s7 =	simm.s32 @!p0 $0x108  }
0x21: {  	s3 =	sadd.s32 s3, s9;
	s6 =	sadd.s32 @!p0 $0x88, s6;
	s7 =	simm.s32 @p2 $0x1082  }
0x22: {  	[simem:s7], [sflag:s8] =	dma.local @!p0 [hbm:s6], $0xF7A  }
0x23: {  	s9 =	sor.u32 $0xD0000000, s2;
	s6 =	simm.s32 $0x108;
	_ =	swait.ge @!p0 [sflag:s8], $0x0  }
0x24: {  	s3 =	sadd.s32 $0x88, s3;
	s6 =	simm.s32 @!p1 $0x1082;
	[sflag:s4] =	ssyncset.s32 $0xFFFFF086  }
0x25: {  	[simem:s6], [sflag:s4] =	dma.local [hbm:s3], $0xF7A  }
0x26: {  	[smem:$0x3F99] =	sst s1;
	(tag) =	ssettag s2;
	_ =	strace s9  }
0x27: {  	s1 =	sld [smem:$0x3FA9]  }
0x28: {  	s2 =	sld [smem:$0x3FAA]  }
0x29: {  	s4 =	sld [smem:$0x3FAC]  }
0x2a: {  	p0 =	seq.s32 s5, $0x0;
	s5 =	sld [smem:$0x3FAD]  }
0x2b: {  	s6 =	sld [smem:$0x3FAE]  }
0x2c: {  	s7 =	sld [smem:$0x3FAF]  }
0x2d: {  	s3 =	simm.s32 $0x108;
	s8 =	sld [smem:$0x3FB0]  }
0x2e: {  	s3 =	simm.s32 @!p0 $0x1082;
	s9 =	sld [smem:$0x3FB1]  }
0x2f: {  	lr =	sadd.s32 s0, s3;
	s0 =	sld [smem:$0x3FA8]  }
0x30: {  	s3 =	sld [smem:$0x3FAB]  }
0x31: {  	[smem:$0x3FB4] =	sst s10  }
0x32: {  	s10 =	sld [smem:$0x3FB2];
	_ =	sdelay $0x3  }
0x33: {  	p0 =	seq.s32 s10, $0x1;
	s10 =	sld [smem:$0x3FB4];
	_ =	sdelay $0x3  }
0x34: {  	[smem:$0x3FB4] =	sst s10  }
0x35: {  	s10 =	sld [smem:$0x3FB3];
	_ =	sdelay $0x3  }
0x36: {  	p1 =	seq.s32 s10, $0x1;
	s10 =	sld [smem:$0x3FB4];
	_ =	sdelay $0x3  }
0x37: {  	[smem:$0x3FB4] =	sst s10  }
0x38: {  	s10 =	sld [smem:$0x3FB5]  }
0x39: {  	_ = 	snop;
	(pc) =	sbr.ind lr, $3  }
0x3a: {  	_ = 	snop  }
0x3b: {  	_ = 	snop  }
0x3c: {  	p2 =	seq.s32 s10, $0x1;
	s10 =	sld [smem:$0x3FB4]  }
0x3d: {  	_ =	shalt  }
0x3e: {  	_ =	shalt  }
0x3f: {  	_ =	shalt  }
0x40: {  	_ =	shalt  }
0x41: {  	_ =	shalt  }
0x42: {  	_ =	shalt  }
0x43: {  	_ =	shalt  }
0x44: {  	_ =	shalt  }
0x45: {  	_ =	shalt  }
0x46: {  	_ =	shalt  }
0x47: {  	_ =	shalt  }
0x48: {  	_ =	shalt  }
0x49: {  	_ =	shalt  }
0x4a: {  	_ =	shalt  }
0x4b: {  	_ =	shalt  }
0x4c: {  	_ =	shalt  }
0x4d: {  	_ =	shalt  }
0x4e: {  	_ =	shalt  }
0x4f: {  	_ =	shalt  }
0x50: {  	_ =	shalt  }
0x51: {  	_ =	shalt  }
0x52: {  	_ =	shalt  }
0x53: {  	_ =	shalt  }
0x54: {  	_ =	shalt  }
0x55: {  	_ =	shalt  }
0x56: {  	_ =	shalt  }
0x57: {  	_ =	shalt  }
0x58: {  	_ =	shalt  }
0x59: {  	_ =	shalt  }
0x5a: {  	_ =	shalt  }
0x5b: {  	_ =	shalt  }
0x5c: {  	_ =	shalt  }
0x5d: {  	_ =	shalt  }
0x5e: {  	_ =	shalt  }
0x5f: {  	_ =	shalt  }
0x60: {  	_ =	shalt  }
0x61: {  	_ =	shalt  }
0x62: {  	_ =	shalt  }
0x63: {  	_ =	shalt  }
0x64: {  	_ =	shalt  }
0x65: {  	_ =	shalt  }
0x66: {  	_ =	shalt  }
0x67: {  	_ =	shalt  }
0x68: {  	_ =	shalt  }
0x69: {  	_ =	shalt  }
0x6a: {  	_ =	shalt  }
0x6b: {  	_ =	shalt  }
0x6c: {  	_ =	shalt  }
0x6d: {  	_ =	shalt  }
0x6e: {  	_ =	shalt  }
0x6f: {  	_ =	shalt  }
0x70: {  	_ =	shalt  }
0x71: {  	_ =	shalt  }
0x72: {  	_ =	shalt  }
0x73: {  	_ =	shalt  }
0x74: {  	_ =	shalt  }
0x75: {  	_ =	shalt  }
0x76: {  	_ =	shalt  }
0x77: {  	_ =	shalt  }
0x78: {  	_ =	shalt  }
0x79: {  	_ =	shalt  }
0x7a: {  	_ =	shalt  }
0x7b: {  	_ =	shalt  }
0x7c: {  	_ =	shalt  }
0x7d: {  	_ =	shalt  }
0x7e: {  	_ =	shalt  }
0x7f: {  	_ =	shalt  }
0x80: {  	_ =	shalt  }
0x81: {  	_ =	shalt  }
0x82: {  	_ =	shalt  }
0x83: {  	_ =	shalt  }
0x84: {  	_ =	shalt  }
0x85: {  	_ =	shalt  }
0x86: {  	_ =	shalt  }
0x87: {  	_ =	shalt  }
.Lfunc_end0:
.L_simem_size_0:
called_computation.2_lowered:
.L_overlay_start_0:
0x88: {  	s2 =	sld [smem:$0x3FD9]  }
0x89: {  	s3 =	sld [smem:$0x3FFE];
	_ =	sdelay $0x1  }
0x8a: {  	s1 =	srdreg.scid  }
0x8b: {  	s0 =	sand.u32 $0x1, s1  }
0x8c: {  	s17 =	sshll.u32 s0, $0xA;
	s2 =	sadd.s32 s3, s2  }
0x8d: {  	s2 =	sadd.s32 s2, s17  }
0x8e: {  	[smem:$0x3FC0] =	sst s2  }
0x8f: {  	_ = 	snop  }
0x90: {  	s2 =	sld [smem:$0x3FC8];
	(tm) =	ssettm $0x1  }
0x91: {  	s18 =	sld [smem:$0x3FFB];
	_ =	sdelay $0x3  }
0x92: {  	_ =	strace s18  }
0x93: {  	s3 =	sld [smem:$0x3FFC];
	_ =	sdelay $0x3  }
0x94: {  	_ =	strace s3  }
0x95: {  	s3 =	sld [smem:$0x3FFD];
	_ =	sdelay $0x3  }
0x96: {  	_ =	strace s3  }
0x97: {  	_ =	strace $0x8FFFFFFF  }
0x98: {  	s19 =	sld [smem:$0x3FDB];
	_ =	sdelay $0x1  }
0x99: {  	s4 =	simm.s32 $_scs_section_size  }
0x9a: {  	s5 =	simm.s32 $_size__tile_overlayer_lowered;
	s6 =	simm.s32 $_tile_overlayer_lowered  }
0x9b: {  	s22 =	simm.s32 $0x1BFF;
	s21 =	sshll.u32 s6, $0x1;
	s3 =	sadd.s32 s4, s19  }
0x9c: {  	s7 =	simm.s32 $0x0;
	s20 =	sshll.u32 s5, $0x1;
	s5 =	sadd.s32 s21, s3  }
0x9d: {  	[timem:s7], [sflag:s22] =	dma.local [hbm:s5], s20  }
0x9e: {  	_ =	swait.ge [sflag:s22], s20  }
0x9f: {  	s4 =	ssub.s32 $0x0, s20;
	[sflag:s22] =	ssyncset.done $0x0  }
0xa0: {  	[sflag:s22] =	ssyncadd.s32 s4;
	_ =	sdelay $0x1  }
0xa1: {  	s23 =	simm.s32 $0x1B8B  }
0xa2: {  	_ =	swait.ge [sflag:s23], $0x1  }
0xa3: {  	[sflag:s23] =	ssyncset.done $0x0  }
0xa4: {  	s25 =	simm.s32 $0x1B8E;
	s24 =	sld [smem:$0x3FFE];
	[sflag:s23] =	ssyncadd.s32 $0xFFFFFFFF  }
0xa5: {  	s26 =	simm.s32 $execute0_lowered;
	[smem:$0x3FD2] =	sst s25  }
0xa6: {  	s5 =	sshll.u32 s26, $0x1;
	_ =	strace $0x8000004C;
	[dreg:$0x1] =	wrdreg $0xFFFFFFFF  }
0xa7: {  	s28 =	simm.s32 $_size_execute0_lowered;
	s3 =	sadd.s32 s3, s5;
	[dreg:$0x0] =	wrdreg $0x0  }
0xa8: {  	s5 =	sshll.u32 s28, $0x1;
	[dreg:$0x2] =	wrdreg s3  }
0xa9: {  	[dreg:$0x3] =	wrdreg s5  }
0xaa: {  	[dreg:$0x4] =	wrdreg $0xC0  }
0xab: {  	_ =	task [dreg:s7], $0x5FFFF  }
0xac: {  	[dreg:$0x1] =	wrdreg $0xFFFFFFFF  }
0xad: {  	[dreg:$0x0] =	wrdreg $0x60  }
0xae: {  	[dreg:$0x2] =	wrdreg s24  }
0xaf: {  	[dreg:$0x3] =	wrdreg s2  }
0xb0: {  	[dreg:$0x4] =	wrdreg $0xAC000  }
0xb1: {  	[dreg:$0x5] =	wrdreg $0x9  }
0xb2: {  	_ =	task.clear_ibuf [dreg:s7], $0x6FFFF;
	_ =	strace $0x9000004C  }
0xb3: {  	s29 =	simm.s32 $0x9;
	_ =	strace $0x8000004E  }
0xb4: {  	_ =	swait.ge [sflag:s29], $0x1  }
0xb5: {  	[sflag:s29] =	ssyncadd.s32 $0xFFFFFFFF  }
0xb6: {  	_ =	strace $0x9000004E  }
0xb7: {  	_ =	sfence  }
0xb8: {  	s30 =	sld [smem:$0x0];
	_ =	sdelay $0x2  }
0xb9: {  	s31 =	sshll.u32 s1, $0xD;
	s1 =	sshrl.u32 s1, $0x2  }
0xba: {  	s3 =	sand.u32 $0x4000, s31;
	s1 =	sadd.s32 s1, s30  }
0xbb: {  	s0 =	sor.u32 s3, s0;
	s1 =	sshll.u32 s1, $0x11  }
0xbc: {  	s0 =	sor.u32 s1, s0  }
0xbd: {  	s0 =	sadd.s32 $0x8F2B, s0  }
0xbe: {  	[sflag:s0] =	ssyncadd.remote.s32 $0x1  }
0xbf: {  	_ =	sfence.sel $0xFFFF  }
0xc0: {  	[dreg:$0x0] =	wrdreg $0xFFFFFFFF;
	(pc) =	sbr.abs _section_cstart, $3  }
0xc1: {  	[dreg:$0x1] =	wrdreg $0xFFFFFFFF  }
0xc2: {  	_ =	task.clear_ibuf [dreg:s7], $0x2FFFF;
	_ =	strace $0x9FFFFFFF  }
0xc3: {  	(tm) =	ssettm $0x7FFFFFFF  }
tec
execute0_lowered:
.L_overlay_start_1:
0x0: {  	(tag) =	ssettag $0x1  }
0x1: {  	s0 =	rddreg [dreg:$0x0]  }
0x2: {  	s1 =	srdreg.scid;
	s11 =	rddreg [dreg:$0x1]  }
0x3: {  	s9 =	stileid.u32;
	s3 =	rddreg [dreg:$0x2];
	s4 =	simm.s32 $0x0  }
0x4: {  	s13 =	simm.s32 $0x1E00;
	s28 =	simm.s32 $0xC;
	s29 =	simm.s32 $0x5  }
0x5: {  	s30 =	simm.s32 $0xD;
	s31 =	simm.s32 $0x6;
	s6 =	smul.u32 $0x50000, s9  }
0x6: {  	s2 =	sand.u32 $0x1, s1;
	s5 =	smul.u32 $0x14000, s9;
	[smem:$0x7FF] =	sst s4  }
0x7: {  	s1 =	smul.u32 $0x140000, s2;
	_ =	strace $0x8000004D;
	s6 =	sshrl.u32 s6, $0x2  }
0x8: {  	s21 =	ssub.s32 $0x2, s2;
	s8 =	sshll.u32 s2, $0x4;
	s14 =	sadd.s32 s6, s3  }
0x9: {  	s2 =	smul.u32 $0x28000, s2;
	s6 =	sadd.s32 $0x1000, s14;
	[dreg:$0x11] =	wrdreg s14  }
0xa: {  	s7 =	sshrl.u32 s21, $0x1;
	s22 =	sadd.s32 $0x2000, s14;
	[dreg:$0x12] =	wrdreg s6  }
0xb: {  	s1 =	sadd.s32 s5, s1;
	s23 =	sadd.s32 $0x3000, s14;
	[dreg:$0x13] =	wrdreg s22  }
0xc: {  	s5 =	sadd.s32 $0x2800, s0;
	s24 =	sadd.s32 $0x4000, s14;
	[dreg:$0x14] =	wrdreg s23  }
0xd: {  	s1 =	sshrl.u32 s1, $0x3;
	s25 =	sadd.s32 $0x5000, s14;
	[dreg:$0x15] =	wrdreg s24  }
0xe: {  	s10 =	sadd.s32 $0x6000, s14;
	s20 =	sadd.s32 $0x7000, s14;
	[dreg:$0x16] =	wrdreg s25  }
0xf: {  	s0 =	sadd.s32 s1, s0;
	s1 =	ssub.s32 s21, s7;
	[dreg:$0x17] =	wrdreg s10  }
0x10: {  	s7 =	sor.u32 s9, s8;
	[dreg:$0x18] =	wrdreg s20;
	s22 =	sadd.s32 $0x8000, s14  }
0x11: {  	s8 =	simm.s32 $0x2800;
	s24 =	sadd.s32 $0x9000, s14;
	[dreg:$0x19] =	wrdreg s22  }
0x12: {  	s9 =	smul.u32 $0x2800, s9;
	s25 =	sadd.s32 $0xA000, s14;
	[dreg:$0x1a] =	wrdreg s24  }
0x13: {  	s26 =	smul.u32 $0x2800, s7;
	[dreg:$0x1b] =	wrdreg s25;
	s0 =	sadd.s32 $0x2A800, s0  }
0x14: {  	p0 =	seq.s32 s7, $0x1F;
	s20 =	smax.u32 s1, $0x1;
	[smem:$0x7F7] =	sst s0  }
0x15: {  	s7 =	smul.u32 $0xA00, s7;
	s22 =	sadd.s32 $0x10000, s14;
	[smem:$0x7F8] =	sst s20  }
0x16: {  	s24 =	sadd.s32 $0x12000, s14;
	s8 =	simm.s32 @!p0 $0xA000;
	[smem:$0x7FA] =	sst s22  }
0x17: {  	s2 =	sadd.s32 s9, s2;
	s13 =	simm.s32 @!p0 $0x0;
	[smem:$0x7FC] =	sst s24  }
0x18: {  	s6 =	sshrl.u32 s26, $0x2;
	[dreg:$0x6] =	wrdreg s8;
	s15 =	sor.u32 $0x80, s13  }
0x19: {  	s10 =	sor.u32 $0x40, s2;
	s26 =	simm.s32 $0x2880;
	[dreg:$0x5] =	wrdreg s15  }
0x1a: {  	s19 =	sshrl.u32 s10, $0x2;
	[dreg:$0xd] =	wrdreg s26;
	s10 =	simm.s32 $0x3C00  }
0x1b: {  	s9 =	sor.u32 $0x80, s2;
	s15 =	sadd.s32 $0xC000, s14;
	[dreg:$0xe] =	wrdreg s10  }
0x1c: {  	s6 =	sadd.s32 s6, s11;
	s26 =	sadd.s32 $0x13000, s14;
	[dreg:$0x1d] =	wrdreg s15  }
0x1d: {  	s9 =	sshrl.u32 s9, $0x2;
	s6 =	sadd.s32 $0x30, s6;
	[smem:$0x7FD] =	sst s26  }
0x1e: {  	s1 =	simm.s32 $0x7;
	s17 =	sor.u32 $0x14, s9;
	[dreg:$0x4] =	wrdreg s6  }
0x1f: {  	s20 =	simm.s32 $0x2900;
	s18 =	sor.u32 $0x10, s9;
	[dreg:$0x8] =	wrdreg s17  }
0x20: {  	s12 =	sor.u32 $0xC0, s2;
	s21 =	sor.u32 $0xC, s19;
	[dreg:$0x9] =	wrdreg s18  }
0x21: {  	s7 =	simm.s32 @p0 $0x12E80;
	s23 =	sor.u32 $0x8, s19;
	[dreg:$0xa] =	wrdreg s21  }
0x22: {  	s25 =	sshrl.u32 s2, $0x2;
	s9 =	sadd.s32 $0xB000, s14;
	[dreg:$0xb] =	wrdreg s23  }
0x23: {  	s2 =	simm.s32 $0x19;
	s19 =	sadd.s32 s11, s7;
	[dreg:$0x1c] =	wrdreg s9  }
0x24: {  	s6 =	sshrl.u32 s12, $0x2;
	s12 =	simm.s32 $0x2A00;
	[smem:$0x7F6] =	sst s19  }
0x25: {  	s8 =	simm.s32 $0xF;
	s17 =	sadd.s32 $0xD000, s14;
	[dreg:$0xf] =	wrdreg s12  }
0x26: {  	s7 =	simm.s32 $0x20;
	s18 =	sadd.s32 $0xE000, s14;
	[dreg:$0x1e] =	wrdreg s17  }
0x27: {  	s26 =	simm.s32 $0x4;
	s21 =	sadd.s32 $0xF000, s14;
	[dreg:$0x1f] =	wrdreg s18  }
0x28: {  	s10 =	simm.s32 $0x10;
	s23 =	sadd.s32 $0x11000, s14;
	[smem:$0x7F9] =	sst s21  }
0x29: {  	s11 =	simm.s32 $0x0;
	s16 =	sor.u32 $0x8, s6;
	[smem:$0x7FB] =	sst s23  }
0x2a: {  	s9 =	simm.s32 $0x8;
	s6 =	sor.u32 $0xC, s6;
	[dreg:$0x7] =	wrdreg s16  }
0x2b: {  	s17 =	simm.s32 $0x2C00;
	[dreg:$0xc] =	wrdreg s6;
	s16 =	simm.s32 $0x6C00  }
0x2c: {  	v0 =	vimm.f32 $0.0e+00;
	s6 =	simm.s32 $0xE;
	[dreg:$0x10] =	wrdreg s16;
	s16 =	simm.s32 $0x2800  }
.LBB2_1:
0x2d: {  	[smem:$0x7F5] =	sst s11;
	s11 =	simm.s32 $0x0;
	s12 =	simm.s32 $0x200  }
.LBB2_2:
0x2e: {  	p0 =	sne.s32 s12, $0x3E00;
	[tilespmem:s11+$0x2C70] =	vst v0  }
0x2f: {  	[tilespmem:s11+$0x2C00] =	vst v0  }
0x30: {  	[tilespmem:s11+$0x2C10] =	vst v0  }
.Ltmp0:
0x31: {  	[tilespmem:s11+$0x2C20] =	vst v0;
	(pc) =	sbr.rel @p0 .LBB2_2-.Ltmp0, $4  }
0x32: {  	[tilespmem:s11+$0x2C30] =	vst v0  }
0x33: {  	[tilespmem:s11+$0x2C40] =	vst v0  }
0x34: {  	[tilespmem:s11+$0x2C50] =	vst v0  }
0x35: {  	[tilespmem:s11+$0x2C60] =	vst v0;
	s11 =	sshra.s32 s12, $0x2;
	s12 =	sadd.s32 $0x200, s12  }
0x36: {  	[tilespmem:s11+$0x2C70] =	vst v0  }
0x37: {  	[tilespmem:s11+$0x2C00] =	vst v0  }
0x38: {  	[tilespmem:s11+$0x2C10] =	vst v0  }
0x39: {  	[tilespmem:s11+$0x2C20] =	vst v0  }
0x3a: {  	[tilespmem:s11+$0x2C30] =	vst v0  }
0x3b: {  	[tilespmem:s11+$0x2C40] =	vst v0  }
0x3c: {  	[tilespmem:s11+$0x2C50] =	vst v0  }
0x3d: {  	[tilespmem:s11+$0x2C60] =	vst v0  }
0x3e: {  	[spmem:s14] =	stream.linear.scatter [tilespmem:s17], [sflag:$0x19], $0x1000, $0x38;
	[tilespmem:$0x1EC00] =	vst v63  }
0x3f: {  	_ =	swait.ge [sflag:s2], $0x1000  }
0x40: {  	[sflag:s2] =	ssyncset.done $0x0  }
0x41: {  	s0 =	rddreg [dreg:$0x12];
	[sflag:s2] =	ssyncadd.s32 $0xFFFFF000  }
0x42: {  	[spmem:s0] =	stream.linear.scatter [tilespmem:s17], [sflag:$0x19], $0x1000, $0x38;
	[tilespmem:$0x1EC00] =	vst v63  }
0x43: {  	_ =	swait.ge [sflag:s2], $0x1000  }
0x44: {  	[sflag:s2] =	ssyncset.done $0x0  }
0x45: {  	s11 =	rddreg [dreg:$0x13];
	[sflag:s2] =	ssyncadd.s32 $0xFFFFF000  }
0x46: {  	[spmem:s11] =	stream.linear.scatter [tilespmem:s17], [sflag:$0x19], $0x1000, $0x38;
	[tilespmem:$0x1EC00] =	vst v63  }
0x47: {  	_ =	swait.ge [sflag:s2], $0x1000  }
0x48: {  	[sflag:s2] =	ssyncset.done $0x0  }
0x49: {  	s12 =	rddreg [dreg:$0x14];
	[sflag:s2] =	ssyncadd.s32 $0xFFFFF000  }
0x4a: {  	[spmem:s12] =	stream.linear.scatter [tilespmem:s17], [sflag:$0x19], $0x1000, $0x38;
	[tilespmem:$0x1EC00] =	vst v63  }
0x4b: {  	_ =	swait.ge [sflag:s2], $0x1000  }
0x4c: {  	[sflag:s2] =	ssyncset.done $0x0  }
0x4d: {  	s14 =	rddreg [dreg:$0x15];
	[sflag:s2] =	ssyncadd.s32 $0xFFFFF000  }
0x4e: {  	[spmem:s14] =	stream.linear.scatter [tilespmem:s17], [sflag:$0x19], $0x1000, $0x38;
	[tilespmem:$0x1EC00] =	vst v63  }
0x4f: {  	_ =	swait.ge [sflag:s2], $0x1000  }
0x50: {  	[sflag:s2] =	ssyncset.done $0x0  }
0x51: {  	s15 =	rddreg [dreg:$0x16];
	[sflag:s2] =	ssyncadd.s32 $0xFFFFF000  }
0x52: {  	[spmem:s15] =	stream.linear.scatter [tilespmem:s17], [sflag:$0x19], $0x1000, $0x38;
	[tilespmem:$0x1EC00] =	vst v63  }
0x53: {  	_ =	swait.ge [sflag:s2], $0x1000  }
0x54: {  	[sflag:s2] =	ssyncset.done $0x0  }
0x55: {  	s18 =	rddreg [dreg:$0x17];
	[sflag:s2] =	ssyncadd.s32 $0xFFFFF000  }
0x56: {  	[spmem:s18] =	stream.linear.scatter [tilespmem:s17], [sflag:$0x19], $0x1000, $0x38;
	[tilespmem:$0x1EC00] =	vst v63  }
0x57: {  	_ =	swait.ge [sflag:s2], $0x1000  }
0x58: {  	[sflag:s2] =	ssyncset.done $0x0  }
0x59: {  	s19 =	rddreg [dreg:$0x18];
	[sflag:s2] =	ssyncadd.s32 $0xFFFFF000  }
0x5a: {  	[spmem:s19] =	stream.linear.scatter [tilespmem:s17], [sflag:$0x19], $0x1000, $0x38;
	[tilespmem:$0x1EC00] =	vst v63  }
0x5b: {  	_ =	swait.ge [sflag:s2], $0x1000  }
0x5c: {  	[sflag:s2] =	ssyncset.done $0x0  }
0x5d: {  	s21 =	rddreg [dreg:$0x19];
	[sflag:s2] =	ssyncadd.s32 $0xFFFFF000  }
0x5e: {  	[spmem:s21] =	stream.linear.scatter [tilespmem:s17], [sflag:$0x19], $0x1000, $0x38;
	[tilespmem:$0x1EC00] =	vst v63  }
0x5f: {  	_ =	swait.ge [sflag:s2], $0x1000  }
0x60: {  	[sflag:s2] =	ssyncset.done $0x0  }
0x61: {  	s22 =	rddreg [dreg:$0x1a];
	[sflag:s2] =	ssyncadd.s32 $0xFFFFF000  }
0x62: {  	[spmem:s22] =	stream.linear.scatter [tilespmem:s17], [sflag:$0x19], $0x1000, $0x38;
	[tilespmem:$0x1EC00] =	vst v63  }
0x63: {  	_ =	swait.ge [sflag:s2], $0x1000  }
0x64: {  	[sflag:s2] =	ssyncset.done $0x0  }
0x65: {  	s23 =	rddreg [dreg:$0x1b];
	[sflag:s2] =	ssyncadd.s32 $0xFFFFF000  }
0x66: {  	[spmem:s23] =	stream.linear.scatter [tilespmem:s17], [sflag:$0x19], $0x1000, $0x38;
	[tilespmem:$0x1EC00] =	vst v63  }
0x67: {  	_ =	swait.ge [sflag:s2], $0x1000  }
0x68: {  	[sflag:s2] =	ssyncset.done $0x0  }
0x69: {  	s24 =	rddreg [dreg:$0x1c];
	[sflag:s2] =	ssyncadd.s32 $0xFFFFF000  }
0x6a: {  	[spmem:s24] =	stream.linear.scatter [tilespmem:s17], [sflag:$0x19], $0x1000, $0x38;
	[tilespmem:$0x1EC00] =	vst v63  }
0x6b: {  	_ =	swait.ge [sflag:s2], $0x1000  }
0x6c: {  	[sflag:s2] =	ssyncset.done $0x0  }
0x6d: {  	s11 =	rddreg [dreg:$0x1d];
	[sflag:s2] =	ssyncadd.s32 $0xFFFFF000  }
0x6e: {  	[spmem:s11] =	stream.linear.scatter [tilespmem:s17], [sflag:$0x19], $0x1000, $0x38;
	[tilespmem:$0x1EC00] =	vst v63  }
0x6f: {  	_ =	swait.ge [sflag:s2], $0x1000  }
0x70: {  	[sflag:s2] =	ssyncset.done $0x0  }
0x71: {  	s12 =	rddreg [dreg:$0x1e];
	[sflag:s2] =	ssyncadd.s32 $0xFFFFF000  }
0x72: {  	[spmem:s12] =	stream.linear.scatter [tilespmem:s17], [sflag:$0x19], $0x1000, $0x38;
	[tilespmem:$0x1EC00] =	vst v63  }
0x73: {  	_ =	swait.ge [sflag:s2], $0x1000  }
0x74: {  	[sflag:s2] =	ssyncset.done $0x0  }
0x75: {  	s14 =	rddreg [dreg:$0x1f];
	[sflag:s2] =	ssyncadd.s32 $0xFFFFF000  }
0x76: {  	[spmem:s14] =	stream.linear.scatter [tilespmem:s17], [sflag:$0x19], $0x1000, $0x38;
	[tilespmem:$0x1EC00] =	vst v63  }
0x77: {  	_ =	swait.ge [sflag:s2], $0x1000  }
0x78: {  	s15 =	sld [smem:$0x7F9]  }
0x79: {  	[sflag:s2] =	ssyncset.done $0x0  }
0x7a: {  	[sflag:s2] =	ssyncadd.s32 $0xFFFFF000  }
0x7b: {  	[spmem:s15] =	stream.linear.scatter [tilespmem:s17], [sflag:$0x19], $0x1000, $0x38;
	[tilespmem:$0x1EC00] =	vst v63  }
0x7c: {  	_ =	swait.ge [sflag:s2], $0x1000  }
0x7d: {  	s18 =	sld [smem:$0x7FA]  }
0x7e: {  	[sflag:s2] =	ssyncset.done $0x0  }
0x7f: {  	[sflag:s2] =	ssyncadd.s32 $0xFFFFF000  }
0x80: {  	[spmem:s18] =	stream.linear.scatter [tilespmem:s17], [sflag:$0x19], $0x1000, $0x38;
	[tilespmem:$0x1EC00] =	vst v63  }
0x81: {  	_ =	swait.ge [sflag:s2], $0x1000  }
0x82: {  	s19 =	sld [smem:$0x7FB]  }
0x83: {  	[sflag:s2] =	ssyncset.done $0x0  }
0x84: {  	[sflag:s2] =	ssyncadd.s32 $0xFFFFF000  }
0x85: {  	[spmem:s19] =	stream.linear.scatter [tilespmem:s17], [sflag:$0x19], $0x1000, $0x38;
	[tilespmem:$0x1EC00] =	vst v63  }
0x86: {  	_ =	swait.ge [sflag:s2], $0x1000  }
0x87: {  	s21 =	sld [smem:$0x7FC]  }
0x88: {  	[sflag:s2] =	ssyncset.done $0x0  }
0x89: {  	[sflag:s2] =	ssyncadd.s32 $0xFFFFF000  }
0x8a: {  	[spmem:s21] =	stream.linear.scatter [tilespmem:s17], [sflag:$0x19], $0x1000, $0x38;
	[tilespmem:$0x1EC00] =	vst v63  }
0x8b: {  	_ =	swait.ge [sflag:s2], $0x1000  }
0x8c: {  	s22 =	sld [smem:$0x7FD]  }
0x8d: {  	[sflag:s2] =	ssyncset.done $0x0  }
0x8e: {  	[sflag:s2] =	ssyncadd.s32 $0xFFFFF000  }
0x8f: {  	[spmem:s22] =	stream.linear.scatter [tilespmem:s17], [sflag:$0x19], $0x1000, $0x38;
	[tilespmem:$0x1EC00] =	vst v63  }
0x90: {  	_ =	swait.ge [sflag:s2], $0x1000  }
0x91: {  	[sflag:s2] =	ssyncset.done $0x0  }
0x92: {  	[sflag:s2] =	ssyncadd.s32 $0xFFFFF000  }
0x93: {  	[bflag:$0x0] =	sbarrier.arrive $0xFFFF  }
0x94: {  	s23 =	sld [smem:$0x7F6];
	_ =	sdelay $0x1  }
0x95: {  	s24 =	simm.s32 $0x100;
	s11 =	simm.s32 $0x0;
	s12 =	simm.s32 $0x80  }
0x96: {  	[tilespmem:s11], [sflag:$0x19] =	stream.strided.gather [hbm4b:s23+s12], $0x2800, s24, s12, $0x38;
	[tilespmem:$0x1EC00] =	vst v63  }
0x97: {  	_ =	swait.ge [sflag:s2], $0x2800  }
0x98: {  	[sflag:s2] =	ssyncset.done $0x0  }
0x99: {  	[sflag:s2] =	ssyncadd.s32 $0xFFFFD800  }
0x9a: {  	s12 =	rddreg [dreg:$0x1]  }
.LBB2_4:
0x9b: {  	p0 =	seq.s32 s11, $0x0  }
0x9c: {  	s14 =	simm.s32 @!p0 $0x11  }
0x9d: {  	_ =	swait.ge @!p0 [sflag:s14], $0x1000  }
0x9e: {  	s15 =	sadd.s32 s12, s25;
	[sflag:s14] =	ssyncset.done @!p0 $0x0  }
0x9f: {  	s18 =	sshra.s32 s11, $0x2;
	s15 =	sadd.s32 $0x10, s15;
	[sflag:s14] =	ssyncadd.s32 @!p0 $0xFFFFF000  }
0xa0: {  	[tilespmem:s16], [sflag:$0x1] =	stream.linear.gather [hbm4b:s15+s4], $0x20, $0x38;
	[tilespmem:$0x1EC00] =	vst v63  }
0xa1: {  	s14 =	sadd.s32 s18, s13;
	s15 =	sadd.s32 @p0 s12, s25  }
0xa2: {  	[tilespmem:s17], [sflag:$0x9] =	stream.indirect.gather [hbm4b:s5+s7], $0x80, s14, s7, $0xb8;
	[tilespmem:$0x1EC00] =	vst v63  }
0xa3: {  	s0 =	simm.s32 @p0 $0x2880;
	s16 =	simm.s32 @p0 $0x0;
	s15 =	sadd.s32 @p0 $0x14, s15  }
0xa4: {  	[tilespmem:s0], [sflag:$0x2] =	stream.linear.gather @p0 [hbm4b:s15+s16], $0x20, $0x38;
	[tilespmem:$0x1EC00] =	vst v63  }
0xa5: {  	s0 =	sshra.s32 @p0 s11, $0x2  }
0xa6: {  	s0 =	sadd.s32 @p0 s0, s13  }
0xa7: {  	s17 =	simm.s32 @p0 $0x3C00;
	s15 =	simm.s32 @p0 $0x20;
	s0 =	sadd.s32 @p0 $0x20, s0  }
0xa8: {  	[tilespmem:s17], [sflag:$0xA] =	stream.indirect.gather @p0 [hbm4b:s5+s15], $0x80, s0, s15, $0xb8;
	[tilespmem:$0x1EC00] =	vst v63  }
0xa9: {  	s0 =	simm.s32 @!p0 $0x12  }
0xaa: {  	_ =	swait.ge @!p0 [sflag:s0], $0x1000  }
0xab: {  	[sflag:s0] =	ssyncset.done @!p0 $0x0  }
0xac: {  	[sflag:s0] =	ssyncadd.s32 @!p0 $0xFFFFF000;
	s0 =	sadd.s32 @!p0 s12, s25  }
0xad: {  	s18 =	simm.s32 @!p0 $0x2880;
	s17 =	simm.s32 @!p0 $0x0;
	s0 =	sadd.s32 @!p0 $0x14, s0  }
0xae: {  	[tilespmem:s18], [sflag:$0x2] =	stream.linear.gather @!p0 [hbm4b:s0+s17], $0x20, $0x38;
	[tilespmem:$0x1EC00] =	vst v63  }
0xaf: {  	s0 =	sshra.s32 @!p0 s11, $0x2  }
0xb0: {  	s0 =	sadd.s32 @!p0 s0, s13  }
0xb1: {  	s2 =	simm.s32 @!p0 $0x20;
	s19 =	simm.s32 @!p0 $0x3C00;
	s18 =	sadd.s32 @!p0 $0x20, s0  }
0xb2: {  	[tilespmem:s19], [sflag:$0xA] =	stream.indirect.gather @!p0 [hbm4b:s5+s2], $0x80, s18, s2, $0xb8;
	[tilespmem:$0x1EC00] =	vst v63  }
0xb3: {  	s18 =	simm.s32 @!p0 $0x13  }
0xb4: {  	_ =	swait.ge @!p0 [sflag:s18], $0x1000  }
0xb5: {  	s19 =	rddreg [dreg:$0xb];
	[sflag:s18] =	ssyncset.done @!p0 $0x0  }
0xb6: {  	[sflag:s18] =	ssyncadd.s32 @!p0 $0xFFFFF000;
	s19 =	sadd.s32 s12, s19  }
0xb7: {  	[tilespmem:s20], [sflag:$0x3] =	stream.linear.gather [hbm4b:s19+s4], $0x20, $0x38;
	[tilespmem:$0x1EC00] =	vst v63  }
0xb8: {  	s21 =	simm.s32 $0x4C00;
	s18 =	simm.s32 @!p0 $0x14;
	s19 =	sadd.s32 $0x40, s14  }
0xb9: {  	[tilespmem:s21], [sflag:$0xB] =	stream.indirect.gather [hbm4b:s5+s7], $0x80, s19, s7, $0xb8;
	[tilespmem:$0x1EC00] =	vst v63  }
0xba: {  	_ =	swait.ge @!p0 [sflag:s18], $0x1000  }
0xbb: {  	s20 =	rddreg [dreg:$0xa];
	[sflag:s18] =	ssyncset.done @!p0 $0x0  }
0xbc: {  	s21 =	simm.s32 $0x2980;
	[sflag:s18] =	ssyncadd.s32 @!p0 $0xFFFFF000;
	s19 =	sadd.s32 s12, s20  }
0xbd: {  	[tilespmem:s21], [sflag:$0x4] =	stream.linear.gather [hbm4b:s19+s4], $0x20, $0x38;
	[tilespmem:$0x1EC00] =	vst v63  }
0xbe: {  	s22 =	simm.s32 $0x5C00;
	s20 =	sadd.s32 $0x60, s14  }
0xbf: {  	[tilespmem:s22], [sflag:$0xC] =	stream.indirect.gather [hbm4b:s5+s7], $0x80, s20, s7, $0xb8;
	[tilespmem:$0x1EC00] =	vst v63  }
0xc0: {  	s18 =	simm.s32 @p0 $0x2A00;
	s19 =	rddreg [dreg:$0x4]  }
0xc1: {  	[tilespmem:s18], [sflag:$0x5] =	stream.linear.gather @p0 [hbm4b:s19+s16], $0x20, $0x38;
	[tilespmem:$0x1EC00] =	vst v63  }
0xc2: {  	s20 =	rddreg [dreg:$0x5];
	s16 =	simm.s32 @p0 $0x6C00  }
0xc3: {  	[tilespmem:s16], [sflag:$0xD] =	stream.indirect.gather @p0 [hbm4b:s5+s15], $0x80, s20, s15, $0xb8;
	[tilespmem:$0x1EC00] =	vst v63  }
0xc4: {  	s15 =	simm.s32 @!p0 $0x15  }
0xc5: {  	_ =	swait.ge @!p0 [sflag:s15], $0x1000  }
0xc6: {  	s16 =	rddreg [dreg:$0x9];
	[sflag:s15] =	ssyncset.done @!p0 $0x0  }
0xc7: {  	[sflag:s15] =	ssyncadd.s32 @!p0 $0xFFFFF000;
	s15 =	sadd.s32 @!p0 s12, s16;
	s16 =	simm.s32 @!p0 $0x2A00  }
0xc8: {  	[tilespmem:s16], [sflag:$0x5] =	stream.linear.gather @!p0 [hbm4b:s15+s17], $0x20, $0x38;
	[tilespmem:$0x1EC00] =	vst v63  }
0xc9: {  	s0 =	sadd.s32 @!p0 $0x80, s0;
	s15 =	simm.s32 @!p0 $0x6C00  }
0xca: {  	[tilespmem:s15], [sflag:$0xD] =	stream.indirect.gather @!p0 [hbm4b:s5+s2], $0x80, s0, s2, $0xb8;
	[tilespmem:$0x1EC00] =	vst v63  }
0xcb: {  	s0 =	simm.s32 @!p0 $0x16  }
0xcc: {  	_ =	swait.ge @!p0 [sflag:s0], $0x1000  }
0xcd: {  	s2 =	rddreg [dreg:$0x8];
	[sflag:s0] =	ssyncset.done @!p0 $0x0  }
0xce: {  	s18 =	simm.s32 $0x2A80;
	[sflag:s0] =	ssyncadd.s32 @!p0 $0xFFFFF000;
	s2 =	sadd.s32 s12, s2  }
0xcf: {  	[tilespmem:s18], [sflag:$0x6] =	stream.linear.gather [hbm4b:s2+s4], $0x20, $0x38;
	[tilespmem:$0x1EC00] =	vst v63  }
0xd0: {  	s19 =	simm.s32 $0x7C00;
	s0 =	simm.s32 @!p0 $0x17;
	s2 =	sadd.s32 $0xA0, s14  }
0xd1: {  	[tilespmem:s19], [sflag:$0xE] =	stream.indirect.gather [hbm4b:s5+s7], $0x80, s2, s7, $0xb8;
	[tilespmem:$0x1EC00] =	vst v63  }
0xd2: {  	_ =	swait.ge @!p0 [sflag:s0], $0x1000  }
0xd3: {  	s2 =	rddreg [dreg:$0x7];
	[sflag:s0] =	ssyncset.done @!p0 $0x0  }
0xd4: {  	s22 =	simm.s32 $0x2B00;
	[sflag:s0] =	ssyncadd.s32 @!p0 $0xFFFFF000;
	s2 =	sadd.s32 s12, s2  }
0xd5: {  	[tilespmem:s22], [sflag:$0x7] =	stream.linear.gather [hbm4b:s2+s4], $0x20, $0x38;
	[tilespmem:$0x1EC00] =	vst v63  }
0xd6: {  	s23 =	simm.s32 $0x8C00;
	s0 =	simm.s32 @!p0 $0x18;
	s2 =	sadd.s32 $0xC0, s14  }
0xd7: {  	[tilespmem:s23], [sflag:$0xF] =	stream.indirect.gather [hbm4b:s5+s7], $0x80, s2, s7, $0xb8;
	[tilespmem:$0x1EC00] =	vst v63  }
0xd8: {  	_ =	swait.ge @!p0 [sflag:s0], $0x1000  }
0xd9: {  	s2 =	rddreg [dreg:$0xc];
	[sflag:s0] =	ssyncset.done @!p0 $0x0  }
0xda: {  	s23 =	simm.s32 $0x2B80;
	[sflag:s0] =	ssyncadd.s32 @!p0 $0xFFFFF000;
	s2 =	sadd.s32 s12, s2  }
0xdb: {  	[tilespmem:s23], [sflag:$0x8] =	stream.linear.gather [hbm4b:s2+s4], $0x20, $0x38;
	[tilespmem:$0x1EC00] =	vst v63  }
0xdc: {  	s24 =	simm.s32 $0x9C00;
	s14 =	sadd.s32 $0xE0, s14;
	s0 =	simm.s32 $0x1  }
0xdd: {  	[tilespmem:s24], [sflag:$0x10] =	stream.indirect.gather [hbm4b:s5+s7], $0x80, s14, s7, $0xb8;
	[tilespmem:$0x1EC00] =	vst v63  }
0xde: {  	_ =	swait.ge [sflag:s0], $0x20  }
0xdf: {  	[sflag:s0] =	ssyncset.done $0x0  }
0xe0: {  	s2 =	simm.s32 $0x9;
	[sflag:s0] =	ssyncadd.s32 $0xFFFFFFE0  }
0xe1: {  	_ =	swait.ge [sflag:s2], $0x1000  }
0xe2: {  	s17 =	simm.s32 $0x2C00;
	[sflag:s2] =	ssyncset.done $0x0  }
0xe3: {  	s16 =	simm.s32 $0x2800;
	s14 =	simm.s32 $0x2;
	[sflag:s2] =	ssyncadd.s32 $0xFFFFF000  }
0xe4: {  	[spmem:s3] =	stream.indirect.scatter.add.f32 [tilespmem:s17], [sflag:$0x11], $0x80, s16, s7, $0xb8;
	[tilespmem:$0x1EC00] =	vst v63  }
0xe5: {  	_ =	swait.ge [sflag:s14], $0x20  }
0xe6: {  	[sflag:s14] =	ssyncset.done $0x0  }
0xe7: {  	s24 =	simm.s32 $0xA;
	[sflag:s14] =	ssyncadd.s32 $0xFFFFFFE0  }
0xe8: {  	_ =	swait.ge [sflag:s24], $0x1000  }
0xe9: {  	s0 =	rddreg [dreg:$0xd];
	[sflag:s24] =	ssyncset.done $0x0  }
0xea: {  	s14 =	simm.s32 $0x3;
	s2 =	rddreg [dreg:$0xe];
	[sflag:s24] =	ssyncadd.s32 $0xFFFFF000  }
0xeb: {  	[spmem:s3] =	stream.indirect.scatter.add.f32 [tilespmem:s2], [sflag:$0x12], $0x80, s0, s7, $0xb8;
	[tilespmem:$0x1EC00] =	vst v63  }
0xec: {  	_ =	swait.ge [sflag:s14], $0x20  }
0xed: {  	[sflag:s14] =	ssyncset.done $0x0  }
0xee: {  	s24 =	simm.s32 $0xB;
	[sflag:s14] =	ssyncadd.s32 $0xFFFFFFE0  }
0xef: {  	_ =	swait.ge [sflag:s24], $0x1000  }
0xf0: {  	[sflag:s24] =	ssyncset.done $0x0  }
0xf1: {  	s20 =	simm.s32 $0x2900;
	s15 =	simm.s32 $0x4C00;
	[sflag:s24] =	ssyncadd.s32 $0xFFFFF000  }
0xf2: {  	[spmem:s3] =	stream.indirect.scatter.add.f32 [tilespmem:s15], [sflag:$0x13], $0x80, s20, s7, $0xb8;
	[tilespmem:$0x1EC00] =	vst v63  }
0xf3: {  	_ =	swait.ge [sflag:s26], $0x20  }
0xf4: {  	[sflag:s26] =	ssyncset.done $0x0  }
0xf5: {  	[sflag:s26] =	ssyncadd.s32 $0xFFFFFFE0  }
0xf6: {  	_ =	swait.ge [sflag:s28], $0x1000  }
0xf7: {  	[sflag:s28] =	ssyncset.done $0x0  }
0xf8: {  	s24 =	simm.s32 $0x5C00;
	[sflag:s28] =	ssyncadd.s32 $0xFFFFF000  }
0xf9: {  	[spmem:s3] =	stream.indirect.scatter.add.f32 [tilespmem:s24], [sflag:$0x14], $0x80, s21, s7, $0xb8;
	[tilespmem:$0x1EC00] =	vst v63  }
0xfa: {  	_ =	swait.ge [sflag:s29], $0x20  }
0xfb: {  	[sflag:s29] =	ssyncset.done $0x0  }
0xfc: {  	[sflag:s29] =	ssyncadd.s32 $0xFFFFFFE0  }
0xfd: {  	_ =	swait.ge [sflag:s30], $0x1000  }
0xfe: {  	s2 =	rddreg [dreg:$0xf];
	[sflag:s30] =	ssyncset.done $0x0  }
0xff: {  	s21 =	rddreg [dreg:$0x10];
	[sflag:s30] =	ssyncadd.s32 $0xFFFFF000  }
0x100: {  	[spmem:s3] =	stream.indirect.scatter.add.f32 [tilespmem:s21], [sflag:$0x15], $0x80, s2, s7, $0xb8;
	[tilespmem:$0x1EC00] =	vst v63  }
0x101: {  	_ =	swait.ge [sflag:s31], $0x20  }
0x102: {  	[sflag:s31] =	ssyncset.done $0x0  }
0x103: {  	[sflag:s31] =	ssyncadd.s32 $0xFFFFFFE0  }
0x104: {  	_ =	swait.ge [sflag:s6], $0x1000  }
0x105: {  	[sflag:s6] =	ssyncset.done $0x0  }
0x106: {  	[sflag:s6] =	ssyncadd.s32 $0xFFFFF000  }
0x107: {  	[spmem:s3] =	stream.indirect.scatter.add.f32 [tilespmem:s19], [sflag:$0x16], $0x80, s18, s7, $0xb8;
	[tilespmem:$0x1EC00] =	vst v63  }
0x108: {  	_ =	swait.ge [sflag:s1], $0x20  }
0x109: {  	[sflag:s1] =	ssyncset.done $0x0  }
0x10a: {  	[sflag:s1] =	ssyncadd.s32 $0xFFFFFFE0  }
0x10b: {  	_ =	swait.ge [sflag:s8], $0x1000  }
0x10c: {  	[sflag:s8] =	ssyncset.done $0x0  }
0x10d: {  	s14 =	simm.s32 $0x8C00;
	[sflag:s8] =	ssyncadd.s32 $0xFFFFF000  }
0x10e: {  	[spmem:s3] =	stream.indirect.scatter.add.f32 [tilespmem:s14], [sflag:$0x17], $0x80, s22, s7, $0xb8;
	[tilespmem:$0x1EC00] =	vst v63  }
0x10f: {  	_ =	swait.ge [sflag:s9], $0x20  }
0x110: {  	[sflag:s9] =	ssyncset.done $0x0  }
0x111: {  	[sflag:s9] =	ssyncadd.s32 $0xFFFFFFE0  }
0x112: {  	_ =	swait.ge [sflag:s10], $0x1000  }
0x113: {  	s11 =	sadd.s32 $0x400, s11;
	s24 =	rddreg [dreg:$0x6]  }
0x114: {  	p0 =	sne.s32 s24, s11  }
.Ltmp1:
0x115: {  	_ = 	snop;
	(pc) =	sbr.rel @p0 .LBB2_4-.Ltmp1, $4  }
0x116: {  	_ = 	snop  }
0x117: {  	[sflag:s10] =	ssyncset.done $0x0  }
0x118: {  	s12 =	sadd.s32 $0x40, s12;
	s15 =	simm.s32 $0x9C00;
	[sflag:s10] =	ssyncadd.s32 $0xFFFFF000  }
0x119: {  	[spmem:s3] =	stream.indirect.scatter.add.f32 [tilespmem:s15], [sflag:$0x18], $0x80, s23, s7, $0xb8;
	[tilespmem:$0x1EC00] =	vst v63  }
0x11a: {  	s0 =	simm.s32 $0x11  }
0x11b: {  	_ =	swait.ge [sflag:s0], $0x1000  }
0x11c: {  	[sflag:s0] =	ssyncset.done $0x0  }
0x11d: {  	s11 =	simm.s32 $0x12;
	[sflag:s0] =	ssyncadd.s32 $0xFFFFF000  }
0x11e: {  	_ =	swait.ge [sflag:s11], $0x1000  }
0x11f: {  	[sflag:s11] =	ssyncset.done $0x0  }
0x120: {  	s12 =	simm.s32 $0x13;
	[sflag:s11] =	ssyncadd.s32 $0xFFFFF000  }
0x121: {  	_ =	swait.ge [sflag:s12], $0x1000  }
0x122: {  	[sflag:s12] =	ssyncset.done $0x0  }
0x123: {  	s14 =	simm.s32 $0x14;
	[sflag:s12] =	ssyncadd.s32 $0xFFFFF000  }
0x124: {  	_ =	swait.ge [sflag:s14], $0x1000  }
0x125: {  	[sflag:s14] =	ssyncset.done $0x0  }
0x126: {  	s15 =	simm.s32 $0x15;
	[sflag:s14] =	ssyncadd.s32 $0xFFFFF000  }
0x127: {  	_ =	swait.ge [sflag:s15], $0x1000  }
0x128: {  	[sflag:s15] =	ssyncset.done $0x0  }
0x129: {  	s18 =	simm.s32 $0x16;
	[sflag:s15] =	ssyncadd.s32 $0xFFFFF000  }
0x12a: {  	_ =	swait.ge [sflag:s18], $0x1000  }
0x12b: {  	[sflag:s18] =	ssyncset.done $0x0  }
0x12c: {  	s19 =	simm.s32 $0x17;
	[sflag:s18] =	ssyncadd.s32 $0xFFFFF000  }
0x12d: {  	_ =	swait.ge [sflag:s19], $0x1000  }
0x12e: {  	[sflag:s19] =	ssyncset.done $0x0  }
0x12f: {  	s21 =	simm.s32 $0x18;
	[sflag:s19] =	ssyncadd.s32 $0xFFFFF000  }
0x130: {  	_ =	swait.ge [sflag:s21], $0x1000  }
0x131: {  	[sflag:s21] =	ssyncset.done $0x0  }
0x132: {  	[sflag:s21] =	ssyncadd.s32 $0xFFFFF000  }
0x133: {  	[bflag:$0x0] =	sbarrier.arrive $0xFFFF  }
0x134: {  	s22 =	stileid.u32;
	s11 =	sld [smem:$0x7F7]  }
0x135: {  	s0 =	sshll.u32 s22, $0x6;
	s14 =	rddreg [dreg:$0x11]  }
0x136: {  	s0 =	sor.u32 $0x1C19, s0;
	s2 =	sshrl.u32 s14, $0x3  }
0x137: {  	[hbm:s11], [sflag:s0] =	dma.local [spmem:s2], $0x2800  }
0x138: {  	s2 =	simm.s32 $0x19  }
0x139: {  	_ =	swait.ge [sflag:s2], $0x2800  }
0x13a: {  	s23 =	sld [smem:$0x7F5]  }
0x13b: {  	s24 =	sld [smem:$0x7F8];
	_ =	sdelay $0x1  }
0x13c: {  	s11 =	sadd.s32 $0x1, s23  }
0x13d: {  	p0 =	sne.s32 s11, s24  }
.Ltmp2:
0x13e: {  	_ = 	snop;
	(pc) =	sbr.rel @p0 .LBB2_1-.Ltmp2, $3  }
0x13f: {  	_ =	sdelay $0x1  }
0x140: {  	[sflag:s2] =	ssyncset.done $0x0  }
0x141: {  	[sflag:s2] =	ssyncadd.s32 $0xFFFFD800  }
0x142: {  	_ =	sfence.sel $0x180000  }
0x143: {  	[bflag:$0x0] =	sbarrier.arrive $0xFFFF  }
0x144: {  	_ =	strace $0x9000004D  }
0x145: {  	s0 =	stileid.u32;
	[bflag:$0x2] =	sbarrier.arrive $0xFFFF  }
0x146: {  	p0 =	sne.s32 s0, $0x0;
	s0 =	rddreg [dreg:$0x3]  }
0x147: {  	s0 =	sadd.s32 @!p0 $0x100000, s0  }
0x148: {  	[sflag:s0] =	ssyncadd.tile.s32 @!p0 $0x1;
	_ =	shalt  }
.Lfunc_end2:
_tile_overlayer_lowered:
.L_overlay_start_2:
0x149: {  	(tag) =	ssettag $0x2  }
0x14a: {  	s0 =	rddreg [dreg:$0x0];
	s2 =	stileid.u32  }
0x14b: {  	s1 =	rddreg [dreg:$0x1];
	p0 =	sne.s32 s2, $0x0  }
0x14c: {  	s3 =	rddreg [dreg:$0x2];
	[bflag:$0x3] =	sbarrier.arrive $0xFFFF;
	s2 =	simm.s32 @!p0 $0x1C19  }
0x14d: {  	[timem:s3], [sflag:s2] =	dma.local @!p0 [hbm:s0], s1  }
0x14e: {  	s0 =	simm.s32 @!p0 $0x19  }
0x14f: {  	_ =	swait.ge @!p0 [sflag:s0], s1  }
0x150: {  	s1 =	ssub.s32 @!p0 $0x0, s1;
	[sflag:s0] =	ssyncset.done @!p0 $0x0  }
0x151: {  	[sflag:s0] =	ssyncadd.s32 @!p0 s1  }
0x152: {  	[bflag:$0x3] =	sbarrier.arrive $0xFFFF  }
0x153: {  	_ =	shalt  }

// kernel: kernel.8.cloned.1.call-start
scs
__scs_entry_jumppad:
0x0: {  	(pc) =	sbr.rel $0x88, $3  }
0x1: {  	(tag) =	ssettag $0x0;
	lr =	simm.s32 $0x1  }
0x2: {  	[smem:$0x3F99] =	sst lr;
	_ =	strace $0xD0000000  }
0x3: {  	_ = 	snop  }
0x4: {  	_ = 	snop  }
0x5: {  	_ = 	snop  }
0x6: {  	_ = 	snop  }
0x7: {  	_ = 	snop  }
__scs_overlays_trampoline_lowered:
0x8: {  	[smem:$0x3FA8] =	sst s0  }
0x9: {  	[smem:$0x3FA9] =	sst s1  }
0xa: {  	[smem:$0x3FAA] =	sst s2  }
0xb: {  	[smem:$0x3FAB] =	sst s3  }
0xc: {  	[smem:$0x3FAC] =	sst s4  }
0xd: {  	[smem:$0x3FAD] =	sst s5  }
0xe: {  	[smem:$0x3FAE] =	sst s6  }
0xf: {  	[smem:$0x3FAF] =	sst s7  }
0x10: {  	[smem:$0x3FB0] =	sst s8  }
0x11: {  	[smem:$0x3FB1] =	sst s9;
	s0 =	simm.s32 @!p0 $0x0  }
0x12: {  	s1 =	sld [smem:$0x3F97];
	s0 =	simm.s32 @p0 $0x1  }
0x13: {  	[smem:$0x3FB2] =	sst s0;
	s0 =	simm.s32 @!p1 $0x0  }
0x14: {  	s2 =	sld [smem:$0x3F96];
	s0 =	simm.s32 @p1 $0x1  }
0x15: {  	[smem:$0x3FB3] =	sst s0;
	s0 =	simm.s32 @!p2 $0x0  }
0x16: {  	s3 =	sld [smem:$0x3FDB];
	s0 =	simm.s32 @p2 $0x1  }
0x17: {  	s4 =	simm.s32 $0x1BF5;
	[smem:$0x3FB5] =	sst s0  }
0x18: {  	s0 =	sld [smem:$0x3F98];
	_ =	swait.ge [sflag:s4], $0x0  }
0x19: {  	s7 =	sld [smem:$0x3F99]  }
0x1a: {  	s8 =	sadd.s32 $0xFFFFE003, lr  }
0x1b: {  	s9 =	sadd.s32 $0xFFFFFEF7, lr;
	s5 =	simm.s32 $0xFFFFFFFF;
	p2 =	slt.u32 s8, $0xFFFFF086  }
0x1c: {  	p1 =	slt.u32 s9, $0xF7A;
	s5 =	simm.s32 @!p2 $0x0  }
0x1d: {  	s5 =	simm.s32 @p1 $0x1;
	p0 =	seq.s32 s7, s2  }
0x1e: {  	s7 =	smul.u32 @!p0 $0xF7A, s2;
	p2 =	seq.s32 @!p0 s5, $0x0  }
0x1f: {  	s9 =	smul.u32 $0xF7A, s1;
	s8 =	simm.s32 @!p0 $0x1BF5;
	p2 =	por !p2, p0  }
0x20: {  	[sflag:s8] =	ssyncset.s32 @!p0 $0xFFFFF086;
	s6 =	sadd.s32 @!p0 s3, s7;
	s7 =	simm.s32 @!p0 $0x108  }
0x21: {  	s3 =	sadd.s32 s3, s9;
	s6 =	sadd.s32 @!p0 $0x88, s6;
	s7 =	simm.s32 @p2 $0x1082  }
0x22: {  	[simem:s7], [sflag:s8] =	dma.local @!p0 [hbm:s6], $0xF7A  }
0x23: {  	s9 =	sor.u32 $0xD0000000, s2;
	s6 =	simm.s32 $0x108;
	_ =	swait.ge @!p0 [sflag:s8], $0x0  }
0x24: {  	s3 =	sadd.s32 $0x88, s3;
	s6 =	simm.s32 @!p1 $0x1082;
	[sflag:s4] =	ssyncset.s32 $0xFFFFF086  }
0x25: {  	[simem:s6], [sflag:s4] =	dma.local [hbm:s3], $0xF7A  }
0x26: {  	[smem:$0x3F99] =	sst s1;
	(tag) =	ssettag s2;
	_ =	strace s9  }
0x27: {  	s1 =	sld [smem:$0x3FA9]  }
0x28: {  	s2 =	sld [smem:$0x3FAA]  }
0x29: {  	s4 =	sld [smem:$0x3FAC]  }
0x2a: {  	p0 =	seq.s32 s5, $0x0;
	s5 =	sld [smem:$0x3FAD]  }
0x2b: {  	s6 =	sld [smem:$0x3FAE]  }
0x2c: {  	s7 =	sld [smem:$0x3FAF]  }
0x2d: {  	s3 =	simm.s32 $0x108;
	s8 =	sld [smem:$0x3FB0]  }
0x2e: {  	s3 =	simm.s32 @!p0 $0x1082;
	s9 =	sld [smem:$0x3FB1]  }
0x2f: {  	lr =	sadd.s32 s0, s3;
	s0 =	sld [smem:$0x3FA8]  }
0x30: {  	s3 =	sld [smem:$0x3FAB]  }
0x31: {  	[smem:$0x3FB4] =	sst s10  }
0x32: {  	s10 =	sld [smem:$0x3FB2];
	_ =	sdelay $0x3  }
0x33: {  	p0 =	seq.s32 s10, $0x1;
	s10 =	sld [smem:$0x3FB4];
	_ =	sdelay $0x3  }
0x34: {  	[smem:$0x3FB4] =	sst s10  }
0x35: {  	s10 =	sld [smem:$0x3FB3];
	_ =	sdelay $0x3  }
0x36: {  	p1 =	seq.s32 s10, $0x1;
	s10 =	sld [smem:$0x3FB4];
	_ =	sdelay $0x3  }
0x37: {  	[smem:$0x3FB4] =	sst s10  }
0x38: {  	s10 =	sld [smem:$0x3FB5]  }
0x39: {  	_ = 	snop;
	(pc) =	sbr.ind lr, $3  }
0x3a: {  	_ = 	snop  }
0x3b: {  	_ = 	snop  }
0x3c: {  	p2 =	seq.s32 s10, $0x1;
	s10 =	sld [smem:$0x3FB4]  }
0x3d: {  	_ =	shalt  }
0x3e: {  	_ =	shalt  }
0x3f: {  	_ =	shalt  }
0x40: {  	_ =	shalt  }
0x41: {  	_ =	shalt  }
0x42: {  	_ =	shalt  }
0x43: {  	_ =	shalt  }
0x44: {  	_ =	shalt  }
0x45: {  	_ =	shalt  }
0x46: {  	_ =	shalt  }
0x47: {  	_ =	shalt  }
0x48: {  	_ =	shalt  }
0x49: {  	_ =	shalt  }
0x4a: {  	_ =	shalt  }
0x4b: {  	_ =	shalt  }
0x4c: {  	_ =	shalt  }
0x4d: {  	_ =	shalt  }
0x4e: {  	_ =	shalt  }
0x4f: {  	_ =	shalt  }
0x50: {  	_ =	shalt  }
0x51: {  	_ =	shalt  }
0x52: {  	_ =	shalt  }
0x53: {  	_ =	shalt  }
0x54: {  	_ =	shalt  }
0x55: {  	_ =	shalt  }
0x56: {  	_ =	shalt  }
0x57: {  	_ =	shalt  }
0x58: {  	_ =	shalt  }
0x59: {  	_ =	shalt  }
0x5a: {  	_ =	shalt  }
0x5b: {  	_ =	shalt  }
0x5c: {  	_ =	shalt  }
0x5d: {  	_ =	shalt  }
0x5e: {  	_ =	shalt  }
0x5f: {  	_ =	shalt  }
0x60: {  	_ =	shalt  }
0x61: {  	_ =	shalt  }
0x62: {  	_ =	shalt  }
0x63: {  	_ =	shalt  }
0x64: {  	_ =	shalt  }
0x65: {  	_ =	shalt  }
0x66: {  	_ =	shalt  }
0x67: {  	_ =	shalt  }
0x68: {  	_ =	shalt  }
0x69: {  	_ =	shalt  }
0x6a: {  	_ =	shalt  }
0x6b: {  	_ =	shalt  }
0x6c: {  	_ =	shalt  }
0x6d: {  	_ =	shalt  }
0x6e: {  	_ =	shalt  }
0x6f: {  	_ =	shalt  }
0x70: {  	_ =	shalt  }
0x71: {  	_ =	shalt  }
0x72: {  	_ =	shalt  }
0x73: {  	_ =	shalt  }
0x74: {  	_ =	shalt  }
0x75: {  	_ =	shalt  }
0x76: {  	_ =	shalt  }
0x77: {  	_ =	shalt  }
0x78: {  	_ =	shalt  }
0x79: {  	_ =	shalt  }
0x7a: {  	_ =	shalt  }
0x7b: {  	_ =	shalt  }
0x7c: {  	_ =	shalt  }
0x7d: {  	_ =	shalt  }
0x7e: {  	_ =	shalt  }
0x7f: {  	_ =	shalt  }
0x80: {  	_ =	shalt  }
0x81: {  	_ =	shalt  }
0x82: {  	_ =	shalt  }
0x83: {  	_ =	shalt  }
0x84: {  	_ =	shalt  }
0x85: {  	_ =	shalt  }
0x86: {  	_ =	shalt  }
0x87: {  	_ =	shalt  }
.Lfunc_end0:
.L_simem_size_0:
called_computation_lowered:
.L_overlay_start_0:
0x88: {  	s2 =	sld [smem:$0x3FD9]  }
0x89: {  	s3 =	sld [smem:$0x3FFE];
	_ =	sdelay $0x1  }
0x8a: {  	s1 =	srdreg.scid  }
0x8b: {  	s0 =	sand.u32 $0x1, s1  }
0x8c: {  	s18 =	sshll.u32 s0, $0xA;
	s2 =	sadd.s32 s3, s2  }
0x8d: {  	s2 =	sadd.s32 s2, s18  }
0x8e: {  	[smem:$0x3FC0] =	sst s2  }
0x8f: {  	_ = 	snop  }
0x90: {  	s2 =	sld [smem:$0x3FC8]  }
0x91: {  	s19 =	sld [smem:$0x3FD0];
	(tm) =	ssettm $0x1  }
0x92: {  	s4 =	sld [smem:$0x3FFB];
	_ =	sdelay $0x3  }
0x93: {  	_ =	strace s4  }
0x94: {  	s4 =	sld [smem:$0x3FFC];
	_ =	sdelay $0x3  }
0x95: {  	_ =	strace s4  }
0x96: {  	s4 =	sld [smem:$0x3FFD];
	_ =	sdelay $0x3  }
0x97: {  	_ =	strace s4  }
0x98: {  	_ =	strace $0x8FFFFFFF  }
0x99: {  	s20 =	sld [smem:$0x3FDB];
	_ =	sdelay $0x1  }
0x9a: {  	s5 =	simm.s32 $_scs_section_size  }
0x9b: {  	s6 =	simm.s32 $_size__tile_overlayer_lowered;
	s7 =	simm.s32 $_tile_overlayer_lowered  }
0x9c: {  	s23 =	simm.s32 $0x1BFF;
	s22 =	sshll.u32 s7, $0x1;
	s4 =	sadd.s32 s5, s20  }
0x9d: {  	s8 =	simm.s32 $0x0;
	s21 =	sshll.u32 s6, $0x1;
	s6 =	sadd.s32 s22, s4  }
0x9e: {  	[timem:s8], [sflag:s23] =	dma.local [hbm:s6], s21  }
0x9f: {  	_ =	swait.ge [sflag:s23], s21  }
0xa0: {  	s5 =	ssub.s32 $0x0, s21;
	[sflag:s23] =	ssyncset.done $0x0  }
0xa1: {  	[sflag:s23] =	ssyncadd.s32 s5;
	_ =	sdelay $0x1  }
0xa2: {  	s24 =	simm.s32 $0x1B8B  }
0xa3: {  	_ =	swait.ge [sflag:s24], $0x1  }
0xa4: {  	[sflag:s24] =	ssyncset.done $0x0  }
0xa5: {  	s25 =	simm.s32 $0x1B8E;
	[sflag:s24] =	ssyncadd.s32 $0xFFFFFFFF  }
0xa6: {  	s26 =	simm.s32 $execute0_lowered;
	[smem:$0x3FD2] =	sst s25  }
0xa7: {  	s5 =	sshll.u32 s26, $0x1;
	_ =	strace $0x80000046;
	[dreg:$0x1] =	wrdreg $0xFFFFFFFF  }
0xa8: {  	s28 =	simm.s32 $_size_execute0_lowered;
	s4 =	sadd.s32 s4, s5;
	[dreg:$0x0] =	wrdreg $0x0  }
0xa9: {  	s5 =	sshll.u32 s28, $0x1;
	[dreg:$0x2] =	wrdreg s4  }
0xaa: {  	[dreg:$0x3] =	wrdreg s5  }
0xab: {  	[dreg:$0x4] =	wrdreg $0xC0  }
0xac: {  	_ =	task [dreg:s8], $0x5FFFF  }
0xad: {  	[dreg:$0x1] =	wrdreg $0xFFFFFFFF  }
0xae: {  	[dreg:$0x0] =	wrdreg $0x60  }
0xaf: {  	[dreg:$0x2] =	wrdreg s2  }
0xb0: {  	[dreg:$0x3] =	wrdreg s19  }
0xb1: {  	[dreg:$0x4] =	wrdreg $0x5000  }
0xb2: {  	[dreg:$0x5] =	wrdreg $0x9  }
0xb3: {  	_ =	task.clear_ibuf [dreg:s8], $0x6FFFF;
	_ =	strace $0x90000046  }
0xb4: {  	s29 =	simm.s32 $0x9;
	_ =	strace $0x80000048  }
0xb5: {  	_ =	swait.ge [sflag:s29], $0x1  }
0xb6: {  	[sflag:s29] =	ssyncadd.s32 $0xFFFFFFFF  }
0xb7: {  	_ =	strace $0x90000048  }
0xb8: {  	_ =	sfence  }
0xb9: {  	s30 =	sld [smem:$0x0];
	_ =	sdelay $0x2  }
0xba: {  	s31 =	sshll.u32 s1, $0xD;
	s1 =	sshrl.u32 s1, $0x2  }
0xbb: {  	s3 =	sand.u32 $0x4000, s31;
	s1 =	sadd.s32 s1, s30  }
0xbc: {  	s0 =	sor.u32 s3, s0;
	s1 =	sshll.u32 s1, $0x11  }
0xbd: {  	s0 =	sor.u32 s1, s0  }
0xbe: {  	s0 =	sadd.s32 $0x8F2B, s0  }
0xbf: {  	[sflag:s0] =	ssyncadd.remote.s32 $0x1  }
0xc0: {  	_ =	sfence.sel $0xFFFF  }
0xc1: {  	[dreg:$0x0] =	wrdreg $0xFFFFFFFF;
	(pc) =	sbr.abs _section_cstart, $3  }
0xc2: {  	[dreg:$0x1] =	wrdreg $0xFFFFFFFF  }
0xc3: {  	_ =	task.clear_ibuf [dreg:s8], $0x2FFFF;
	_ =	strace $0x9FFFFFFF  }
0xc4: {  	(tm) =	ssettm $0x7FFFFFFF  }
0xc5: {  	_ =	shalt  }
tec
execute0_lowered:
.L_overlay_start_1:
0x0: {  	(tag) =	ssettag $0x1  }
0x1: {  	s0 =	rddreg [dreg:$0x0]  }
0x2: {  	s1 =	rddreg [dreg:$0x1]  }
0x3: {  	s2 =	rddreg [dreg:$0x2];
	s3 =	simm.s32 $0x0;
	s15 =	stileid.u32  }
0x4: {  	s4 =	srdreg.scid;
	s28 =	simm.s32 $0x6;
	s14 =	smul.u32 $0xA00, s15  }
0x5: {  	s29 =	simm.s32 $0x7;
	s30 =	simm.s32 $0x8;
	s12 =	smul.u32 $0x500, s15  }
0x6: {  	[smem:$0x7FF] =	sst s3;
	s7 =	sand.u32 $0x1, s4;
	s21 =	smul.u32 $0x5000, s15  }
0x7: {  	s23 =	smul.u32 $0x2800, s15;
	_ =	strace $0x80000047;
	s5 =	ssub.s32 $0x2, s7  }
0x8: {  	s6 =	sshll.u32 s7, $0x4;
	s17 =	sshll.u32 s7, $0x7;
	s20 =	smul.u32 $0x50000, s7  }
0x9: {  	s7 =	smul.u32 $0x28000, s7;
	s8 =	sshrl.u32 s5, $0x1;
	s9 =	sor.u32 s15, s6  }
0xa: {  	s4 =	sshrl.u32 s14, $0x2;
	s6 =	simm.s32 $0x4;
	s18 =	sor.u32 s17, s12  }
0xb: {  	s8 =	ssub.s32 s5, s8;
	s4 =	sadd.s32 s4, s2;
	s10 =	smul.u32 $0x2800, s9  }
0xc: {  	p0 =	seq.s32 s9, $0x1F;
	s5 =	simm.s32 $0x4;
	s13 =	smul.u32 $0x5000, s9  }
0xd: {  	s7 =	sadd.s32 s23, s7;
	s23 =	simm.s32 $0x200;
	s6 =	simm.s32 @!p0 $0x13  }
0xe: {  	s25 =	sor.u32 $0x380, s7;
	s26 =	sor.u32 $0x300, s7;
	s7 =	sor.u32 $0x280, s7  }
0xf: {  	s11 =	sshrl.u32 s10, $0x2;
	s19 =	sor.u32 $0x100, s10;
	s14 =	sor.u32 $0x180, s10  }
0x10: {  	s22 =	sshrl.u32 s13, $0x3;
	s31 =	sshrl.u32 s26, $0x2;
	s7 =	sshrl.u32 s7, $0x2  }
0x11: {  	s26 =	simm.s32 $0x5;
	s16 =	sadd.s32 s11, s0;
	s0 =	sadd.s32 $0x10, s0  }
0x12: {  	s11 =	sshrl.u32 s19, $0x2;
	s24 =	sshrl.u32 s14, $0x2;
	s19 =	simm.s32 $0x80  }
0x13: {  	s9 =	sadd.s32 $0x30, s16;
	s10 =	sadd.s32 s22, s0;
	s11 =	sadd.s32 s11, s0  }
0x14: {  	s12 =	sadd.s32 s24, s0;
	[dreg:$0x4] =	wrdreg s9;
	s9 =	sshrl.u32 s18, $0x3  }
0x15: {  	s15 =	sadd.s32 s31, s0;
	s16 =	sadd.s32 s7, s0;
	s1 =	sadd.s32 s1, s9  }
0x16: {  	s22 =	simm.s32 $0x1;
	[dreg:$0x5] =	wrdreg s1;
	s1 =	sadd.s32 s21, s20  }
0x17: {  	s24 =	simm.s32 $0x2;
	s18 =	simm.s32 $0x9;
	s1 =	sor.u32 $0x400, s1  }
0x18: {  	s9 =	smax.u32 s8, $0x1;
	s20 =	simm.s32 $0x100;
	s1 =	sshrl.u32 s1, $0x3  }
0x19: {  	s21 =	simm.s32 $0x180;
	s13 =	sadd.s32 s1, s0;
	s1 =	sshrl.u32 s25, $0x2  }
0x1a: {  	v0 =	vimm.f32 $0.0e+00;
	v1 =	vimm.f32 $1.000000000e+00;
	s25 =	simm.s32 $0x3;
	s14 =	sadd.s32 s1, s0;
	s1 =	simm.s32 $0x0  }
.LBB2_1:
0x1b: {  	[tilespmem:$0x280] =	vst v0  }
0x1c: {  	[tilespmem:$0x290] =	vst v0  }
0x1d: {  	[tilespmem:$0x2A0] =	vst v0  }
0x1e: {  	[tilespmem:$0x2B0] =	vst v0  }
0x1f: {  	[tilespmem:$0x2C0] =	vst v0  }
0x20: {  	[tilespmem:$0x2D0] =	vst v0  }
0x21: {  	[tilespmem:$0x2E0] =	vst v0  }
0x22: {  	[tilespmem:$0x2F0] =	vst v0  }
0x23: {  	[tilespmem:$0x300] =	vst v0  }
0x24: {  	[tilespmem:$0x310] =	vst v0  }
0x25: {  	[tilespmem:$0x320] =	vst v0  }
0x26: {  	[tilespmem:$0x330] =	vst v0  }
0x27: {  	[tilespmem:$0x340] =	vst v0  }
0x28: {  	[tilespmem:$0x350] =	vst v0  }
0x29: {  	[tilespmem:$0x360] =	vst v0  }
0x2a: {  	[tilespmem:$0x370] =	vst v0  }
0x2b: {  	[tilespmem:$0x380] =	vst v0  }
0x2c: {  	[tilespmem:$0x390] =	vst v0  }
0x2d: {  	[tilespmem:$0x3A0] =	vst v0  }
0x2e: {  	[tilespmem:$0x3B0] =	vst v0  }
0x2f: {  	[tilespmem:$0x3C0] =	vst v0  }
0x30: {  	[tilespmem:$0x3D0] =	vst v0  }
0x31: {  	[tilespmem:$0x3E0] =	vst v0  }
0x32: {  	[tilespmem:$0x3F0] =	vst v0  }
0x33: {  	[tilespmem:$0x400] =	vst v0  }
0x34: {  	[tilespmem:$0x410] =	vst v0  }
0x35: {  	[tilespmem:$0x420] =	vst v0  }
0x36: {  	[tilespmem:$0x430] =	vst v0  }
0x37: {  	[tilespmem:$0x440] =	vst v0  }
0x38: {  	[tilespmem:$0x450] =	vst v0  }
0x39: {  	[tilespmem:$0x460] =	vst v0  }
0x3a: {  	[tilespmem:$0x470] =	vst v0  }
0x3b: {  	[tilespmem:$0x480] =	vst v0  }
0x3c: {  	[tilespmem:$0x490] =	vst v0  }
0x3d: {  	[tilespmem:$0x4A0] =	vst v0  }
0x3e: {  	[tilespmem:$0x4B0] =	vst v0  }
0x3f: {  	[tilespmem:$0x4C0] =	vst v0  }
0x40: {  	[tilespmem:$0x4D0] =	vst v0  }
0x41: {  	[tilespmem:$0x4E0] =	vst v0  }
0x42: {  	[tilespmem:$0x4F0] =	vst v0  }
0x43: {  	[tilespmem:$0x200] =	vst v1  }
0x44: {  	[tilespmem:$0x210] =	vst v1  }
0x45: {  	[tilespmem:$0x220] =	vst v1  }
0x46: {  	[tilespmem:$0x230] =	vst v1  }
0x47: {  	[tilespmem:$0x240] =	vst v1  }
0x48: {  	[tilespmem:$0x250] =	vst v1  }
0x49: {  	[tilespmem:$0x260] =	vst v1  }
0x4a: {  	[tilespmem:$0x270] =	vst v1;
	s0 =	simm.s32 $0x280  }
0x4b: {  	[spmem:s4] =	stream.linear.scatter [tilespmem:s0], [sflag:$0x9], $0x280, $0x38;
	[tilespmem:$0x780] =	vst v63  }
0x4c: {  	_ =	swait.ge [sflag:s18], $0x280  }
0x4d: {  	[sflag:s18] =	ssyncset.done $0x0  }
0x4e: {  	[sflag:s18] =	ssyncadd.s32 $0xFFFFFD80  }
0x4f: {  	[bflag:$0x0] =	sbarrier.arrive $0xFFFF  }
0x50: {  	[tilespmem:s3], [sflag:$0x1] =	stream.linear.gather [hbm4b:s10+s3], $0x80, $0x38;
	[tilespmem:$0x780] =	vst v63  }
0x51: {  	s17 =	rddreg [dreg:$0x4]  }
0x52: {  	[tilespmem:s19], [sflag:$0x2] =	stream.linear.gather [hbm4b:s17+s3], $0x80, $0x38;
	[tilespmem:$0x780] =	vst v63  }
0x53: {  	_ = 	snop  }
0x54: {  	[tilespmem:s20], [sflag:$0x3] =	stream.linear.gather [hbm4b:s11+s3], $0x80, $0x38;
	[tilespmem:$0x780] =	vst v63  }
0x55: {  	_ = 	snop  }
0x56: {  	[tilespmem:s21], [sflag:$0x4] =	stream.linear.gather [hbm4b:s12+s3], $0x80, $0x38;
	[tilespmem:$0x780] =	vst v63  }
0x57: {  	_ =	swait.ge [sflag:s22], $0x80  }
0x58: {  	[sflag:s22] =	ssyncset.done $0x0  }
0x59: {  	[sflag:s22] =	ssyncadd.s32 $0xFFFFFF80  }
0x5a: {  	[spmem:s2] =	stream.indirect.scatter.add.f32 [tilespmem:s23], [sflag:$0x5], $0x1, s3, s19, $0xb8;
	[tilespmem:$0x780] =	vst v63  }
0x5b: {  	_ =	swait.ge [sflag:s24], $0x80  }
0x5c: {  	[sflag:s24] =	ssyncset.done $0x0  }
0x5d: {  	[sflag:s24] =	ssyncadd.s32 $0xFFFFFF80  }
0x5e: {  	[spmem:s2] =	stream.indirect.scatter.add.f32 [tilespmem:s23], [sflag:$0x6], $0x1, s19, s19, $0xb8;
	[tilespmem:$0x780] =	vst v63  }
0x5f: {  	_ =	swait.ge [sflag:s25], $0x80  }
0x60: {  	[sflag:s25] =	ssyncset.done $0x0  }
0x61: {  	[sflag:s25] =	ssyncadd.s32 $0xFFFFFF80  }
0x62: {  	[spmem:s2] =	stream.indirect.scatter.add.f32 [tilespmem:s23], [sflag:$0x7], $0x1, s20, s19, $0xb8;
	[tilespmem:$0x780] =	vst v63  }
0x63: {  	_ =	swait.ge [sflag:s5], $0x80  }
0x64: {  	[sflag:s5] =	ssyncset.done $0x0  }
0x65: {  	[sflag:s5] =	ssyncadd.s32 $0xFFFFFF80  }
0x66: {  	[spmem:s2] =	stream.indirect.scatter.add.f32 [tilespmem:s23], [sflag:$0x8], $0x1, s21, s19, $0xb8;
	[tilespmem:$0x780] =	vst v63  }
0x67: {  	_ =	swait.ge [sflag:s26], $0x80  }
0x68: {  	[sflag:s26] =	ssyncset.done $0x0  }
0x69: {  	[sflag:s26] =	ssyncadd.s32 $0xFFFFFF80  }
0x6a: {  	[tilespmem:s3], [sflag:$0x1] =	stream.linear.gather [hbm4b:s13+s3], $0x80, $0x38;
	[tilespmem:$0x780] =	vst v63  }
0x6b: {  	_ =	swait.ge [sflag:s28], $0x80  }
0x6c: {  	[sflag:s28] =	ssyncset.done $0x0  }
0x6d: {  	[sflag:s28] =	ssyncadd.s32 $0xFFFFFF80  }
0x6e: {  	[tilespmem:s19], [sflag:$0x2] =	stream.linear.gather [hbm4b:s16+s3], $0x80, $0x38;
	[tilespmem:$0x780] =	vst v63  }
0x6f: {  	_ =	swait.ge [sflag:s29], $0x80  }
0x70: {  	[sflag:s29] =	ssyncset.done $0x0  }
0x71: {  	[sflag:s29] =	ssyncadd.s32 $0xFFFFFF80  }
0x72: {  	[tilespmem:s20], [sflag:$0x3] =	stream.linear.gather [hbm4b:s15+s3], $0x80, $0x38;
	[tilespmem:$0x780] =	vst v63  }
0x73: {  	_ =	swait.ge [sflag:s30], $0x80  }
0x74: {  	[sflag:s30] =	ssyncset.done $0x0  }
0x75: {  	[sflag:s30] =	ssyncadd.s32 $0xFFFFFF80  }
0x76: {  	[tilespmem:s21], [sflag:$0x4] =	stream.linear.gather [hbm4b:s14+s3], $0x80, $0x38;
	[tilespmem:$0x780] =	vst v63  }
0x77: {  	_ =	swait.ge [sflag:s22], $0x80  }
0x78: {  	[sflag:s22] =	ssyncset.done $0x0  }
0x79: {  	[sflag:s22] =	ssyncadd.s32 $0xFFFFFF80  }
0x7a: {  	[spmem:s2] =	stream.indirect.scatter.add.f32 [tilespmem:s23], [sflag:$0x5], $0x1, s3, s19, $0xb8;
	[tilespmem:$0x780] =	vst v63  }
0x7b: {  	_ =	swait.ge [sflag:s24], $0x80  }
0x7c: {  	[sflag:s24] =	ssyncset.done $0x0  }
0x7d: {  	[sflag:s24] =	ssyncadd.s32 $0xFFFFFF80  }
0x7e: {  	[spmem:s2] =	stream.indirect.scatter.add.f32 [tilespmem:s23], [sflag:$0x6], $0x1, s19, s19, $0xb8;
	[tilespmem:$0x780] =	vst v63  }
0x7f: {  	_ =	swait.ge [sflag:s25], $0x80  }
0x80: {  	p0 =	sne.s32 s6, $0x1;
	[sflag:s25] =	ssyncset.done $0x0  }
.Ltmp0:
0x81: {  	[sflag:s25] =	ssyncadd.s32 $0xFFFFFF80;
	(pc) =	sbr.rel @!p0 .LBB2_3-.Ltmp0, $4  }
0x82: {  	[spmem:s2] =	stream.indirect.scatter.add.f32 [tilespmem:s23], [sflag:$0x7], $0x1, s20, s19, $0xb8;
	[tilespmem:$0x780] =	vst v63  }
0x83: {  	s31 =	sadd.s32 $0x80, s15;
	_ =	swait.ge [sflag:s5], $0x80  }
0x84: {  	s7 =	sadd.s32 $0x80, s13;
	s8 =	sadd.s32 $0x80, s14;
	[sflag:s5] =	ssyncset.done $0x0  }
0x85: {  	s0 =	sadd.s32 $0x80, s16;
	s17 =	sadd.s32 $0xFFFFFFFF, s6;
	[sflag:s5] =	ssyncadd.s32 $0xFFFFFF80  }
.LBB2_2:
0x86: {  	[spmem:s2] =	stream.indirect.scatter.add.f32 [tilespmem:s23], [sflag:$0x8], $0x1, s21, s19, $0xb8;
	[tilespmem:$0x780] =	vst v63  }
0x87: {  	p0 =	sne.s32 s17, $0x1;
	s17 =	sadd.s32 $0xFFFFFFFF, s17;
	_ =	swait.ge [sflag:s26], $0x80  }
0x88: {  	[sflag:s26] =	ssyncset.done $0x0  }
0x89: {  	[sflag:s26] =	ssyncadd.s32 $0xFFFFFF80  }
0x8a: {  	[tilespmem:s3], [sflag:$0x1] =	stream.linear.gather [hbm4b:s7+s3], $0x80, $0x38;
	[tilespmem:$0x780] =	vst v63  }
0x8b: {  	_ =	swait.ge [sflag:s28], $0x80  }
0x8c: {  	[sflag:s28] =	ssyncset.done $0x0  }
0x8d: {  	[sflag:s28] =	ssyncadd.s32 $0xFFFFFF80  }
0x8e: {  	[tilespmem:s19], [sflag:$0x2] =	stream.linear.gather [hbm4b:s0+s3], $0x80, $0x38;
	[tilespmem:$0x780] =	vst v63  }
0x8f: {  	_ =	swait.ge [sflag:s29], $0x80  }
0x90: {  	[sflag:s29] =	ssyncset.done $0x0  }
0x91: {  	[sflag:s29] =	ssyncadd.s32 $0xFFFFFF80  }
0x92: {  	[tilespmem:s20], [sflag:$0x3] =	stream.linear.gather [hbm4b:s31+s3], $0x80, $0x38;
	[tilespmem:$0x780] =	vst v63  }
0x93: {  	_ =	swait.ge [sflag:s30], $0x80  }
0x94: {  	[sflag:s30] =	ssyncset.done $0x0  }
0x95: {  	[sflag:s30] =	ssyncadd.s32 $0xFFFFFF80  }
0x96: {  	[tilespmem:s21], [sflag:$0x4] =	stream.linear.gather [hbm4b:s8+s3], $0x80, $0x38;
	[tilespmem:$0x780] =	vst v63  }
0x97: {  	_ =	swait.ge [sflag:s22], $0x80  }
0x98: {  	[sflag:s22] =	ssyncset.done $0x0  }
0x99: {  	[sflag:s22] =	ssyncadd.s32 $0xFFFFFF80  }
0x9a: {  	[spmem:s2] =	stream.indirect.scatter.add.f32 [tilespmem:s23], [sflag:$0x5], $0x1, s3, s19, $0xb8;
	[tilespmem:$0x780] =	vst v63  }
0x9b: {  	_ =	swait.ge [sflag:s24], $0x80  }
0x9c: {  	[sflag:s24] =	ssyncset.done $0x0  }
0x9d: {  	[sflag:s24] =	ssyncadd.s32 $0xFFFFFF80  }
0x9e: {  	[spmem:s2] =	stream.indirect.scatter.add.f32 [tilespmem:s23], [sflag:$0x6], $0x1, s19, s19, $0xb8;
	[tilespmem:$0x780] =	vst v63  }
0x9f: {  	_ =	swait.ge [sflag:s25], $0x80  }
0xa0: {  	[sflag:s25] =	ssyncset.done $0x0  }
.Ltmp1:
0xa1: {  	[sflag:s25] =	ssyncadd.s32 $0xFFFFFF80;
	(pc) =	sbr.rel @p0 .LBB2_2-.Ltmp1, $4  }
0xa2: {  	[spmem:s2] =	stream.indirect.scatter.add.f32 [tilespmem:s23], [sflag:$0x7], $0x1, s20, s19, $0xb8;
	[tilespmem:$0x780] =	vst v63  }
0xa3: {  	_ =	swait.ge [sflag:s5], $0x80  }
0xa4: {  	s0 =	sadd.s32 $0x80, s0;
	s31 =	sadd.s32 $0x80, s31;
	[sflag:s5] =	ssyncset.done $0x0  }
0xa5: {  	s7 =	sadd.s32 $0x80, s7;
	s8 =	sadd.s32 $0x80, s8;
	[sflag:s5] =	ssyncadd.s32 $0xFFFFFF80  }
.LBB2_3:
0xa6: {  	[spmem:s2] =	stream.indirect.scatter.add.f32 [tilespmem:s23], [sflag:$0x8], $0x1, s21, s19, $0xb8;
	[tilespmem:$0x780] =	vst v63  }
0xa7: {  	_ =	swait.ge [sflag:s26], $0x80  }
0xa8: {  	[sflag:s26] =	ssyncset.done $0x0  }
0xa9: {  	[sflag:s26] =	ssyncadd.s32 $0xFFFFFF80  }
0xaa: {  	_ =	swait.ge [sflag:s28], $0x80  }
0xab: {  	[sflag:s28] =	ssyncset.done $0x0  }
0xac: {  	[sflag:s28] =	ssyncadd.s32 $0xFFFFFF80  }
0xad: {  	_ =	swait.ge [sflag:s29], $0x80  }
0xae: {  	[sflag:s29] =	ssyncset.done $0x0  }
0xaf: {  	[sflag:s29] =	ssyncadd.s32 $0xFFFFFF80  }
0xb0: {  	s0 =	stileid.u32;
	_ =	swait.ge [sflag:s30], $0x80  }
0xb1: {  	s7 =	sshrl.u32 s4, $0x3;
	s17 =	simm.s32 $0x20;
	[sflag:s30] =	ssyncset.done $0x0  }
0xb2: {  	s31 =	simm.s32 $0x10;
	s1 =	sadd.s32 $0x1, s1;
	[sflag:s30] =	ssyncadd.s32 $0xFFFFFF80  }
0xb3: {  	s0 =	sshll.u32 s0, $0x6;
	p0 =	sne.s32 s1, s9;
	[bflag:$0x0] =	sbarrier.arrive $0xFFFF  }
.Ltmp2:
0xb4: {  	s0 =	sor.u32 $0x1C09, s0;
	s8 =	rddreg [dreg:$0x5];
	(pc) =	sbr.rel @p0 .LBB2_1-.Ltmp2, $4  }
0xb5: {  	[hbm:s8@s17], [sflag:s0] =	dma.strided [spmem:s7@s31], $0x50, s22, $0x10   }
0xb6: {  	_ =	swait.ge [sflag:s18], $0x50  }
0xb7: {  	[sflag:s18] =	ssyncset.done $0x0  }
0xb8: {  	[sflag:s18] =	ssyncadd.s32 $0xFFFFFFB0  }
0xb9: {  	_ =	sfence.sel $0x180000  }
0xba: {  	[bflag:$0x0] =	sbarrier.arrive $0xFFFF  }
0xbb: {  	_ =	strace $0x90000047  }
0xbc: {  	s0 =	stileid.u32;
	[bflag:$0x2] =	sbarrier.arrive $0xFFFF  }
0xbd: {  	p0 =	sne.s32 s0, $0x0;
	s0 =	rddreg [dreg:$0x3]  }
0xbe: {  	s0 =	sadd.s32 @!p0 $0x100000, s0  }
0xbf: {  	[sflag:s0] =	ssyncadd.tile.s32 @!p0 $0x1;
	_ =	shalt  }
.Lfunc_end2:
_tile_overlayer_lowered:
.L_overlay_start_2:
0xc0: {  	(tag) =	ssettag $0x2  }
0xc1: {  	s0 =	rddreg [dreg:$0x0];
	s2 =	stileid.u32  }
0xc2: {  	s1 =	rddreg [dreg:$0x1];
	p0 =	sne.s32 s2, $0x0  }
0xc3: {  	s3 =	rddreg [dreg:$0x2];
	[bflag:$0x3] =	sbarrier.arrive $0xFFFF;
	s2 =	simm.s32 @!p0 $0x1C09  }
0xc4: {  	[timem:s3], [sflag:s2] =	dma.local @!p0 [hbm:s0], s1  }
0xc5: {  	s0 =	simm.s32 @!p0 $0x9  }
0xc6: {  	_ =	swait.ge @!p0 [sflag:s0], s1  }
0xc7: {  	s1 =	ssub.s32 @!p0 $0x0, s1;
	[sflag:s0] =	ssyncset.done @!p0 $0x0  }
0xc8: {  	[sflag:s0] =	ssyncadd.s32 @!p0 s1  }
0xc9: {  	[bflag:$0x3] =	sbarrier.arrive $0xFFFF  }
0xca: {  	_ =	shalt  }

</sc_bundles>
